<compile_context>
chip_gen: v7x
topology: tpu7x:2x2x1
jax: 0.10.2.dev20260603
libtpu: 0.0.44.dev20260713+nightly
codegen_flags: <defaults>
</compile_context>

<pallas_src>
import functools

import jax
import jax.numpy as jnp
from jax import lax
from jax.experimental import pallas as pl
from jax.experimental.pallas import tpu as pltpu
from jax.experimental.pallas import tpu_sc as plsc

_NUM_CORES = 2
_NUM_SUBCORES = 16
_NUM_WORKERS = _NUM_CORES * _NUM_SUBCORES
_LANES = 16


@functools.cache
def _build_gather(B: int, S: int, V: int, D: int, Vpad: int):
    cols = B // _NUM_WORKERS
    shi_n = S // 8
    rows = 8 * D
    groups = cols // _LANES
    assert B % (_NUM_WORKERS * 128) == 0 and S % 8 == 0
    assert shi_n % 2 == 1 and shi_n >= 3

    mesh = plsc.VectorSubcoreMesh(core_axis_name="c", subcore_axis_name="s")

    @functools.partial(
        pl.kernel,
        mesh=mesh,
        compiler_params=pltpu.CompilerParams(needs_layout_passes=False),
        out_type=jax.ShapeDtypeStruct((S * D, B), jnp.float32),
        scratch_types=[
            pltpu.VMEM((Vpad * D * _LANES,), jnp.float32),
            pltpu.VMEM((8, cols), jnp.int32),
            pltpu.VMEM((8, cols), jnp.int32),
            pltpu.VMEM((rows, cols), jnp.float32),
            pltpu.VMEM((rows, cols), jnp.float32),
            pltpu.SemaphoreType.DMA,
            pltpu.SemaphoreType.DMA,
            pltpu.SemaphoreType.DMA,
            pltpu.SemaphoreType.DMA,
        ],
    )
    def gather_kernel(table_hbm, idx_hbm, out_hbm, table_v, idx_0, idx_1,
                      stage_0, stage_1, sem_i0, sem_i1, sem_o0, sem_o1):
        wid = lax.axis_index("s") * _NUM_CORES + lax.axis_index("c")
        col0 = wid * cols

        pltpu.sync_copy(table_hbm, table_v)

        def start_idx(shi, idx_v, sem):
            pltpu.async_copy(
                idx_hbm.at[pl.ds(shi * 8, 8), pl.ds(col0, cols)], idx_v, sem)

        def wait_idx(idx_v, sem):
            pltpu.make_async_copy(
                idx_hbm.at[pl.ds(0, 8), pl.ds(0, cols)], idx_v, sem).wait()

        def start_out(shi, stage_v, sem):
            pltpu.async_copy(
                stage_v, out_hbm.at[pl.ds(shi * rows, rows),
                                    pl.ds(col0, cols)], sem)

        def wait_out(stage_v, sem):
            pltpu.make_async_copy(
                stage_v, out_hbm.at[pl.ds(0, rows), pl.ds(0, cols)],
                sem).wait()

        iota = lax.broadcasted_iota(jnp.int32, (_LANES,), 0)

        def compute(idx_v, stage_v):
            @plsc.parallel_loop(0, groups, 1, unroll=8)
            def gbody(g):
                for sl in range(8):
                    v = idx_v[sl, pl.ds(g * _LANES, _LANES)]
                    u = v * _LANES + iota
                    for d in range(D):
                        gv = plsc.load_gather(
                            table_v.at[pl.ds(d * Vpad * _LANES, Vpad * _LANES)],
                            [u])
                        stage_v[sl * D + d, pl.ds(g * _LANES, _LANES)] = gv

        start_idx(0, idx_0, sem_i0)

        wait_idx(idx_0, sem_i0)
        start_idx(1, idx_1, sem_i1)
        compute(idx_0, stage_0)
        start_out(0, stage_0, sem_o0)

        def body(gp, carry):
            i1 = gp * 2 + 1
            wait_idx(idx_1, sem_i1)

            @pl.when(i1 + 1 < shi_n)
            def _():
                start_idx(i1 + 1, idx_0, sem_i0)

            @pl.when(gp >= 1)
            def _():
                wait_out(stage_1, sem_o1)

            compute(idx_1, stage_1)
            start_out(i1, stage_1, sem_o1)

            i0 = gp * 2 + 2
            wait_idx(idx_0, sem_i0)

            @pl.when(i0 + 1 < shi_n)
            def _():
                start_idx(i0 + 1, idx_1, sem_i1)

            wait_out(stage_0, sem_o0)
            compute(idx_0, stage_0)
            start_out(i0, stage_0, sem_o0)
            return carry

        lax.fori_loop(0, (shi_n - 1) // 2, body, 0)
        wait_out(stage_0, sem_o0)
        wait_out(stage_1, sem_o1)

    return gather_kernel


def kernel(koppen_codes, embedding_table):
    B0, S = koppen_codes.shape
    V, D = embedding_table.shape
    idx2d = koppen_codes.astype(jnp.int32).T
    Vpad = (V + 7) // 8 * 8
    table_rep = jnp.repeat(
        jnp.pad(embedding_table, ((0, Vpad - V), (0, 0))).T.reshape(-1),
        _LANES)
    o2 = _build_gather(B0, S, V, D, Vpad)(table_rep, idx2d)
    return o2.reshape(S, D, B0).transpose(2, 0, 1)

# --- scband reference (transcript-rebuilt; emitter-appended) ---
"""Pipeline reference for scband-koppen-embedding-24790551233456 (READ-ONLY COPY).

The authoritative reference and input builder live on the scoring server;
editing this copy changes nothing except your own understanding.
"""

import jax, jax.numpy as jnp
import numpy as np

NUM_CLASSES = 31
EMBEDDING_DIM = 8

def setup_inputs(seed: int = 0) -> dict:
    key = jax.random.key(seed)
    k_idx, k_tab = jax.random.split(key)
    koppen_codes = jax.random.randint(k_idx, (16384, 200), 0, NUM_CLASSES, dtype=jnp.int64 if jax.config.jax_enable_x64 else jnp.int32)
    # nn.Embedding default init: N(0, 1)
    embedding_table = jax.random.normal(k_tab, (NUM_CLASSES, EMBEDDING_DIM), dtype=jnp.float32)
    return {"koppen_codes": koppen_codes, "embedding_table": embedding_table}

def reference(koppen_codes, embedding_table):
    # nn.Embedding forward: gather rows of the table by index
    return jnp.take(embedding_table, koppen_codes, axis=0)

if __name__ == "__main__":
    import jax
    _d = setup_inputs()
    print(jax.jit(kernel)(*tuple(_d.values())))

</pallas_src>

<mosaic_0001>
#map = affine_map<(d0, d1) -> (0)>
#map1 = affine_map<(d0, d1) -> (0, 0)>
module attributes {stable_mosaic.version = 14 : i64} {
  func.func @gather_kernel(%arg0: i32, %arg1: i32, %arg2: memref<4096xf32, #tpu.memory_space<hbm>>, %arg3: memref<200x16384xi32, #tpu.memory_space<hbm>>, %arg4: memref<1600x16384xf32, #tpu.memory_space<hbm>>, %arg5: memref<4096xf32, #tpu.memory_space<vmem>>, %arg6: memref<8x512xi32, #tpu.memory_space<vmem>>, %arg7: memref<8x512xi32, #tpu.memory_space<vmem>>, %arg8: memref<64x512xf32, #tpu.memory_space<vmem>>, %arg9: memref<64x512xf32, #tpu.memory_space<vmem>>, %arg10: memref<!tpu.dma_semaphore, #tpu.memory_space<semaphore_mem>>, %arg11: memref<!tpu.dma_semaphore, #tpu.memory_space<semaphore_mem>>, %arg12: memref<!tpu.dma_semaphore, #tpu.memory_space<semaphore_mem>>, %arg13: memref<!tpu.dma_semaphore, #tpu.memory_space<semaphore_mem>>) attributes {dimension_semantics = [#tpu.dimension_semantics<core_parallel>, #tpu.dimension_semantics<subcore_parallel>], iteration_bounds = array<i64: 2, 16>, scalar_prefetch = 0 : i64, scratch_operands = 9 : i64, tpu.core_type = #tpu.core_type<sc_vector_subcore>, window_params = [{transform_indices = #map}, {transform_indices = #map1}, {transform_indices = #map1}]} {
    %mul3A = arith.constant 2 : i32
    %mul3A_0 = arith.muli %arg1, %mul3A : i32
    %add3A = arith.addi %mul3A_0, %arg0 : i32
    %mul3A_1 = arith.constant 512 : i32
    %mul3A_2 = arith.muli %add3A, %mul3A_1 : i32
    "tpu.region"() ({
      %run_scoped3A = tpu.sem_alloc : memref<!tpu.dma_semaphore, #tpu.memory_space<semaphore_mem>>
      tpu.enqueue_dma source(%arg2 : memref<4096xf32, #tpu.memory_space<hbm>>) target(%arg5 : memref<4096xf32, #tpu.memory_space<vmem>>) target_semaphore(%run_scoped3A : memref<!tpu.dma_semaphore, #tpu.memory_space<semaphore_mem>>)
      tpu.wait_dma2 semaphore(%run_scoped3A : memref<!tpu.dma_semaphore, #tpu.memory_space<semaphore_mem>>) src(%arg2 : memref<4096xf32, #tpu.memory_space<hbm>>) dst(%arg5 : memref<4096xf32, #tpu.memory_space<vmem>>)
      tpu.yield
    }) : () -> ()
    %iota3A = tpu.iota {dimensions = array<i32: 0>} : vector<16xi32>
    %dma_start3A = arith.constant 0 : i32
    %dma_start3A_3 = tpu.memref_slice %arg3[%dma_start3A, %mul3A_2] : memref<200x16384xi32, #tpu.memory_space<hbm>> -> memref<8x512xi32, #tpu.memory_space<hbm>>
    %dma_start3A_4 = arith.constant 0 : i32
    %dma_start3A_5 = tpu.memref_slice %arg3[%dma_start3A_4, %mul3A_2] : memref<200x16384xi32, #tpu.memory_space<hbm>> -> memref<8x512xi32, #tpu.memory_space<hbm>>
    tpu.enqueue_dma source(%dma_start3A_5 : memref<8x512xi32, #tpu.memory_space<hbm>>) target(%arg6 : memref<8x512xi32, #tpu.memory_space<vmem>>) target_semaphore(%arg10 : memref<!tpu.dma_semaphore, #tpu.memory_space<semaphore_mem>>)
    %dma_wait3A = arith.constant 0 : i32
    %dma_wait3A_6 = arith.constant 0 : i32
    %dma_wait3A_7 = tpu.memref_slice %arg3[%dma_wait3A, %dma_wait3A_6] : memref<200x16384xi32, #tpu.memory_space<hbm>> -> memref<8x512xi32, #tpu.memory_space<hbm>>
    %dma_wait3A_8 = arith.constant 0 : i32
    %dma_wait3A_9 = arith.constant 0 : i32
    %dma_wait3A_10 = tpu.memref_slice %arg3[%dma_wait3A_8, %dma_wait3A_9] : memref<200x16384xi32, #tpu.memory_space<hbm>> -> memref<8x512xi32, #tpu.memory_space<hbm>>
    tpu.wait_dma2 semaphore(%arg10 : memref<!tpu.dma_semaphore, #tpu.memory_space<semaphore_mem>>) src(%dma_wait3A_10 : memref<8x512xi32, #tpu.memory_space<hbm>>) dst(%arg6 : memref<8x512xi32, #tpu.memory_space<vmem>>)
    %dma_start3A_11 = arith.constant 8 : i32
    %dma_start3A_12 = tpu.memref_slice %arg3[%dma_start3A_11, %mul3A_2] : memref<200x16384xi32, #tpu.memory_space<hbm>> -> memref<8x512xi32, #tpu.memory_space<hbm>>
    %dma_start3A_13 = arith.constant 8 : i32
    %dma_start3A_14 = tpu.memref_slice %arg3[%dma_start3A_13, %mul3A_2] : memref<200x16384xi32, #tpu.memory_space<hbm>> -> memref<8x512xi32, #tpu.memory_space<hbm>>
    tpu.enqueue_dma source(%dma_start3A_14 : memref<8x512xi32, #tpu.memory_space<hbm>>) target(%arg7 : memref<8x512xi32, #tpu.memory_space<vmem>>) target_semaphore(%arg11 : memref<!tpu.dma_semaphore, #tpu.memory_space<semaphore_mem>>)
    %parallel_loop3A = arith.constant 0 : i32
    %parallel_loop3A_15 = arith.constant 32 : i32
    %parallel_loop3A_16 = arith.constant 1 : i32
    scf.for %parallel_loop3A_38 = %parallel_loop3A to %parallel_loop3A_15 step %parallel_loop3A_16  : i32 {
      %parallel_loop3A_39 = arith.constant 16 : i32
      %parallel_loop3A_40 = arith.muli %parallel_loop3A_38, %parallel_loop3A_39 : i32
      %parallel_loop3A_41 = arith.constant 0 : i32
      %parallel_loop3A_42 = arith.index_cast %parallel_loop3A_41 : i32 to index
      %parallel_loop3A_43 = arith.index_cast %parallel_loop3A_40 : i32 to index
      %parallel_loop3A_44 = tpu.vector_load %arg6[%parallel_loop3A_42, %parallel_loop3A_43] {strides = array<i32>} : memref<8x512xi32, #tpu.memory_space<vmem>>, vector<16xi32>,
      %parallel_loop3A_45 = arith.constant 16 : i32
      %parallel_loop3A_46 = vector.broadcast %parallel_loop3A_45 : i32 to vector<16xi32>
      %parallel_loop3A_47 = arith.muli %parallel_loop3A_44, %parallel_loop3A_46 : vector<16xi32>
      %parallel_loop3A_48 = arith.addi %parallel_loop3A_47, %iota3A : vector<16xi32>
      %parallel_loop3A_49 = arith.constant 0 : i32
      %parallel_loop3A_50 = tpu.memref_slice %arg5[%parallel_loop3A_49] : memref<4096xf32, #tpu.memory_space<vmem>> -> memref<512xf32, #tpu.memory_space<vmem>>
      %parallel_loop3A_51 = tpu.vector_load_idx %parallel_loop3A_50[%parallel_loop3A_48] : memref<512xf32, #tpu.memory_space<vmem>>[vector<16xi32>], vector<16xf32>,
      %parallel_loop3A_52 = arith.constant 16 : i32
      %parallel_loop3A_53 = arith.muli %parallel_loop3A_38, %parallel_loop3A_52 : i32
      %parallel_loop3A_54 = arith.constant 0 : i32
      %parallel_loop3A_55 = arith.index_cast %parallel_loop3A_54 : i32 to index
      %parallel_loop3A_56 = arith.index_cast %parallel_loop3A_53 : i32 to index
      %parallel_loop3A_57 = tpu.vector_load %arg8[%parallel_loop3A_55, %parallel_loop3A_56] {strides = array<i32>} : memref<64x512xf32, #tpu.memory_space<vmem>>, vector<16xf32>,
      tpu.vector_store %arg8[%parallel_loop3A_55, %parallel_loop3A_56], %parallel_loop3A_51 {strides = array<i32>} : memref<64x512xf32, #tpu.memory_space<vmem>>, vector<16xf32>,
      %parallel_loop3A_58 = arith.constant 512 : i32
      %parallel_loop3A_59 = tpu.memref_slice %arg5[%parallel_loop3A_58] : memref<4096xf32, #tpu.memory_space<vmem>> -> memref<512xf32, #tpu.memory_space<vmem>>
      %parallel_loop3A_60 = tpu.vector_load_idx %parallel_loop3A_59[%parallel_loop3A_48] : memref<512xf32, #tpu.memory_space<vmem>>[vector<16xi32>], vector<16xf32>,
      %parallel_loop3A_61 = arith.constant 16 : i32
      %parallel_loop3A_62 = arith.muli %parallel_loop3A_38, %parallel_loop3A_61 : i32
      %parallel_loop3A_63 = arith.constant 1 : i32
      %parallel_loop3A_64 = arith.index_cast %parallel_loop3A_63 : i32 to index
      %parallel_loop3A_65 = arith.index_cast %parallel_loop3A_62 : i32 to index
      %parallel_loop3A_66 = tpu.vector_load %arg8[%parallel_loop3A_64, %parallel_loop3A_65] {strides = array<i32>} : memref<64x512xf32, #tpu.memory_space<vmem>>, vector<16xf32>,
      tpu.vector_store %arg8[%parallel_loop3A_64, %parallel_loop3A_65], %parallel_loop3A_60 {strides = array<i32>} : memref<64x512xf32, #tpu.memory_space<vmem>>, vector<16xf32>,
      %parallel_loop3A_67 = arith.constant 1024 : i32
      %parallel_loop3A_68 = tpu.memref_slice %arg5[%parallel_loop3A_67] : memref<4096xf32, #tpu.memory_space<vmem>> -> memref<512xf32, #tpu.memory_space<vmem>>
      %parallel_loop3A_69 = tpu.vector_load_idx %parallel_loop3A_68[%parallel_loop3A_48] : memref<512xf32, #tpu.memory_space<vmem>>[vector<16xi32>], vector<16xf32>,
      %parallel_loop3A_70 = arith.constant 16 : i32
      %parallel_loop3A_71 = arith.muli %parallel_loop3A_38, %parallel_loop3A_70 : i32
      %parallel_loop3A_72 = arith.constant 2 : i32
      %parallel_loop3A_73 = arith.index_cast %parallel_loop3A_72 : i32 to index
      %parallel_loop3A_74 = arith.index_cast %parallel_loop3A_71 : i32 to index
      %parallel_loop3A_75 = tpu.vector_load %arg8[%parallel_loop3A_73, %parallel_loop3A_74] {strides = array<i32>} : memref<64x512xf32, #tpu.memory_space<vmem>>, vector<16xf32>,
      tpu.vector_store %arg8[%parallel_loop3A_73, %parallel_loop3A_74], %parallel_loop3A_69 {strides = array<i32>} : memref<64x512xf32, #tpu.memory_space<vmem>>, vector<16xf32>,
      %parallel_loop3A_76 = arith.constant 1536 : i32
      %parallel_loop3A_77 = tpu.memref_slice %arg5[%parallel_loop3A_76] : memref<4096xf32, #tpu.memory_space<vmem>> -> memref<512xf32, #tpu.memory_space<vmem>>
      %parallel_loop3A_78 = tpu.vector_load_idx %parallel_loop3A_77[%parallel_loop3A_48] : memref<512xf32, #tpu.memory_space<vmem>>[vector<16xi32>], vector<16xf32>,
      %parallel_loop3A_79 = arith.constant 16 : i32
      %parallel_loop3A_80 = arith.muli %parallel_loop3A_38, %parallel_loop3A_79 : i32
      %parallel_loop3A_81 = arith.constant 3 : i32
      %parallel_loop3A_82 = arith.index_cast %parallel_loop3A_81 : i32 to index
      %parallel_loop3A_83 = arith.index_cast %parallel_loop3A_80 : i32 to index
      %parallel_loop3A_84 = tpu.vector_load %arg8[%parallel_loop3A_82, %parallel_loop3A_83] {strides = array<i32>} : memref<64x512xf32, #tpu.memory_space<vmem>>, vector<16xf32>,
      tpu.vector_store %arg8[%parallel_loop3A_82, %parallel_loop3A_83], %parallel_loop3A_78 {strides = array<i32>} : memref<64x512xf32, #tpu.memory_space<vmem>>, vector<16xf32>,
      %parallel_loop3A_85 = arith.constant 2048 : i32
      %parallel_loop3A_86 = tpu.memref_slice %arg5[%parallel_loop3A_85] : memref<4096xf32, #tpu.memory_space<vmem>> -> memref<512xf32, #tpu.memory_space<vmem>>
      %parallel_loop3A_87 = tpu.vector_load_idx %parallel_loop3A_86[%parallel_loop3A_48] : memref<512xf32, #tpu.memory_space<vmem>>[vector<16xi32>], vector<16xf32>,
      %parallel_loop3A_88 = arith.constant 16 : i32
      %parallel_loop3A_89 = arith.muli %parallel_loop3A_38, %parallel_loop3A_88 : i32
      %parallel_loop3A_90 = arith.constant 4 : i32
      %parallel_loop3A_91 = arith.index_cast %parallel_loop3A_90 : i32 to index
      %parallel_loop3A_92 = arith.index_cast %parallel_loop3A_89 : i32 to index
      %parallel_loop3A_93 = tpu.vector_load %arg8[%parallel_loop3A_91, %parallel_loop3A_92] {strides = array<i32>} : memref<64x512xf32, #tpu.memory_space<vmem>>, vector<16xf32>,
      tpu.vector_store %arg8[%parallel_loop3A_91, %parallel_loop3A_92], %parallel_loop3A_87 {strides = array<i32>} : memref<64x512xf32, #tpu.memory_space<vmem>>, vector<16xf32>,
      %parallel_loop3A_94 = arith.constant 2560 : i32
      %parallel_loop3A_95 = tpu.memref_slice %arg5[%parallel_loop3A_94] : memref<4096xf32, #tpu.memory_space<vmem>> -> memref<512xf32, #tpu.memory_space<vmem>>
      %parallel_loop3A_96 = tpu.vector_load_idx %parallel_loop3A_95[%parallel_loop3A_48] : memref<512xf32, #tpu.memory_space<vmem>>[vector<16xi32>], vector<16xf32>,
      %parallel_loop3A_97 = arith.constant 16 : i32
      %parallel_loop3A_98 = arith.muli %parallel_loop3A_38, %parallel_loop3A_97 : i32
      %parallel_loop3A_99 = arith.constant 5 : i32
      %parallel_loop3A_100 = arith.index_cast %parallel_loop3A_99 : i32 to index
      %parallel_loop3A_101 = arith.index_cast %parallel_loop3A_98 : i32 to index
      %parallel_loop3A_102 = tpu.vector_load %arg8[%parallel_loop3A_100, %parallel_loop3A_101] {strides = array<i32>} : memref<64x512xf32, #tpu.memory_space<vmem>>, vector<16xf32>,
      tpu.vector_store %arg8[%parallel_loop3A_100, %parallel_loop3A_101], %parallel_loop3A_96 {strides = array<i32>} : memref<64x512xf32, #tpu.memory_space<vmem>>, vector<16xf32>,
      %parallel_loop3A_103 = arith.constant 3072 : i32
      %parallel_loop3A_104 = tpu.memref_slice %arg5[%parallel_loop3A_103] : memref<4096xf32, #tpu.memory_space<vmem>> -> memref<512xf32, #tpu.memory_space<vmem>>
      %parallel_loop3A_105 = tpu.vector_load_idx %parallel_loop3A_104[%parallel_loop3A_48] : memref<512xf32, #tpu.memory_space<vmem>>[vector<16xi32>], vector<16xf32>,
      %parallel_loop3A_106 = arith.constant 16 : i32
      %parallel_loop3A_107 = arith.muli %parallel_loop3A_38, %parallel_loop3A_106 : i32
      %parallel_loop3A_108 = arith.constant 6 : i32
      %parallel_loop3A_109 = arith.index_cast %parallel_loop3A_108 : i32 to index
      %parallel_loop3A_110 = arith.index_cast %parallel_loop3A_107 : i32 to index
      %parallel_loop3A_111 = tpu.vector_load %arg8[%parallel_loop3A_109, %parallel_loop3A_110] {strides = array<i32>} : memref<64x512xf32, #tpu.memory_space<vmem>>, vector<16xf32>,
      tpu.vector_store %arg8[%parallel_loop3A_109, %parallel_loop3A_110], %parallel_loop3A_105 {strides = array<i32>} : memref<64x512xf32, #tpu.memory_space<vmem>>, vector<16xf32>,
      %parallel_loop3A_112 = arith.constant 3584 : i32
      %parallel_loop3A_113 = tpu.memref_slice %arg5[%parallel_loop3A_112] : memref<4096xf32, #tpu.memory_space<vmem>> -> memref<512xf32, #tpu.memory_space<vmem>>
      %parallel_loop3A_114 = tpu.vector_load_idx %parallel_loop3A_113[%parallel_loop3A_48] : memref<512xf32, #tpu.memory_space<vmem>>[vector<16xi32>], vector<16xf32>,
      %parallel_loop3A_115 = arith.constant 16 : i32
      %parallel_loop3A_116 = arith.muli %parallel_loop3A_38, %parallel_loop3A_115 : i32
      %parallel_loop3A_117 = arith.constant 7 : i32
      %parallel_loop3A_118 = arith.index_cast %parallel_loop3A_117 : i32 to index
      %parallel_loop3A_119 = arith.index_cast %parallel_loop3A_116 : i32 to index
      %parallel_loop3A_120 = tpu.vector_load %arg8[%parallel_loop3A_118, %parallel_loop3A_119] {strides = array<i32>} : memref<64x512xf32, #tpu.memory_space<vmem>>, vector<16xf32>,
      tpu.vector_store %arg8[%parallel_loop3A_118, %parallel_loop3A_119], %parallel_loop3A_114 {strides = array<i32>} : memref<64x512xf32, #tpu.memory_space<vmem>>, vector<16xf32>,
      %parallel_loop3A_121 = arith.constant 16 : i32
      %parallel_loop3A_122 = arith.muli %parallel_loop3A_38, %parallel_loop3A_121 : i32
      %parallel_loop3A_123 = arith.constant 1 : i32
      %parallel_loop3A_124 = arith.index_cast %parallel_loop3A_123 : i32 to index
      %parallel_loop3A_125 = arith.index_cast %parallel_loop3A_122 : i32 to index
      %parallel_loop3A_126 = tpu.vector_load %arg6[%parallel_loop3A_124, %parallel_loop3A_125] {strides = array<i32>} : memref<8x512xi32, #tpu.memory_space<vmem>>, vector<16xi32>,
      %parallel_loop3A_127 = arith.constant 16 : i32
      %parallel_loop3A_128 = vector.broadcast %parallel_loop3A_127 : i32 to vector<16xi32>
      %parallel_loop3A_129 = arith.muli %parallel_loop3A_126, %parallel_loop3A_128 : vector<16xi32>
      %parallel_loop3A_130 = arith.addi %parallel_loop3A_129, %iota3A : vector<16xi32>
      %parallel_loop3A_131 = arith.constant 0 : i32
      %parallel_loop3A_132 = tpu.memref_slice %arg5[%parallel_loop3A_131] : memref<4096xf32, #tpu.memory_space<vmem>> -> memref<512xf32, #tpu.memory_space<vmem>>
      %parallel_loop3A_133 = tpu.vector_load_idx %parallel_loop3A_132[%parallel_loop3A_130] : memref<512xf32, #tpu.memory_space<vmem>>[vector<16xi32>], vector<16xf32>,
      %parallel_loop3A_134 = arith.constant 16 : i32
      %parallel_loop3A_135 = arith.muli %parallel_loop3A_38, %parallel_loop3A_134 : i32
      %parallel_loop3A_136 = arith.constant 8 : i32
      %parallel_loop3A_137 = arith.index_cast %parallel_loop3A_136 : i32 to index
      %parallel_loop3A_138 = arith.index_cast %parallel_loop3A_135 : i32 to index
      %parallel_loop3A_139 = tpu.vector_load %arg8[%parallel_loop3A_137, %parallel_loop3A_138] {strides = array<i32>} : memref<64x512xf32, #tpu.memory_space<vmem>>, vector<16xf32>,
      tpu.vector_store %arg8[%parallel_loop3A_137, %parallel_loop3A_138], %parallel_loop3A_133 {strides = array<i32>} : memref<64x512xf32, #tpu.memory_space<vmem>>, vector<16xf32>,
      %parallel_loop3A_140 = arith.constant 512 : i32
      %parallel_loop3A_141 = tpu.memref_slice %arg5[%parallel_loop3A_140] : memref<4096xf32, #tpu.memory_space<vmem>> -> memref<512xf32, #tpu.memory_space<vmem>>
      %parallel_loop3A_142 = tpu.vector_load_idx %parallel_loop3A_141[%parallel_loop3A_130] : memref<512xf32, #tpu.memory_space<vmem>>[vector<16xi32>], vector<16xf32>,
      %parallel_loop3A_143 = arith.constant 16 : i32
      %parallel_loop3A_144 = arith.muli %parallel_loop3A_38, %parallel_loop3A_143 : i32
      %parallel_loop3A_145 = arith.constant 9 : i32
      %parallel_loop3A_146 = arith.index_cast %parallel_loop3A_145 : i32 to index
      %parallel_loop3A_147 = arith.index_cast %parallel_loop3A_144 : i32 to index
      %parallel_loop3A_148 = tpu.vector_load %arg8[%parallel_loop3A_146, %parallel_loop3A_147] {strides = array<i32>} : memref<64x512xf32, #tpu.memory_space<vmem>>, vector<16xf32>,
      tpu.vector_store %arg8[%parallel_loop3A_146, %parallel_loop3A_147], %parallel_loop3A_142 {strides = array<i32>} : memref<64x512xf32, #tpu.memory_space<vmem>>, vector<16xf32>,
      %parallel_loop3A_149 = arith.constant 1024 : i32
      %parallel_loop3A_150 = tpu.memref_slice %arg5[%parallel_loop3A_149] : memref<4096xf32, #tpu.memory_space<vmem>> -> memref<512xf32, #tpu.memory_space<vmem>>
      %parallel_loop3A_151 = tpu.vector_load_idx %parallel_loop3A_150[%parallel_loop3A_130] : memref<512xf32, #tpu.memory_space<vmem>>[vector<16xi32>], vector<16xf32>,
      %parallel_loop3A_152 = arith.constant 16 : i32
      %parallel_loop3A_153 = arith.muli %parallel_loop3A_38, %parallel_loop3A_152 : i32
      %parallel_loop3A_154 = arith.constant 10 : i32
      %parallel_loop3A_155 = arith.index_cast %parallel_loop3A_154 : i32 to index
      %parallel_loop3A_156 = arith.index_cast %parallel_loop3A_153 : i32 to index
      %parallel_loop3A_157 = tpu.vector_load %arg8[%parallel_loop3A_155, %parallel_loop3A_156] {strides = array<i32>} : memref<64x512xf32, #tpu.memory_space<vmem>>, vector<16xf32>,
      tpu.vector_store %arg8[%parallel_loop3A_155, %parallel_loop3A_156], %parallel_loop3A_151 {strides = array<i32>} : memref<64x512xf32, #tpu.memory_space<vmem>>, vector<16xf32>,
      %parallel_loop3A_158 = arith.constant 1536 : i32
      %parallel_loop3A_159 = tpu.memref_slice %arg5[%parallel_loop3A_158] : memref<4096xf32, #tpu.memory_space<vmem>> -> memref<512xf32, #tpu.memory_space<vmem>>
      %parallel_loop3A_160 = tpu.vector_load_idx %parallel_loop3A_159[%parallel_loop3A_130] : memref<512xf32, #tpu.memory_space<vmem>>[vector<16xi32>], vector<16xf32>,
      %parallel_loop3A_161 = arith.constant 16 : i32
      %parallel_loop3A_162 = arith.muli %parallel_loop3A_38, %parallel_loop3A_161 : i32
      %parallel_loop3A_163 = arith.constant 11 : i32
      %parallel_loop3A_164 = arith.index_cast %parallel_loop3A_163 : i32 to index
      %parallel_loop3A_165 = arith.index_cast %parallel_loop3A_162 : i32 to index
      %parallel_loop3A_166 = tpu.vector_load %arg8[%parallel_loop3A_164, %parallel_loop3A_165] {strides = array<i32>} : memref<64x512xf32, #tpu.memory_space<vmem>>, vector<16xf32>,
      tpu.vector_store %arg8[%parallel_loop3A_164, %parallel_loop3A_165], %parallel_loop3A_160 {strides = array<i32>} : memref<64x512xf32, #tpu.memory_space<vmem>>, vector<16xf32>,
      %parallel_loop3A_167 = arith.constant 2048 : i32
      %parallel_loop3A_168 = tpu.memref_slice %arg5[%parallel_loop3A_167] : memref<4096xf32, #tpu.memory_space<vmem>> -> memref<512xf32, #tpu.memory_space<vmem>>
      %parallel_loop3A_169 = tpu.vector_load_idx %parallel_loop3A_168[%parallel_loop3A_130] : memref<512xf32, #tpu.memory_space<vmem>>[vector<16xi32>], vector<16xf32>,
      %parallel_loop3A_170 = arith.constant 16 : i32
      %parallel_loop3A_171 = arith.muli %parallel_loop3A_38, %parallel_loop3A_170 : i32
      %parallel_loop3A_172 = arith.constant 12 : i32
      %parallel_loop3A_173 = arith.index_cast %parallel_loop3A_172 : i32 to index
      %parallel_loop3A_174 = arith.index_cast %parallel_loop3A_171 : i32 to index
      %parallel_loop3A_175 = tpu.vector_load %arg8[%parallel_loop3A_173, %parallel_loop3A_174] {strides = array<i32>} : memref<64x512xf32, #tpu.memory_space<vmem>>, vector<16xf32>,
      tpu.vector_store %arg8[%parallel_loop3A_173, %parallel_loop3A_174], %parallel_loop3A_169 {strides = array<i32>} : memref<64x512xf32, #tpu.memory_space<vmem>>, vector<16xf32>,
      %parallel_loop3A_176 = arith.constant 2560 : i32
      %parallel_loop3A_177 = tpu.memref_slice %arg5[%parallel_loop3A_176] : memref<4096xf32, #tpu.memory_space<vmem>> -> memref<512xf32, #tpu.memory_space<vmem>>
      %parallel_loop3A_178 = tpu.vector_load_idx %parallel_loop3A_177[%parallel_loop3A_130] : memref<512xf32, #tpu.memory_space<vmem>>[vector<16xi32>], vector<16xf32>,
      %parallel_loop3A_179 = arith.constant 16 : i32
      %parallel_loop3A_180 = arith.muli %parallel_loop3A_38, %parallel_loop3A_179 : i32
      %parallel_loop3A_181 = arith.constant 13 : i32
      %parallel_loop3A_182 = arith.index_cast %parallel_loop3A_181 : i32 to index
      %parallel_loop3A_183 = arith.index_cast %parallel_loop3A_180 : i32 to index
      %parallel_loop3A_184 = tpu.vector_load %arg8[%parallel_loop3A_182, %parallel_loop3A_183] {strides = array<i32>} : memref<64x512xf32, #tpu.memory_space<vmem>>, vector<16xf32>,
      tpu.vector_store %arg8[%parallel_loop3A_182, %parallel_loop3A_183], %parallel_loop3A_178 {strides = array<i32>} : memref<64x512xf32, #tpu.memory_space<vmem>>, vector<16xf32>,
      %parallel_loop3A_185 = arith.constant 3072 : i32
      %parallel_loop3A_186 = tpu.memref_slice %arg5[%parallel_loop3A_185] : memref<4096xf32, #tpu.memory_space<vmem>> -> memref<512xf32, #tpu.memory_space<vmem>>
      %parallel_loop3A_187 = tpu.vector_load_idx %parallel_loop3A_186[%parallel_loop3A_130] : memref<512xf32, #tpu.memory_space<vmem>>[vector<16xi32>], vector<16xf32>,
      %parallel_loop3A_188 = arith.constant 16 : i32
      %parallel_loop3A_189 = arith.muli %parallel_loop3A_38, %parallel_loop3A_188 : i32
      %parallel_loop3A_190 = arith.constant 14 : i32
      %parallel_loop3A_191 = arith.index_cast %parallel_loop3A_190 : i32 to index
      %parallel_loop3A_192 = arith.index_cast %parallel_loop3A_189 : i32 to index
      %parallel_loop3A_193 = tpu.vector_load %arg8[%parallel_loop3A_191, %parallel_loop3A_192] {strides = array<i32>} : memref<64x512xf32, #tpu.memory_space<vmem>>, vector<16xf32>,
      tpu.vector_store %arg8[%parallel_loop3A_191, %parallel_loop3A_192], %parallel_loop3A_187 {strides = array<i32>} : memref<64x512xf32, #tpu.memory_space<vmem>>, vector<16xf32>,
      %parallel_loop3A_194 = arith.constant 3584 : i32
      %parallel_loop3A_195 = tpu.memref_slice %arg5[%parallel_loop3A_194] : memref<4096xf32, #tpu.memory_space<vmem>> -> memref<512xf32, #tpu.memory_space<vmem>>
      %parallel_loop3A_196 = tpu.vector_load_idx %parallel_loop3A_195[%parallel_loop3A_130] : memref<512xf32, #tpu.memory_space<vmem>>[vector<16xi32>], vector<16xf32>,
      %parallel_loop3A_197 = arith.constant 16 : i32
      %parallel_loop3A_198 = arith.muli %parallel_loop3A_38, %parallel_loop3A_197 : i32
      %parallel_loop3A_199 = arith.constant 15 : i32
      %parallel_loop3A_200 = arith.index_cast %parallel_loop3A_199 : i32 to index
      %parallel_loop3A_201 = arith.index_cast %parallel_loop3A_198 : i32 to index
      %parallel_loop3A_202 = tpu.vector_load %arg8[%parallel_loop3A_200, %parallel_loop3A_201] {strides = array<i32>} : memref<64x512xf32, #tpu.memory_space<vmem>>, vector<16xf32>,
      tpu.vector_store %arg8[%parallel_loop3A_200, %parallel_loop3A_201], %parallel_loop3A_196 {strides = array<i32>} : memref<64x512xf32, #tpu.memory_space<vmem>>, vector<16xf32>,
      %parallel_loop3A_203 = arith.constant 16 : i32
      %parallel_loop3A_204 = arith.muli %parallel_loop3A_38, %parallel_loop3A_203 : i32
      %parallel_loop3A_205 = arith.constant 2 : i32
      %parallel_loop3A_206 = arith.index_cast %parallel_loop3A_205 : i32 to index
      %parallel_loop3A_207 = arith.index_cast %parallel_loop3A_204 : i32 to index
      %parallel_loop3A_208 = tpu.vector_load %arg6[%parallel_loop3A_206, %parallel_loop3A_207] {strides = array<i32>} : memref<8x512xi32, #tpu.memory_space<vmem>>, vector<16xi32>,
      %parallel_loop3A_209 = arith.constant 16 : i32
      %parallel_loop3A_210 = vector.broadcast %parallel_loop3A_209 : i32 to vector<16xi32>
      %parallel_loop3A_211 = arith.muli %parallel_loop3A_208, %parallel_loop3A_210 : vector<16xi32>
      %parallel_loop3A_212 = arith.addi %parallel_loop3A_211, %iota3A : vector<16xi32>
      %parallel_loop3A_213 = arith.constant 0 : i32
      %parallel_loop3A_214 = tpu.memref_slice %arg5[%parallel_loop3A_213] : memref<4096xf32, #tpu.memory_space<vmem>> -> memref<512xf32, #tpu.memory_space<vmem>>
      %parallel_loop3A_215 = tpu.vector_load_idx %parallel_loop3A_214[%parallel_loop3A_212] : memref<512xf32, #tpu.memory_space<vmem>>[vector<16xi32>], vector<16xf32>,
      %parallel_loop3A_216 = arith.constant 16 : i32
      %parallel_loop3A_217 = arith.muli %parallel_loop3A_38, %parallel_loop3A_216 : i32
      %parallel_loop3A_218 = arith.constant 16 : i32
      %parallel_loop3A_219 = arith.index_cast %parallel_loop3A_218 : i32 to index
      %parallel_loop3A_220 = arith.index_cast %parallel_loop3A_217 : i32 to index
      %parallel_loop3A_221 = tpu.vector_load %arg8[%parallel_loop3A_219, %parallel_loop3A_220] {strides = array<i32>} : memref<64x512xf32, #tpu.memory_space<vmem>>, vector<16xf32>,
      tpu.vector_store %arg8[%parallel_loop3A_219, %parallel_loop3A_220], %parallel_loop3A_215 {strides = array<i32>} : memref<64x512xf32, #tpu.memory_space<vmem>>, vector<16xf32>,
      %parallel_loop3A_222 = arith.constant 512 : i32
      %parallel_loop3A_223 = tpu.memref_slice %arg5[%parallel_loop3A_222] : memref<4096xf32, #tpu.memory_space<vmem>> -> memref<512xf32, #tpu.memory_space<vmem>>
      %parallel_loop3A_224 = tpu.vector_load_idx %parallel_loop3A_223[%parallel_loop3A_212] : memref<512xf32, #tpu.memory_space<vmem>>[vector<16xi32>], vector<16xf32>,
      %parallel_loop3A_225 = arith.constant 16 : i32
      %parallel_loop3A_226 = arith.muli %parallel_loop3A_38, %parallel_loop3A_225 : i32
      %parallel_loop3A_227 = arith.constant 17 : i32
      %parallel_loop3A_228 = arith.index_cast %parallel_loop3A_227 : i32 to index
      %parallel_loop3A_229 = arith.index_cast %parallel_loop3A_226 : i32 to index
      %parallel_loop3A_230 = tpu.vector_load %arg8[%parallel_loop3A_228, %parallel_loop3A_229] {strides = array<i32>} : memref<64x512xf32, #tpu.memory_space<vmem>>, vector<16xf32>,
      tpu.vector_store %arg8[%parallel_loop3A_228, %parallel_loop3A_229], %parallel_loop3A_224 {strides = array<i32>} : memref<64x512xf32, #tpu.memory_space<vmem>>, vector<16xf32>,
      %parallel_loop3A_231 = arith.constant 1024 : i32
      %parallel_loop3A_232 = tpu.memref_slice %arg5[%parallel_loop3A_231] : memref<4096xf32, #tpu.memory_space<vmem>> -> memref<512xf32, #tpu.memory_space<vmem>>
      %parallel_loop3A_233 = tpu.vector_load_idx %parallel_loop3A_232[%parallel_loop3A_212] : memref<512xf32, #tpu.memory_space<vmem>>[vector<16xi32>], vector<16xf32>,
      %parallel_loop3A_234 = arith.constant 16 : i32
      %parallel_loop3A_235 = arith.muli %parallel_loop3A_38, %parallel_loop3A_234 : i32
      %parallel_loop3A_236 = arith.constant 18 : i32
      %parallel_loop3A_237 = arith.index_cast %parallel_loop3A_236 : i32 to index
      %parallel_loop3A_238 = arith.index_cast %parallel_loop3A_235 : i32 to index
      %parallel_loop3A_239 = tpu.vector_load %arg8[%parallel_loop3A_237, %parallel_loop3A_238] {strides = array<i32>} : memref<64x512xf32, #tpu.memory_space<vmem>>, vector<16xf32>,
      tpu.vector_store %arg8[%parallel_loop3A_237, %parallel_loop3A_238], %parallel_loop3A_233 {strides = array<i32>} : memref<64x512xf32, #tpu.memory_space<vmem>>, vector<16xf32>,
      %parallel_loop3A_240 = arith.constant 1536 : i32
      %parallel_loop3A_241 = tpu.memref_slice %arg5[%parallel_loop3A_240] : memref<4096xf32, #tpu.memory_space<vmem>> -> memref<512xf32, #tpu.memory_space<vmem>>
      %parallel_loop3A_242 = tpu.vector_load_idx %parallel_loop3A_241[%parallel_loop3A_212] : memref<512xf32, #tpu.memory_space<vmem>>[vector<16xi32>], vector<16xf32>,
      %parallel_loop3A_243 = arith.constant 16 : i32
      %parallel_loop3A_244 = arith.muli %parallel_loop3A_38, %parallel_loop3A_243 : i32
      %parallel_loop3A_245 = arith.constant 19 : i32
      %parallel_loop3A_246 = arith.index_cast %parallel_loop3A_245 : i32 to index
      %parallel_loop3A_247 = arith.index_cast %parallel_loop3A_244 : i32 to index
      %parallel_loop3A_248 = tpu.vector_load %arg8[%parallel_loop3A_246, %parallel_loop3A_247] {strides = array<i32>} : memref<64x512xf32, #tpu.memory_space<vmem>>, vector<16xf32>,
      tpu.vector_store %arg8[%parallel_loop3A_246, %parallel_loop3A_247], %parallel_loop3A_242 {strides = array<i32>} : memref<64x512xf32, #tpu.memory_space<vmem>>, vector<16xf32>,
      %parallel_loop3A_249 = arith.constant 2048 : i32
      %parallel_loop3A_250 = tpu.memref_slice %arg5[%parallel_loop3A_249] : memref<4096xf32, #tpu.memory_space<vmem>> -> memref<512xf32, #tpu.memory_space<vmem>>
      %parallel_loop3A_251 = tpu.vector_load_idx %parallel_loop3A_250[%parallel_loop3A_212] : memref<512xf32, #tpu.memory_space<vmem>>[vector<16xi32>], vector<16xf32>,
      %parallel_loop3A_252 = arith.constant 16 : i32
      %parallel_loop3A_253 = arith.muli %parallel_loop3A_38, %parallel_loop3A_252 : i32
      %parallel_loop3A_254 = arith.constant 20 : i32
      %parallel_loop3A_255 = arith.index_cast %parallel_loop3A_254 : i32 to index
      %parallel_loop3A_256 = arith.index_cast %parallel_loop3A_253 : i32 to index
      %parallel_loop3A_257 = tpu.vector_load %arg8[%parallel_loop3A_255, %parallel_loop3A_256] {strides = array<i32>} : memref<64x512xf32, #tpu.memory_space<vmem>>, vector<16xf32>,
      tpu.vector_store %arg8[%parallel_loop3A_255, %parallel_loop3A_256], %parallel_loop3A_251 {strides = array<i32>} : memref<64x512xf32, #tpu.memory_space<vmem>>, vector<16xf32>,
      %parallel_loop3A_258 = arith.constant 2560 : i32
      %parallel_loop3A_259 = tpu.memref_slice %arg5[%parallel_loop3A_258] : memref<4096xf32, #tpu.memory_space<vmem>> -> memref<512xf32, #tpu.memory_space<vmem>>
      %parallel_loop3A_260 = tpu.vector_load_idx %parallel_loop3A_259[%parallel_loop3A_212] : memref<512xf32, #tpu.memory_space<vmem>>[vector<16xi32>], vector<16xf32>,
      %parallel_loop3A_261 = arith.constant 16 : i32
      %parallel_loop3A_262 = arith.muli %parallel_loop3A_38, %parallel_loop3A_261 : i32
      %parallel_loop3A_263 = arith.constant 21 : i32
      %parallel_loop3A_264 = arith.index_cast %parallel_loop3A_263 : i32 to index
      %parallel_loop3A_265 = arith.index_cast %parallel_loop3A_262 : i32 to index
      %parallel_loop3A_266 = tpu.vector_load %arg8[%parallel_loop3A_264, %parallel_loop3A_265] {strides = array<i32>} : memref<64x512xf32, #tpu.memory_space<vmem>>, vector<16xf32>,
      tpu.vector_store %arg8[%parallel_loop3A_264, %parallel_loop3A_265], %parallel_loop3A_260 {strides = array<i32>} : memref<64x512xf32, #tpu.memory_space<vmem>>, vector<16xf32>,
      %parallel_loop3A_267 = arith.constant 3072 : i32
      %parallel_loop3A_268 = tpu.memref_slice %arg5[%parallel_loop3A_267] : memref<4096xf32, #tpu.memory_space<vmem>> -> memref<512xf32, #tpu.memory_space<vmem>>
      %parallel_loop3A_269 = tpu.vector_load_idx %parallel_loop3A_268[%parallel_loop3A_212] : memref<512xf32, #tpu.memory_space<vmem>>[vector<16xi32>], vector<16xf32>,
      %parallel_loop3A_270 = arith.constant 16 : i32
      %parallel_loop3A_271 = arith.muli %parallel_loop3A_38, %parallel_loop3A_270 : i32
      %parallel_loop3A_272 = arith.constant 22 : i32
      %parallel_loop3A_273 = arith.index_cast %parallel_loop3A_272 : i32 to index
      %parallel_loop3A_274 = arith.index_cast %parallel_loop3A_271 : i32 to index
      %parallel_loop3A_275 = tpu.vector_load %arg8[%parallel_loop3A_273, %parallel_loop3A_274] {strides = array<i32>} : memref<64x512xf32, #tpu.memory_space<vmem>>, vector<16xf32>,
      tpu.vector_store %arg8[%parallel_loop3A_273, %parallel_loop3A_274], %parallel_loop3A_269 {strides = array<i32>} : memref<64x512xf32, #tpu.memory_space<vmem>>, vector<16xf32>,
      %parallel_loop3A_276 = arith.constant 3584 : i32
      %parallel_loop3A_277 = tpu.memref_slice %arg5[%parallel_loop3A_276] : memref<4096xf32, #tpu.memory_space<vmem>> -> memref<512xf32, #tpu.memory_space<vmem>>
      %parallel_loop3A_278 = tpu.vector_load_idx %parallel_loop3A_277[%parallel_loop3A_212] : memref<512xf32, #tpu.memory_space<vmem>>[vector<16xi32>], vector<16xf32>,
      %parallel_loop3A_279 = arith.constant 16 : i32
      %parallel_loop3A_280 = arith.muli %parallel_loop3A_38, %parallel_loop3A_279 : i32
      %parallel_loop3A_281 = arith.constant 23 : i32
      %parallel_loop3A_282 = arith.index_cast %parallel_loop3A_281 : i32 to index
      %parallel_loop3A_283 = arith.index_cast %parallel_loop3A_280 : i32 to index
      %parallel_loop3A_284 = tpu.vector_load %arg8[%parallel_loop3A_282, %parallel_loop3A_283] {strides = array<i32>} : memref<64x512xf32, #tpu.memory_space<vmem>>, vector<16xf32>,
      tpu.vector_store %arg8[%parallel_loop3A_282, %parallel_loop3A_283], %parallel_loop3A_278 {strides = array<i32>} : memref<64x512xf32, #tpu.memory_space<vmem>>, vector<16xf32>,
      %parallel_loop3A_285 = arith.constant 16 : i32
      %parallel_loop3A_286 = arith.muli %parallel_loop3A_38, %parallel_loop3A_285 : i32
      %parallel_loop3A_287 = arith.constant 3 : i32
      %parallel_loop3A_288 = arith.index_cast %parallel_loop3A_287 : i32 to index
      %parallel_loop3A_289 = arith.index_cast %parallel_loop3A_286 : i32 to index
      %parallel_loop3A_290 = tpu.vector_load %arg6[%parallel_loop3A_288, %parallel_loop3A_289] {strides = array<i32>} : memref<8x512xi32, #tpu.memory_space<vmem>>, vector<16xi32>,
      %parallel_loop3A_291 = arith.constant 16 : i32
      %parallel_loop3A_292 = vector.broadcast %parallel_loop3A_291 : i32 to vector<16xi32>
      %parallel_loop3A_293 = arith.muli %parallel_loop3A_290, %parallel_loop3A_292 : vector<16xi32>
      %parallel_loop3A_294 = arith.addi %parallel_loop3A_293, %iota3A : vector<16xi32>
      %parallel_loop3A_295 = arith.constant 0 : i32
      %parallel_loop3A_296 = tpu.memref_slice %arg5[%parallel_loop3A_295] : memref<4096xf32, #tpu.memory_space<vmem>> -> memref<512xf32, #tpu.memory_space<vmem>>
      %parallel_loop3A_297 = tpu.vector_load_idx %parallel_loop3A_296[%parallel_loop3A_294] : memref<512xf32, #tpu.memory_space<vmem>>[vector<16xi32>], vector<16xf32>,
      %parallel_loop3A_298 = arith.constant 16 : i32
      %parallel_loop3A_299 = arith.muli %parallel_loop3A_38, %parallel_loop3A_298 : i32
      %parallel_loop3A_300 = arith.constant 24 : i32
      %parallel_loop3A_301 = arith.index_cast %parallel_loop3A_300 : i32 to index
      %parallel_loop3A_302 = arith.index_cast %parallel_loop3A_299 : i32 to index
      %parallel_loop3A_303 = tpu.vector_load %arg8[%parallel_loop3A_301, %parallel_loop3A_302] {strides = array<i32>} : memref<64x512xf32, #tpu.memory_space<vmem>>, vector<16xf32>,
      tpu.vector_store %arg8[%parallel_loop3A_301, %parallel_loop3A_302], %parallel_loop3A_297 {strides = array<i32>} : memref<64x512xf32, #tpu.memory_space<vmem>>, vector<16xf32>,
      %parallel_loop3A_304 = arith.constant 512 : i32
      %parallel_loop3A_305 = tpu.memref_slice %arg5[%parallel_loop3A_304] : memref<4096xf32, #tpu.memory_space<vmem>> -> memref<512xf32, #tpu.memory_space<vmem>>
      %parallel_loop3A_306 = tpu.vector_load_idx %parallel_loop3A_305[%parallel_loop3A_294] : memref<512xf32, #tpu.memory_space<vmem>>[vector<16xi32>], vector<16xf32>,
      %parallel_loop3A_307 = arith.constant 16 : i32
      %parallel_loop3A_308 = arith.muli %parallel_loop3A_38, %parallel_loop3A_307 : i32
      %parallel_loop3A_309 = arith.constant 25 : i32
      %parallel_loop3A_310 = arith.index_cast %parallel_loop3A_309 : i32 to index
      %parallel_loop3A_311 = arith.index_cast %parallel_loop3A_308 : i32 to index
      %parallel_loop3A_312 = tpu.vector_load %arg8[%parallel_loop3A_310, %parallel_loop3A_311] {strides = array<i32>} : memref<64x512xf32, #tpu.memory_space<vmem>>, vector<16xf32>,
      tpu.vector_store %arg8[%parallel_loop3A_310, %parallel_loop3A_311], %parallel_loop3A_306 {strides = array<i32>} : memref<64x512xf32, #tpu.memory_space<vmem>>, vector<16xf32>,
      %parallel_loop3A_313 = arith.constant 1024 : i32
      %parallel_loop3A_314 = tpu.memref_slice %arg5[%parallel_loop3A_313] : memref<4096xf32, #tpu.memory_space<vmem>> -> memref<512xf32, #tpu.memory_space<vmem>>
      %parallel_loop3A_315 = tpu.vector_load_idx %parallel_loop3A_314[%parallel_loop3A_294] : memref<512xf32, #tpu.memory_space<vmem>>[vector<16xi32>], vector<16xf32>,
      %parallel_loop3A_316 = arith.constant 16 : i32
      %parallel_loop3A_317 = arith.muli %parallel_loop3A_38, %parallel_loop3A_316 : i32
      %parallel_loop3A_318 = arith.constant 26 : i32
      %parallel_loop3A_319 = arith.index_cast %parallel_loop3A_318 : i32 to index
      %parallel_loop3A_320 = arith.index_cast %parallel_loop3A_317 : i32 to index
      %parallel_loop3A_321 = tpu.vector_load %arg8[%parallel_loop3A_319, %parallel_loop3A_320] {strides = array<i32>} : memref<64x512xf32, #tpu.memory_space<vmem>>, vector<16xf32>,
      tpu.vector_store %arg8[%parallel_loop3A_319, %parallel_loop3A_320], %parallel_loop3A_315 {strides = array<i32>} : memref<64x512xf32, #tpu.memory_space<vmem>>, vector<16xf32>,
      %parallel_loop3A_322 = arith.constant 1536 : i32
      %parallel_loop3A_323 = tpu.memref_slice %arg5[%parallel_loop3A_322] : memref<4096xf32, #tpu.memory_space<vmem>> -> memref<512xf32, #tpu.memory_space<vmem>>
      %parallel_loop3A_324 = tpu.vector_load_idx %parallel_loop3A_323[%parallel_loop3A_294] : memref<512xf32, #tpu.memory_space<vmem>>[vector<16xi32>], vector<16xf32>,
      %parallel_loop3A_325 = arith.constant 16 : i32
      %parallel_loop3A_326 = arith.muli %parallel_loop3A_38, %parallel_loop3A_325 : i32
      %parallel_loop3A_327 = arith.constant 27 : i32
      %parallel_loop3A_328 = arith.index_cast %parallel_loop3A_327 : i32 to index
      %parallel_loop3A_329 = arith.index_cast %parallel_loop3A_326 : i32 to index
      %parallel_loop3A_330 = tpu.vector_load %arg8[%parallel_loop3A_328, %parallel_loop3A_329] {strides = array<i32>} : memref<64x512xf32, #tpu.memory_space<vmem>>, vector<16xf32>,
      tpu.vector_store %arg8[%parallel_loop3A_328, %parallel_loop3A_329], %parallel_loop3A_324 {strides = array<i32>} : memref<64x512xf32, #tpu.memory_space<vmem>>, vector<16xf32>,
      %parallel_loop3A_331 = arith.constant 2048 : i32
      %parallel_loop3A_332 = tpu.memref_slice %arg5[%parallel_loop3A_331] : memref<4096xf32, #tpu.memory_space<vmem>> -> memref<512xf32, #tpu.memory_space<vmem>>
      %parallel_loop3A_333 = tpu.vector_load_idx %parallel_loop3A_332[%parallel_loop3A_294] : memref<512xf32, #tpu.memory_space<vmem>>[vector<16xi32>], vector<16xf32>,
      %parallel_loop3A_334 = arith.constant 16 : i32
      %parallel_loop3A_335 = arith.muli %parallel_loop3A_38, %parallel_loop3A_334 : i32
      %parallel_loop3A_336 = arith.constant 28 : i32
      %parallel_loop3A_337 = arith.index_cast %parallel_loop3A_336 : i32 to index
      %parallel_loop3A_338 = arith.index_cast %parallel_loop3A_335 : i32 to index
      %parallel_loop3A_339 = tpu.vector_load %arg8[%parallel_loop3A_337, %parallel_loop3A_338] {strides = array<i32>} : memref<64x512xf32, #tpu.memory_space<vmem>>, vector<16xf32>,
      tpu.vector_store %arg8[%parallel_loop3A_337, %parallel_loop3A_338], %parallel_loop3A_333 {strides = array<i32>} : memref<64x512xf32, #tpu.memory_space<vmem>>, vector<16xf32>,
      %parallel_loop3A_340 = arith.constant 2560 : i32
      %parallel_loop3A_341 = tpu.memref_slice %arg5[%parallel_loop3A_340] : memref<4096xf32, #tpu.memory_space<vmem>> -> memref<512xf32, #tpu.memory_space<vmem>>
      %parallel_loop3A_342 = tpu.vector_load_idx %parallel_loop3A_341[%parallel_loop3A_294] : memref<512xf32, #tpu.memory_space<vmem>>[vector<16xi32>], vector<16xf32>,
      %parallel_loop3A_343 = arith.constant 16 : i32
      %parallel_loop3A_344 = arith.muli %parallel_loop3A_38, %parallel_loop3A_343 : i32
      %parallel_loop3A_345 = arith.constant 29 : i32
      %parallel_loop3A_346 = arith.index_cast %parallel_loop3A_345 : i32 to index
      %parallel_loop3A_347 = arith.index_cast %parallel_loop3A_344 : i32 to index
      %parallel_loop3A_348 = tpu.vector_load %arg8[%parallel_loop3A_346, %parallel_loop3A_347] {strides = array<i32>} : memref<64x512xf32, #tpu.memory_space<vmem>>, vector<16xf32>,
      tpu.vector_store %arg8[%parallel_loop3A_346, %parallel_loop3A_347], %parallel_loop3A_342 {strides = array<i32>} : memref<64x512xf32, #tpu.memory_space<vmem>>, vector<16xf32>,
      %parallel_loop3A_349 = arith.constant 3072 : i32
      %parallel_loop3A_350 = tpu.memref_slice %arg5[%parallel_loop3A_349] : memref<4096xf32, #tpu.memory_space<vmem>> -> memref<512xf32, #tpu.memory_space<vmem>>
      %parallel_loop3A_351 = tpu.vector_load_idx %parallel_loop3A_350[%parallel_loop3A_294] : memref<512xf32, #tpu.memory_space<vmem>>[vector<16xi32>], vector<16xf32>,
      %parallel_loop3A_352 = arith.constant 16 : i32
      %parallel_loop3A_353 = arith.muli %parallel_loop3A_38, %parallel_loop3A_352 : i32
      %parallel_loop3A_354 = arith.constant 30 : i32
      %parallel_loop3A_355 = arith.index_cast %parallel_loop3A_354 : i32 to index
      %parallel_loop3A_356 = arith.index_cast %parallel_loop3A_353 : i32 to index
      %parallel_loop3A_357 = tpu.vector_load %arg8[%parallel_loop3A_355, %parallel_loop3A_356] {strides = array<i32>} : memref<64x512xf32, #tpu.memory_space<vmem>>, vector<16xf32>,
      tpu.vector_store %arg8[%parallel_loop3A_355, %parallel_loop3A_356], %parallel_loop3A_351 {strides = array<i32>} : memref<64x512xf32, #tpu.memory_space<vmem>>, vector<16xf32>,
      %parallel_loop3A_358 = arith.constant 3584 : i32
      %parallel_loop3A_359 = tpu.memref_slice %arg5[%parallel_loop3A_358] : memref<4096xf32, #tpu.memory_space<vmem>> -> memref<512xf32, #tpu.memory_space<vmem>>
      %parallel_loop3A_360 = tpu.vector_load_idx %parallel_loop3A_359[%parallel_loop3A_294] : memref<512xf32, #tpu.memory_space<vmem>>[vector<16xi32>], vector<16xf32>,
      %parallel_loop3A_361 = arith.constant 16 : i32
      %parallel_loop3A_362 = arith.muli %parallel_loop3A_38, %parallel_loop3A_361 : i32
      %parallel_loop3A_363 = arith.constant 31 : i32
      %parallel_loop3A_364 = arith.index_cast %parallel_loop3A_363 : i32 to index
      %parallel_loop3A_365 = arith.index_cast %parallel_loop3A_362 : i32 to index
      %parallel_loop3A_366 = tpu.vector_load %arg8[%parallel_loop3A_364, %parallel_loop3A_365] {strides = array<i32>} : memref<64x512xf32, #tpu.memory_space<vmem>>, vector<16xf32>,
      tpu.vector_store %arg8[%parallel_loop3A_364, %parallel_loop3A_365], %parallel_loop3A_360 {strides = array<i32>} : memref<64x512xf32, #tpu.memory_space<vmem>>, vector<16xf32>,
      %parallel_loop3A_367 = arith.constant 16 : i32
      %parallel_loop3A_368 = arith.muli %parallel_loop3A_38, %parallel_loop3A_367 : i32
      %parallel_loop3A_369 = arith.constant 4 : i32
      %parallel_loop3A_370 = arith.index_cast %parallel_loop3A_369 : i32 to index
      %parallel_loop3A_371 = arith.index_cast %parallel_loop3A_368 : i32 to index
      %parallel_loop3A_372 = tpu.vector_load %arg6[%parallel_loop3A_370, %parallel_loop3A_371] {strides = array<i32>} : memref<8x512xi32, #tpu.memory_space<vmem>>, vector<16xi32>,
      %parallel_loop3A_373 = arith.constant 16 : i32
      %parallel_loop3A_374 = vector.broadcast %parallel_loop3A_373 : i32 to vector<16xi32>
      %parallel_loop3A_375 = arith.muli %parallel_loop3A_372, %parallel_loop3A_374 : vector<16xi32>
      %parallel_loop3A_376 = arith.addi %parallel_loop3A_375, %iota3A : vector<16xi32>
      %parallel_loop3A_377 = arith.constant 0 : i32
      %parallel_loop3A_378 = tpu.memref_slice %arg5[%parallel_loop3A_377] : memref<4096xf32, #tpu.memory_space<vmem>> -> memref<512xf32, #tpu.memory_space<vmem>>
      %parallel_loop3A_379 = tpu.vector_load_idx %parallel_loop3A_378[%parallel_loop3A_376] : memref<512xf32, #tpu.memory_space<vmem>>[vector<16xi32>], vector<16xf32>,
      %parallel_loop3A_380 = arith.constant 16 : i32
      %parallel_loop3A_381 = arith.muli %parallel_loop3A_38, %parallel_loop3A_380 : i32
      %parallel_loop3A_382 = arith.constant 32 : i32
      %parallel_loop3A_383 = arith.index_cast %parallel_loop3A_382 : i32 to index
      %parallel_loop3A_384 = arith.index_cast %parallel_loop3A_381 : i32 to index
      %parallel_loop3A_385 = tpu.vector_load %arg8[%parallel_loop3A_383, %parallel_loop3A_384] {strides = array<i32>} : memref<64x512xf32, #tpu.memory_space<vmem>>, vector<16xf32>,
      tpu.vector_store %arg8[%parallel_loop3A_383, %parallel_loop3A_384], %parallel_loop3A_379 {strides = array<i32>} : memref<64x512xf32, #tpu.memory_space<vmem>>, vector<16xf32>,
      %parallel_loop3A_386 = arith.constant 512 : i32
      %parallel_loop3A_387 = tpu.memref_slice %arg5[%parallel_loop3A_386] : memref<4096xf32, #tpu.memory_space<vmem>> -> memref<512xf32, #tpu.memory_space<vmem>>
      %parallel_loop3A_388 = tpu.vector_load_idx %parallel_loop3A_387[%parallel_loop3A_376] : memref<512xf32, #tpu.memory_space<vmem>>[vector<16xi32>], vector<16xf32>,
      %parallel_loop3A_389 = arith.constant 16 : i32
      %parallel_loop3A_390 = arith.muli %parallel_loop3A_38, %parallel_loop3A_389 : i32
      %parallel_loop3A_391 = arith.constant 33 : i32
      %parallel_loop3A_392 = arith.index_cast %parallel_loop3A_391 : i32 to index
      %parallel_loop3A_393 = arith.index_cast %parallel_loop3A_390 : i32 to index
      %parallel_loop3A_394 = tpu.vector_load %arg8[%parallel_loop3A_392, %parallel_loop3A_393] {strides = array<i32>} : memref<64x512xf32, #tpu.memory_space<vmem>>, vector<16xf32>,
      tpu.vector_store %arg8[%parallel_loop3A_392, %parallel_loop3A_393], %parallel_loop3A_388 {strides = array<i32>} : memref<64x512xf32, #tpu.memory_space<vmem>>, vector<16xf32>,
      %parallel_loop3A_395 = arith.constant 1024 : i32
      %parallel_loop3A_396 = tpu.memref_slice %arg5[%parallel_loop3A_395] : memref<4096xf32, #tpu.memory_space<vmem>> -> memref<512xf32, #tpu.memory_space<vmem>>
      %parallel_loop3A_397 = tpu.vector_load_idx %parallel_loop3A_396[%parallel_loop3A_376] : memref<512xf32, #tpu.memory_space<vmem>>[vector<16xi32>], vector<16xf32>,
      %parallel_loop3A_398 = arith.constant 16 : i32
      %parallel_loop3A_399 = arith.muli %parallel_loop3A_38, %parallel_loop3A_398 : i32
      %parallel_loop3A_400 = arith.constant 34 : i32
      %parallel_loop3A_401 = arith.index_cast %parallel_loop3A_400 : i32 to index
      %parallel_loop3A_402 = arith.index_cast %parallel_loop3A_399 : i32 to index
      %parallel_loop3A_403 = tpu.vector_load %arg8[%parallel_loop3A_401, %parallel_loop3A_402] {strides = array<i32>} : memref<64x512xf32, #tpu.memory_space<vmem>>, vector<16xf32>,
      tpu.vector_store %arg8[%parallel_loop3A_401, %parallel_loop3A_402], %parallel_loop3A_397 {strides = array<i32>} : memref<64x512xf32, #tpu.memory_space<vmem>>, vector<16xf32>,
      %parallel_loop3A_404 = arith.constant 1536 : i32
      %parallel_loop3A_405 = tpu.memref_slice %arg5[%parallel_loop3A_404] : memref<4096xf32, #tpu.memory_space<vmem>> -> memref<512xf32, #tpu.memory_space<vmem>>
      %parallel_loop3A_406 = tpu.vector_load_idx %parallel_loop3A_405[%parallel_loop3A_376] : memref<512xf32, #tpu.memory_space<vmem>>[vector<16xi32>], vector<16xf32>,
      %parallel_loop3A_407 = arith.constant 16 : i32
      %parallel_loop3A_408 = arith.muli %parallel_loop3A_38, %parallel_loop3A_407 : i32
      %parallel_loop3A_409 = arith.constant 35 : i32
      %parallel_loop3A_410 = arith.index_cast %parallel_loop3A_409 : i32 to index
      %parallel_loop3A_411 = arith.index_cast %parallel_loop3A_408 : i32 to index
      %parallel_loop3A_412 = tpu.vector_load %arg8[%parallel_loop3A_410, %parallel_loop3A_411] {strides = array<i32>} : memref<64x512xf32, #tpu.memory_space<vmem>>, vector<16xf32>,
      tpu.vector_store %arg8[%parallel_loop3A_410, %parallel_loop3A_411], %parallel_loop3A_406 {strides = array<i32>} : memref<64x512xf32, #tpu.memory_space<vmem>>, vector<16xf32>,
      %parallel_loop3A_413 = arith.constant 2048 : i32
      %parallel_loop3A_414 = tpu.memref_slice %arg5[%parallel_loop3A_413] : memref<4096xf32, #tpu.memory_space<vmem>> -> memref<512xf32, #tpu.memory_space<vmem>>
      %parallel_loop3A_415 = tpu.vector_load_idx %parallel_loop3A_414[%parallel_loop3A_376] : memref<512xf32, #tpu.memory_space<vmem>>[vector<16xi32>], vector<16xf32>,
      %parallel_loop3A_416 = arith.constant 16 : i32
      %parallel_loop3A_417 = arith.muli %parallel_loop3A_38, %parallel_loop3A_416 : i32
      %parallel_loop3A_418 = arith.constant 36 : i32
      %parallel_loop3A_419 = arith.index_cast %parallel_loop3A_418 : i32 to index
      %parallel_loop3A_420 = arith.index_cast %parallel_loop3A_417 : i32 to index
      %parallel_loop3A_421 = tpu.vector_load %arg8[%parallel_loop3A_419, %parallel_loop3A_420] {strides = array<i32>} : memref<64x512xf32, #tpu.memory_space<vmem>>, vector<16xf32>,
      tpu.vector_store %arg8[%parallel_loop3A_419, %parallel_loop3A_420], %parallel_loop3A_415 {strides = array<i32>} : memref<64x512xf32, #tpu.memory_space<vmem>>, vector<16xf32>,
      %parallel_loop3A_422 = arith.constant 2560 : i32
      %parallel_loop3A_423 = tpu.memref_slice %arg5[%parallel_loop3A_422] : memref<4096xf32, #tpu.memory_space<vmem>> -> memref<512xf32, #tpu.memory_space<vmem>>
      %parallel_loop3A_424 = tpu.vector_load_idx %parallel_loop3A_423[%parallel_loop3A_376] : memref<512xf32, #tpu.memory_space<vmem>>[vector<16xi32>], vector<16xf32>,
      %parallel_loop3A_425 = arith.constant 16 : i32
      %parallel_loop3A_426 = arith.muli %parallel_loop3A_38, %parallel_loop3A_425 : i32
      %parallel_loop3A_427 = arith.constant 37 : i32
      %parallel_loop3A_428 = arith.index_cast %parallel_loop3A_427 : i32 to index
      %parallel_loop3A_429 = arith.index_cast %parallel_loop3A_426 : i32 to index
      %parallel_loop3A_430 = tpu.vector_load %arg8[%parallel_loop3A_428, %parallel_loop3A_429] {strides = array<i32>} : memref<64x512xf32, #tpu.memory_space<vmem>>, vector<16xf32>,
      tpu.vector_store %arg8[%parallel_loop3A_428, %parallel_loop3A_429], %parallel_loop3A_424 {strides = array<i32>} : memref<64x512xf32, #tpu.memory_space<vmem>>, vector<16xf32>,
      %parallel_loop3A_431 = arith.constant 3072 : i32
      %parallel_loop3A_432 = tpu.memref_slice %arg5[%parallel_loop3A_431] : memref<4096xf32, #tpu.memory_space<vmem>> -> memref<512xf32, #tpu.memory_space<vmem>>
      %parallel_loop3A_433 = tpu.vector_load_idx %parallel_loop3A_432[%parallel_loop3A_376] : memref<512xf32, #tpu.memory_space<vmem>>[vector<16xi32>], vector<16xf32>,
      %parallel_loop3A_434 = arith.constant 16 : i32
      %parallel_loop3A_435 = arith.muli %parallel_loop3A_38, %parallel_loop3A_434 : i32
      %parallel_loop3A_436 = arith.constant 38 : i32
      %parallel_loop3A_437 = arith.index_cast %parallel_loop3A_436 : i32 to index
      %parallel_loop3A_438 = arith.index_cast %parallel_loop3A_435 : i32 to index
      %parallel_loop3A_439 = tpu.vector_load %arg8[%parallel_loop3A_437, %parallel_loop3A_438] {strides = array<i32>} : memref<64x512xf32, #tpu.memory_space<vmem>>, vector<16xf32>,
      tpu.vector_store %arg8[%parallel_loop3A_437, %parallel_loop3A_438], %parallel_loop3A_433 {strides = array<i32>} : memref<64x512xf32, #tpu.memory_space<vmem>>, vector<16xf32>,
      %parallel_loop3A_440 = arith.constant 3584 : i32
      %parallel_loop3A_441 = tpu.memref_slice %arg5[%parallel_loop3A_440] : memref<4096xf32, #tpu.memory_space<vmem>> -> memref<512xf32, #tpu.memory_space<vmem>>
      %parallel_loop3A_442 = tpu.vector_load_idx %parallel_loop3A_441[%parallel_loop3A_376] : memref<512xf32, #tpu.memory_space<vmem>>[vector<16xi32>], vector<16xf32>,
      %parallel_loop3A_443 = arith.constant 16 : i32
      %parallel_loop3A_444 = arith.muli %parallel_loop3A_38, %parallel_loop3A_443 : i32
      %parallel_loop3A_445 = arith.constant 39 : i32
      %parallel_loop3A_446 = arith.index_cast %parallel_loop3A_445 : i32 to index
      %parallel_loop3A_447 = arith.index_cast %parallel_loop3A_444 : i32 to index
      %parallel_loop3A_448 = tpu.vector_load %arg8[%parallel_loop3A_446, %parallel_loop3A_447] {strides = array<i32>} : memref<64x512xf32, #tpu.memory_space<vmem>>, vector<16xf32>,
      tpu.vector_store %arg8[%parallel_loop3A_446, %parallel_loop3A_447], %parallel_loop3A_442 {strides = array<i32>} : memref<64x512xf32, #tpu.memory_space<vmem>>, vector<16xf32>,
      %parallel_loop3A_449 = arith.constant 16 : i32
      %parallel_loop3A_450 = arith.muli %parallel_loop3A_38, %parallel_loop3A_449 : i32
      %parallel_loop3A_451 = arith.constant 5 : i32
      %parallel_loop3A_452 = arith.index_cast %parallel_loop3A_451 : i32 to index
      %parallel_loop3A_453 = arith.index_cast %parallel_loop3A_450 : i32 to index
      %parallel_loop3A_454 = tpu.vector_load %arg6[%parallel_loop3A_452, %parallel_loop3A_453] {strides = array<i32>} : memref<8x512xi32, #tpu.memory_space<vmem>>, vector<16xi32>,
      %parallel_loop3A_455 = arith.constant 16 : i32
      %parallel_loop3A_456 = vector.broadcast %parallel_loop3A_455 : i32 to vector<16xi32>
      %parallel_loop3A_457 = arith.muli %parallel_loop3A_454, %parallel_loop3A_456 : vector<16xi32>
      %parallel_loop3A_458 = arith.addi %parallel_loop3A_457, %iota3A : vector<16xi32>
      %parallel_loop3A_459 = arith.constant 0 : i32
      %parallel_loop3A_460 = tpu.memref_slice %arg5[%parallel_loop3A_459] : memref<4096xf32, #tpu.memory_space<vmem>> -> memref<512xf32, #tpu.memory_space<vmem>>
      %parallel_loop3A_461 = tpu.vector_load_idx %parallel_loop3A_460[%parallel_loop3A_458] : memref<512xf32, #tpu.memory_space<vmem>>[vector<16xi32>], vector<16xf32>,
      %parallel_loop3A_462 = arith.constant 16 : i32
      %parallel_loop3A_463 = arith.muli %parallel_loop3A_38, %parallel_loop3A_462 : i32
      %parallel_loop3A_464 = arith.constant 40 : i32
      %parallel_loop3A_465 = arith.index_cast %parallel_loop3A_464 : i32 to index
      %parallel_loop3A_466 = arith.index_cast %parallel_loop3A_463 : i32 to index
      %parallel_loop3A_467 = tpu.vector_load %arg8[%parallel_loop3A_465, %parallel_loop3A_466] {strides = array<i32>} : memref<64x512xf32, #tpu.memory_space<vmem>>, vector<16xf32>,
      tpu.vector_store %arg8[%parallel_loop3A_465, %parallel_loop3A_466], %parallel_loop3A_461 {strides = array<i32>} : memref<64x512xf32, #tpu.memory_space<vmem>>, vector<16xf32>,
      %parallel_loop3A_468 = arith.constant 512 : i32
      %parallel_loop3A_469 = tpu.memref_slice %arg5[%parallel_loop3A_468] : memref<4096xf32, #tpu.memory_space<vmem>> -> memref<512xf32, #tpu.memory_space<vmem>>
      %parallel_loop3A_470 = tpu.vector_load_idx %parallel_loop3A_469[%parallel_loop3A_458] : memref<512xf32, #tpu.memory_space<vmem>>[vector<16xi32>], vector<16xf32>,
      %parallel_loop3A_471 = arith.constant 16 : i32
      %parallel_loop3A_472 = arith.muli %parallel_loop3A_38, %parallel_loop3A_471 : i32
      %parallel_loop3A_473 = arith.constant 41 : i32
      %parallel_loop3A_474 = arith.index_cast %parallel_loop3A_473 : i32 to index
      %parallel_loop3A_475 = arith.index_cast %parallel_loop3A_472 : i32 to index
      %parallel_loop3A_476 = tpu.vector_load %arg8[%parallel_loop3A_474, %parallel_loop3A_475] {strides = array<i32>} : memref<64x512xf32, #tpu.memory_space<vmem>>, vector<16xf32>,
      tpu.vector_store %arg8[%parallel_loop3A_474, %parallel_loop3A_475], %parallel_loop3A_470 {strides = array<i32>} : memref<64x512xf32, #tpu.memory_space<vmem>>, vector<16xf32>,
      %parallel_loop3A_477 = arith.constant 1024 : i32
      %parallel_loop3A_478 = tpu.memref_slice %arg5[%parallel_loop3A_477] : memref<4096xf32, #tpu.memory_space<vmem>> -> memref<512xf32, #tpu.memory_space<vmem>>
      %parallel_loop3A_479 = tpu.vector_load_idx %parallel_loop3A_478[%parallel_loop3A_458] : memref<512xf32, #tpu.memory_space<vmem>>[vector<16xi32>], vector<16xf32>,
      %parallel_loop3A_480 = arith.constant 16 : i32
      %parallel_loop3A_481 = arith.muli %parallel_loop3A_38, %parallel_loop3A_480 : i32
      %parallel_loop3A_482 = arith.constant 42 : i32
      %parallel_loop3A_483 = arith.index_cast %parallel_loop3A_482 : i32 to index
      %parallel_loop3A_484 = arith.index_cast %parallel_loop3A_481 : i32 to index
      %parallel_loop3A_485 = tpu.vector_load %arg8[%parallel_loop3A_483, %parallel_loop3A_484] {strides = array<i32>} : memref<64x512xf32, #tpu.memory_space<vmem>>, vector<16xf32>,
      tpu.vector_store %arg8[%parallel_loop3A_483, %parallel_loop3A_484], %parallel_loop3A_479 {strides = array<i32>} : memref<64x512xf32, #tpu.memory_space<vmem>>, vector<16xf32>,
      %parallel_loop3A_486 = arith.constant 1536 : i32
      %parallel_loop3A_487 = tpu.memref_slice %arg5[%parallel_loop3A_486] : memref<4096xf32, #tpu.memory_space<vmem>> -> memref<512xf32, #tpu.memory_space<vmem>>
      %parallel_loop3A_488 = tpu.vector_load_idx %parallel_loop3A_487[%parallel_loop3A_458] : memref<512xf32, #tpu.memory_space<vmem>>[vector<16xi32>], vector<16xf32>,
      %parallel_loop3A_489 = arith.constant 16 : i32
      %parallel_loop3A_490 = arith.muli %parallel_loop3A_38, %parallel_loop3A_489 : i32
      %parallel_loop3A_491 = arith.constant 43 : i32
      %parallel_loop3A_492 = arith.index_cast %parallel_loop3A_491 : i32 to index
      %parallel_loop3A_493 = arith.index_cast %parallel_loop3A_490 : i32 to index
      %parallel_loop3A_494 = tpu.vector_load %arg8[%parallel_loop3A_492, %parallel_loop3A_493] {strides = array<i32>} : memref<64x512xf32, #tpu.memory_space<vmem>>, vector<16xf32>,
      tpu.vector_store %arg8[%parallel_loop3A_492, %parallel_loop3A_493], %parallel_loop3A_488 {strides = array<i32>} : memref<64x512xf32, #tpu.memory_space<vmem>>, vector<16xf32>,
      %parallel_loop3A_495 = arith.constant 2048 : i32
      %parallel_loop3A_496 = tpu.memref_slice %arg5[%parallel_loop3A_495] : memref<4096xf32, #tpu.memory_space<vmem>> -> memref<512xf32, #tpu.memory_space<vmem>>
      %parallel_loop3A_497 = tpu.vector_load_idx %parallel_loop3A_496[%parallel_loop3A_458] : memref<512xf32, #tpu.memory_space<vmem>>[vector<16xi32>], vector<16xf32>,
      %parallel_loop3A_498 = arith.constant 16 : i32
      %parallel_loop3A_499 = arith.muli %parallel_loop3A_38, %parallel_loop3A_498 : i32
      %parallel_loop3A_500 = arith.constant 44 : i32
      %parallel_loop3A_501 = arith.index_cast %parallel_loop3A_500 : i32 to index
      %parallel_loop3A_502 = arith.index_cast %parallel_loop3A_499 : i32 to index
      %parallel_loop3A_503 = tpu.vector_load %arg8[%parallel_loop3A_501, %parallel_loop3A_502] {strides = array<i32>} : memref<64x512xf32, #tpu.memory_space<vmem>>, vector<16xf32>,
      tpu.vector_store %arg8[%parallel_loop3A_501, %parallel_loop3A_502], %parallel_loop3A_497 {strides = array<i32>} : memref<64x512xf32, #tpu.memory_space<vmem>>, vector<16xf32>,
      %parallel_loop3A_504 = arith.constant 2560 : i32
      %parallel_loop3A_505 = tpu.memref_slice %arg5[%parallel_loop3A_504] : memref<4096xf32, #tpu.memory_space<vmem>> -> memref<512xf32, #tpu.memory_space<vmem>>
      %parallel_loop3A_506 = tpu.vector_load_idx %parallel_loop3A_505[%parallel_loop3A_458] : memref<512xf32, #tpu.memory_space<vmem>>[vector<16xi32>], vector<16xf32>,
      %parallel_loop3A_507 = arith.constant 16 : i32
      %parallel_loop3A_508 = arith.muli %parallel_loop3A_38, %parallel_loop3A_507 : i32
      %parallel_loop3A_509 = arith.constant 45 : i32
      %parallel_loop3A_510 = arith.index_cast %parallel_loop3A_509 : i32 to index
      %parallel_loop3A_511 = arith.index_cast %parallel_loop3A_508 : i32 to index
      %parallel_loop3A_512 = tpu.vector_load %arg8[%parallel_loop3A_510, %parallel_loop3A_511] {strides = array<i32>} : memref<64x512xf32, #tpu.memory_space<vmem>>, vector<16xf32>,
      tpu.vector_store %arg8[%parallel_loop3A_510, %parallel_loop3A_511], %parallel_loop3A_506 {strides = array<i32>} : memref<64x512xf32, #tpu.memory_space<vmem>>, vector<16xf32>,
      %parallel_loop3A_513 = arith.constant 3072 : i32
      %parallel_loop3A_514 = tpu.memref_slice %arg5[%parallel_loop3A_513] : memref<4096xf32, #tpu.memory_space<vmem>> -> memref<512xf32, #tpu.memory_space<vmem>>
      %parallel_loop3A_515 = tpu.vector_load_idx %parallel_loop3A_514[%parallel_loop3A_458] : memref<512xf32, #tpu.memory_space<vmem>>[vector<16xi32>], vector<16xf32>,
      %parallel_loop3A_516 = arith.constant 16 : i32
      %parallel_loop3A_517 = arith.muli %parallel_loop3A_38, %parallel_loop3A_516 : i32
      %parallel_loop3A_518 = arith.constant 46 : i32
      %parallel_loop3A_519 = arith.index_cast %parallel_loop3A_518 : i32 to index
      %parallel_loop3A_520 = arith.index_cast %parallel_loop3A_517 : i32 to index
      %parallel_loop3A_521 = tpu.vector_load %arg8[%parallel_loop3A_519, %parallel_loop3A_520] {strides = array<i32>} : memref<64x512xf32, #tpu.memory_space<vmem>>, vector<16xf32>,
      tpu.vector_store %arg8[%parallel_loop3A_519, %parallel_loop3A_520], %parallel_loop3A_515 {strides = array<i32>} : memref<64x512xf32, #tpu.memory_space<vmem>>, vector<16xf32>,
      %parallel_loop3A_522 = arith.constant 3584 : i32
      %parallel_loop3A_523 = tpu.memref_slice %arg5[%parallel_loop3A_522] : memref<4096xf32, #tpu.memory_space<vmem>> -> memref<512xf32, #tpu.memory_space<vmem>>
      %parallel_loop3A_524 = tpu.vector_load_idx %parallel_loop3A_523[%parallel_loop3A_458] : memref<512xf32, #tpu.memory_space<vmem>>[vector<16xi32>], vector<16xf32>,
      %parallel_loop3A_525 = arith.constant 16 : i32
      %parallel_loop3A_526 = arith.muli %parallel_loop3A_38, %parallel_loop3A_525 : i32
      %parallel_loop3A_527 = arith.constant 47 : i32
      %parallel_loop3A_528 = arith.index_cast %parallel_loop3A_527 : i32 to index
      %parallel_loop3A_529 = arith.index_cast %parallel_loop3A_526 : i32 to index
      %parallel_loop3A_530 = tpu.vector_load %arg8[%parallel_loop3A_528, %parallel_loop3A_529] {strides = array<i32>} : memref<64x512xf32, #tpu.memory_space<vmem>>, vector<16xf32>,
      tpu.vector_store %arg8[%parallel_loop3A_528, %parallel_loop3A_529], %parallel_loop3A_524 {strides = array<i32>} : memref<64x512xf32, #tpu.memory_space<vmem>>, vector<16xf32>,
      %parallel_loop3A_531 = arith.constant 16 : i32
      %parallel_loop3A_532 = arith.muli %parallel_loop3A_38, %parallel_loop3A_531 : i32
      %parallel_loop3A_533 = arith.constant 6 : i32
      %parallel_loop3A_534 = arith.index_cast %parallel_loop3A_533 : i32 to index
      %parallel_loop3A_535 = arith.index_cast %parallel_loop3A_532 : i32 to index
      %parallel_loop3A_536 = tpu.vector_load %arg6[%parallel_loop3A_534, %parallel_loop3A_535] {strides = array<i32>} : memref<8x512xi32, #tpu.memory_space<vmem>>, vector<16xi32>,
      %parallel_loop3A_537 = arith.constant 16 : i32
      %parallel_loop3A_538 = vector.broadcast %parallel_loop3A_537 : i32 to vector<16xi32>
      %parallel_loop3A_539 = arith.muli %parallel_loop3A_536, %parallel_loop3A_538 : vector<16xi32>
      %parallel_loop3A_540 = arith.addi %parallel_loop3A_539, %iota3A : vector<16xi32>
      %parallel_loop3A_541 = arith.constant 0 : i32
      %parallel_loop3A_542 = tpu.memref_slice %arg5[%parallel_loop3A_541] : memref<4096xf32, #tpu.memory_space<vmem>> -> memref<512xf32, #tpu.memory_space<vmem>>
      %parallel_loop3A_543 = tpu.vector_load_idx %parallel_loop3A_542[%parallel_loop3A_540] : memref<512xf32, #tpu.memory_space<vmem>>[vector<16xi32>], vector<16xf32>,
      %parallel_loop3A_544 = arith.constant 16 : i32
      %parallel_loop3A_545 = arith.muli %parallel_loop3A_38, %parallel_loop3A_544 : i32
      %parallel_loop3A_546 = arith.constant 48 : i32
      %parallel_loop3A_547 = arith.index_cast %parallel_loop3A_546 : i32 to index
      %parallel_loop3A_548 = arith.index_cast %parallel_loop3A_545 : i32 to index
      %parallel_loop3A_549 = tpu.vector_load %arg8[%parallel_loop3A_547, %parallel_loop3A_548] {strides = array<i32>} : memref<64x512xf32, #tpu.memory_space<vmem>>, vector<16xf32>,
      tpu.vector_store %arg8[%parallel_loop3A_547, %parallel_loop3A_548], %parallel_loop3A_543 {strides = array<i32>} : memref<64x512xf32, #tpu.memory_space<vmem>>, vector<16xf32>,
      %parallel_loop3A_550 = arith.constant 512 : i32
      %parallel_loop3A_551 = tpu.memref_slice %arg5[%parallel_loop3A_550] : memref<4096xf32, #tpu.memory_space<vmem>> -> memref<512xf32, #tpu.memory_space<vmem>>
      %parallel_loop3A_552 = tpu.vector_load_idx %parallel_loop3A_551[%parallel_loop3A_540] : memref<512xf32, #tpu.memory_space<vmem>>[vector<16xi32>], vector<16xf32>,
      %parallel_loop3A_553 = arith.constant 16 : i32
      %parallel_loop3A_554 = arith.muli %parallel_loop3A_38, %parallel_loop3A_553 : i32
      %parallel_loop3A_555 = arith.constant 49 : i32
      %parallel_loop3A_556 = arith.index_cast %parallel_loop3A_555 : i32 to index
      %parallel_loop3A_557 = arith.index_cast %parallel_loop3A_554 : i32 to index
      %parallel_loop3A_558 = tpu.vector_load %arg8[%parallel_loop3A_556, %parallel_loop3A_557] {strides = array<i32>} : memref<64x512xf32, #tpu.memory_space<vmem>>, vector<16xf32>,
      tpu.vector_store %arg8[%parallel_loop3A_556, %parallel_loop3A_557], %parallel_loop3A_552 {strides = array<i32>} : memref<64x512xf32, #tpu.memory_space<vmem>>, vector<16xf32>,
      %parallel_loop3A_559 = arith.constant 1024 : i32
      %parallel_loop3A_560 = tpu.memref_slice %arg5[%parallel_loop3A_559] : memref<4096xf32, #tpu.memory_space<vmem>> -> memref<512xf32, #tpu.memory_space<vmem>>
      %parallel_loop3A_561 = tpu.vector_load_idx %parallel_loop3A_560[%parallel_loop3A_540] : memref<512xf32, #tpu.memory_space<vmem>>[vector<16xi32>], vector<16xf32>,
      %parallel_loop3A_562 = arith.constant 16 : i32
      %parallel_loop3A_563 = arith.muli %parallel_loop3A_38, %parallel_loop3A_562 : i32
      %parallel_loop3A_564 = arith.constant 50 : i32
      %parallel_loop3A_565 = arith.index_cast %parallel_loop3A_564 : i32 to index
      %parallel_loop3A_566 = arith.index_cast %parallel_loop3A_563 : i32 to index
      %parallel_loop3A_567 = tpu.vector_load %arg8[%parallel_loop3A_565, %parallel_loop3A_566] {strides = array<i32>} : memref<64x512xf32, #tpu.memory_space<vmem>>, vector<16xf32>,
      tpu.vector_store %arg8[%parallel_loop3A_565, %parallel_loop3A_566], %parallel_loop3A_561 {strides = array<i32>} : memref<64x512xf32, #tpu.memory_space<vmem>>, vector<16xf32>,
      %parallel_loop3A_568 = arith.constant 1536 : i32
      %parallel_loop3A_569 = tpu.memref_slice %arg5[%parallel_loop3A_568] : memref<4096xf32, #tpu.memory_space<vmem>> -> memref<512xf32, #tpu.memory_space<vmem>>
      %parallel_loop3A_570 = tpu.vector_load_idx %parallel_loop3A_569[%parallel_loop3A_540] : memref<512xf32, #tpu.memory_space<vmem>>[vector<16xi32>], vector<16xf32>,
      %parallel_loop3A_571 = arith.constant 16 : i32
      %parallel_loop3A_572 = arith.muli %parallel_loop3A_38, %parallel_loop3A_571 : i32
      %parallel_loop3A_573 = arith.constant 51 : i32
      %parallel_loop3A_574 = arith.index_cast %parallel_loop3A_573 : i32 to index
      %parallel_loop3A_575 = arith.index_cast %parallel_loop3A_572 : i32 to index
      %parallel_loop3A_576 = tpu.vector_load %arg8[%parallel_loop3A_574, %parallel_loop3A_575] {strides = array<i32>} : memref<64x512xf32, #tpu.memory_space<vmem>>, vector<16xf32>,
      tpu.vector_store %arg8[%parallel_loop3A_574, %parallel_loop3A_575], %parallel_loop3A_570 {strides = array<i32>} : memref<64x512xf32, #tpu.memory_space<vmem>>, vector<16xf32>,
      %parallel_loop3A_577 = arith.constant 2048 : i32
      %parallel_loop3A_578 = tpu.memref_slice %arg5[%parallel_loop3A_577] : memref<4096xf32, #tpu.memory_space<vmem>> -> memref<512xf32, #tpu.memory_space<vmem>>
      %parallel_loop3A_579 = tpu.vector_load_idx %parallel_loop3A_578[%parallel_loop3A_540] : memref<512xf32, #tpu.memory_space<vmem>>[vector<16xi32>], vector<16xf32>,
      %parallel_loop3A_580 = arith.constant 16 : i32
      %parallel_loop3A_581 = arith.muli %parallel_loop3A_38, %parallel_loop3A_580 : i32
      %parallel_loop3A_582 = arith.constant 52 : i32
      %parallel_loop3A_583 = arith.index_cast %parallel_loop3A_582 : i32 to index
      %parallel_loop3A_584 = arith.index_cast %parallel_loop3A_581 : i32 to index
      %parallel_loop3A_585 = tpu.vector_load %arg8[%parallel_loop3A_583, %parallel_loop3A_584] {strides = array<i32>} : memref<64x512xf32, #tpu.memory_space<vmem>>, vector<16xf32>,
      tpu.vector_store %arg8[%parallel_loop3A_583, %parallel_loop3A_584], %parallel_loop3A_579 {strides = array<i32>} : memref<64x512xf32, #tpu.memory_space<vmem>>, vector<16xf32>,
      %parallel_loop3A_586 = arith.constant 2560 : i32
      %parallel_loop3A_587 = tpu.memref_slice %arg5[%parallel_loop3A_586] : memref<4096xf32, #tpu.memory_space<vmem>> -> memref<512xf32, #tpu.memory_space<vmem>>
      %parallel_loop3A_588 = tpu.vector_load_idx %parallel_loop3A_587[%parallel_loop3A_540] : memref<512xf32, #tpu.memory_space<vmem>>[vector<16xi32>], vector<16xf32>,
      %parallel_loop3A_589 = arith.constant 16 : i32
      %parallel_loop3A_590 = arith.muli %parallel_loop3A_38, %parallel_loop3A_589 : i32
      %parallel_loop3A_591 = arith.constant 53 : i32
      %parallel_loop3A_592 = arith.index_cast %parallel_loop3A_591 : i32 to index
      %parallel_loop3A_593 = arith.index_cast %parallel_loop3A_590 : i32 to index
      %parallel_loop3A_594 = tpu.vector_load %arg8[%parallel_loop3A_592, %parallel_loop3A_593] {strides = array<i32>} : memref<64x512xf32, #tpu.memory_space<vmem>>, vector<16xf32>,
      tpu.vector_store %arg8[%parallel_loop3A_592, %parallel_loop3A_593], %parallel_loop3A_588 {strides = array<i32>} : memref<64x512xf32, #tpu.memory_space<vmem>>, vector<16xf32>,
      %parallel_loop3A_595 = arith.constant 3072 : i32
      %parallel_loop3A_596 = tpu.memref_slice %arg5[%parallel_loop3A_595] : memref<4096xf32, #tpu.memory_space<vmem>> -> memref<512xf32, #tpu.memory_space<vmem>>
      %parallel_loop3A_597 = tpu.vector_load_idx %parallel_loop3A_596[%parallel_loop3A_540] : memref<512xf32, #tpu.memory_space<vmem>>[vector<16xi32>], vector<16xf32>,
      %parallel_loop3A_598 = arith.constant 16 : i32
      %parallel_loop3A_599 = arith.muli %parallel_loop3A_38, %parallel_loop3A_598 : i32
      %parallel_loop3A_600 = arith.constant 54 : i32
      %parallel_loop3A_601 = arith.index_cast %parallel_loop3A_600 : i32 to index
      %parallel_loop3A_602 = arith.index_cast %parallel_loop3A_599 : i32 to index
      %parallel_loop3A_603 = tpu.vector_load %arg8[%parallel_loop3A_601, %parallel_loop3A_602] {strides = array<i32>} : memref<64x512xf32, #tpu.memory_space<vmem>>, vector<16xf32>,
      tpu.vector_store %arg8[%parallel_loop3A_601, %parallel_loop3A_602], %parallel_loop3A_597 {strides = array<i32>} : memref<64x512xf32, #tpu.memory_space<vmem>>, vector<16xf32>,
      %parallel_loop3A_604 = arith.constant 3584 : i32
      %parallel_loop3A_605 = tpu.memref_slice %arg5[%parallel_loop3A_604] : memref<4096xf32, #tpu.memory_space<vmem>> -> memref<512xf32, #tpu.memory_space<vmem>>
      %parallel_loop3A_606 = tpu.vector_load_idx %parallel_loop3A_605[%parallel_loop3A_540] : memref<512xf32, #tpu.memory_space<vmem>>[vector<16xi32>], vector<16xf32>,
      %parallel_loop3A_607 = arith.constant 16 : i32
      %parallel_loop3A_608 = arith.muli %parallel_loop3A_38, %parallel_loop3A_607 : i32
      %parallel_loop3A_609 = arith.constant 55 : i32
      %parallel_loop3A_610 = arith.index_cast %parallel_loop3A_609 : i32 to index
      %parallel_loop3A_611 = arith.index_cast %parallel_loop3A_608 : i32 to index
      %parallel_loop3A_612 = tpu.vector_load %arg8[%parallel_loop3A_610, %parallel_loop3A_611] {strides = array<i32>} : memref<64x512xf32, #tpu.memory_space<vmem>>, vector<16xf32>,
      tpu.vector_store %arg8[%parallel_loop3A_610, %parallel_loop3A_611], %parallel_loop3A_606 {strides = array<i32>} : memref<64x512xf32, #tpu.memory_space<vmem>>, vector<16xf32>,
      %parallel_loop3A_613 = arith.constant 16 : i32
      %parallel_loop3A_614 = arith.muli %parallel_loop3A_38, %parallel_loop3A_613 : i32
      %parallel_loop3A_615 = arith.constant 7 : i32
      %parallel_loop3A_616 = arith.index_cast %parallel_loop3A_615 : i32 to index
      %parallel_loop3A_617 = arith.index_cast %parallel_loop3A_614 : i32 to index
      %parallel_loop3A_618 = tpu.vector_load %arg6[%parallel_loop3A_616, %parallel_loop3A_617] {strides = array<i32>} : memref<8x512xi32, #tpu.memory_space<vmem>>, vector<16xi32>,
      %parallel_loop3A_619 = arith.constant 16 : i32
      %parallel_loop3A_620 = vector.broadcast %parallel_loop3A_619 : i32 to vector<16xi32>
      %parallel_loop3A_621 = arith.muli %parallel_loop3A_618, %parallel_loop3A_620 : vector<16xi32>
      %parallel_loop3A_622 = arith.addi %parallel_loop3A_621, %iota3A : vector<16xi32>
      %parallel_loop3A_623 = arith.constant 0 : i32
      %parallel_loop3A_624 = tpu.memref_slice %arg5[%parallel_loop3A_623] : memref<4096xf32, #tpu.memory_space<vmem>> -> memref<512xf32, #tpu.memory_space<vmem>>
      %parallel_loop3A_625 = tpu.vector_load_idx %parallel_loop3A_624[%parallel_loop3A_622] : memref<512xf32, #tpu.memory_space<vmem>>[vector<16xi32>], vector<16xf32>,
      %parallel_loop3A_626 = arith.constant 16 : i32
      %parallel_loop3A_627 = arith.muli %parallel_loop3A_38, %parallel_loop3A_626 : i32
      %parallel_loop3A_628 = arith.constant 56 : i32
      %parallel_loop3A_629 = arith.index_cast %parallel_loop3A_628 : i32 to index
      %parallel_loop3A_630 = arith.index_cast %parallel_loop3A_627 : i32 to index
      %parallel_loop3A_631 = tpu.vector_load %arg8[%parallel_loop3A_629, %parallel_loop3A_630] {strides = array<i32>} : memref<64x512xf32, #tpu.memory_space<vmem>>, vector<16xf32>,
      tpu.vector_store %arg8[%parallel_loop3A_629, %parallel_loop3A_630], %parallel_loop3A_625 {strides = array<i32>} : memref<64x512xf32, #tpu.memory_space<vmem>>, vector<16xf32>,
      %parallel_loop3A_632 = arith.constant 512 : i32
      %parallel_loop3A_633 = tpu.memref_slice %arg5[%parallel_loop3A_632] : memref<4096xf32, #tpu.memory_space<vmem>> -> memref<512xf32, #tpu.memory_space<vmem>>
      %parallel_loop3A_634 = tpu.vector_load_idx %parallel_loop3A_633[%parallel_loop3A_622] : memref<512xf32, #tpu.memory_space<vmem>>[vector<16xi32>], vector<16xf32>,
      %parallel_loop3A_635 = arith.constant 16 : i32
      %parallel_loop3A_636 = arith.muli %parallel_loop3A_38, %parallel_loop3A_635 : i32
      %parallel_loop3A_637 = arith.constant 57 : i32
      %parallel_loop3A_638 = arith.index_cast %parallel_loop3A_637 : i32 to index
      %parallel_loop3A_639 = arith.index_cast %parallel_loop3A_636 : i32 to index
      %parallel_loop3A_640 = tpu.vector_load %arg8[%parallel_loop3A_638, %parallel_loop3A_639] {strides = array<i32>} : memref<64x512xf32, #tpu.memory_space<vmem>>, vector<16xf32>,
      tpu.vector_store %arg8[%parallel_loop3A_638, %parallel_loop3A_639], %parallel_loop3A_634 {strides = array<i32>} : memref<64x512xf32, #tpu.memory_space<vmem>>, vector<16xf32>,
      %parallel_loop3A_641 = arith.constant 1024 : i32
      %parallel_loop3A_642 = tpu.memref_slice %arg5[%parallel_loop3A_641] : memref<4096xf32, #tpu.memory_space<vmem>> -> memref<512xf32, #tpu.memory_space<vmem>>
      %parallel_loop3A_643 = tpu.vector_load_idx %parallel_loop3A_642[%parallel_loop3A_622] : memref<512xf32, #tpu.memory_space<vmem>>[vector<16xi32>], vector<16xf32>,
      %parallel_loop3A_644 = arith.constant 16 : i32
      %parallel_loop3A_645 = arith.muli %parallel_loop3A_38, %parallel_loop3A_644 : i32
      %parallel_loop3A_646 = arith.constant 58 : i32
      %parallel_loop3A_647 = arith.index_cast %parallel_loop3A_646 : i32 to index
      %parallel_loop3A_648 = arith.index_cast %parallel_loop3A_645 : i32 to index
      %parallel_loop3A_649 = tpu.vector_load %arg8[%parallel_loop3A_647, %parallel_loop3A_648] {strides = array<i32>} : memref<64x512xf32, #tpu.memory_space<vmem>>, vector<16xf32>,
      tpu.vector_store %arg8[%parallel_loop3A_647, %parallel_loop3A_648], %parallel_loop3A_643 {strides = array<i32>} : memref<64x512xf32, #tpu.memory_space<vmem>>, vector<16xf32>,
      %parallel_loop3A_650 = arith.constant 1536 : i32
      %parallel_loop3A_651 = tpu.memref_slice %arg5[%parallel_loop3A_650] : memref<4096xf32, #tpu.memory_space<vmem>> -> memref<512xf32, #tpu.memory_space<vmem>>
      %parallel_loop3A_652 = tpu.vector_load_idx %parallel_loop3A_651[%parallel_loop3A_622] : memref<512xf32, #tpu.memory_space<vmem>>[vector<16xi32>], vector<16xf32>,
      %parallel_loop3A_653 = arith.constant 16 : i32
      %parallel_loop3A_654 = arith.muli %parallel_loop3A_38, %parallel_loop3A_653 : i32
      %parallel_loop3A_655 = arith.constant 59 : i32
      %parallel_loop3A_656 = arith.index_cast %parallel_loop3A_655 : i32 to index
      %parallel_loop3A_657 = arith.index_cast %parallel_loop3A_654 : i32 to index
      %parallel_loop3A_658 = tpu.vector_load %arg8[%parallel_loop3A_656, %parallel_loop3A_657] {strides = array<i32>} : memref<64x512xf32, #tpu.memory_space<vmem>>, vector<16xf32>,
      tpu.vector_store %arg8[%parallel_loop3A_656, %parallel_loop3A_657], %parallel_loop3A_652 {strides = array<i32>} : memref<64x512xf32, #tpu.memory_space<vmem>>, vector<16xf32>,
      %parallel_loop3A_659 = arith.constant 2048 : i32
      %parallel_loop3A_660 = tpu.memref_slice %arg5[%parallel_loop3A_659] : memref<4096xf32, #tpu.memory_space<vmem>> -> memref<512xf32, #tpu.memory_space<vmem>>
      %parallel_loop3A_661 = tpu.vector_load_idx %parallel_loop3A_660[%parallel_loop3A_622] : memref<512xf32, #tpu.memory_space<vmem>>[vector<16xi32>], vector<16xf32>,
      %parallel_loop3A_662 = arith.constant 16 : i32
      %parallel_loop3A_663 = arith.muli %parallel_loop3A_38, %parallel_loop3A_662 : i32
      %parallel_loop3A_664 = arith.constant 60 : i32
      %parallel_loop3A_665 = arith.index_cast %parallel_loop3A_664 : i32 to index
      %parallel_loop3A_666 = arith.index_cast %parallel_loop3A_663 : i32 to index
      %parallel_loop3A_667 = tpu.vector_load %arg8[%parallel_loop3A_665, %parallel_loop3A_666] {strides = array<i32>} : memref<64x512xf32, #tpu.memory_space<vmem>>, vector<16xf32>,
      tpu.vector_store %arg8[%parallel_loop3A_665, %parallel_loop3A_666], %parallel_loop3A_661 {strides = array<i32>} : memref<64x512xf32, #tpu.memory_space<vmem>>, vector<16xf32>,
      %parallel_loop3A_668 = arith.constant 2560 : i32
      %parallel_loop3A_669 = tpu.memref_slice %arg5[%parallel_loop3A_668] : memref<4096xf32, #tpu.memory_space<vmem>> -> memref<512xf32, #tpu.memory_space<vmem>>
      %parallel_loop3A_670 = tpu.vector_load_idx %parallel_loop3A_669[%parallel_loop3A_622] : memref<512xf32, #tpu.memory_space<vmem>>[vector<16xi32>], vector<16xf32>,
      %parallel_loop3A_671 = arith.constant 16 : i32
      %parallel_loop3A_672 = arith.muli %parallel_loop3A_38, %parallel_loop3A_671 : i32
      %parallel_loop3A_673 = arith.constant 61 : i32
      %parallel_loop3A_674 = arith.index_cast %parallel_loop3A_673 : i32 to index
      %parallel_loop3A_675 = arith.index_cast %parallel_loop3A_672 : i32 to index
      %parallel_loop3A_676 = tpu.vector_load %arg8[%parallel_loop3A_674, %parallel_loop3A_675] {strides = array<i32>} : memref<64x512xf32, #tpu.memory_space<vmem>>, vector<16xf32>,
      tpu.vector_store %arg8[%parallel_loop3A_674, %parallel_loop3A_675], %parallel_loop3A_670 {strides = array<i32>} : memref<64x512xf32, #tpu.memory_space<vmem>>, vector<16xf32>,
      %parallel_loop3A_677 = arith.constant 3072 : i32
      %parallel_loop3A_678 = tpu.memref_slice %arg5[%parallel_loop3A_677] : memref<4096xf32, #tpu.memory_space<vmem>> -> memref<512xf32, #tpu.memory_space<vmem>>
      %parallel_loop3A_679 = tpu.vector_load_idx %parallel_loop3A_678[%parallel_loop3A_622] : memref<512xf32, #tpu.memory_space<vmem>>[vector<16xi32>], vector<16xf32>,
      %parallel_loop3A_680 = arith.constant 16 : i32
      %parallel_loop3A_681 = arith.muli %parallel_loop3A_38, %parallel_loop3A_680 : i32
      %parallel_loop3A_682 = arith.constant 62 : i32
      %parallel_loop3A_683 = arith.index_cast %parallel_loop3A_682 : i32 to index
      %parallel_loop3A_684 = arith.index_cast %parallel_loop3A_681 : i32 to index
      %parallel_loop3A_685 = tpu.vector_load %arg8[%parallel_loop3A_683, %parallel_loop3A_684] {strides = array<i32>} : memref<64x512xf32, #tpu.memory_space<vmem>>, vector<16xf32>,
      tpu.vector_store %arg8[%parallel_loop3A_683, %parallel_loop3A_684], %parallel_loop3A_679 {strides = array<i32>} : memref<64x512xf32, #tpu.memory_space<vmem>>, vector<16xf32>,
      %parallel_loop3A_686 = arith.constant 3584 : i32
      %parallel_loop3A_687 = tpu.memref_slice %arg5[%parallel_loop3A_686] : memref<4096xf32, #tpu.memory_space<vmem>> -> memref<512xf32, #tpu.memory_space<vmem>>
      %parallel_loop3A_688 = tpu.vector_load_idx %parallel_loop3A_687[%parallel_loop3A_622] : memref<512xf32, #tpu.memory_space<vmem>>[vector<16xi32>], vector<16xf32>,
      %parallel_loop3A_689 = arith.constant 16 : i32
      %parallel_loop3A_690 = arith.muli %parallel_loop3A_38, %parallel_loop3A_689 : i32
      %parallel_loop3A_691 = arith.constant 63 : i32
      %parallel_loop3A_692 = arith.index_cast %parallel_loop3A_691 : i32 to index
      %parallel_loop3A_693 = arith.index_cast %parallel_loop3A_690 : i32 to index
      %parallel_loop3A_694 = tpu.vector_load %arg8[%parallel_loop3A_692, %parallel_loop3A_693] {strides = array<i32>} : memref<64x512xf32, #tpu.memory_space<vmem>>, vector<16xf32>,
      tpu.vector_store %arg8[%parallel_loop3A_692, %parallel_loop3A_693], %parallel_loop3A_688 {strides = array<i32>} : memref<64x512xf32, #tpu.memory_space<vmem>>, vector<16xf32>,
    } {sc.loop_unroll_factor = 8 : i64, sc.parallel_access}
    %dma_start3A_17 = arith.constant 0 : i32
    %dma_start3A_18 = tpu.memref_slice %arg4[%dma_start3A_17, %mul3A_2] : memref<1600x16384xf32, #tpu.memory_space<hbm>> -> memref<64x512xf32, #tpu.memory_space<hbm>>
    %dma_start3A_19 = arith.constant 0 : i32
    %dma_start3A_20 = tpu.memref_slice %arg4[%dma_start3A_19, %mul3A_2] : memref<1600x16384xf32, #tpu.memory_space<hbm>> -> memref<64x512xf32, #tpu.memory_space<hbm>>
    tpu.enqueue_dma source(%arg8 : memref<64x512xf32, #tpu.memory_space<vmem>>) target(%dma_start3A_20 : memref<64x512xf32, #tpu.memory_space<hbm>>) target_semaphore(%arg12 : memref<!tpu.dma_semaphore, #tpu.memory_space<semaphore_mem>>)
    %scan3A = arith.constant 0 : i32
    %scan3A_21 = arith.constant 0 : i32
    %scan3A_22 = arith.constant 12 : i32
    %scan3A_23 = arith.addi %scan3A_21, %scan3A_22 : i32
    %scan3A_24 = arith.constant 1 : i32
    scf.for %scan3A_38 = %scan3A_21 to %scan3A_23 step %scan3A_24  : i32 {
      %mul3A_39 = arith.constant 2 : i32
      %mul3A_40 = arith.muli %scan3A_38, %mul3A_39 : i32
      %add3A_41 = arith.constant 1 : i32
      %add3A_42 = arith.addi %mul3A_40, %add3A_41 : i32
      %dma_wait3A_43 = arith.constant 0 : i32
      %dma_wait3A_44 = arith.constant 0 : i32
      %dma_wait3A_45 = tpu.memref_slice %arg3[%dma_wait3A_43, %dma_wait3A_44] : memref<200x16384xi32, #tpu.memory_space<hbm>> -> memref<8x512xi32, #tpu.memory_space<hbm>>
      %dma_wait3A_46 = arith.constant 0 : i32
      %dma_wait3A_47 = arith.constant 0 : i32
      %dma_wait3A_48 = tpu.memref_slice %arg3[%dma_wait3A_46, %dma_wait3A_47] : memref<200x16384xi32, #tpu.memory_space<hbm>> -> memref<8x512xi32, #tpu.memory_space<hbm>>
      tpu.wait_dma2 semaphore(%arg11 : memref<!tpu.dma_semaphore, #tpu.memory_space<semaphore_mem>>) src(%dma_wait3A_48 : memref<8x512xi32, #tpu.memory_space<hbm>>) dst(%arg7 : memref<8x512xi32, #tpu.memory_space<vmem>>)
      %add3A_49 = arith.constant 1 : i32
      %add3A_50 = arith.addi %add3A_42, %add3A_49 : i32
      %lt3A = arith.constant 25 : i32
      %lt3A_51 = arith.cmpi slt, %add3A_50, %lt3A : i32
      %convert_element_type3A = arith.extui %lt3A_51 : i1 to i32
      %cond3A = arith.constant 0 : i32
      %cond3A_52 = arith.cmpi ne, %convert_element_type3A, %cond3A : i32
      scf.if %cond3A_52 {
        %add3A_94 = arith.constant 1 : i32
        %add3A_95 = arith.addi %add3A_42, %add3A_94 : i32
        %mul3A_96 = arith.constant 8 : i32
        %mul3A_97 = arith.muli %add3A_95, %mul3A_96 : i32
        %dma_start3A_98 = tpu.memref_slice %arg3[%mul3A_97, %mul3A_2] : memref<200x16384xi32, #tpu.memory_space<hbm>> -> memref<8x512xi32, #tpu.memory_space<hbm>>
        %dma_start3A_99 = tpu.memref_slice %arg3[%mul3A_97, %mul3A_2] : memref<200x16384xi32, #tpu.memory_space<hbm>> -> memref<8x512xi32, #tpu.memory_space<hbm>>
        tpu.enqueue_dma source(%dma_start3A_99 : memref<8x512xi32, #tpu.memory_space<hbm>>) target(%arg6 : memref<8x512xi32, #tpu.memory_space<vmem>>) target_semaphore(%arg10 : memref<!tpu.dma_semaphore, #tpu.memory_space<semaphore_mem>>)
      } else {
      }
      %ge3A = arith.constant 1 : i32
      %ge3A_53 = arith.cmpi sge, %scan3A_38, %ge3A : i32
      %convert_element_type3A_54 = arith.extui %ge3A_53 : i1 to i32
      %cond3A_55 = arith.constant 0 : i32
      %cond3A_56 = arith.cmpi ne, %convert_element_type3A_54, %cond3A_55 : i32
      scf.if %cond3A_56 {
        %dma_wait3A_94 = arith.constant 0 : i32
        %dma_wait3A_95 = arith.constant 0 : i32
        %dma_wait3A_96 = tpu.memref_slice %arg4[%dma_wait3A_94, %dma_wait3A_95] : memref<1600x16384xf32, #tpu.memory_space<hbm>> -> memref<64x512xf32, #tpu.memory_space<hbm>>
        %dma_wait3A_97 = arith.constant 0 : i32
        %dma_wait3A_98 = arith.constant 0 : i32
        %dma_wait3A_99 = tpu.memref_slice %arg4[%dma_wait3A_97, %dma_wait3A_98] : memref<1600x16384xf32, #tpu.memory_space<hbm>> -> memref<64x512xf32, #tpu.memory_space<hbm>>
        tpu.wait_dma2 semaphore(%arg13 : memref<!tpu.dma_semaphore, #tpu.memory_space<semaphore_mem>>) src(%arg9 : memref<64x512xf32, #tpu.memory_space<vmem>>) dst(%dma_wait3A_99 : memref<64x512xf32, #tpu.memory_space<hbm>>)
      } else {
      }
      %parallel_loop3A_57 = arith.constant 0 : i32
      %parallel_loop3A_58 = arith.constant 32 : i32
      %parallel_loop3A_59 = arith.constant 1 : i32
      scf.for %parallel_loop3A_94 = %parallel_loop3A_57 to %parallel_loop3A_58 step %parallel_loop3A_59  : i32 {
        %parallel_loop3A_95 = arith.constant 16 : i32
        %parallel_loop3A_96 = arith.muli %parallel_loop3A_94, %parallel_loop3A_95 : i32
        %parallel_loop3A_97 = arith.constant 0 : i32
        %parallel_loop3A_98 = arith.index_cast %parallel_loop3A_97 : i32 to index
        %parallel_loop3A_99 = arith.index_cast %parallel_loop3A_96 : i32 to index
        %parallel_loop3A_100 = tpu.vector_load %arg7[%parallel_loop3A_98, %parallel_loop3A_99] {strides = array<i32>} : memref<8x512xi32, #tpu.memory_space<vmem>>, vector<16xi32>,
        %parallel_loop3A_101 = arith.constant 16 : i32
        %parallel_loop3A_102 = vector.broadcast %parallel_loop3A_101 : i32 to vector<16xi32>
        %parallel_loop3A_103 = arith.muli %parallel_loop3A_100, %parallel_loop3A_102 : vector<16xi32>
        %parallel_loop3A_104 = arith.addi %parallel_loop3A_103, %iota3A : vector<16xi32>
        %parallel_loop3A_105 = arith.constant 0 : i32
        %parallel_loop3A_106 = tpu.memref_slice %arg5[%parallel_loop3A_105] : memref<4096xf32, #tpu.memory_space<vmem>> -> memref<512xf32, #tpu.memory_space<vmem>>
        %parallel_loop3A_107 = tpu.vector_load_idx %parallel_loop3A_106[%parallel_loop3A_104] : memref<512xf32, #tpu.memory_space<vmem>>[vector<16xi32>], vector<16xf32>,
        %parallel_loop3A_108 = arith.constant 16 : i32
        %parallel_loop3A_109 = arith.muli %parallel_loop3A_94, %parallel_loop3A_108 : i32
        %parallel_loop3A_110 = arith.constant 0 : i32
        %parallel_loop3A_111 = arith.index_cast %parallel_loop3A_110 : i32 to index
        %parallel_loop3A_112 = arith.index_cast %parallel_loop3A_109 : i32 to index
        %parallel_loop3A_113 = tpu.vector_load %arg9[%parallel_loop3A_111, %parallel_loop3A_112] {strides = array<i32>} : memref<64x512xf32, #tpu.memory_space<vmem>>, vector<16xf32>,
        tpu.vector_store %arg9[%parallel_loop3A_111, %parallel_loop3A_112], %parallel_loop3A_107 {strides = array<i32>} : memref<64x512xf32, #tpu.memory_space<vmem>>, vector<16xf32>,
        %parallel_loop3A_114 = arith.constant 512 : i32
        %parallel_loop3A_115 = tpu.memref_slice %arg5[%parallel_loop3A_114] : memref<4096xf32, #tpu.memory_space<vmem>> -> memref<512xf32, #tpu.memory_space<vmem>>
        %parallel_loop3A_116 = tpu.vector_load_idx %parallel_loop3A_115[%parallel_loop3A_104] : memref<512xf32, #tpu.memory_space<vmem>>[vector<16xi32>], vector<16xf32>,
        %parallel_loop3A_117 = arith.constant 16 : i32
        %parallel_loop3A_118 = arith.muli %parallel_loop3A_94, %parallel_loop3A_117 : i32
        %parallel_loop3A_119 = arith.constant 1 : i32
        %parallel_loop3A_120 = arith.index_cast %parallel_loop3A_119 : i32 to index
        %parallel_loop3A_121 = arith.index_cast %parallel_loop3A_118 : i32 to index
        %parallel_loop3A_122 = tpu.vector_load %arg9[%parallel_loop3A_120, %parallel_loop3A_121] {strides = array<i32>} : memref<64x512xf32, #tpu.memory_space<vmem>>, vector<16xf32>,
        tpu.vector_store %arg9[%parallel_loop3A_120, %parallel_loop3A_121], %parallel_loop3A_116 {strides = array<i32>} : memref<64x512xf32, #tpu.memory_space<vmem>>, vector<16xf32>,
        %parallel_loop3A_123 = arith.constant 1024 : i32
        %parallel_loop3A_124 = tpu.memref_slice %arg5[%parallel_loop3A_123] : memref<4096xf32, #tpu.memory_space<vmem>> -> memref<512xf32, #tpu.memory_space<vmem>>
        %parallel_loop3A_125 = tpu.vector_load_idx %parallel_loop3A_124[%parallel_loop3A_104] : memref<512xf32, #tpu.memory_space<vmem>>[vector<16xi32>], vector<16xf32>,
        %parallel_loop3A_126 = arith.constant 16 : i32
        %parallel_loop3A_127 = arith.muli %parallel_loop3A_94, %parallel_loop3A_126 : i32
        %parallel_loop3A_128 = arith.constant 2 : i32
        %parallel_loop3A_129 = arith.index_cast %parallel_loop3A_128 : i32 to index
        %parallel_loop3A_130 = arith.index_cast %parallel_loop3A_127 : i32 to index
        %parallel_loop3A_131 = tpu.vector_load %arg9[%parallel_loop3A_129, %parallel_loop3A_130] {strides = array<i32>} : memref<64x512xf32, #tpu.memory_space<vmem>>, vector<16xf32>,
        tpu.vector_store %arg9[%parallel_loop3A_129, %parallel_loop3A_130], %parallel_loop3A_125 {strides = array<i32>} : memref<64x512xf32, #tpu.memory_space<vmem>>, vector<16xf32>,
        %parallel_loop3A_132 = arith.constant 1536 : i32
        %parallel_loop3A_133 = tpu.memref_slice %arg5[%parallel_loop3A_132] : memref<4096xf32, #tpu.memory_space<vmem>> -> memref<512xf32, #tpu.memory_space<vmem>>
        %parallel_loop3A_134 = tpu.vector_load_idx %parallel_loop3A_133[%parallel_loop3A_104] : memref<512xf32, #tpu.memory_space<vmem>>[vector<16xi32>], vector<16xf32>,
        %parallel_loop3A_135 = arith.constant 16 : i32
        %parallel_loop3A_136 = arith.muli %parallel_loop3A_94, %parallel_loop3A_135 : i32
        %parallel_loop3A_137 = arith.constant 3 : i32
        %parallel_loop3A_138 = arith.index_cast %parallel_loop3A_137 : i32 to index
        %parallel_loop3A_139 = arith.index_cast %parallel_loop3A_136 : i32 to index
        %parallel_loop3A_140 = tpu.vector_load %arg9[%parallel_loop3A_138, %parallel_loop3A_139] {strides = array<i32>} : memref<64x512xf32, #tpu.memory_space<vmem>>, vector<16xf32>,
        tpu.vector_store %arg9[%parallel_loop3A_138, %parallel_loop3A_139], %parallel_loop3A_134 {strides = array<i32>} : memref<64x512xf32, #tpu.memory_space<vmem>>, vector<16xf32>,
        %parallel_loop3A_141 = arith.constant 2048 : i32
        %parallel_loop3A_142 = tpu.memref_slice %arg5[%parallel_loop3A_141] : memref<4096xf32, #tpu.memory_space<vmem>> -> memref<512xf32, #tpu.memory_space<vmem>>
        %parallel_loop3A_143 = tpu.vector_load_idx %parallel_loop3A_142[%parallel_loop3A_104] : memref<512xf32, #tpu.memory_space<vmem>>[vector<16xi32>], vector<16xf32>,
        %parallel_loop3A_144 = arith.constant 16 : i32
        %parallel_loop3A_145 = arith.muli %parallel_loop3A_94, %parallel_loop3A_144 : i32
        %parallel_loop3A_146 = arith.constant 4 : i32
        %parallel_loop3A_147 = arith.index_cast %parallel_loop3A_146 : i32 to index
        %parallel_loop3A_148 = arith.index_cast %parallel_loop3A_145 : i32 to index
        %parallel_loop3A_149 = tpu.vector_load %arg9[%parallel_loop3A_147, %parallel_loop3A_148] {strides = array<i32>} : memref<64x512xf32, #tpu.memory_space<vmem>>, vector<16xf32>,
        tpu.vector_store %arg9[%parallel_loop3A_147, %parallel_loop3A_148], %parallel_loop3A_143 {strides = array<i32>} : memref<64x512xf32, #tpu.memory_space<vmem>>, vector<16xf32>,
        %parallel_loop3A_150 = arith.constant 2560 : i32
        %parallel_loop3A_151 = tpu.memref_slice %arg5[%parallel_loop3A_150] : memref<4096xf32, #tpu.memory_space<vmem>> -> memref<512xf32, #tpu.memory_space<vmem>>
        %parallel_loop3A_152 = tpu.vector_load_idx %parallel_loop3A_151[%parallel_loop3A_104] : memref<512xf32, #tpu.memory_space<vmem>>[vector<16xi32>], vector<16xf32>,
        %parallel_loop3A_153 = arith.constant 16 : i32
        %parallel_loop3A_154 = arith.muli %parallel_loop3A_94, %parallel_loop3A_153 : i32
        %parallel_loop3A_155 = arith.constant 5 : i32
        %parallel_loop3A_156 = arith.index_cast %parallel_loop3A_155 : i32 to index
        %parallel_loop3A_157 = arith.index_cast %parallel_loop3A_154 : i32 to index
        %parallel_loop3A_158 = tpu.vector_load %arg9[%parallel_loop3A_156, %parallel_loop3A_157] {strides = array<i32>} : memref<64x512xf32, #tpu.memory_space<vmem>>, vector<16xf32>,
        tpu.vector_store %arg9[%parallel_loop3A_156, %parallel_loop3A_157], %parallel_loop3A_152 {strides = array<i32>} : memref<64x512xf32, #tpu.memory_space<vmem>>, vector<16xf32>,
        %parallel_loop3A_159 = arith.constant 3072 : i32
        %parallel_loop3A_160 = tpu.memref_slice %arg5[%parallel_loop3A_159] : memref<4096xf32, #tpu.memory_space<vmem>> -> memref<512xf32, #tpu.memory_space<vmem>>
        %parallel_loop3A_161 = tpu.vector_load_idx %parallel_loop3A_160[%parallel_loop3A_104] : memref<512xf32, #tpu.memory_space<vmem>>[vector<16xi32>], vector<16xf32>,
        %parallel_loop3A_162 = arith.constant 16 : i32
        %parallel_loop3A_163 = arith.muli %parallel_loop3A_94, %parallel_loop3A_162 : i32
        %parallel_loop3A_164 = arith.constant 6 : i32
        %parallel_loop3A_165 = arith.index_cast %parallel_loop3A_164 : i32 to index
        %parallel_loop3A_166 = arith.index_cast %parallel_loop3A_163 : i32 to index
        %parallel_loop3A_167 = tpu.vector_load %arg9[%parallel_loop3A_165, %parallel_loop3A_166] {strides = array<i32>} : memref<64x512xf32, #tpu.memory_space<vmem>>, vector<16xf32>,
        tpu.vector_store %arg9[%parallel_loop3A_165, %parallel_loop3A_166], %parallel_loop3A_161 {strides = array<i32>} : memref<64x512xf32, #tpu.memory_space<vmem>>, vector<16xf32>,
        %parallel_loop3A_168 = arith.constant 3584 : i32
        %parallel_loop3A_169 = tpu.memref_slice %arg5[%parallel_loop3A_168] : memref<4096xf32, #tpu.memory_space<vmem>> -> memref<512xf32, #tpu.memory_space<vmem>>
        %parallel_loop3A_170 = tpu.vector_load_idx %parallel_loop3A_169[%parallel_loop3A_104] : memref<512xf32, #tpu.memory_space<vmem>>[vector<16xi32>], vector<16xf32>,
        %parallel_loop3A_171 = arith.constant 16 : i32
        %parallel_loop3A_172 = arith.muli %parallel_loop3A_94, %parallel_loop3A_171 : i32
        %parallel_loop3A_173 = arith.constant 7 : i32
        %parallel_loop3A_174 = arith.index_cast %parallel_loop3A_173 : i32 to index
        %parallel_loop3A_175 = arith.index_cast %parallel_loop3A_172 : i32 to index
        %parallel_loop3A_176 = tpu.vector_load %arg9[%parallel_loop3A_174, %parallel_loop3A_175] {strides = array<i32>} : memref<64x512xf32, #tpu.memory_space<vmem>>, vector<16xf32>,
        tpu.vector_store %arg9[%parallel_loop3A_174, %parallel_loop3A_175], %parallel_loop3A_170 {strides = array<i32>} : memref<64x512xf32, #tpu.memory_space<vmem>>, vector<16xf32>,
        %parallel_loop3A_177 = arith.constant 16 : i32
        %parallel_loop3A_178 = arith.muli %parallel_loop3A_94, %parallel_loop3A_177 : i32
        %parallel_loop3A_179 = arith.constant 1 : i32
        %parallel_loop3A_180 = arith.index_cast %parallel_loop3A_179 : i32 to index
        %parallel_loop3A_181 = arith.index_cast %parallel_loop3A_178 : i32 to index
        %parallel_loop3A_182 = tpu.vector_load %arg7[%parallel_loop3A_180, %parallel_loop3A_181] {strides = array<i32>} : memref<8x512xi32, #tpu.memory_space<vmem>>, vector<16xi32>,
        %parallel_loop3A_183 = arith.constant 16 : i32
        %parallel_loop3A_184 = vector.broadcast %parallel_loop3A_183 : i32 to vector<16xi32>
        %parallel_loop3A_185 = arith.muli %parallel_loop3A_182, %parallel_loop3A_184 : vector<16xi32>
        %parallel_loop3A_186 = arith.addi %parallel_loop3A_185, %iota3A : vector<16xi32>
        %parallel_loop3A_187 = arith.constant 0 : i32
        %parallel_loop3A_188 = tpu.memref_slice %arg5[%parallel_loop3A_187] : memref<4096xf32, #tpu.memory_space<vmem>> -> memref<512xf32, #tpu.memory_space<vmem>>
        %parallel_loop3A_189 = tpu.vector_load_idx %parallel_loop3A_188[%parallel_loop3A_186] : memref<512xf32, #tpu.memory_space<vmem>>[vector<16xi32>], vector<16xf32>,
        %parallel_loop3A_190 = arith.constant 16 : i32
        %parallel_loop3A_191 = arith.muli %parallel_loop3A_94, %parallel_loop3A_190 : i32
        %parallel_loop3A_192 = arith.constant 8 : i32
        %parallel_loop3A_193 = arith.index_cast %parallel_loop3A_192 : i32 to index
        %parallel_loop3A_194 = arith.index_cast %parallel_loop3A_191 : i32 to index
        %parallel_loop3A_195 = tpu.vector_load %arg9[%parallel_loop3A_193, %parallel_loop3A_194] {strides = array<i32>} : memref<64x512xf32, #tpu.memory_space<vmem>>, vector<16xf32>,
        tpu.vector_store %arg9[%parallel_loop3A_193, %parallel_loop3A_194], %parallel_loop3A_189 {strides = array<i32>} : memref<64x512xf32, #tpu.memory_space<vmem>>, vector<16xf32>,
        %parallel_loop3A_196 = arith.constant 512 : i32
        %parallel_loop3A_197 = tpu.memref_slice %arg5[%parallel_loop3A_196] : memref<4096xf32, #tpu.memory_space<vmem>> -> memref<512xf32, #tpu.memory_space<vmem>>
        %parallel_loop3A_198 = tpu.vector_load_idx %parallel_loop3A_197[%parallel_loop3A_186] : memref<512xf32, #tpu.memory_space<vmem>>[vector<16xi32>], vector<16xf32>,
        %parallel_loop3A_199 = arith.constant 16 : i32
        %parallel_loop3A_200 = arith.muli %parallel_loop3A_94, %parallel_loop3A_199 : i32
        %parallel_loop3A_201 = arith.constant 9 : i32
        %parallel_loop3A_202 = arith.index_cast %parallel_loop3A_201 : i32 to index
        %parallel_loop3A_203 = arith.index_cast %parallel_loop3A_200 : i32 to index
        %parallel_loop3A_204 = tpu.vector_load %arg9[%parallel_loop3A_202, %parallel_loop3A_203] {strides = array<i32>} : memref<64x512xf32, #tpu.memory_space<vmem>>, vector<16xf32>,
        tpu.vector_store %arg9[%parallel_loop3A_202, %parallel_loop3A_203], %parallel_loop3A_198 {strides = array<i32>} : memref<64x512xf32, #tpu.memory_space<vmem>>, vector<16xf32>,
        %parallel_loop3A_205 = arith.constant 1024 : i32
        %parallel_loop3A_206 = tpu.memref_slice %arg5[%parallel_loop3A_205] : memref<4096xf32, #tpu.memory_space<vmem>> -> memref<512xf32, #tpu.memory_space<vmem>>
        %parallel_loop3A_207 = tpu.vector_load_idx %parallel_loop3A_206[%parallel_loop3A_186] : memref<512xf32, #tpu.memory_space<vmem>>[vector<16xi32>], vector<16xf32>,
        %parallel_loop3A_208 = arith.constant 16 : i32
        %parallel_loop3A_209 = arith.muli %parallel_loop3A_94, %parallel_loop3A_208 : i32
        %parallel_loop3A_210 = arith.constant 10 : i32
        %parallel_loop3A_211 = arith.index_cast %parallel_loop3A_210 : i32 to index
        %parallel_loop3A_212 = arith.index_cast %parallel_loop3A_209 : i32 to index
        %parallel_loop3A_213 = tpu.vector_load %arg9[%parallel_loop3A_211, %parallel_loop3A_212] {strides = array<i32>} : memref<64x512xf32, #tpu.memory_space<vmem>>, vector<16xf32>,
        tpu.vector_store %arg9[%parallel_loop3A_211, %parallel_loop3A_212], %parallel_loop3A_207 {strides = array<i32>} : memref<64x512xf32, #tpu.memory_space<vmem>>, vector<16xf32>,
        %parallel_loop3A_214 = arith.constant 1536 : i32
        %parallel_loop3A_215 = tpu.memref_slice %arg5[%parallel_loop3A_214] : memref<4096xf32, #tpu.memory_space<vmem>> -> memref<512xf32, #tpu.memory_space<vmem>>
        %parallel_loop3A_216 = tpu.vector_load_idx %parallel_loop3A_215[%parallel_loop3A_186] : memref<512xf32, #tpu.memory_space<vmem>>[vector<16xi32>], vector<16xf32>,
        %parallel_loop3A_217 = arith.constant 16 : i32
        %parallel_loop3A_218 = arith.muli %parallel_loop3A_94, %parallel_loop3A_217 : i32
        %parallel_loop3A_219 = arith.constant 11 : i32
        %parallel_loop3A_220 = arith.index_cast %parallel_loop3A_219 : i32 to index
        %parallel_loop3A_221 = arith.index_cast %parallel_loop3A_218 : i32 to index
        %parallel_loop3A_222 = tpu.vector_load %arg9[%parallel_loop3A_220, %parallel_loop3A_221] {strides = array<i32>} : memref<64x512xf32, #tpu.memory_space<vmem>>, vector<16xf32>,
        tpu.vector_store %arg9[%parallel_loop3A_220, %parallel_loop3A_221], %parallel_loop3A_216 {strides = array<i32>} : memref<64x512xf32, #tpu.memory_space<vmem>>, vector<16xf32>,
        %parallel_loop3A_223 = arith.constant 2048 : i32
        %parallel_loop3A_224 = tpu.memref_slice %arg5[%parallel_loop3A_223] : memref<4096xf32, #tpu.memory_space<vmem>> -> memref<512xf32, #tpu.memory_space<vmem>>
        %parallel_loop3A_225 = tpu.vector_load_idx %parallel_loop3A_224[%parallel_loop3A_186] : memref<512xf32, #tpu.memory_space<vmem>>[vector<16xi32>], vector<16xf32>,
        %parallel_loop3A_226 = arith.constant 16 : i32
        %parallel_loop3A_227 = arith.muli %parallel_loop3A_94, %parallel_loop3A_226 : i32
        %parallel_loop3A_228 = arith.constant 12 : i32
        %parallel_loop3A_229 = arith.index_cast %parallel_loop3A_228 : i32 to index
        %parallel_loop3A_230 = arith.index_cast %parallel_loop3A_227 : i32 to index
        %parallel_loop3A_231 = tpu.vector_load %arg9[%parallel_loop3A_229, %parallel_loop3A_230] {strides = array<i32>} : memref<64x512xf32, #tpu.memory_space<vmem>>, vector<16xf32>,
        tpu.vector_store %arg9[%parallel_loop3A_229, %parallel_loop3A_230], %parallel_loop3A_225 {strides = array<i32>} : memref<64x512xf32, #tpu.memory_space<vmem>>, vector<16xf32>,
        %parallel_loop3A_232 = arith.constant 2560 : i32
        %parallel_loop3A_233 = tpu.memref_slice %arg5[%parallel_loop3A_232] : memref<4096xf32, #tpu.memory_space<vmem>> -> memref<512xf32, #tpu.memory_space<vmem>>
        %parallel_loop3A_234 = tpu.vector_load_idx %parallel_loop3A_233[%parallel_loop3A_186] : memref<512xf32, #tpu.memory_space<vmem>>[vector<16xi32>], vector<16xf32>,
        %parallel_loop3A_235 = arith.constant 16 : i32
        %parallel_loop3A_236 = arith.muli %parallel_loop3A_94, %parallel_loop3A_235 : i32
        %parallel_loop3A_237 = arith.constant 13 : i32
        %parallel_loop3A_238 = arith.index_cast %parallel_loop3A_237 : i32 to index
        %parallel_loop3A_239 = arith.index_cast %parallel_loop3A_236 : i32 to index
        %parallel_loop3A_240 = tpu.vector_load %arg9[%parallel_loop3A_238, %parallel_loop3A_239] {strides = array<i32>} : memref<64x512xf32, #tpu.memory_space<vmem>>, vector<16xf32>,
        tpu.vector_store %arg9[%parallel_loop3A_238, %parallel_loop3A_239], %parallel_loop3A_234 {strides = array<i32>} : memref<64x512xf32, #tpu.memory_space<vmem>>, vector<16xf32>,
        %parallel_loop3A_241 = arith.constant 3072 : i32
        %parallel_loop3A_242 = tpu.memref_slice %arg5[%parallel_loop3A_241] : memref<4096xf32, #tpu.memory_space<vmem>> -> memref<512xf32, #tpu.memory_space<vmem>>
        %parallel_loop3A_243 = tpu.vector_load_idx %parallel_loop3A_242[%parallel_loop3A_186] : memref<512xf32, #tpu.memory_space<vmem>>[vector<16xi32>], vector<16xf32>,
        %parallel_loop3A_244 = arith.constant 16 : i32
        %parallel_loop3A_245 = arith.muli %parallel_loop3A_94, %parallel_loop3A_244 : i32
        %parallel_loop3A_246 = arith.constant 14 : i32
        %parallel_loop3A_247 = arith.index_cast %parallel_loop3A_246 : i32 to index
        %parallel_loop3A_248 = arith.index_cast %parallel_loop3A_245 : i32 to index
        %parallel_loop3A_249 = tpu.vector_load %arg9[%parallel_loop3A_247, %parallel_loop3A_248] {strides = array<i32>} : memref<64x512xf32, #tpu.memory_space<vmem>>, vector<16xf32>,
        tpu.vector_store %arg9[%parallel_loop3A_247, %parallel_loop3A_248], %parallel_loop3A_243 {strides = array<i32>} : memref<64x512xf32, #tpu.memory_space<vmem>>, vector<16xf32>,
        %parallel_loop3A_250 = arith.constant 3584 : i32
        %parallel_loop3A_251 = tpu.memref_slice %arg5[%parallel_loop3A_250] : memref<4096xf32, #tpu.memory_space<vmem>> -> memref<512xf32, #tpu.memory_space<vmem>>
        %parallel_loop3A_252 = tpu.vector_load_idx %parallel_loop3A_251[%parallel_loop3A_186] : memref<512xf32, #tpu.memory_space<vmem>>[vector<16xi32>], vector<16xf32>,
        %parallel_loop3A_253 = arith.constant 16 : i32
        %parallel_loop3A_254 = arith.muli %parallel_loop3A_94, %parallel_loop3A_253 : i32
        %parallel_loop3A_255 = arith.constant 15 : i32
        %parallel_loop3A_256 = arith.index_cast %parallel_loop3A_255 : i32 to index
        %parallel_loop3A_257 = arith.index_cast %parallel_loop3A_254 : i32 to index
        %parallel_loop3A_258 = tpu.vector_load %arg9[%parallel_loop3A_256, %parallel_loop3A_257] {strides = array<i32>} : memref<64x512xf32, #tpu.memory_space<vmem>>, vector<16xf32>,
        tpu.vector_store %arg9[%parallel_loop3A_256, %parallel_loop3A_257], %parallel_loop3A_252 {strides = array<i32>} : memref<64x512xf32, #tpu.memory_space<vmem>>, vector<16xf32>,
        %parallel_loop3A_259 = arith.constant 16 : i32
        %parallel_loop3A_260 = arith.muli %parallel_loop3A_94, %parallel_loop3A_259 : i32
        %parallel_loop3A_261 = arith.constant 2 : i32
        %parallel_loop3A_262 = arith.index_cast %parallel_loop3A_261 : i32 to index
        %parallel_loop3A_263 = arith.index_cast %parallel_loop3A_260 : i32 to index
        %parallel_loop3A_264 = tpu.vector_load %arg7[%parallel_loop3A_262, %parallel_loop3A_263] {strides = array<i32>} : memref<8x512xi32, #tpu.memory_space<vmem>>, vector<16xi32>,
        %parallel_loop3A_265 = arith.constant 16 : i32
        %parallel_loop3A_266 = vector.broadcast %parallel_loop3A_265 : i32 to vector<16xi32>
        %parallel_loop3A_267 = arith.muli %parallel_loop3A_264, %parallel_loop3A_266 : vector<16xi32>
        %parallel_loop3A_268 = arith.addi %parallel_loop3A_267, %iota3A : vector<16xi32>
        %parallel_loop3A_269 = arith.constant 0 : i32
        %parallel_loop3A_270 = tpu.memref_slice %arg5[%parallel_loop3A_269] : memref<4096xf32, #tpu.memory_space<vmem>> -> memref<512xf32, #tpu.memory_space<vmem>>
        %parallel_loop3A_271 = tpu.vector_load_idx %parallel_loop3A_270[%parallel_loop3A_268] : memref<512xf32, #tpu.memory_space<vmem>>[vector<16xi32>], vector<16xf32>,
        %parallel_loop3A_272 = arith.constant 16 : i32
        %parallel_loop3A_273 = arith.muli %parallel_loop3A_94, %parallel_loop3A_272 : i32
        %parallel_loop3A_274 = arith.constant 16 : i32
        %parallel_loop3A_275 = arith.index_cast %parallel_loop3A_274 : i32 to index
        %parallel_loop3A_276 = arith.index_cast %parallel_loop3A_273 : i32 to index
        %parallel_loop3A_277 = tpu.vector_load %arg9[%parallel_loop3A_275, %parallel_loop3A_276] {strides = array<i32>} : memref<64x512xf32, #tpu.memory_space<vmem>>, vector<16xf32>,
        tpu.vector_store %arg9[%parallel_loop3A_275, %parallel_loop3A_276], %parallel_loop3A_271 {strides = array<i32>} : memref<64x512xf32, #tpu.memory_space<vmem>>, vector<16xf32>,
        %parallel_loop3A_278 = arith.constant 512 : i32
        %parallel_loop3A_279 = tpu.memref_slice %arg5[%parallel_loop3A_278] : memref<4096xf32, #tpu.memory_space<vmem>> -> memref<512xf32, #tpu.memory_space<vmem>>
        %parallel_loop3A_280 = tpu.vector_load_idx %parallel_loop3A_279[%parallel_loop3A_268] : memref<512xf32, #tpu.memory_space<vmem>>[vector<16xi32>], vector<16xf32>,
        %parallel_loop3A_281 = arith.constant 16 : i32
        %parallel_loop3A_282 = arith.muli %parallel_loop3A_94, %parallel_loop3A_281 : i32
        %parallel_loop3A_283 = arith.constant 17 : i32
        %parallel_loop3A_284 = arith.index_cast %parallel_loop3A_283 : i32 to index
        %parallel_loop3A_285 = arith.index_cast %parallel_loop3A_282 : i32 to index
        %parallel_loop3A_286 = tpu.vector_load %arg9[%parallel_loop3A_284, %parallel_loop3A_285] {strides = array<i32>} : memref<64x512xf32, #tpu.memory_space<vmem>>, vector<16xf32>,
        tpu.vector_store %arg9[%parallel_loop3A_284, %parallel_loop3A_285], %parallel_loop3A_280 {strides = array<i32>} : memref<64x512xf32, #tpu.memory_space<vmem>>, vector<16xf32>,
        %parallel_loop3A_287 = arith.constant 1024 : i32
        %parallel_loop3A_288 = tpu.memref_slice %arg5[%parallel_loop3A_287] : memref<4096xf32, #tpu.memory_space<vmem>> -> memref<512xf32, #tpu.memory_space<vmem>>
        %parallel_loop3A_289 = tpu.vector_load_idx %parallel_loop3A_288[%parallel_loop3A_268] : memref<512xf32, #tpu.memory_space<vmem>>[vector<16xi32>], vector<16xf32>,
        %parallel_loop3A_290 = arith.constant 16 : i32
        %parallel_loop3A_291 = arith.muli %parallel_loop3A_94, %parallel_loop3A_290 : i32
        %parallel_loop3A_292 = arith.constant 18 : i32
        %parallel_loop3A_293 = arith.index_cast %parallel_loop3A_292 : i32 to index
        %parallel_loop3A_294 = arith.index_cast %parallel_loop3A_291 : i32 to index
        %parallel_loop3A_295 = tpu.vector_load %arg9[%parallel_loop3A_293, %parallel_loop3A_294] {strides = array<i32>} : memref<64x512xf32, #tpu.memory_space<vmem>>, vector<16xf32>,
        tpu.vector_store %arg9[%parallel_loop3A_293, %parallel_loop3A_294], %parallel_loop3A_289 {strides = array<i32>} : memref<64x512xf32, #tpu.memory_space<vmem>>, vector<16xf32>,
        %parallel_loop3A_296 = arith.constant 1536 : i32
        %parallel_loop3A_297 = tpu.memref_slice %arg5[%parallel_loop3A_296] : memref<4096xf32, #tpu.memory_space<vmem>> -> memref<512xf32, #tpu.memory_space<vmem>>
        %parallel_loop3A_298 = tpu.vector_load_idx %parallel_loop3A_297[%parallel_loop3A_268] : memref<512xf32, #tpu.memory_space<vmem>>[vector<16xi32>], vector<16xf32>,
        %parallel_loop3A_299 = arith.constant 16 : i32
        %parallel_loop3A_300 = arith.muli %parallel_loop3A_94, %parallel_loop3A_299 : i32
        %parallel_loop3A_301 = arith.constant 19 : i32
        %parallel_loop3A_302 = arith.index_cast %parallel_loop3A_301 : i32 to index
        %parallel_loop3A_303 = arith.index_cast %parallel_loop3A_300 : i32 to index
        %parallel_loop3A_304 = tpu.vector_load %arg9[%parallel_loop3A_302, %parallel_loop3A_303] {strides = array<i32>} : memref<64x512xf32, #tpu.memory_space<vmem>>, vector<16xf32>,
        tpu.vector_store %arg9[%parallel_loop3A_302, %parallel_loop3A_303], %parallel_loop3A_298 {strides = array<i32>} : memref<64x512xf32, #tpu.memory_space<vmem>>, vector<16xf32>,
        %parallel_loop3A_305 = arith.constant 2048 : i32
        %parallel_loop3A_306 = tpu.memref_slice %arg5[%parallel_loop3A_305] : memref<4096xf32, #tpu.memory_space<vmem>> -> memref<512xf32, #tpu.memory_space<vmem>>
        %parallel_loop3A_307 = tpu.vector_load_idx %parallel_loop3A_306[%parallel_loop3A_268] : memref<512xf32, #tpu.memory_space<vmem>>[vector<16xi32>], vector<16xf32>,
        %parallel_loop3A_308 = arith.constant 16 : i32
        %parallel_loop3A_309 = arith.muli %parallel_loop3A_94, %parallel_loop3A_308 : i32
        %parallel_loop3A_310 = arith.constant 20 : i32
        %parallel_loop3A_311 = arith.index_cast %parallel_loop3A_310 : i32 to index
        %parallel_loop3A_312 = arith.index_cast %parallel_loop3A_309 : i32 to index
        %parallel_loop3A_313 = tpu.vector_load %arg9[%parallel_loop3A_311, %parallel_loop3A_312] {strides = array<i32>} : memref<64x512xf32, #tpu.memory_space<vmem>>, vector<16xf32>,
        tpu.vector_store %arg9[%parallel_loop3A_311, %parallel_loop3A_312], %parallel_loop3A_307 {strides = array<i32>} : memref<64x512xf32, #tpu.memory_space<vmem>>, vector<16xf32>,
        %parallel_loop3A_314 = arith.constant 2560 : i32
        %parallel_loop3A_315 = tpu.memref_slice %arg5[%parallel_loop3A_314] : memref<4096xf32, #tpu.memory_space<vmem>> -> memref<512xf32, #tpu.memory_space<vmem>>
        %parallel_loop3A_316 = tpu.vector_load_idx %parallel_loop3A_315[%parallel_loop3A_268] : memref<512xf32, #tpu.memory_space<vmem>>[vector<16xi32>], vector<16xf32>,
        %parallel_loop3A_317 = arith.constant 16 : i32
        %parallel_loop3A_318 = arith.muli %parallel_loop3A_94, %parallel_loop3A_317 : i32
        %parallel_loop3A_319 = arith.constant 21 : i32
        %parallel_loop3A_320 = arith.index_cast %parallel_loop3A_319 : i32 to index
        %parallel_loop3A_321 = arith.index_cast %parallel_loop3A_318 : i32 to index
        %parallel_loop3A_322 = tpu.vector_load %arg9[%parallel_loop3A_320, %parallel_loop3A_321] {strides = array<i32>} : memref<64x512xf32, #tpu.memory_space<vmem>>, vector<16xf32>,
        tpu.vector_store %arg9[%parallel_loop3A_320, %parallel_loop3A_321], %parallel_loop3A_316 {strides = array<i32>} : memref<64x512xf32, #tpu.memory_space<vmem>>, vector<16xf32>,
        %parallel_loop3A_323 = arith.constant 3072 : i32
        %parallel_loop3A_324 = tpu.memref_slice %arg5[%parallel_loop3A_323] : memref<4096xf32, #tpu.memory_space<vmem>> -> memref<512xf32, #tpu.memory_space<vmem>>
        %parallel_loop3A_325 = tpu.vector_load_idx %parallel_loop3A_324[%parallel_loop3A_268] : memref<512xf32, #tpu.memory_space<vmem>>[vector<16xi32>], vector<16xf32>,
        %parallel_loop3A_326 = arith.constant 16 : i32
        %parallel_loop3A_327 = arith.muli %parallel_loop3A_94, %parallel_loop3A_326 : i32
        %parallel_loop3A_328 = arith.constant 22 : i32
        %parallel_loop3A_329 = arith.index_cast %parallel_loop3A_328 : i32 to index
        %parallel_loop3A_330 = arith.index_cast %parallel_loop3A_327 : i32 to index
        %parallel_loop3A_331 = tpu.vector_load %arg9[%parallel_loop3A_329, %parallel_loop3A_330] {strides = array<i32>} : memref<64x512xf32, #tpu.memory_space<vmem>>, vector<16xf32>,
        tpu.vector_store %arg9[%parallel_loop3A_329, %parallel_loop3A_330], %parallel_loop3A_325 {strides = array<i32>} : memref<64x512xf32, #tpu.memory_space<vmem>>, vector<16xf32>,
        %parallel_loop3A_332 = arith.constant 3584 : i32
        %parallel_loop3A_333 = tpu.memref_slice %arg5[%parallel_loop3A_332] : memref<4096xf32, #tpu.memory_space<vmem>> -> memref<512xf32, #tpu.memory_space<vmem>>
        %parallel_loop3A_334 = tpu.vector_load_idx %parallel_loop3A_333[%parallel_loop3A_268] : memref<512xf32, #tpu.memory_space<vmem>>[vector<16xi32>], vector<16xf32>,
        %parallel_loop3A_335 = arith.constant 16 : i32
        %parallel_loop3A_336 = arith.muli %parallel_loop3A_94, %parallel_loop3A_335 : i32
        %parallel_loop3A_337 = arith.constant 23 : i32
        %parallel_loop3A_338 = arith.index_cast %parallel_loop3A_337 : i32 to index
        %parallel_loop3A_339 = arith.index_cast %parallel_loop3A_336 : i32 to index
        %parallel_loop3A_340 = tpu.vector_load %arg9[%parallel_loop3A_338, %parallel_loop3A_339] {strides = array<i32>} : memref<64x512xf32, #tpu.memory_space<vmem>>, vector<16xf32>,
        tpu.vector_store %arg9[%parallel_loop3A_338, %parallel_loop3A_339], %parallel_loop3A_334 {strides = array<i32>} : memref<64x512xf32, #tpu.memory_space<vmem>>, vector<16xf32>,
        %parallel_loop3A_341 = arith.constant 16 : i32
        %parallel_loop3A_342 = arith.muli %parallel_loop3A_94, %parallel_loop3A_341 : i32
        %parallel_loop3A_343 = arith.constant 3 : i32
        %parallel_loop3A_344 = arith.index_cast %parallel_loop3A_343 : i32 to index
        %parallel_loop3A_345 = arith.index_cast %parallel_loop3A_342 : i32 to index
        %parallel_loop3A_346 = tpu.vector_load %arg7[%parallel_loop3A_344, %parallel_loop3A_345] {strides = array<i32>} : memref<8x512xi32, #tpu.memory_space<vmem>>, vector<16xi32>,
        %parallel_loop3A_347 = arith.constant 16 : i32
        %parallel_loop3A_348 = vector.broadcast %parallel_loop3A_347 : i32 to vector<16xi32>
        %parallel_loop3A_349 = arith.muli %parallel_loop3A_346, %parallel_loop3A_348 : vector<16xi32>
        %parallel_loop3A_350 = arith.addi %parallel_loop3A_349, %iota3A : vector<16xi32>
        %parallel_loop3A_351 = arith.constant 0 : i32
        %parallel_loop3A_352 = tpu.memref_slice %arg5[%parallel_loop3A_351] : memref<4096xf32, #tpu.memory_space<vmem>> -> memref<512xf32, #tpu.memory_space<vmem>>
        %parallel_loop3A_353 = tpu.vector_load_idx %parallel_loop3A_352[%parallel_loop3A_350] : memref<512xf32, #tpu.memory_space<vmem>>[vector<16xi32>], vector<16xf32>,
        %parallel_loop3A_354 = arith.constant 16 : i32
        %parallel_loop3A_355 = arith.muli %parallel_loop3A_94, %parallel_loop3A_354 : i32
        %parallel_loop3A_356 = arith.constant 24 : i32
        %parallel_loop3A_357 = arith.index_cast %parallel_loop3A_356 : i32 to index
        %parallel_loop3A_358 = arith.index_cast %parallel_loop3A_355 : i32 to index
        %parallel_loop3A_359 = tpu.vector_load %arg9[%parallel_loop3A_357, %parallel_loop3A_358] {strides = array<i32>} : memref<64x512xf32, #tpu.memory_space<vmem>>, vector<16xf32>,
        tpu.vector_store %arg9[%parallel_loop3A_357, %parallel_loop3A_358], %parallel_loop3A_353 {strides = array<i32>} : memref<64x512xf32, #tpu.memory_space<vmem>>, vector<16xf32>,
        %parallel_loop3A_360 = arith.constant 512 : i32
        %parallel_loop3A_361 = tpu.memref_slice %arg5[%parallel_loop3A_360] : memref<4096xf32, #tpu.memory_space<vmem>> -> memref<512xf32, #tpu.memory_space<vmem>>
        %parallel_loop3A_362 = tpu.vector_load_idx %parallel_loop3A_361[%parallel_loop3A_350] : memref<512xf32, #tpu.memory_space<vmem>>[vector<16xi32>], vector<16xf32>,
        %parallel_loop3A_363 = arith.constant 16 : i32
        %parallel_loop3A_364 = arith.muli %parallel_loop3A_94, %parallel_loop3A_363 : i32
        %parallel_loop3A_365 = arith.constant 25 : i32
        %parallel_loop3A_366 = arith.index_cast %parallel_loop3A_365 : i32 to index
        %parallel_loop3A_367 = arith.index_cast %parallel_loop3A_364 : i32 to index
        %parallel_loop3A_368 = tpu.vector_load %arg9[%parallel_loop3A_366, %parallel_loop3A_367] {strides = array<i32>} : memref<64x512xf32, #tpu.memory_space<vmem>>, vector<16xf32>,
        tpu.vector_store %arg9[%parallel_loop3A_366, %parallel_loop3A_367], %parallel_loop3A_362 {strides = array<i32>} : memref<64x512xf32, #tpu.memory_space<vmem>>, vector<16xf32>,
        %parallel_loop3A_369 = arith.constant 1024 : i32
        %parallel_loop3A_370 = tpu.memref_slice %arg5[%parallel_loop3A_369] : memref<4096xf32, #tpu.memory_space<vmem>> -> memref<512xf32, #tpu.memory_space<vmem>>
        %parallel_loop3A_371 = tpu.vector_load_idx %parallel_loop3A_370[%parallel_loop3A_350] : memref<512xf32, #tpu.memory_space<vmem>>[vector<16xi32>], vector<16xf32>,
        %parallel_loop3A_372 = arith.constant 16 : i32
        %parallel_loop3A_373 = arith.muli %parallel_loop3A_94, %parallel_loop3A_372 : i32
        %parallel_loop3A_374 = arith.constant 26 : i32
        %parallel_loop3A_375 = arith.index_cast %parallel_loop3A_374 : i32 to index
        %parallel_loop3A_376 = arith.index_cast %parallel_loop3A_373 : i32 to index
        %parallel_loop3A_377 = tpu.vector_load %arg9[%parallel_loop3A_375, %parallel_loop3A_376] {strides = array<i32>} : memref<64x512xf32, #tpu.memory_space<vmem>>, vector<16xf32>,
        tpu.vector_store %arg9[%parallel_loop3A_375, %parallel_loop3A_376], %parallel_loop3A_371 {strides = array<i32>} : memref<64x512xf32, #tpu.memory_space<vmem>>, vector<16xf32>,
        %parallel_loop3A_378 = arith.constant 1536 : i32
        %parallel_loop3A_379 = tpu.memref_slice %arg5[%parallel_loop3A_378] : memref<4096xf32, #tpu.memory_space<vmem>> -> memref<512xf32, #tpu.memory_space<vmem>>
        %parallel_loop3A_380 = tpu.vector_load_idx %parallel_loop3A_379[%parallel_loop3A_350] : memref<512xf32, #tpu.memory_space<vmem>>[vector<16xi32>], vector<16xf32>,
        %parallel_loop3A_381 = arith.constant 16 : i32
        %parallel_loop3A_382 = arith.muli %parallel_loop3A_94, %parallel_loop3A_381 : i32
        %parallel_loop3A_383 = arith.constant 27 : i32
        %parallel_loop3A_384 = arith.index_cast %parallel_loop3A_383 : i32 to index
        %parallel_loop3A_385 = arith.index_cast %parallel_loop3A_382 : i32 to index
        %parallel_loop3A_386 = tpu.vector_load %arg9[%parallel_loop3A_384, %parallel_loop3A_385] {strides = array<i32>} : memref<64x512xf32, #tpu.memory_space<vmem>>, vector<16xf32>,
        tpu.vector_store %arg9[%parallel_loop3A_384, %parallel_loop3A_385], %parallel_loop3A_380 {strides = array<i32>} : memref<64x512xf32, #tpu.memory_space<vmem>>, vector<16xf32>,
        %parallel_loop3A_387 = arith.constant 2048 : i32
        %parallel_loop3A_388 = tpu.memref_slice %arg5[%parallel_loop3A_387] : memref<4096xf32, #tpu.memory_space<vmem>> -> memref<512xf32, #tpu.memory_space<vmem>>
        %parallel_loop3A_389 = tpu.vector_load_idx %parallel_loop3A_388[%parallel_loop3A_350] : memref<512xf32, #tpu.memory_space<vmem>>[vector<16xi32>], vector<16xf32>,
        %parallel_loop3A_390 = arith.constant 16 : i32
        %parallel_loop3A_391 = arith.muli %parallel_loop3A_94, %parallel_loop3A_390 : i32
        %parallel_loop3A_392 = arith.constant 28 : i32
        %parallel_loop3A_393 = arith.index_cast %parallel_loop3A_392 : i32 to index
        %parallel_loop3A_394 = arith.index_cast %parallel_loop3A_391 : i32 to index
        %parallel_loop3A_395 = tpu.vector_load %arg9[%parallel_loop3A_393, %parallel_loop3A_394] {strides = array<i32>} : memref<64x512xf32, #tpu.memory_space<vmem>>, vector<16xf32>,
        tpu.vector_store %arg9[%parallel_loop3A_393, %parallel_loop3A_394], %parallel_loop3A_389 {strides = array<i32>} : memref<64x512xf32, #tpu.memory_space<vmem>>, vector<16xf32>,
        %parallel_loop3A_396 = arith.constant 2560 : i32
        %parallel_loop3A_397 = tpu.memref_slice %arg5[%parallel_loop3A_396] : memref<4096xf32, #tpu.memory_space<vmem>> -> memref<512xf32, #tpu.memory_space<vmem>>
        %parallel_loop3A_398 = tpu.vector_load_idx %parallel_loop3A_397[%parallel_loop3A_350] : memref<512xf32, #tpu.memory_space<vmem>>[vector<16xi32>], vector<16xf32>,
        %parallel_loop3A_399 = arith.constant 16 : i32
        %parallel_loop3A_400 = arith.muli %parallel_loop3A_94, %parallel_loop3A_399 : i32
        %parallel_loop3A_401 = arith.constant 29 : i32
        %parallel_loop3A_402 = arith.index_cast %parallel_loop3A_401 : i32 to index
        %parallel_loop3A_403 = arith.index_cast %parallel_loop3A_400 : i32 to index
        %parallel_loop3A_404 = tpu.vector_load %arg9[%parallel_loop3A_402, %parallel_loop3A_403] {strides = array<i32>} : memref<64x512xf32, #tpu.memory_space<vmem>>, vector<16xf32>,
        tpu.vector_store %arg9[%parallel_loop3A_402, %parallel_loop3A_403], %parallel_loop3A_398 {strides = array<i32>} : memref<64x512xf32, #tpu.memory_space<vmem>>, vector<16xf32>,
        %parallel_loop3A_405 = arith.constant 3072 : i32
        %parallel_loop3A_406 = tpu.memref_slice %arg5[%parallel_loop3A_405] : memref<4096xf32, #tpu.memory_space<vmem>> -> memref<512xf32, #tpu.memory_space<vmem>>
        %parallel_loop3A_407 = tpu.vector_load_idx %parallel_loop3A_406[%parallel_loop3A_350] : memref<512xf32, #tpu.memory_space<vmem>>[vector<16xi32>], vector<16xf32>,
        %parallel_loop3A_408 = arith.constant 16 : i32
        %parallel_loop3A_409 = arith.muli %parallel_loop3A_94, %parallel_loop3A_408 : i32
        %parallel_loop3A_410 = arith.constant 30 : i32
        %parallel_loop3A_411 = arith.index_cast %parallel_loop3A_410 : i32 to index
        %parallel_loop3A_412 = arith.index_cast %parallel_loop3A_409 : i32 to index
        %parallel_loop3A_413 = tpu.vector_load %arg9[%parallel_loop3A_411, %parallel_loop3A_412] {strides = array<i32>} : memref<64x512xf32, #tpu.memory_space<vmem>>, vector<16xf32>,
        tpu.vector_store %arg9[%parallel_loop3A_411, %parallel_loop3A_412], %parallel_loop3A_407 {strides = array<i32>} : memref<64x512xf32, #tpu.memory_space<vmem>>, vector<16xf32>,
        %parallel_loop3A_414 = arith.constant 3584 : i32
        %parallel_loop3A_415 = tpu.memref_slice %arg5[%parallel_loop3A_414] : memref<4096xf32, #tpu.memory_space<vmem>> -> memref<512xf32, #tpu.memory_space<vmem>>
        %parallel_loop3A_416 = tpu.vector_load_idx %parallel_loop3A_415[%parallel_loop3A_350] : memref<512xf32, #tpu.memory_space<vmem>>[vector<16xi32>], vector<16xf32>,
        %parallel_loop3A_417 = arith.constant 16 : i32
        %parallel_loop3A_418 = arith.muli %parallel_loop3A_94, %parallel_loop3A_417 : i32
        %parallel_loop3A_419 = arith.constant 31 : i32
        %parallel_loop3A_420 = arith.index_cast %parallel_loop3A_419 : i32 to index
        %parallel_loop3A_421 = arith.index_cast %parallel_loop3A_418 : i32 to index
        %parallel_loop3A_422 = tpu.vector_load %arg9[%parallel_loop3A_420, %parallel_loop3A_421] {strides = array<i32>} : memref<64x512xf32, #tpu.memory_space<vmem>>, vector<16xf32>,
        tpu.vector_store %arg9[%parallel_loop3A_420, %parallel_loop3A_421], %parallel_loop3A_416 {strides = array<i32>} : memref<64x512xf32, #tpu.memory_space<vmem>>, vector<16xf32>,
        %parallel_loop3A_423 = arith.constant 16 : i32
        %parallel_loop3A_424 = arith.muli %parallel_loop3A_94, %parallel_loop3A_423 : i32
        %parallel_loop3A_425 = arith.constant 4 : i32
        %parallel_loop3A_426 = arith.index_cast %parallel_loop3A_425 : i32 to index
        %parallel_loop3A_427 = arith.index_cast %parallel_loop3A_424 : i32 to index
        %parallel_loop3A_428 = tpu.vector_load %arg7[%parallel_loop3A_426, %parallel_loop3A_427] {strides = array<i32>} : memref<8x512xi32, #tpu.memory_space<vmem>>, vector<16xi32>,
        %parallel_loop3A_429 = arith.constant 16 : i32
        %parallel_loop3A_430 = vector.broadcast %parallel_loop3A_429 : i32 to vector<16xi32>
        %parallel_loop3A_431 = arith.muli %parallel_loop3A_428, %parallel_loop3A_430 : vector<16xi32>
        %parallel_loop3A_432 = arith.addi %parallel_loop3A_431, %iota3A : vector<16xi32>
        %parallel_loop3A_433 = arith.constant 0 : i32
        %parallel_loop3A_434 = tpu.memref_slice %arg5[%parallel_loop3A_433] : memref<4096xf32, #tpu.memory_space<vmem>> -> memref<512xf32, #tpu.memory_space<vmem>>
        %parallel_loop3A_435 = tpu.vector_load_idx %parallel_loop3A_434[%parallel_loop3A_432] : memref<512xf32, #tpu.memory_space<vmem>>[vector<16xi32>], vector<16xf32>,
        %parallel_loop3A_436 = arith.constant 16 : i32
        %parallel_loop3A_437 = arith.muli %parallel_loop3A_94, %parallel_loop3A_436 : i32
        %parallel_loop3A_438 = arith.constant 32 : i32
        %parallel_loop3A_439 = arith.index_cast %parallel_loop3A_438 : i32 to index
        %parallel_loop3A_440 = arith.index_cast %parallel_loop3A_437 : i32 to index
        %parallel_loop3A_441 = tpu.vector_load %arg9[%parallel_loop3A_439, %parallel_loop3A_440] {strides = array<i32>} : memref<64x512xf32, #tpu.memory_space<vmem>>, vector<16xf32>,
        tpu.vector_store %arg9[%parallel_loop3A_439, %parallel_loop3A_440], %parallel_loop3A_435 {strides = array<i32>} : memref<64x512xf32, #tpu.memory_space<vmem>>, vector<16xf32>,
        %parallel_loop3A_442 = arith.constant 512 : i32
        %parallel_loop3A_443 = tpu.memref_slice %arg5[%parallel_loop3A_442] : memref<4096xf32, #tpu.memory_space<vmem>> -> memref<512xf32, #tpu.memory_space<vmem>>
        %parallel_loop3A_444 = tpu.vector_load_idx %parallel_loop3A_443[%parallel_loop3A_432] : memref<512xf32, #tpu.memory_space<vmem>>[vector<16xi32>], vector<16xf32>,
        %parallel_loop3A_445 = arith.constant 16 : i32
        %parallel_loop3A_446 = arith.muli %parallel_loop3A_94, %parallel_loop3A_445 : i32
        %parallel_loop3A_447 = arith.constant 33 : i32
        %parallel_loop3A_448 = arith.index_cast %parallel_loop3A_447 : i32 to index
        %parallel_loop3A_449 = arith.index_cast %parallel_loop3A_446 : i32 to index
        %parallel_loop3A_450 = tpu.vector_load %arg9[%parallel_loop3A_448, %parallel_loop3A_449] {strides = array<i32>} : memref<64x512xf32, #tpu.memory_space<vmem>>, vector<16xf32>,
        tpu.vector_store %arg9[%parallel_loop3A_448, %parallel_loop3A_449], %parallel_loop3A_444 {strides = array<i32>} : memref<64x512xf32, #tpu.memory_space<vmem>>, vector<16xf32>,
        %parallel_loop3A_451 = arith.constant 1024 : i32
        %parallel_loop3A_452 = tpu.memref_slice %arg5[%parallel_loop3A_451] : memref<4096xf32, #tpu.memory_space<vmem>> -> memref<512xf32, #tpu.memory_space<vmem>>
        %parallel_loop3A_453 = tpu.vector_load_idx %parallel_loop3A_452[%parallel_loop3A_432] : memref<512xf32, #tpu.memory_space<vmem>>[vector<16xi32>], vector<16xf32>,
        %parallel_loop3A_454 = arith.constant 16 : i32
        %parallel_loop3A_455 = arith.muli %parallel_loop3A_94, %parallel_loop3A_454 : i32
        %parallel_loop3A_456 = arith.constant 34 : i32
        %parallel_loop3A_457 = arith.index_cast %parallel_loop3A_456 : i32 to index
        %parallel_loop3A_458 = arith.index_cast %parallel_loop3A_455 : i32 to index
        %parallel_loop3A_459 = tpu.vector_load %arg9[%parallel_loop3A_457, %parallel_loop3A_458] {strides = array<i32>} : memref<64x512xf32, #tpu.memory_space<vmem>>, vector<16xf32>,
        tpu.vector_store %arg9[%parallel_loop3A_457, %parallel_loop3A_458], %parallel_loop3A_453 {strides = array<i32>} : memref<64x512xf32, #tpu.memory_space<vmem>>, vector<16xf32>,
        %parallel_loop3A_460 = arith.constant 1536 : i32
        %parallel_loop3A_461 = tpu.memref_slice %arg5[%parallel_loop3A_460] : memref<4096xf32, #tpu.memory_space<vmem>> -> memref<512xf32, #tpu.memory_space<vmem>>
        %parallel_loop3A_462 = tpu.vector_load_idx %parallel_loop3A_461[%parallel_loop3A_432] : memref<512xf32, #tpu.memory_space<vmem>>[vector<16xi32>], vector<16xf32>,
        %parallel_loop3A_463 = arith.constant 16 : i32
        %parallel_loop3A_464 = arith.muli %parallel_loop3A_94, %parallel_loop3A_463 : i32
        %parallel_loop3A_465 = arith.constant 35 : i32
        %parallel_loop3A_466 = arith.index_cast %parallel_loop3A_465 : i32 to index
        %parallel_loop3A_467 = arith.index_cast %parallel_loop3A_464 : i32 to index
        %parallel_loop3A_468 = tpu.vector_load %arg9[%parallel_loop3A_466, %parallel_loop3A_467] {strides = array<i32>} : memref<64x512xf32, #tpu.memory_space<vmem>>, vector<16xf32>,
        tpu.vector_store %arg9[%parallel_loop3A_466, %parallel_loop3A_467], %parallel_loop3A_462 {strides = array<i32>} : memref<64x512xf32, #tpu.memory_space<vmem>>, vector<16xf32>,
        %parallel_loop3A_469 = arith.constant 2048 : i32
        %parallel_loop3A_470 = tpu.memref_slice %arg5[%parallel_loop3A_469] : memref<4096xf32, #tpu.memory_space<vmem>> -> memref<512xf32, #tpu.memory_space<vmem>>
        %parallel_loop3A_471 = tpu.vector_load_idx %parallel_loop3A_470[%parallel_loop3A_432] : memref<512xf32, #tpu.memory_space<vmem>>[vector<16xi32>], vector<16xf32>,
        %parallel_loop3A_472 = arith.constant 16 : i32
        %parallel_loop3A_473 = arith.muli %parallel_loop3A_94, %parallel_loop3A_472 : i32
        %parallel_loop3A_474 = arith.constant 36 : i32
        %parallel_loop3A_475 = arith.index_cast %parallel_loop3A_474 : i32 to index
        %parallel_loop3A_476 = arith.index_cast %parallel_loop3A_473 : i32 to index
        %parallel_loop3A_477 = tpu.vector_load %arg9[%parallel_loop3A_475, %parallel_loop3A_476] {strides = array<i32>} : memref<64x512xf32, #tpu.memory_space<vmem>>, vector<16xf32>,
        tpu.vector_store %arg9[%parallel_loop3A_475, %parallel_loop3A_476], %parallel_loop3A_471 {strides = array<i32>} : memref<64x512xf32, #tpu.memory_space<vmem>>, vector<16xf32>,
        %parallel_loop3A_478 = arith.constant 2560 : i32
        %parallel_loop3A_479 = tpu.memref_slice %arg5[%parallel_loop3A_478] : memref<4096xf32, #tpu.memory_space<vmem>> -> memref<512xf32, #tpu.memory_space<vmem>>
        %parallel_loop3A_480 = tpu.vector_load_idx %parallel_loop3A_479[%parallel_loop3A_432] : memref<512xf32, #tpu.memory_space<vmem>>[vector<16xi32>], vector<16xf32>,
        %parallel_loop3A_481 = arith.constant 16 : i32
        %parallel_loop3A_482 = arith.muli %parallel_loop3A_94, %parallel_loop3A_481 : i32
        %parallel_loop3A_483 = arith.constant 37 : i32
        %parallel_loop3A_484 = arith.index_cast %parallel_loop3A_483 : i32 to index
        %parallel_loop3A_485 = arith.index_cast %parallel_loop3A_482 : i32 to index
        %parallel_loop3A_486 = tpu.vector_load %arg9[%parallel_loop3A_484, %parallel_loop3A_485] {strides = array<i32>} : memref<64x512xf32, #tpu.memory_space<vmem>>, vector<16xf32>,
        tpu.vector_store %arg9[%parallel_loop3A_484, %parallel_loop3A_485], %parallel_loop3A_480 {strides = array<i32>} : memref<64x512xf32, #tpu.memory_space<vmem>>, vector<16xf32>,
        %parallel_loop3A_487 = arith.constant 3072 : i32
        %parallel_loop3A_488 = tpu.memref_slice %arg5[%parallel_loop3A_487] : memref<4096xf32, #tpu.memory_space<vmem>> -> memref<512xf32, #tpu.memory_space<vmem>>
        %parallel_loop3A_489 = tpu.vector_load_idx %parallel_loop3A_488[%parallel_loop3A_432] : memref<512xf32, #tpu.memory_space<vmem>>[vector<16xi32>], vector<16xf32>,
        %parallel_loop3A_490 = arith.constant 16 : i32
        %parallel_loop3A_491 = arith.muli %parallel_loop3A_94, %parallel_loop3A_490 : i32
        %parallel_loop3A_492 = arith.constant 38 : i32
        %parallel_loop3A_493 = arith.index_cast %parallel_loop3A_492 : i32 to index
        %parallel_loop3A_494 = arith.index_cast %parallel_loop3A_491 : i32 to index
        %parallel_loop3A_495 = tpu.vector_load %arg9[%parallel_loop3A_493, %parallel_loop3A_494] {strides = array<i32>} : memref<64x512xf32, #tpu.memory_space<vmem>>, vector<16xf32>,
        tpu.vector_store %arg9[%parallel_loop3A_493, %parallel_loop3A_494], %parallel_loop3A_489 {strides = array<i32>} : memref<64x512xf32, #tpu.memory_space<vmem>>, vector<16xf32>,
        %parallel_loop3A_496 = arith.constant 3584 : i32
        %parallel_loop3A_497 = tpu.memref_slice %arg5[%parallel_loop3A_496] : memref<4096xf32, #tpu.memory_space<vmem>> -> memref<512xf32, #tpu.memory_space<vmem>>
        %parallel_loop3A_498 = tpu.vector_load_idx %parallel_loop3A_497[%parallel_loop3A_432] : memref<512xf32, #tpu.memory_space<vmem>>[vector<16xi32>], vector<16xf32>,
        %parallel_loop3A_499 = arith.constant 16 : i32
        %parallel_loop3A_500 = arith.muli %parallel_loop3A_94, %parallel_loop3A_499 : i32
        %parallel_loop3A_501 = arith.constant 39 : i32
        %parallel_loop3A_502 = arith.index_cast %parallel_loop3A_501 : i32 to index
        %parallel_loop3A_503 = arith.index_cast %parallel_loop3A_500 : i32 to index
        %parallel_loop3A_504 = tpu.vector_load %arg9[%parallel_loop3A_502, %parallel_loop3A_503] {strides = array<i32>} : memref<64x512xf32, #tpu.memory_space<vmem>>, vector<16xf32>,
        tpu.vector_store %arg9[%parallel_loop3A_502, %parallel_loop3A_503], %parallel_loop3A_498 {strides = array<i32>} : memref<64x512xf32, #tpu.memory_space<vmem>>, vector<16xf32>,
        %parallel_loop3A_505 = arith.constant 16 : i32
        %parallel_loop3A_506 = arith.muli %parallel_loop3A_94, %parallel_loop3A_505 : i32
        %parallel_loop3A_507 = arith.constant 5 : i32
        %parallel_loop3A_508 = arith.index_cast %parallel_loop3A_507 : i32 to index
        %parallel_loop3A_509 = arith.index_cast %parallel_loop3A_506 : i32 to index
        %parallel_loop3A_510 = tpu.vector_load %arg7[%parallel_loop3A_508, %parallel_loop3A_509] {strides = array<i32>} : memref<8x512xi32, #tpu.memory_space<vmem>>, vector<16xi32>,
        %parallel_loop3A_511 = arith.constant 16 : i32
        %parallel_loop3A_512 = vector.broadcast %parallel_loop3A_511 : i32 to vector<16xi32>
        %parallel_loop3A_513 = arith.muli %parallel_loop3A_510, %parallel_loop3A_512 : vector<16xi32>
        %parallel_loop3A_514 = arith.addi %parallel_loop3A_513, %iota3A : vector<16xi32>
        %parallel_loop3A_515 = arith.constant 0 : i32
        %parallel_loop3A_516 = tpu.memref_slice %arg5[%parallel_loop3A_515] : memref<4096xf32, #tpu.memory_space<vmem>> -> memref<512xf32, #tpu.memory_space<vmem>>
        %parallel_loop3A_517 = tpu.vector_load_idx %parallel_loop3A_516[%parallel_loop3A_514] : memref<512xf32, #tpu.memory_space<vmem>>[vector<16xi32>], vector<16xf32>,
        %parallel_loop3A_518 = arith.constant 16 : i32
        %parallel_loop3A_519 = arith.muli %parallel_loop3A_94, %parallel_loop3A_518 : i32
        %parallel_loop3A_520 = arith.constant 40 : i32
        %parallel_loop3A_521 = arith.index_cast %parallel_loop3A_520 : i32 to index
        %parallel_loop3A_522 = arith.index_cast %parallel_loop3A_519 : i32 to index
        %parallel_loop3A_523 = tpu.vector_load %arg9[%parallel_loop3A_521, %parallel_loop3A_522] {strides = array<i32>} : memref<64x512xf32, #tpu.memory_space<vmem>>, vector<16xf32>,
        tpu.vector_store %arg9[%parallel_loop3A_521, %parallel_loop3A_522], %parallel_loop3A_517 {strides = array<i32>} : memref<64x512xf32, #tpu.memory_space<vmem>>, vector<16xf32>,
        %parallel_loop3A_524 = arith.constant 512 : i32
        %parallel_loop3A_525 = tpu.memref_slice %arg5[%parallel_loop3A_524] : memref<4096xf32, #tpu.memory_space<vmem>> -> memref<512xf32, #tpu.memory_space<vmem>>
        %parallel_loop3A_526 = tpu.vector_load_idx %parallel_loop3A_525[%parallel_loop3A_514] : memref<512xf32, #tpu.memory_space<vmem>>[vector<16xi32>], vector<16xf32>,
        %parallel_loop3A_527 = arith.constant 16 : i32
        %parallel_loop3A_528 = arith.muli %parallel_loop3A_94, %parallel_loop3A_527 : i32
        %parallel_loop3A_529 = arith.constant 41 : i32
        %parallel_loop3A_530 = arith.index_cast %parallel_loop3A_529 : i32 to index
        %parallel_loop3A_531 = arith.index_cast %parallel_loop3A_528 : i32 to index
        %parallel_loop3A_532 = tpu.vector_load %arg9[%parallel_loop3A_530, %parallel_loop3A_531] {strides = array<i32>} : memref<64x512xf32, #tpu.memory_space<vmem>>, vector<16xf32>,
        tpu.vector_store %arg9[%parallel_loop3A_530, %parallel_loop3A_531], %parallel_loop3A_526 {strides = array<i32>} : memref<64x512xf32, #tpu.memory_space<vmem>>, vector<16xf32>,
        %parallel_loop3A_533 = arith.constant 1024 : i32
        %parallel_loop3A_534 = tpu.memref_slice %arg5[%parallel_loop3A_533] : memref<4096xf32, #tpu.memory_space<vmem>> -> memref<512xf32, #tpu.memory_space<vmem>>
        %parallel_loop3A_535 = tpu.vector_load_idx %parallel_loop3A_534[%parallel_loop3A_514] : memref<512xf32, #tpu.memory_space<vmem>>[vector<16xi32>], vector<16xf32>,
        %parallel_loop3A_536 = arith.constant 16 : i32
        %parallel_loop3A_537 = arith.muli %parallel_loop3A_94, %parallel_loop3A_536 : i32
        %parallel_loop3A_538 = arith.constant 42 : i32
        %parallel_loop3A_539 = arith.index_cast %parallel_loop3A_538 : i32 to index
        %parallel_loop3A_540 = arith.index_cast %parallel_loop3A_537 : i32 to index
        %parallel_loop3A_541 = tpu.vector_load %arg9[%parallel_loop3A_539, %parallel_loop3A_540] {strides = array<i32>} : memref<64x512xf32, #tpu.memory_space<vmem>>, vector<16xf32>,
        tpu.vector_store %arg9[%parallel_loop3A_539, %parallel_loop3A_540], %parallel_loop3A_535 {strides = array<i32>} : memref<64x512xf32, #tpu.memory_space<vmem>>, vector<16xf32>,
        %parallel_loop3A_542 = arith.constant 1536 : i32
        %parallel_loop3A_543 = tpu.memref_slice %arg5[%parallel_loop3A_542] : memref<4096xf32, #tpu.memory_space<vmem>> -> memref<512xf32, #tpu.memory_space<vmem>>
        %parallel_loop3A_544 = tpu.vector_load_idx %parallel_loop3A_543[%parallel_loop3A_514] : memref<512xf32, #tpu.memory_space<vmem>>[vector<16xi32>], vector<16xf32>,
        %parallel_loop3A_545 = arith.constant 16 : i32
        %parallel_loop3A_546 = arith.muli %parallel_loop3A_94, %parallel_loop3A_545 : i32
        %parallel_loop3A_547 = arith.constant 43 : i32
        %parallel_loop3A_548 = arith.index_cast %parallel_loop3A_547 : i32 to index
        %parallel_loop3A_549 = arith.index_cast %parallel_loop3A_546 : i32 to index
        %parallel_loop3A_550 = tpu.vector_load %arg9[%parallel_loop3A_548, %parallel_loop3A_549] {strides = array<i32>} : memref<64x512xf32, #tpu.memory_space<vmem>>, vector<16xf32>,
        tpu.vector_store %arg9[%parallel_loop3A_548, %parallel_loop3A_549], %parallel_loop3A_544 {strides = array<i32>} : memref<64x512xf32, #tpu.memory_space<vmem>>, vector<16xf32>,
        %parallel_loop3A_551 = arith.constant 2048 : i32
        %parallel_loop3A_552 = tpu.memref_slice %arg5[%parallel_loop3A_551] : memref<4096xf32, #tpu.memory_space<vmem>> -> memref<512xf32, #tpu.memory_space<vmem>>
        %parallel_loop3A_553 = tpu.vector_load_idx %parallel_loop3A_552[%parallel_loop3A_514] : memref<512xf32, #tpu.memory_space<vmem>>[vector<16xi32>], vector<16xf32>,
        %parallel_loop3A_554 = arith.constant 16 : i32
        %parallel_loop3A_555 = arith.muli %parallel_loop3A_94, %parallel_loop3A_554 : i32
        %parallel_loop3A_556 = arith.constant 44 : i32
        %parallel_loop3A_557 = arith.index_cast %parallel_loop3A_556 : i32 to index
        %parallel_loop3A_558 = arith.index_cast %parallel_loop3A_555 : i32 to index
        %parallel_loop3A_559 = tpu.vector_load %arg9[%parallel_loop3A_557, %parallel_loop3A_558] {strides = array<i32>} : memref<64x512xf32, #tpu.memory_space<vmem>>, vector<16xf32>,
        tpu.vector_store %arg9[%parallel_loop3A_557, %parallel_loop3A_558], %parallel_loop3A_553 {strides = array<i32>} : memref<64x512xf32, #tpu.memory_space<vmem>>, vector<16xf32>,
        %parallel_loop3A_560 = arith.constant 2560 : i32
        %parallel_loop3A_561 = tpu.memref_slice %arg5[%parallel_loop3A_560] : memref<4096xf32, #tpu.memory_space<vmem>> -> memref<512xf32, #tpu.memory_space<vmem>>
        %parallel_loop3A_562 = tpu.vector_load_idx %parallel_loop3A_561[%parallel_loop3A_514] : memref<512xf32, #tpu.memory_space<vmem>>[vector<16xi32>], vector<16xf32>,
        %parallel_loop3A_563 = arith.constant 16 : i32
        %parallel_loop3A_564 = arith.muli %parallel_loop3A_94, %parallel_loop3A_563 : i32
        %parallel_loop3A_565 = arith.constant 45 : i32
        %parallel_loop3A_566 = arith.index_cast %parallel_loop3A_565 : i32 to index
        %parallel_loop3A_567 = arith.index_cast %parallel_loop3A_564 : i32 to index
        %parallel_loop3A_568 = tpu.vector_load %arg9[%parallel_loop3A_566, %parallel_loop3A_567] {strides = array<i32>} : memref<64x512xf32, #tpu.memory_space<vmem>>, vector<16xf32>,
        tpu.vector_store %arg9[%parallel_loop3A_566, %parallel_loop3A_567], %parallel_loop3A_562 {strides = array<i32>} : memref<64x512xf32, #tpu.memory_space<vmem>>, vector<16xf32>,
        %parallel_loop3A_569 = arith.constant 3072 : i32
        %parallel_loop3A_570 = tpu.memref_slice %arg5[%parallel_loop3A_569] : memref<4096xf32, #tpu.memory_space<vmem>> -> memref<512xf32, #tpu.memory_space<vmem>>
        %parallel_loop3A_571 = tpu.vector_load_idx %parallel_loop3A_570[%parallel_loop3A_514] : memref<512xf32, #tpu.memory_space<vmem>>[vector<16xi32>], vector<16xf32>,
        %parallel_loop3A_572 = arith.constant 16 : i32
        %parallel_loop3A_573 = arith.muli %parallel_loop3A_94, %parallel_loop3A_572 : i32
        %parallel_loop3A_574 = arith.constant 46 : i32
        %parallel_loop3A_575 = arith.index_cast %parallel_loop3A_574 : i32 to index
        %parallel_loop3A_576 = arith.index_cast %parallel_loop3A_573 : i32 to index
        %parallel_loop3A_577 = tpu.vector_load %arg9[%parallel_loop3A_575, %parallel_loop3A_576] {strides = array<i32>} : memref<64x512xf32, #tpu.memory_space<vmem>>, vector<16xf32>,
        tpu.vector_store %arg9[%parallel_loop3A_575, %parallel_loop3A_576], %parallel_loop3A_571 {strides = array<i32>} : memref<64x512xf32, #tpu.memory_space<vmem>>, vector<16xf32>,
        %parallel_loop3A_578 = arith.constant 3584 : i32
        %parallel_loop3A_579 = tpu.memref_slice %arg5[%parallel_loop3A_578] : memref<4096xf32, #tpu.memory_space<vmem>> -> memref<512xf32, #tpu.memory_space<vmem>>
        %parallel_loop3A_580 = tpu.vector_load_idx %parallel_loop3A_579[%parallel_loop3A_514] : memref<512xf32, #tpu.memory_space<vmem>>[vector<16xi32>], vector<16xf32>,
        %parallel_loop3A_581 = arith.constant 16 : i32
        %parallel_loop3A_582 = arith.muli %parallel_loop3A_94, %parallel_loop3A_581 : i32
        %parallel_loop3A_583 = arith.constant 47 : i32
        %parallel_loop3A_584 = arith.index_cast %parallel_loop3A_583 : i32 to index
        %parallel_loop3A_585 = arith.index_cast %parallel_loop3A_582 : i32 to index
        %parallel_loop3A_586 = tpu.vector_load %arg9[%parallel_loop3A_584, %parallel_loop3A_585] {strides = array<i32>} : memref<64x512xf32, #tpu.memory_space<vmem>>, vector<16xf32>,
        tpu.vector_store %arg9[%parallel_loop3A_584, %parallel_loop3A_585], %parallel_loop3A_580 {strides = array<i32>} : memref<64x512xf32, #tpu.memory_space<vmem>>, vector<16xf32>,
        %parallel_loop3A_587 = arith.constant 16 : i32
        %parallel_loop3A_588 = arith.muli %parallel_loop3A_94, %parallel_loop3A_587 : i32
        %parallel_loop3A_589 = arith.constant 6 : i32
        %parallel_loop3A_590 = arith.index_cast %parallel_loop3A_589 : i32 to index
        %parallel_loop3A_591 = arith.index_cast %parallel_loop3A_588 : i32 to index
        %parallel_loop3A_592 = tpu.vector_load %arg7[%parallel_loop3A_590, %parallel_loop3A_591] {strides = array<i32>} : memref<8x512xi32, #tpu.memory_space<vmem>>, vector<16xi32>,
        %parallel_loop3A_593 = arith.constant 16 : i32
        %parallel_loop3A_594 = vector.broadcast %parallel_loop3A_593 : i32 to vector<16xi32>
        %parallel_loop3A_595 = arith.muli %parallel_loop3A_592, %parallel_loop3A_594 : vector<16xi32>
        %parallel_loop3A_596 = arith.addi %parallel_loop3A_595, %iota3A : vector<16xi32>
        %parallel_loop3A_597 = arith.constant 0 : i32
        %parallel_loop3A_598 = tpu.memref_slice %arg5[%parallel_loop3A_597] : memref<4096xf32, #tpu.memory_space<vmem>> -> memref<512xf32, #tpu.memory_space<vmem>>
        %parallel_loop3A_599 = tpu.vector_load_idx %parallel_loop3A_598[%parallel_loop3A_596] : memref<512xf32, #tpu.memory_space<vmem>>[vector<16xi32>], vector<16xf32>,
        %parallel_loop3A_600 = arith.constant 16 : i32
        %parallel_loop3A_601 = arith.muli %parallel_loop3A_94, %parallel_loop3A_600 : i32
        %parallel_loop3A_602 = arith.constant 48 : i32
        %parallel_loop3A_603 = arith.index_cast %parallel_loop3A_602 : i32 to index
        %parallel_loop3A_604 = arith.index_cast %parallel_loop3A_601 : i32 to index
        %parallel_loop3A_605 = tpu.vector_load %arg9[%parallel_loop3A_603, %parallel_loop3A_604] {strides = array<i32>} : memref<64x512xf32, #tpu.memory_space<vmem>>, vector<16xf32>,
        tpu.vector_store %arg9[%parallel_loop3A_603, %parallel_loop3A_604], %parallel_loop3A_599 {strides = array<i32>} : memref<64x512xf32, #tpu.memory_space<vmem>>, vector<16xf32>,
        %parallel_loop3A_606 = arith.constant 512 : i32
        %parallel_loop3A_607 = tpu.memref_slice %arg5[%parallel_loop3A_606] : memref<4096xf32, #tpu.memory_space<vmem>> -> memref<512xf32, #tpu.memory_space<vmem>>
        %parallel_loop3A_608 = tpu.vector_load_idx %parallel_loop3A_607[%parallel_loop3A_596] : memref<512xf32, #tpu.memory_space<vmem>>[vector<16xi32>], vector<16xf32>,
        %parallel_loop3A_609 = arith.constant 16 : i32
        %parallel_loop3A_610 = arith.muli %parallel_loop3A_94, %parallel_loop3A_609 : i32
        %parallel_loop3A_611 = arith.constant 49 : i32
        %parallel_loop3A_612 = arith.index_cast %parallel_loop3A_611 : i32 to index
        %parallel_loop3A_613 = arith.index_cast %parallel_loop3A_610 : i32 to index
        %parallel_loop3A_614 = tpu.vector_load %arg9[%parallel_loop3A_612, %parallel_loop3A_613] {strides = array<i32>} : memref<64x512xf32, #tpu.memory_space<vmem>>, vector<16xf32>,
        tpu.vector_store %arg9[%parallel_loop3A_612, %parallel_loop3A_613], %parallel_loop3A_608 {strides = array<i32>} : memref<64x512xf32, #tpu.memory_space<vmem>>, vector<16xf32>,
        %parallel_loop3A_615 = arith.constant 1024 : i32
        %parallel_loop3A_616 = tpu.memref_slice %arg5[%parallel_loop3A_615] : memref<4096xf32, #tpu.memory_space<vmem>> -> memref<512xf32, #tpu.memory_space<vmem>>
        %parallel_loop3A_617 = tpu.vector_load_idx %parallel_loop3A_616[%parallel_loop3A_596] : memref<512xf32, #tpu.memory_space<vmem>>[vector<16xi32>], vector<16xf32>,
        %parallel_loop3A_618 = arith.constant 16 : i32
        %parallel_loop3A_619 = arith.muli %parallel_loop3A_94, %parallel_loop3A_618 : i32
        %parallel_loop3A_620 = arith.constant 50 : i32
        %parallel_loop3A_621 = arith.index_cast %parallel_loop3A_620 : i32 to index
        %parallel_loop3A_622 = arith.index_cast %parallel_loop3A_619 : i32 to index
        %parallel_loop3A_623 = tpu.vector_load %arg9[%parallel_loop3A_621, %parallel_loop3A_622] {strides = array<i32>} : memref<64x512xf32, #tpu.memory_space<vmem>>, vector<16xf32>,
        tpu.vector_store %arg9[%parallel_loop3A_621, %parallel_loop3A_622], %parallel_loop3A_617 {strides = array<i32>} : memref<64x512xf32, #tpu.memory_space<vmem>>, vector<16xf32>,
        %parallel_loop3A_624 = arith.constant 1536 : i32
        %parallel_loop3A_625 = tpu.memref_slice %arg5[%parallel_loop3A_624] : memref<4096xf32, #tpu.memory_space<vmem>> -> memref<512xf32, #tpu.memory_space<vmem>>
        %parallel_loop3A_626 = tpu.vector_load_idx %parallel_loop3A_625[%parallel_loop3A_596] : memref<512xf32, #tpu.memory_space<vmem>>[vector<16xi32>], vector<16xf32>,
        %parallel_loop3A_627 = arith.constant 16 : i32
        %parallel_loop3A_628 = arith.muli %parallel_loop3A_94, %parallel_loop3A_627 : i32
        %parallel_loop3A_629 = arith.constant 51 : i32
        %parallel_loop3A_630 = arith.index_cast %parallel_loop3A_629 : i32 to index
        %parallel_loop3A_631 = arith.index_cast %parallel_loop3A_628 : i32 to index
        %parallel_loop3A_632 = tpu.vector_load %arg9[%parallel_loop3A_630, %parallel_loop3A_631] {strides = array<i32>} : memref<64x512xf32, #tpu.memory_space<vmem>>, vector<16xf32>,
        tpu.vector_store %arg9[%parallel_loop3A_630, %parallel_loop3A_631], %parallel_loop3A_626 {strides = array<i32>} : memref<64x512xf32, #tpu.memory_space<vmem>>, vector<16xf32>,
        %parallel_loop3A_633 = arith.constant 2048 : i32
        %parallel_loop3A_634 = tpu.memref_slice %arg5[%parallel_loop3A_633] : memref<4096xf32, #tpu.memory_space<vmem>> -> memref<512xf32, #tpu.memory_space<vmem>>
        %parallel_loop3A_635 = tpu.vector_load_idx %parallel_loop3A_634[%parallel_loop3A_596] : memref<512xf32, #tpu.memory_space<vmem>>[vector<16xi32>], vector<16xf32>,
        %parallel_loop3A_636 = arith.constant 16 : i32
        %parallel_loop3A_637 = arith.muli %parallel_loop3A_94, %parallel_loop3A_636 : i32
        %parallel_loop3A_638 = arith.constant 52 : i32
        %parallel_loop3A_639 = arith.index_cast %parallel_loop3A_638 : i32 to index
        %parallel_loop3A_640 = arith.index_cast %parallel_loop3A_637 : i32 to index
        %parallel_loop3A_641 = tpu.vector_load %arg9[%parallel_loop3A_639, %parallel_loop3A_640] {strides = array<i32>} : memref<64x512xf32, #tpu.memory_space<vmem>>, vector<16xf32>,
        tpu.vector_store %arg9[%parallel_loop3A_639, %parallel_loop3A_640], %parallel_loop3A_635 {strides = array<i32>} : memref<64x512xf32, #tpu.memory_space<vmem>>, vector<16xf32>,
        %parallel_loop3A_642 = arith.constant 2560 : i32
        %parallel_loop3A_643 = tpu.memref_slice %arg5[%parallel_loop3A_642] : memref<4096xf32, #tpu.memory_space<vmem>> -> memref<512xf32, #tpu.memory_space<vmem>>
        %parallel_loop3A_644 = tpu.vector_load_idx %parallel_loop3A_643[%parallel_loop3A_596] : memref<512xf32, #tpu.memory_space<vmem>>[vector<16xi32>], vector<16xf32>,
        %parallel_loop3A_645 = arith.constant 16 : i32
        %parallel_loop3A_646 = arith.muli %parallel_loop3A_94, %parallel_loop3A_645 : i32
        %parallel_loop3A_647 = arith.constant 53 : i32
        %parallel_loop3A_648 = arith.index_cast %parallel_loop3A_647 : i32 to index
        %parallel_loop3A_649 = arith.index_cast %parallel_loop3A_646 : i32 to index
        %parallel_loop3A_650 = tpu.vector_load %arg9[%parallel_loop3A_648, %parallel_loop3A_649] {strides = array<i32>} : memref<64x512xf32, #tpu.memory_space<vmem>>, vector<16xf32>,
        tpu.vector_store %arg9[%parallel_loop3A_648, %parallel_loop3A_649], %parallel_loop3A_644 {strides = array<i32>} : memref<64x512xf32, #tpu.memory_space<vmem>>, vector<16xf32>,
        %parallel_loop3A_651 = arith.constant 3072 : i32
        %parallel_loop3A_652 = tpu.memref_slice %arg5[%parallel_loop3A_651] : memref<4096xf32, #tpu.memory_space<vmem>> -> memref<512xf32, #tpu.memory_space<vmem>>
        %parallel_loop3A_653 = tpu.vector_load_idx %parallel_loop3A_652[%parallel_loop3A_596] : memref<512xf32, #tpu.memory_space<vmem>>[vector<16xi32>], vector<16xf32>,
        %parallel_loop3A_654 = arith.constant 16 : i32
        %parallel_loop3A_655 = arith.muli %parallel_loop3A_94, %parallel_loop3A_654 : i32
        %parallel_loop3A_656 = arith.constant 54 : i32
        %parallel_loop3A_657 = arith.index_cast %parallel_loop3A_656 : i32 to index
        %parallel_loop3A_658 = arith.index_cast %parallel_loop3A_655 : i32 to index
        %parallel_loop3A_659 = tpu.vector_load %arg9[%parallel_loop3A_657, %parallel_loop3A_658] {strides = array<i32>} : memref<64x512xf32, #tpu.memory_space<vmem>>, vector<16xf32>,
        tpu.vector_store %arg9[%parallel_loop3A_657, %parallel_loop3A_658], %parallel_loop3A_653 {strides = array<i32>} : memref<64x512xf32, #tpu.memory_space<vmem>>, vector<16xf32>,
        %parallel_loop3A_660 = arith.constant 3584 : i32
        %parallel_loop3A_661 = tpu.memref_slice %arg5[%parallel_loop3A_660] : memref<4096xf32, #tpu.memory_space<vmem>> -> memref<512xf32, #tpu.memory_space<vmem>>
        %parallel_loop3A_662 = tpu.vector_load_idx %parallel_loop3A_661[%parallel_loop3A_596] : memref<512xf32, #tpu.memory_space<vmem>>[vector<16xi32>], vector<16xf32>,
        %parallel_loop3A_663 = arith.constant 16 : i32
        %parallel_loop3A_664 = arith.muli %parallel_loop3A_94, %parallel_loop3A_663 : i32
        %parallel_loop3A_665 = arith.constant 55 : i32
        %parallel_loop3A_666 = arith.index_cast %parallel_loop3A_665 : i32 to index
        %parallel_loop3A_667 = arith.index_cast %parallel_loop3A_664 : i32 to index
        %parallel_loop3A_668 = tpu.vector_load %arg9[%parallel_loop3A_666, %parallel_loop3A_667] {strides = array<i32>} : memref<64x512xf32, #tpu.memory_space<vmem>>, vector<16xf32>,
        tpu.vector_store %arg9[%parallel_loop3A_666, %parallel_loop3A_667], %parallel_loop3A_662 {strides = array<i32>} : memref<64x512xf32, #tpu.memory_space<vmem>>, vector<16xf32>,
        %parallel_loop3A_669 = arith.constant 16 : i32
        %parallel_loop3A_670 = arith.muli %parallel_loop3A_94, %parallel_loop3A_669 : i32
        %parallel_loop3A_671 = arith.constant 7 : i32
        %parallel_loop3A_672 = arith.index_cast %parallel_loop3A_671 : i32 to index
        %parallel_loop3A_673 = arith.index_cast %parallel_loop3A_670 : i32 to index
        %parallel_loop3A_674 = tpu.vector_load %arg7[%parallel_loop3A_672, %parallel_loop3A_673] {strides = array<i32>} : memref<8x512xi32, #tpu.memory_space<vmem>>, vector<16xi32>,
        %parallel_loop3A_675 = arith.constant 16 : i32
        %parallel_loop3A_676 = vector.broadcast %parallel_loop3A_675 : i32 to vector<16xi32>
        %parallel_loop3A_677 = arith.muli %parallel_loop3A_674, %parallel_loop3A_676 : vector<16xi32>
        %parallel_loop3A_678 = arith.addi %parallel_loop3A_677, %iota3A : vector<16xi32>
        %parallel_loop3A_679 = arith.constant 0 : i32
        %parallel_loop3A_680 = tpu.memref_slice %arg5[%parallel_loop3A_679] : memref<4096xf32, #tpu.memory_space<vmem>> -> memref<512xf32, #tpu.memory_space<vmem>>
        %parallel_loop3A_681 = tpu.vector_load_idx %parallel_loop3A_680[%parallel_loop3A_678] : memref<512xf32, #tpu.memory_space<vmem>>[vector<16xi32>], vector<16xf32>,
        %parallel_loop3A_682 = arith.constant 16 : i32
        %parallel_loop3A_683 = arith.muli %parallel_loop3A_94, %parallel_loop3A_682 : i32
        %parallel_loop3A_684 = arith.constant 56 : i32
        %parallel_loop3A_685 = arith.index_cast %parallel_loop3A_684 : i32 to index
        %parallel_loop3A_686 = arith.index_cast %parallel_loop3A_683 : i32 to index
        %parallel_loop3A_687 = tpu.vector_load %arg9[%parallel_loop3A_685, %parallel_loop3A_686] {strides = array<i32>} : memref<64x512xf32, #tpu.memory_space<vmem>>, vector<16xf32>,
        tpu.vector_store %arg9[%parallel_loop3A_685, %parallel_loop3A_686], %parallel_loop3A_681 {strides = array<i32>} : memref<64x512xf32, #tpu.memory_space<vmem>>, vector<16xf32>,
        %parallel_loop3A_688 = arith.constant 512 : i32
        %parallel_loop3A_689 = tpu.memref_slice %arg5[%parallel_loop3A_688] : memref<4096xf32, #tpu.memory_space<vmem>> -> memref<512xf32, #tpu.memory_space<vmem>>
        %parallel_loop3A_690 = tpu.vector_load_idx %parallel_loop3A_689[%parallel_loop3A_678] : memref<512xf32, #tpu.memory_space<vmem>>[vector<16xi32>], vector<16xf32>,
        %parallel_loop3A_691 = arith.constant 16 : i32
        %parallel_loop3A_692 = arith.muli %parallel_loop3A_94, %parallel_loop3A_691 : i32
        %parallel_loop3A_693 = arith.constant 57 : i32
        %parallel_loop3A_694 = arith.index_cast %parallel_loop3A_693 : i32 to index
        %parallel_loop3A_695 = arith.index_cast %parallel_loop3A_692 : i32 to index
        %parallel_loop3A_696 = tpu.vector_load %arg9[%parallel_loop3A_694, %parallel_loop3A_695] {strides = array<i32>} : memref<64x512xf32, #tpu.memory_space<vmem>>, vector<16xf32>,
        tpu.vector_store %arg9[%parallel_loop3A_694, %parallel_loop3A_695], %parallel_loop3A_690 {strides = array<i32>} : memref<64x512xf32, #tpu.memory_space<vmem>>, vector<16xf32>,
        %parallel_loop3A_697 = arith.constant 1024 : i32
        %parallel_loop3A_698 = tpu.memref_slice %arg5[%parallel_loop3A_697] : memref<4096xf32, #tpu.memory_space<vmem>> -> memref<512xf32, #tpu.memory_space<vmem>>
        %parallel_loop3A_699 = tpu.vector_load_idx %parallel_loop3A_698[%parallel_loop3A_678] : memref<512xf32, #tpu.memory_space<vmem>>[vector<16xi32>], vector<16xf32>,
        %parallel_loop3A_700 = arith.constant 16 : i32
        %parallel_loop3A_701 = arith.muli %parallel_loop3A_94, %parallel_loop3A_700 : i32
        %parallel_loop3A_702 = arith.constant 58 : i32
        %parallel_loop3A_703 = arith.index_cast %parallel_loop3A_702 : i32 to index
        %parallel_loop3A_704 = arith.index_cast %parallel_loop3A_701 : i32 to index
        %parallel_loop3A_705 = tpu.vector_load %arg9[%parallel_loop3A_703, %parallel_loop3A_704] {strides = array<i32>} : memref<64x512xf32, #tpu.memory_space<vmem>>, vector<16xf32>,
        tpu.vector_store %arg9[%parallel_loop3A_703, %parallel_loop3A_704], %parallel_loop3A_699 {strides = array<i32>} : memref<64x512xf32, #tpu.memory_space<vmem>>, vector<16xf32>,
        %parallel_loop3A_706 = arith.constant 1536 : i32
        %parallel_loop3A_707 = tpu.memref_slice %arg5[%parallel_loop3A_706] : memref<4096xf32, #tpu.memory_space<vmem>> -> memref<512xf32, #tpu.memory_space<vmem>>
        %parallel_loop3A_708 = tpu.vector_load_idx %parallel_loop3A_707[%parallel_loop3A_678] : memref<512xf32, #tpu.memory_space<vmem>>[vector<16xi32>], vector<16xf32>,
        %parallel_loop3A_709 = arith.constant 16 : i32
        %parallel_loop3A_710 = arith.muli %parallel_loop3A_94, %parallel_loop3A_709 : i32
        %parallel_loop3A_711 = arith.constant 59 : i32
        %parallel_loop3A_712 = arith.index_cast %parallel_loop3A_711 : i32 to index
        %parallel_loop3A_713 = arith.index_cast %parallel_loop3A_710 : i32 to index
        %parallel_loop3A_714 = tpu.vector_load %arg9[%parallel_loop3A_712, %parallel_loop3A_713] {strides = array<i32>} : memref<64x512xf32, #tpu.memory_space<vmem>>, vector<16xf32>,
        tpu.vector_store %arg9[%parallel_loop3A_712, %parallel_loop3A_713], %parallel_loop3A_708 {strides = array<i32>} : memref<64x512xf32, #tpu.memory_space<vmem>>, vector<16xf32>,
        %parallel_loop3A_715 = arith.constant 2048 : i32
        %parallel_loop3A_716 = tpu.memref_slice %arg5[%parallel_loop3A_715] : memref<4096xf32, #tpu.memory_space<vmem>> -> memref<512xf32, #tpu.memory_space<vmem>>
        %parallel_loop3A_717 = tpu.vector_load_idx %parallel_loop3A_716[%parallel_loop3A_678] : memref<512xf32, #tpu.memory_space<vmem>>[vector<16xi32>], vector<16xf32>,
        %parallel_loop3A_718 = arith.constant 16 : i32
        %parallel_loop3A_719 = arith.muli %parallel_loop3A_94, %parallel_loop3A_718 : i32
        %parallel_loop3A_720 = arith.constant 60 : i32
        %parallel_loop3A_721 = arith.index_cast %parallel_loop3A_720 : i32 to index
        %parallel_loop3A_722 = arith.index_cast %parallel_loop3A_719 : i32 to index
        %parallel_loop3A_723 = tpu.vector_load %arg9[%parallel_loop3A_721, %parallel_loop3A_722] {strides = array<i32>} : memref<64x512xf32, #tpu.memory_space<vmem>>, vector<16xf32>,
        tpu.vector_store %arg9[%parallel_loop3A_721, %parallel_loop3A_722], %parallel_loop3A_717 {strides = array<i32>} : memref<64x512xf32, #tpu.memory_space<vmem>>, vector<16xf32>,
        %parallel_loop3A_724 = arith.constant 2560 : i32
        %parallel_loop3A_725 = tpu.memref_slice %arg5[%parallel_loop3A_724] : memref<4096xf32, #tpu.memory_space<vmem>> -> memref<512xf32, #tpu.memory_space<vmem>>
        %parallel_loop3A_726 = tpu.vector_load_idx %parallel_loop3A_725[%parallel_loop3A_678] : memref<512xf32, #tpu.memory_space<vmem>>[vector<16xi32>], vector<16xf32>,
        %parallel_loop3A_727 = arith.constant 16 : i32
        %parallel_loop3A_728 = arith.muli %parallel_loop3A_94, %parallel_loop3A_727 : i32
        %parallel_loop3A_729 = arith.constant 61 : i32
        %parallel_loop3A_730 = arith.index_cast %parallel_loop3A_729 : i32 to index
        %parallel_loop3A_731 = arith.index_cast %parallel_loop3A_728 : i32 to index
        %parallel_loop3A_732 = tpu.vector_load %arg9[%parallel_loop3A_730, %parallel_loop3A_731] {strides = array<i32>} : memref<64x512xf32, #tpu.memory_space<vmem>>, vector<16xf32>,
        tpu.vector_store %arg9[%parallel_loop3A_730, %parallel_loop3A_731], %parallel_loop3A_726 {strides = array<i32>} : memref<64x512xf32, #tpu.memory_space<vmem>>, vector<16xf32>,
        %parallel_loop3A_733 = arith.constant 3072 : i32
        %parallel_loop3A_734 = tpu.memref_slice %arg5[%parallel_loop3A_733] : memref<4096xf32, #tpu.memory_space<vmem>> -> memref<512xf32, #tpu.memory_space<vmem>>
        %parallel_loop3A_735 = tpu.vector_load_idx %parallel_loop3A_734[%parallel_loop3A_678] : memref<512xf32, #tpu.memory_space<vmem>>[vector<16xi32>], vector<16xf32>,
        %parallel_loop3A_736 = arith.constant 16 : i32
        %parallel_loop3A_737 = arith.muli %parallel_loop3A_94, %parallel_loop3A_736 : i32
        %parallel_loop3A_738 = arith.constant 62 : i32
        %parallel_loop3A_739 = arith.index_cast %parallel_loop3A_738 : i32 to index
        %parallel_loop3A_740 = arith.index_cast %parallel_loop3A_737 : i32 to index
        %parallel_loop3A_741 = tpu.vector_load %arg9[%parallel_loop3A_739, %parallel_loop3A_740] {strides = array<i32>} : memref<64x512xf32, #tpu.memory_space<vmem>>, vector<16xf32>,
        tpu.vector_store %arg9[%parallel_loop3A_739, %parallel_loop3A_740], %parallel_loop3A_735 {strides = array<i32>} : memref<64x512xf32, #tpu.memory_space<vmem>>, vector<16xf32>,
        %parallel_loop3A_742 = arith.constant 3584 : i32
        %parallel_loop3A_743 = tpu.memref_slice %arg5[%parallel_loop3A_742] : memref<4096xf32, #tpu.memory_space<vmem>> -> memref<512xf32, #tpu.memory_space<vmem>>
        %parallel_loop3A_744 = tpu.vector_load_idx %parallel_loop3A_743[%parallel_loop3A_678] : memref<512xf32, #tpu.memory_space<vmem>>[vector<16xi32>], vector<16xf32>,
        %parallel_loop3A_745 = arith.constant 16 : i32
        %parallel_loop3A_746 = arith.muli %parallel_loop3A_94, %parallel_loop3A_745 : i32
        %parallel_loop3A_747 = arith.constant 63 : i32
        %parallel_loop3A_748 = arith.index_cast %parallel_loop3A_747 : i32 to index
        %parallel_loop3A_749 = arith.index_cast %parallel_loop3A_746 : i32 to index
        %parallel_loop3A_750 = tpu.vector_load %arg9[%parallel_loop3A_748, %parallel_loop3A_749] {strides = array<i32>} : memref<64x512xf32, #tpu.memory_space<vmem>>, vector<16xf32>,
        tpu.vector_store %arg9[%parallel_loop3A_748, %parallel_loop3A_749], %parallel_loop3A_744 {strides = array<i32>} : memref<64x512xf32, #tpu.memory_space<vmem>>, vector<16xf32>,
      } {sc.loop_unroll_factor = 8 : i64, sc.parallel_access}
      %mul3A_60 = arith.constant 64 : i32
      %mul3A_61 = arith.muli %add3A_42, %mul3A_60 : i32
      %dma_start3A_62 = tpu.memref_slice %arg4[%mul3A_61, %mul3A_2] : memref<1600x16384xf32, #tpu.memory_space<hbm>> -> memref<64x512xf32, #tpu.memory_space<hbm>>
      %dma_start3A_63 = tpu.memref_slice %arg4[%mul3A_61, %mul3A_2] : memref<1600x16384xf32, #tpu.memory_space<hbm>> -> memref<64x512xf32, #tpu.memory_space<hbm>>
      tpu.enqueue_dma source(%arg9 : memref<64x512xf32, #tpu.memory_space<vmem>>) target(%dma_start3A_63 : memref<64x512xf32, #tpu.memory_space<hbm>>) target_semaphore(%arg13 : memref<!tpu.dma_semaphore, #tpu.memory_space<semaphore_mem>>)
      %mul3A_64 = arith.constant 2 : i32
      %mul3A_65 = arith.muli %scan3A_38, %mul3A_64 : i32
      %add3A_66 = arith.constant 2 : i32
      %add3A_67 = arith.addi %mul3A_65, %add3A_66 : i32
      %dma_wait3A_68 = arith.constant 0 : i32
      %dma_wait3A_69 = arith.constant 0 : i32
      %dma_wait3A_70 = tpu.memref_slice %arg3[%dma_wait3A_68, %dma_wait3A_69] : memref<200x16384xi32, #tpu.memory_space<hbm>> -> memref<8x512xi32, #tpu.memory_space<hbm>>
      %dma_wait3A_71 = arith.constant 0 : i32
      %dma_wait3A_72 = arith.constant 0 : i32
      %dma_wait3A_73 = tpu.memref_slice %arg3[%dma_wait3A_71, %dma_wait3A_72] : memref<200x16384xi32, #tpu.memory_space<hbm>> -> memref<8x512xi32, #tpu.memory_space<hbm>>
      tpu.wait_dma2 semaphore(%arg10 : memref<!tpu.dma_semaphore, #tpu.memory_space<semaphore_mem>>) src(%dma_wait3A_73 : memref<8x512xi32, #tpu.memory_space<hbm>>) dst(%arg6 : memref<8x512xi32, #tpu.memory_space<vmem>>)
      %add3A_74 = arith.constant 1 : i32
      %add3A_75 = arith.addi %add3A_67, %add3A_74 : i32
      %lt3A_76 = arith.constant 25 : i32
      %lt3A_77 = arith.cmpi slt, %add3A_75, %lt3A_76 : i32
      %convert_element_type3A_78 = arith.extui %lt3A_77 : i1 to i32
      %cond3A_79 = arith.constant 0 : i32
      %cond3A_80 = arith.cmpi ne, %convert_element_type3A_78, %cond3A_79 : i32
      scf.if %cond3A_80 {
        %add3A_94 = arith.constant 1 : i32
        %add3A_95 = arith.addi %add3A_67, %add3A_94 : i32
        %mul3A_96 = arith.constant 8 : i32
        %mul3A_97 = arith.muli %add3A_95, %mul3A_96 : i32
        %dma_start3A_98 = tpu.memref_slice %arg3[%mul3A_97, %mul3A_2] : memref<200x16384xi32, #tpu.memory_space<hbm>> -> memref<8x512xi32, #tpu.memory_space<hbm>>
        %dma_start3A_99 = tpu.memref_slice %arg3[%mul3A_97, %mul3A_2] : memref<200x16384xi32, #tpu.memory_space<hbm>> -> memref<8x512xi32, #tpu.memory_space<hbm>>
        tpu.enqueue_dma source(%dma_start3A_99 : memref<8x512xi32, #tpu.memory_space<hbm>>) target(%arg7 : memref<8x512xi32, #tpu.memory_space<vmem>>) target_semaphore(%arg11 : memref<!tpu.dma_semaphore, #tpu.memory_space<semaphore_mem>>)
      } else {
      }
      %dma_wait3A_81 = arith.constant 0 : i32
      %dma_wait3A_82 = arith.constant 0 : i32
      %dma_wait3A_83 = tpu.memref_slice %arg4[%dma_wait3A_81, %dma_wait3A_82] : memref<1600x16384xf32, #tpu.memory_space<hbm>> -> memref<64x512xf32, #tpu.memory_space<hbm>>
      %dma_wait3A_84 = arith.constant 0 : i32
      %dma_wait3A_85 = arith.constant 0 : i32
      %dma_wait3A_86 = tpu.memref_slice %arg4[%dma_wait3A_84, %dma_wait3A_85] : memref<1600x16384xf32, #tpu.memory_space<hbm>> -> memref<64x512xf32, #tpu.memory_space<hbm>>
      tpu.wait_dma2 semaphore(%arg12 : memref<!tpu.dma_semaphore, #tpu.memory_space<semaphore_mem>>) src(%arg8 : memref<64x512xf32, #tpu.memory_space<vmem>>) dst(%dma_wait3A_86 : memref<64x512xf32, #tpu.memory_space<hbm>>)
      %parallel_loop3A_87 = arith.constant 0 : i32
      %parallel_loop3A_88 = arith.constant 32 : i32
      %parallel_loop3A_89 = arith.constant 1 : i32
      scf.for %parallel_loop3A_94 = %parallel_loop3A_87 to %parallel_loop3A_88 step %parallel_loop3A_89  : i32 {
        %parallel_loop3A_95 = arith.constant 16 : i32
        %parallel_loop3A_96 = arith.muli %parallel_loop3A_94, %parallel_loop3A_95 : i32
        %parallel_loop3A_97 = arith.constant 0 : i32
        %parallel_loop3A_98 = arith.index_cast %parallel_loop3A_97 : i32 to index
        %parallel_loop3A_99 = arith.index_cast %parallel_loop3A_96 : i32 to index
        %parallel_loop3A_100 = tpu.vector_load %arg6[%parallel_loop3A_98, %parallel_loop3A_99] {strides = array<i32>} : memref<8x512xi32, #tpu.memory_space<vmem>>, vector<16xi32>,
        %parallel_loop3A_101 = arith.constant 16 : i32
        %parallel_loop3A_102 = vector.broadcast %parallel_loop3A_101 : i32 to vector<16xi32>
        %parallel_loop3A_103 = arith.muli %parallel_loop3A_100, %parallel_loop3A_102 : vector<16xi32>
        %parallel_loop3A_104 = arith.addi %parallel_loop3A_103, %iota3A : vector<16xi32>
        %parallel_loop3A_105 = arith.constant 0 : i32
        %parallel_loop3A_106 = tpu.memref_slice %arg5[%parallel_loop3A_105] : memref<4096xf32, #tpu.memory_space<vmem>> -> memref<512xf32, #tpu.memory_space<vmem>>
        %parallel_loop3A_107 = tpu.vector_load_idx %parallel_loop3A_106[%parallel_loop3A_104] : memref<512xf32, #tpu.memory_space<vmem>>[vector<16xi32>], vector<16xf32>,
        %parallel_loop3A_108 = arith.constant 16 : i32
        %parallel_loop3A_109 = arith.muli %parallel_loop3A_94, %parallel_loop3A_108 : i32
        %parallel_loop3A_110 = arith.constant 0 : i32
        %parallel_loop3A_111 = arith.index_cast %parallel_loop3A_110 : i32 to index
        %parallel_loop3A_112 = arith.index_cast %parallel_loop3A_109 : i32 to index
        %parallel_loop3A_113 = tpu.vector_load %arg8[%parallel_loop3A_111, %parallel_loop3A_112] {strides = array<i32>} : memref<64x512xf32, #tpu.memory_space<vmem>>, vector<16xf32>,
        tpu.vector_store %arg8[%parallel_loop3A_111, %parallel_loop3A_112], %parallel_loop3A_107 {strides = array<i32>} : memref<64x512xf32, #tpu.memory_space<vmem>>, vector<16xf32>,
        %parallel_loop3A_114 = arith.constant 512 : i32
        %parallel_loop3A_115 = tpu.memref_slice %arg5[%parallel_loop3A_114] : memref<4096xf32, #tpu.memory_space<vmem>> -> memref<512xf32, #tpu.memory_space<vmem>>
        %parallel_loop3A_116 = tpu.vector_load_idx %parallel_loop3A_115[%parallel_loop3A_104] : memref<512xf32, #tpu.memory_space<vmem>>[vector<16xi32>], vector<16xf32>,
        %parallel_loop3A_117 = arith.constant 16 : i32
        %parallel_loop3A_118 = arith.muli %parallel_loop3A_94, %parallel_loop3A_117 : i32
        %parallel_loop3A_119 = arith.constant 1 : i32
        %parallel_loop3A_120 = arith.index_cast %parallel_loop3A_119 : i32 to index
        %parallel_loop3A_121 = arith.index_cast %parallel_loop3A_118 : i32 to index
        %parallel_loop3A_122 = tpu.vector_load %arg8[%parallel_loop3A_120, %parallel_loop3A_121] {strides = array<i32>} : memref<64x512xf32, #tpu.memory_space<vmem>>, vector<16xf32>,
        tpu.vector_store %arg8[%parallel_loop3A_120, %parallel_loop3A_121], %parallel_loop3A_116 {strides = array<i32>} : memref<64x512xf32, #tpu.memory_space<vmem>>, vector<16xf32>,
        %parallel_loop3A_123 = arith.constant 1024 : i32
        %parallel_loop3A_124 = tpu.memref_slice %arg5[%parallel_loop3A_123] : memref<4096xf32, #tpu.memory_space<vmem>> -> memref<512xf32, #tpu.memory_space<vmem>>
        %parallel_loop3A_125 = tpu.vector_load_idx %parallel_loop3A_124[%parallel_loop3A_104] : memref<512xf32, #tpu.memory_space<vmem>>[vector<16xi32>], vector<16xf32>,
        %parallel_loop3A_126 = arith.constant 16 : i32
        %parallel_loop3A_127 = arith.muli %parallel_loop3A_94, %parallel_loop3A_126 : i32
        %parallel_loop3A_128 = arith.constant 2 : i32
        %parallel_loop3A_129 = arith.index_cast %parallel_loop3A_128 : i32 to index
        %parallel_loop3A_130 = arith.index_cast %parallel_loop3A_127 : i32 to index
        %parallel_loop3A_131 = tpu.vector_load %arg8[%parallel_loop3A_129, %parallel_loop3A_130] {strides = array<i32>} : memref<64x512xf32, #tpu.memory_space<vmem>>, vector<16xf32>,
        tpu.vector_store %arg8[%parallel_loop3A_129, %parallel_loop3A_130], %parallel_loop3A_125 {strides = array<i32>} : memref<64x512xf32, #tpu.memory_space<vmem>>, vector<16xf32>,
        %parallel_loop3A_132 = arith.constant 1536 : i32
        %parallel_loop3A_133 = tpu.memref_slice %arg5[%parallel_loop3A_132] : memref<4096xf32, #tpu.memory_space<vmem>> -> memref<512xf32, #tpu.memory_space<vmem>>
        %parallel_loop3A_134 = tpu.vector_load_idx %parallel_loop3A_133[%parallel_loop3A_104] : memref<512xf32, #tpu.memory_space<vmem>>[vector<16xi32>], vector<16xf32>,
        %parallel_loop3A_135 = arith.constant 16 : i32
        %parallel_loop3A_136 = arith.muli %parallel_loop3A_94, %parallel_loop3A_135 : i32
        %parallel_loop3A_137 = arith.constant 3 : i32
        %parallel_loop3A_138 = arith.index_cast %parallel_loop3A_137 : i32 to index
        %parallel_loop3A_139 = arith.index_cast %parallel_loop3A_136 : i32 to index
        %parallel_loop3A_140 = tpu.vector_load %arg8[%parallel_loop3A_138, %parallel_loop3A_139] {strides = array<i32>} : memref<64x512xf32, #tpu.memory_space<vmem>>, vector<16xf32>,
        tpu.vector_store %arg8[%parallel_loop3A_138, %parallel_loop3A_139], %parallel_loop3A_134 {strides = array<i32>} : memref<64x512xf32, #tpu.memory_space<vmem>>, vector<16xf32>,
        %parallel_loop3A_141 = arith.constant 2048 : i32
        %parallel_loop3A_142 = tpu.memref_slice %arg5[%parallel_loop3A_141] : memref<4096xf32, #tpu.memory_space<vmem>> -> memref<512xf32, #tpu.memory_space<vmem>>
        %parallel_loop3A_143 = tpu.vector_load_idx %parallel_loop3A_142[%parallel_loop3A_104] : memref<512xf32, #tpu.memory_space<vmem>>[vector<16xi32>], vector<16xf32>,
        %parallel_loop3A_144 = arith.constant 16 : i32
        %parallel_loop3A_145 = arith.muli %parallel_loop3A_94, %parallel_loop3A_144 : i32
        %parallel_loop3A_146 = arith.constant 4 : i32
        %parallel_loop3A_147 = arith.index_cast %parallel_loop3A_146 : i32 to index
        %parallel_loop3A_148 = arith.index_cast %parallel_loop3A_145 : i32 to index
        %parallel_loop3A_149 = tpu.vector_load %arg8[%parallel_loop3A_147, %parallel_loop3A_148] {strides = array<i32>} : memref<64x512xf32, #tpu.memory_space<vmem>>, vector<16xf32>,
        tpu.vector_store %arg8[%parallel_loop3A_147, %parallel_loop3A_148], %parallel_loop3A_143 {strides = array<i32>} : memref<64x512xf32, #tpu.memory_space<vmem>>, vector<16xf32>,
        %parallel_loop3A_150 = arith.constant 2560 : i32
        %parallel_loop3A_151 = tpu.memref_slice %arg5[%parallel_loop3A_150] : memref<4096xf32, #tpu.memory_space<vmem>> -> memref<512xf32, #tpu.memory_space<vmem>>
        %parallel_loop3A_152 = tpu.vector_load_idx %parallel_loop3A_151[%parallel_loop3A_104] : memref<512xf32, #tpu.memory_space<vmem>>[vector<16xi32>], vector<16xf32>,
        %parallel_loop3A_153 = arith.constant 16 : i32
        %parallel_loop3A_154 = arith.muli %parallel_loop3A_94, %parallel_loop3A_153 : i32
        %parallel_loop3A_155 = arith.constant 5 : i32
        %parallel_loop3A_156 = arith.index_cast %parallel_loop3A_155 : i32 to index
        %parallel_loop3A_157 = arith.index_cast %parallel_loop3A_154 : i32 to index
        %parallel_loop3A_158 = tpu.vector_load %arg8[%parallel_loop3A_156, %parallel_loop3A_157] {strides = array<i32>} : memref<64x512xf32, #tpu.memory_space<vmem>>, vector<16xf32>,
        tpu.vector_store %arg8[%parallel_loop3A_156, %parallel_loop3A_157], %parallel_loop3A_152 {strides = array<i32>} : memref<64x512xf32, #tpu.memory_space<vmem>>, vector<16xf32>,
        %parallel_loop3A_159 = arith.constant 3072 : i32
        %parallel_loop3A_160 = tpu.memref_slice %arg5[%parallel_loop3A_159] : memref<4096xf32, #tpu.memory_space<vmem>> -> memref<512xf32, #tpu.memory_space<vmem>>
        %parallel_loop3A_161 = tpu.vector_load_idx %parallel_loop3A_160[%parallel_loop3A_104] : memref<512xf32, #tpu.memory_space<vmem>>[vector<16xi32>], vector<16xf32>,
        %parallel_loop3A_162 = arith.constant 16 : i32
        %parallel_loop3A_163 = arith.muli %parallel_loop3A_94, %parallel_loop3A_162 : i32
        %parallel_loop3A_164 = arith.constant 6 : i32
        %parallel_loop3A_165 = arith.index_cast %parallel_loop3A_164 : i32 to index
        %parallel_loop3A_166 = arith.index_cast %parallel_loop3A_163 : i32 to index
        %parallel_loop3A_167 = tpu.vector_load %arg8[%parallel_loop3A_165, %parallel_loop3A_166] {strides = array<i32>} : memref<64x512xf32, #tpu.memory_space<vmem>>, vector<16xf32>,
        tpu.vector_store %arg8[%parallel_loop3A_165, %parallel_loop3A_166], %parallel_loop3A_161 {strides = array<i32>} : memref<64x512xf32, #tpu.memory_space<vmem>>, vector<16xf32>,
        %parallel_loop3A_168 = arith.constant 3584 : i32
        %parallel_loop3A_169 = tpu.memref_slice %arg5[%parallel_loop3A_168] : memref<4096xf32, #tpu.memory_space<vmem>> -> memref<512xf32, #tpu.memory_space<vmem>>
        %parallel_loop3A_170 = tpu.vector_load_idx %parallel_loop3A_169[%parallel_loop3A_104] : memref<512xf32, #tpu.memory_space<vmem>>[vector<16xi32>], vector<16xf32>,
        %parallel_loop3A_171 = arith.constant 16 : i32
        %parallel_loop3A_172 = arith.muli %parallel_loop3A_94, %parallel_loop3A_171 : i32
        %parallel_loop3A_173 = arith.constant 7 : i32
        %parallel_loop3A_174 = arith.index_cast %parallel_loop3A_173 : i32 to index
        %parallel_loop3A_175 = arith.index_cast %parallel_loop3A_172 : i32 to index
        %parallel_loop3A_176 = tpu.vector_load %arg8[%parallel_loop3A_174, %parallel_loop3A_175] {strides = array<i32>} : memref<64x512xf32, #tpu.memory_space<vmem>>, vector<16xf32>,
        tpu.vector_store %arg8[%parallel_loop3A_174, %parallel_loop3A_175], %parallel_loop3A_170 {strides = array<i32>} : memref<64x512xf32, #tpu.memory_space<vmem>>, vector<16xf32>,
        %parallel_loop3A_177 = arith.constant 16 : i32
        %parallel_loop3A_178 = arith.muli %parallel_loop3A_94, %parallel_loop3A_177 : i32
        %parallel_loop3A_179 = arith.constant 1 : i32
        %parallel_loop3A_180 = arith.index_cast %parallel_loop3A_179 : i32 to index
        %parallel_loop3A_181 = arith.index_cast %parallel_loop3A_178 : i32 to index
        %parallel_loop3A_182 = tpu.vector_load %arg6[%parallel_loop3A_180, %parallel_loop3A_181] {strides = array<i32>} : memref<8x512xi32, #tpu.memory_space<vmem>>, vector<16xi32>,
        %parallel_loop3A_183 = arith.constant 16 : i32
        %parallel_loop3A_184 = vector.broadcast %parallel_loop3A_183 : i32 to vector<16xi32>
        %parallel_loop3A_185 = arith.muli %parallel_loop3A_182, %parallel_loop3A_184 : vector<16xi32>
        %parallel_loop3A_186 = arith.addi %parallel_loop3A_185, %iota3A : vector<16xi32>
        %parallel_loop3A_187 = arith.constant 0 : i32
        %parallel_loop3A_188 = tpu.memref_slice %arg5[%parallel_loop3A_187] : memref<4096xf32, #tpu.memory_space<vmem>> -> memref<512xf32, #tpu.memory_space<vmem>>
        %parallel_loop3A_189 = tpu.vector_load_idx %parallel_loop3A_188[%parallel_loop3A_186] : memref<512xf32, #tpu.memory_space<vmem>>[vector<16xi32>], vector<16xf32>,
        %parallel_loop3A_190 = arith.constant 16 : i32
        %parallel_loop3A_191 = arith.muli %parallel_loop3A_94, %parallel_loop3A_190 : i32
        %parallel_loop3A_192 = arith.constant 8 : i32
        %parallel_loop3A_193 = arith.index_cast %parallel_loop3A_192 : i32 to index
        %parallel_loop3A_194 = arith.index_cast %parallel_loop3A_191 : i32 to index
        %parallel_loop3A_195 = tpu.vector_load %arg8[%parallel_loop3A_193, %parallel_loop3A_194] {strides = array<i32>} : memref<64x512xf32, #tpu.memory_space<vmem>>, vector<16xf32>,
        tpu.vector_store %arg8[%parallel_loop3A_193, %parallel_loop3A_194], %parallel_loop3A_189 {strides = array<i32>} : memref<64x512xf32, #tpu.memory_space<vmem>>, vector<16xf32>,
        %parallel_loop3A_196 = arith.constant 512 : i32
        %parallel_loop3A_197 = tpu.memref_slice %arg5[%parallel_loop3A_196] : memref<4096xf32, #tpu.memory_space<vmem>> -> memref<512xf32, #tpu.memory_space<vmem>>
        %parallel_loop3A_198 = tpu.vector_load_idx %parallel_loop3A_197[%parallel_loop3A_186] : memref<512xf32, #tpu.memory_space<vmem>>[vector<16xi32>], vector<16xf32>,
        %parallel_loop3A_199 = arith.constant 16 : i32
        %parallel_loop3A_200 = arith.muli %parallel_loop3A_94, %parallel_loop3A_199 : i32
        %parallel_loop3A_201 = arith.constant 9 : i32
        %parallel_loop3A_202 = arith.index_cast %parallel_loop3A_201 : i32 to index
        %parallel_loop3A_203 = arith.index_cast %parallel_loop3A_200 : i32 to index
        %parallel_loop3A_204 = tpu.vector_load %arg8[%parallel_loop3A_202, %parallel_loop3A_203] {strides = array<i32>} : memref<64x512xf32, #tpu.memory_space<vmem>>, vector<16xf32>,
        tpu.vector_store %arg8[%parallel_loop3A_202, %parallel_loop3A_203], %parallel_loop3A_198 {strides = array<i32>} : memref<64x512xf32, #tpu.memory_space<vmem>>, vector<16xf32>,
        %parallel_loop3A_205 = arith.constant 1024 : i32
        %parallel_loop3A_206 = tpu.memref_slice %arg5[%parallel_loop3A_205] : memref<4096xf32, #tpu.memory_space<vmem>> -> memref<512xf32, #tpu.memory_space<vmem>>
        %parallel_loop3A_207 = tpu.vector_load_idx %parallel_loop3A_206[%parallel_loop3A_186] : memref<512xf32, #tpu.memory_space<vmem>>[vector<16xi32>], vector<16xf32>,
        %parallel_loop3A_208 = arith.constant 16 : i32
        %parallel_loop3A_209 = arith.muli %parallel_loop3A_94, %parallel_loop3A_208 : i32
        %parallel_loop3A_210 = arith.constant 10 : i32
        %parallel_loop3A_211 = arith.index_cast %parallel_loop3A_210 : i32 to index
        %parallel_loop3A_212 = arith.index_cast %parallel_loop3A_209 : i32 to index
        %parallel_loop3A_213 = tpu.vector_load %arg8[%parallel_loop3A_211, %parallel_loop3A_212] {strides = array<i32>} : memref<64x512xf32, #tpu.memory_space<vmem>>, vector<16xf32>,
        tpu.vector_store %arg8[%parallel_loop3A_211, %parallel_loop3A_212], %parallel_loop3A_207 {strides = array<i32>} : memref<64x512xf32, #tpu.memory_space<vmem>>, vector<16xf32>,
        %parallel_loop3A_214 = arith.constant 1536 : i32
        %parallel_loop3A_215 = tpu.memref_slice %arg5[%parallel_loop3A_214] : memref<4096xf32, #tpu.memory_space<vmem>> -> memref<512xf32, #tpu.memory_space<vmem>>
        %parallel_loop3A_216 = tpu.vector_load_idx %parallel_loop3A_215[%parallel_loop3A_186] : memref<512xf32, #tpu.memory_space<vmem>>[vector<16xi32>], vector<16xf32>,
        %parallel_loop3A_217 = arith.constant 16 : i32
        %parallel_loop3A_218 = arith.muli %parallel_loop3A_94, %parallel_loop3A_217 : i32
        %parallel_loop3A_219 = arith.constant 11 : i32
        %parallel_loop3A_220 = arith.index_cast %parallel_loop3A_219 : i32 to index
        %parallel_loop3A_221 = arith.index_cast %parallel_loop3A_218 : i32 to index
        %parallel_loop3A_222 = tpu.vector_load %arg8[%parallel_loop3A_220, %parallel_loop3A_221] {strides = array<i32>} : memref<64x512xf32, #tpu.memory_space<vmem>>, vector<16xf32>,
        tpu.vector_store %arg8[%parallel_loop3A_220, %parallel_loop3A_221], %parallel_loop3A_216 {strides = array<i32>} : memref<64x512xf32, #tpu.memory_space<vmem>>, vector<16xf32>,
        %parallel_loop3A_223 = arith.constant 2048 : i32
        %parallel_loop3A_224 = tpu.memref_slice %arg5[%parallel_loop3A_223] : memref<4096xf32, #tpu.memory_space<vmem>> -> memref<512xf32, #tpu.memory_space<vmem>>
        %parallel_loop3A_225 = tpu.vector_load_idx %parallel_loop3A_224[%parallel_loop3A_186] : memref<512xf32, #tpu.memory_space<vmem>>[vector<16xi32>], vector<16xf32>,
        %parallel_loop3A_226 = arith.constant 16 : i32
        %parallel_loop3A_227 = arith.muli %parallel_loop3A_94, %parallel_loop3A_226 : i32
        %parallel_loop3A_228 = arith.constant 12 : i32
        %parallel_loop3A_229 = arith.index_cast %parallel_loop3A_228 : i32 to index
        %parallel_loop3A_230 = arith.index_cast %parallel_loop3A_227 : i32 to index
        %parallel_loop3A_231 = tpu.vector_load %arg8[%parallel_loop3A_229, %parallel_loop3A_230] {strides = array<i32>} : memref<64x512xf32, #tpu.memory_space<vmem>>, vector<16xf32>,
        tpu.vector_store %arg8[%parallel_loop3A_229, %parallel_loop3A_230], %parallel_loop3A_225 {strides = array<i32>} : memref<64x512xf32, #tpu.memory_space<vmem>>, vector<16xf32>,
        %parallel_loop3A_232 = arith.constant 2560 : i32
        %parallel_loop3A_233 = tpu.memref_slice %arg5[%parallel_loop3A_232] : memref<4096xf32, #tpu.memory_space<vmem>> -> memref<512xf32, #tpu.memory_space<vmem>>
        %parallel_loop3A_234 = tpu.vector_load_idx %parallel_loop3A_233[%parallel_loop3A_186] : memref<512xf32, #tpu.memory_space<vmem>>[vector<16xi32>], vector<16xf32>,
        %parallel_loop3A_235 = arith.constant 16 : i32
        %parallel_loop3A_236 = arith.muli %parallel_loop3A_94, %parallel_loop3A_235 : i32
        %parallel_loop3A_237 = arith.constant 13 : i32
        %parallel_loop3A_238 = arith.index_cast %parallel_loop3A_237 : i32 to index
        %parallel_loop3A_239 = arith.index_cast %parallel_loop3A_236 : i32 to index
        %parallel_loop3A_240 = tpu.vector_load %arg8[%parallel_loop3A_238, %parallel_loop3A_239] {strides = array<i32>} : memref<64x512xf32, #tpu.memory_space<vmem>>, vector<16xf32>,
        tpu.vector_store %arg8[%parallel_loop3A_238, %parallel_loop3A_239], %parallel_loop3A_234 {strides = array<i32>} : memref<64x512xf32, #tpu.memory_space<vmem>>, vector<16xf32>,
        %parallel_loop3A_241 = arith.constant 3072 : i32
        %parallel_loop3A_242 = tpu.memref_slice %arg5[%parallel_loop3A_241] : memref<4096xf32, #tpu.memory_space<vmem>> -> memref<512xf32, #tpu.memory_space<vmem>>
        %parallel_loop3A_243 = tpu.vector_load_idx %parallel_loop3A_242[%parallel_loop3A_186] : memref<512xf32, #tpu.memory_space<vmem>>[vector<16xi32>], vector<16xf32>,
        %parallel_loop3A_244 = arith.constant 16 : i32
        %parallel_loop3A_245 = arith.muli %parallel_loop3A_94, %parallel_loop3A_244 : i32
        %parallel_loop3A_246 = arith.constant 14 : i32
        %parallel_loop3A_247 = arith.index_cast %parallel_loop3A_246 : i32 to index
        %parallel_loop3A_248 = arith.index_cast %parallel_loop3A_245 : i32 to index
        %parallel_loop3A_249 = tpu.vector_load %arg8[%parallel_loop3A_247, %parallel_loop3A_248] {strides = array<i32>} : memref<64x512xf32, #tpu.memory_space<vmem>>, vector<16xf32>,
        tpu.vector_store %arg8[%parallel_loop3A_247, %parallel_loop3A_248], %parallel_loop3A_243 {strides = array<i32>} : memref<64x512xf32, #tpu.memory_space<vmem>>, vector<16xf32>,
        %parallel_loop3A_250 = arith.constant 3584 : i32
        %parallel_loop3A_251 = tpu.memref_slice %arg5[%parallel_loop3A_250] : memref<4096xf32, #tpu.memory_space<vmem>> -> memref<512xf32, #tpu.memory_space<vmem>>
        %parallel_loop3A_252 = tpu.vector_load_idx %parallel_loop3A_251[%parallel_loop3A_186] : memref<512xf32, #tpu.memory_space<vmem>>[vector<16xi32>], vector<16xf32>,
        %parallel_loop3A_253 = arith.constant 16 : i32
        %parallel_loop3A_254 = arith.muli %parallel_loop3A_94, %parallel_loop3A_253 : i32
        %parallel_loop3A_255 = arith.constant 15 : i32
        %parallel_loop3A_256 = arith.index_cast %parallel_loop3A_255 : i32 to index
        %parallel_loop3A_257 = arith.index_cast %parallel_loop3A_254 : i32 to index
        %parallel_loop3A_258 = tpu.vector_load %arg8[%parallel_loop3A_256, %parallel_loop3A_257] {strides = array<i32>} : memref<64x512xf32, #tpu.memory_space<vmem>>, vector<16xf32>,
        tpu.vector_store %arg8[%parallel_loop3A_256, %parallel_loop3A_257], %parallel_loop3A_252 {strides = array<i32>} : memref<64x512xf32, #tpu.memory_space<vmem>>, vector<16xf32>,
        %parallel_loop3A_259 = arith.constant 16 : i32
        %parallel_loop3A_260 = arith.muli %parallel_loop3A_94, %parallel_loop3A_259 : i32
        %parallel_loop3A_261 = arith.constant 2 : i32
        %parallel_loop3A_262 = arith.index_cast %parallel_loop3A_261 : i32 to index
        %parallel_loop3A_263 = arith.index_cast %parallel_loop3A_260 : i32 to index
        %parallel_loop3A_264 = tpu.vector_load %arg6[%parallel_loop3A_262, %parallel_loop3A_263] {strides = array<i32>} : memref<8x512xi32, #tpu.memory_space<vmem>>, vector<16xi32>,
        %parallel_loop3A_265 = arith.constant 16 : i32
        %parallel_loop3A_266 = vector.broadcast %parallel_loop3A_265 : i32 to vector<16xi32>
        %parallel_loop3A_267 = arith.muli %parallel_loop3A_264, %parallel_loop3A_266 : vector<16xi32>
        %parallel_loop3A_268 = arith.addi %parallel_loop3A_267, %iota3A : vector<16xi32>
        %parallel_loop3A_269 = arith.constant 0 : i32
        %parallel_loop3A_270 = tpu.memref_slice %arg5[%parallel_loop3A_269] : memref<4096xf32, #tpu.memory_space<vmem>> -> memref<512xf32, #tpu.memory_space<vmem>>
        %parallel_loop3A_271 = tpu.vector_load_idx %parallel_loop3A_270[%parallel_loop3A_268] : memref<512xf32, #tpu.memory_space<vmem>>[vector<16xi32>], vector<16xf32>,
        %parallel_loop3A_272 = arith.constant 16 : i32
        %parallel_loop3A_273 = arith.muli %parallel_loop3A_94, %parallel_loop3A_272 : i32
        %parallel_loop3A_274 = arith.constant 16 : i32
        %parallel_loop3A_275 = arith.index_cast %parallel_loop3A_274 : i32 to index
        %parallel_loop3A_276 = arith.index_cast %parallel_loop3A_273 : i32 to index
        %parallel_loop3A_277 = tpu.vector_load %arg8[%parallel_loop3A_275, %parallel_loop3A_276] {strides = array<i32>} : memref<64x512xf32, #tpu.memory_space<vmem>>, vector<16xf32>,
        tpu.vector_store %arg8[%parallel_loop3A_275, %parallel_loop3A_276], %parallel_loop3A_271 {strides = array<i32>} : memref<64x512xf32, #tpu.memory_space<vmem>>, vector<16xf32>,
        %parallel_loop3A_278 = arith.constant 512 : i32
        %parallel_loop3A_279 = tpu.memref_slice %arg5[%parallel_loop3A_278] : memref<4096xf32, #tpu.memory_space<vmem>> -> memref<512xf32, #tpu.memory_space<vmem>>
        %parallel_loop3A_280 = tpu.vector_load_idx %parallel_loop3A_279[%parallel_loop3A_268] : memref<512xf32, #tpu.memory_space<vmem>>[vector<16xi32>], vector<16xf32>,
        %parallel_loop3A_281 = arith.constant 16 : i32
        %parallel_loop3A_282 = arith.muli %parallel_loop3A_94, %parallel_loop3A_281 : i32
        %parallel_loop3A_283 = arith.constant 17 : i32
        %parallel_loop3A_284 = arith.index_cast %parallel_loop3A_283 : i32 to index
        %parallel_loop3A_285 = arith.index_cast %parallel_loop3A_282 : i32 to index
        %parallel_loop3A_286 = tpu.vector_load %arg8[%parallel_loop3A_284, %parallel_loop3A_285] {strides = array<i32>} : memref<64x512xf32, #tpu.memory_space<vmem>>, vector<16xf32>,
        tpu.vector_store %arg8[%parallel_loop3A_284, %parallel_loop3A_285], %parallel_loop3A_280 {strides = array<i32>} : memref<64x512xf32, #tpu.memory_space<vmem>>, vector<16xf32>,
        %parallel_loop3A_287 = arith.constant 1024 : i32
        %parallel_loop3A_288 = tpu.memref_slice %arg5[%parallel_loop3A_287] : memref<4096xf32, #tpu.memory_space<vmem>> -> memref<512xf32, #tpu.memory_space<vmem>>
        %parallel_loop3A_289 = tpu.vector_load_idx %parallel_loop3A_288[%parallel_loop3A_268] : memref<512xf32, #tpu.memory_space<vmem>>[vector<16xi32>], vector<16xf32>,
        %parallel_loop3A_290 = arith.constant 16 : i32
        %parallel_loop3A_291 = arith.muli %parallel_loop3A_94, %parallel_loop3A_290 : i32
        %parallel_loop3A_292 = arith.constant 18 : i32
        %parallel_loop3A_293 = arith.index_cast %parallel_loop3A_292 : i32 to index
        %parallel_loop3A_294 = arith.index_cast %parallel_loop3A_291 : i32 to index
        %parallel_loop3A_295 = tpu.vector_load %arg8[%parallel_loop3A_293, %parallel_loop3A_294] {strides = array<i32>} : memref<64x512xf32, #tpu.memory_space<vmem>>, vector<16xf32>,
        tpu.vector_store %arg8[%parallel_loop3A_293, %parallel_loop3A_294], %parallel_loop3A_289 {strides = array<i32>} : memref<64x512xf32, #tpu.memory_space<vmem>>, vector<16xf32>,
        %parallel_loop3A_296 = arith.constant 1536 : i32
        %parallel_loop3A_297 = tpu.memref_slice %arg5[%parallel_loop3A_296] : memref<4096xf32, #tpu.memory_space<vmem>> -> memref<512xf32, #tpu.memory_space<vmem>>
        %parallel_loop3A_298 = tpu.vector_load_idx %parallel_loop3A_297[%parallel_loop3A_268] : memref<512xf32, #tpu.memory_space<vmem>>[vector<16xi32>], vector<16xf32>,
        %parallel_loop3A_299 = arith.constant 16 : i32
        %parallel_loop3A_300 = arith.muli %parallel_loop3A_94, %parallel_loop3A_299 : i32
        %parallel_loop3A_301 = arith.constant 19 : i32
        %parallel_loop3A_302 = arith.index_cast %parallel_loop3A_301 : i32 to index
        %parallel_loop3A_303 = arith.index_cast %parallel_loop3A_300 : i32 to index
        %parallel_loop3A_304 = tpu.vector_load %arg8[%parallel_loop3A_302, %parallel_loop3A_303] {strides = array<i32>} : memref<64x512xf32, #tpu.memory_space<vmem>>, vector<16xf32>,
        tpu.vector_store %arg8[%parallel_loop3A_302, %parallel_loop3A_303], %parallel_loop3A_298 {strides = array<i32>} : memref<64x512xf32, #tpu.memory_space<vmem>>, vector<16xf32>,
        %parallel_loop3A_305 = arith.constant 2048 : i32
        %parallel_loop3A_306 = tpu.memref_slice %arg5[%parallel_loop3A_305] : memref<4096xf32, #tpu.memory_space<vmem>> -> memref<512xf32, #tpu.memory_space<vmem>>
        %parallel_loop3A_307 = tpu.vector_load_idx %parallel_loop3A_306[%parallel_loop3A_268] : memref<512xf32, #tpu.memory_space<vmem>>[vector<16xi32>], vector<16xf32>,
        %parallel_loop3A_308 = arith.constant 16 : i32
        %parallel_loop3A_309 = arith.muli %parallel_loop3A_94, %parallel_loop3A_308 : i32
        %parallel_loop3A_310 = arith.constant 20 : i32
        %parallel_loop3A_311 = arith.index_cast %parallel_loop3A_310 : i32 to index
        %parallel_loop3A_312 = arith.index_cast %parallel_loop3A_309 : i32 to index
        %parallel_loop3A_313 = tpu.vector_load %arg8[%parallel_loop3A_311, %parallel_loop3A_312] {strides = array<i32>} : memref<64x512xf32, #tpu.memory_space<vmem>>, vector<16xf32>,
        tpu.vector_store %arg8[%parallel_loop3A_311, %parallel_loop3A_312], %parallel_loop3A_307 {strides = array<i32>} : memref<64x512xf32, #tpu.memory_space<vmem>>, vector<16xf32>,
        %parallel_loop3A_314 = arith.constant 2560 : i32
        %parallel_loop3A_315 = tpu.memref_slice %arg5[%parallel_loop3A_314] : memref<4096xf32, #tpu.memory_space<vmem>> -> memref<512xf32, #tpu.memory_space<vmem>>
        %parallel_loop3A_316 = tpu.vector_load_idx %parallel_loop3A_315[%parallel_loop3A_268] : memref<512xf32, #tpu.memory_space<vmem>>[vector<16xi32>], vector<16xf32>,
        %parallel_loop3A_317 = arith.constant 16 : i32
        %parallel_loop3A_318 = arith.muli %parallel_loop3A_94, %parallel_loop3A_317 : i32
        %parallel_loop3A_319 = arith.constant 21 : i32
        %parallel_loop3A_320 = arith.index_cast %parallel_loop3A_319 : i32 to index
        %parallel_loop3A_321 = arith.index_cast %parallel_loop3A_318 : i32 to index
        %parallel_loop3A_322 = tpu.vector_load %arg8[%parallel_loop3A_320, %parallel_loop3A_321] {strides = array<i32>} : memref<64x512xf32, #tpu.memory_space<vmem>>, vector<16xf32>,
        tpu.vector_store %arg8[%parallel_loop3A_320, %parallel_loop3A_321], %parallel_loop3A_316 {strides = array<i32>} : memref<64x512xf32, #tpu.memory_space<vmem>>, vector<16xf32>,
        %parallel_loop3A_323 = arith.constant 3072 : i32
        %parallel_loop3A_324 = tpu.memref_slice %arg5[%parallel_loop3A_323] : memref<4096xf32, #tpu.memory_space<vmem>> -> memref<512xf32, #tpu.memory_space<vmem>>
        %parallel_loop3A_325 = tpu.vector_load_idx %parallel_loop3A_324[%parallel_loop3A_268] : memref<512xf32, #tpu.memory_space<vmem>>[vector<16xi32>], vector<16xf32>,
        %parallel_loop3A_326 = arith.constant 16 : i32
        %parallel_loop3A_327 = arith.muli %parallel_loop3A_94, %parallel_loop3A_326 : i32
        %parallel_loop3A_328 = arith.constant 22 : i32
        %parallel_loop3A_329 = arith.index_cast %parallel_loop3A_328 : i32 to index
        %parallel_loop3A_330 = arith.index_cast %parallel_loop3A_327 : i32 to index
        %parallel_loop3A_331 = tpu.vector_load %arg8[%parallel_loop3A_329, %parallel_loop3A_330] {strides = array<i32>} : memref<64x512xf32, #tpu.memory_space<vmem>>, vector<16xf32>,
        tpu.vector_store %arg8[%parallel_loop3A_329, %parallel_loop3A_330], %parallel_loop3A_325 {strides = array<i32>} : memref<64x512xf32, #tpu.memory_space<vmem>>, vector<16xf32>,
        %parallel_loop3A_332 = arith.constant 3584 : i32
        %parallel_loop3A_333 = tpu.memref_slice %arg5[%parallel_loop3A_332] : memref<4096xf32, #tpu.memory_space<vmem>> -> memref<512xf32, #tpu.memory_space<vmem>>
        %parallel_loop3A_334 = tpu.vector_load_idx %parallel_loop3A_333[%parallel_loop3A_268] : memref<512xf32, #tpu.memory_space<vmem>>[vector<16xi32>], vector<16xf32>,
        %parallel_loop3A_335 = arith.constant 16 : i32
        %parallel_loop3A_336 = arith.muli %parallel_loop3A_94, %parallel_loop3A_335 : i32
        %parallel_loop3A_337 = arith.constant 23 : i32
        %parallel_loop3A_338 = arith.index_cast %parallel_loop3A_337 : i32 to index
        %parallel_loop3A_339 = arith.index_cast %parallel_loop3A_336 : i32 to index
        %parallel_loop3A_340 = tpu.vector_load %arg8[%parallel_loop3A_338, %parallel_loop3A_339] {strides = array<i32>} : memref<64x512xf32, #tpu.memory_space<vmem>>, vector<16xf32>,
        tpu.vector_store %arg8[%parallel_loop3A_338, %parallel_loop3A_339], %parallel_loop3A_334 {strides = array<i32>} : memref<64x512xf32, #tpu.memory_space<vmem>>, vector<16xf32>,
        %parallel_loop3A_341 = arith.constant 16 : i32
        %parallel_loop3A_342 = arith.muli %parallel_loop3A_94, %parallel_loop3A_341 : i32
        %parallel_loop3A_343 = arith.constant 3 : i32
        %parallel_loop3A_344 = arith.index_cast %parallel_loop3A_343 : i32 to index
        %parallel_loop3A_345 = arith.index_cast %parallel_loop3A_342 : i32 to index
        %parallel_loop3A_346 = tpu.vector_load %arg6[%parallel_loop3A_344, %parallel_loop3A_345] {strides = array<i32>} : memref<8x512xi32, #tpu.memory_space<vmem>>, vector<16xi32>,
        %parallel_loop3A_347 = arith.constant 16 : i32
        %parallel_loop3A_348 = vector.broadcast %parallel_loop3A_347 : i32 to vector<16xi32>
        %parallel_loop3A_349 = arith.muli %parallel_loop3A_346, %parallel_loop3A_348 : vector<16xi32>
        %parallel_loop3A_350 = arith.addi %parallel_loop3A_349, %iota3A : vector<16xi32>
        %parallel_loop3A_351 = arith.constant 0 : i32
        %parallel_loop3A_352 = tpu.memref_slice %arg5[%parallel_loop3A_351] : memref<4096xf32, #tpu.memory_space<vmem>> -> memref<512xf32, #tpu.memory_space<vmem>>
        %parallel_loop3A_353 = tpu.vector_load_idx %parallel_loop3A_352[%parallel_loop3A_350] : memref<512xf32, #tpu.memory_space<vmem>>[vector<16xi32>], vector<16xf32>,
        %parallel_loop3A_354 = arith.constant 16 : i32
        %parallel_loop3A_355 = arith.muli %parallel_loop3A_94, %parallel_loop3A_354 : i32
        %parallel_loop3A_356 = arith.constant 24 : i32
        %parallel_loop3A_357 = arith.index_cast %parallel_loop3A_356 : i32 to index
        %parallel_loop3A_358 = arith.index_cast %parallel_loop3A_355 : i32 to index
        %parallel_loop3A_359 = tpu.vector_load %arg8[%parallel_loop3A_357, %parallel_loop3A_358] {strides = array<i32>} : memref<64x512xf32, #tpu.memory_space<vmem>>, vector<16xf32>,
        tpu.vector_store %arg8[%parallel_loop3A_357, %parallel_loop3A_358], %parallel_loop3A_353 {strides = array<i32>} : memref<64x512xf32, #tpu.memory_space<vmem>>, vector<16xf32>,
        %parallel_loop3A_360 = arith.constant 512 : i32
        %parallel_loop3A_361 = tpu.memref_slice %arg5[%parallel_loop3A_360] : memref<4096xf32, #tpu.memory_space<vmem>> -> memref<512xf32, #tpu.memory_space<vmem>>
        %parallel_loop3A_362 = tpu.vector_load_idx %parallel_loop3A_361[%parallel_loop3A_350] : memref<512xf32, #tpu.memory_space<vmem>>[vector<16xi32>], vector<16xf32>,
        %parallel_loop3A_363 = arith.constant 16 : i32
        %parallel_loop3A_364 = arith.muli %parallel_loop3A_94, %parallel_loop3A_363 : i32
        %parallel_loop3A_365 = arith.constant 25 : i32
        %parallel_loop3A_366 = arith.index_cast %parallel_loop3A_365 : i32 to index
        %parallel_loop3A_367 = arith.index_cast %parallel_loop3A_364 : i32 to index
        %parallel_loop3A_368 = tpu.vector_load %arg8[%parallel_loop3A_366, %parallel_loop3A_367] {strides = array<i32>} : memref<64x512xf32, #tpu.memory_space<vmem>>, vector<16xf32>,
        tpu.vector_store %arg8[%parallel_loop3A_366, %parallel_loop3A_367], %parallel_loop3A_362 {strides = array<i32>} : memref<64x512xf32, #tpu.memory_space<vmem>>, vector<16xf32>,
        %parallel_loop3A_369 = arith.constant 1024 : i32
        %parallel_loop3A_370 = tpu.memref_slice %arg5[%parallel_loop3A_369] : memref<4096xf32, #tpu.memory_space<vmem>> -> memref<512xf32, #tpu.memory_space<vmem>>
        %parallel_loop3A_371 = tpu.vector_load_idx %parallel_loop3A_370[%parallel_loop3A_350] : memref<512xf32, #tpu.memory_space<vmem>>[vector<16xi32>], vector<16xf32>,
        %parallel_loop3A_372 = arith.constant 16 : i32
        %parallel_loop3A_373 = arith.muli %parallel_loop3A_94, %parallel_loop3A_372 : i32
        %parallel_loop3A_374 = arith.constant 26 : i32
        %parallel_loop3A_375 = arith.index_cast %parallel_loop3A_374 : i32 to index
        %parallel_loop3A_376 = arith.index_cast %parallel_loop3A_373 : i32 to index
        %parallel_loop3A_377 = tpu.vector_load %arg8[%parallel_loop3A_375, %parallel_loop3A_376] {strides = array<i32>} : memref<64x512xf32, #tpu.memory_space<vmem>>, vector<16xf32>,
        tpu.vector_store %arg8[%parallel_loop3A_375, %parallel_loop3A_376], %parallel_loop3A_371 {strides = array<i32>} : memref<64x512xf32, #tpu.memory_space<vmem>>, vector<16xf32>,
        %parallel_loop3A_378 = arith.constant 1536 : i32
        %parallel_loop3A_379 = tpu.memref_slice %arg5[%parallel_loop3A_378] : memref<4096xf32, #tpu.memory_space<vmem>> -> memref<512xf32, #tpu.memory_space<vmem>>
        %parallel_loop3A_380 = tpu.vector_load_idx %parallel_loop3A_379[%parallel_loop3A_350] : memref<512xf32, #tpu.memory_space<vmem>>[vector<16xi32>], vector<16xf32>,
        %parallel_loop3A_381 = arith.constant 16 : i32
        %parallel_loop3A_382 = arith.muli %parallel_loop3A_94, %parallel_loop3A_381 : i32
        %parallel_loop3A_383 = arith.constant 27 : i32
        %parallel_loop3A_384 = arith.index_cast %parallel_loop3A_383 : i32 to index
        %parallel_loop3A_385 = arith.index_cast %parallel_loop3A_382 : i32 to index
        %parallel_loop3A_386 = tpu.vector_load %arg8[%parallel_loop3A_384, %parallel_loop3A_385] {strides = array<i32>} : memref<64x512xf32, #tpu.memory_space<vmem>>, vector<16xf32>,
        tpu.vector_store %arg8[%parallel_loop3A_384, %parallel_loop3A_385], %parallel_loop3A_380 {strides = array<i32>} : memref<64x512xf32, #tpu.memory_space<vmem>>, vector<16xf32>,
        %parallel_loop3A_387 = arith.constant 2048 : i32
        %parallel_loop3A_388 = tpu.memref_slice %arg5[%parallel_loop3A_387] : memref<4096xf32, #tpu.memory_space<vmem>> -> memref<512xf32, #tpu.memory_space<vmem>>
        %parallel_loop3A_389 = tpu.vector_load_idx %parallel_loop3A_388[%parallel_loop3A_350] : memref<512xf32, #tpu.memory_space<vmem>>[vector<16xi32>], vector<16xf32>,
        %parallel_loop3A_390 = arith.constant 16 : i32
        %parallel_loop3A_391 = arith.muli %parallel_loop3A_94, %parallel_loop3A_390 : i32
        %parallel_loop3A_392 = arith.constant 28 : i32
        %parallel_loop3A_393 = arith.index_cast %parallel_loop3A_392 : i32 to index
        %parallel_loop3A_394 = arith.index_cast %parallel_loop3A_391 : i32 to index
        %parallel_loop3A_395 = tpu.vector_load %arg8[%parallel_loop3A_393, %parallel_loop3A_394] {strides = array<i32>} : memref<64x512xf32, #tpu.memory_space<vmem>>, vector<16xf32>,
        tpu.vector_store %arg8[%parallel_loop3A_393, %parallel_loop3A_394], %parallel_loop3A_389 {strides = array<i32>} : memref<64x512xf32, #tpu.memory_space<vmem>>, vector<16xf32>,
        %parallel_loop3A_396 = arith.constant 2560 : i32
        %parallel_loop3A_397 = tpu.memref_slice %arg5[%parallel_loop3A_396] : memref<4096xf32, #tpu.memory_space<vmem>> -> memref<512xf32, #tpu.memory_space<vmem>>
        %parallel_loop3A_398 = tpu.vector_load_idx %parallel_loop3A_397[%parallel_loop3A_350] : memref<512xf32, #tpu.memory_space<vmem>>[vector<16xi32>], vector<16xf32>,
        %parallel_loop3A_399 = arith.constant 16 : i32
        %parallel_loop3A_400 = arith.muli %parallel_loop3A_94, %parallel_loop3A_399 : i32
        %parallel_loop3A_401 = arith.constant 29 : i32
        %parallel_loop3A_402 = arith.index_cast %parallel_loop3A_401 : i32 to index
        %parallel_loop3A_403 = arith.index_cast %parallel_loop3A_400 : i32 to index
        %parallel_loop3A_404 = tpu.vector_load %arg8[%parallel_loop3A_402, %parallel_loop3A_403] {strides = array<i32>} : memref<64x512xf32, #tpu.memory_space<vmem>>, vector<16xf32>,
        tpu.vector_store %arg8[%parallel_loop3A_402, %parallel_loop3A_403], %parallel_loop3A_398 {strides = array<i32>} : memref<64x512xf32, #tpu.memory_space<vmem>>, vector<16xf32>,
        %parallel_loop3A_405 = arith.constant 3072 : i32
        %parallel_loop3A_406 = tpu.memref_slice %arg5[%parallel_loop3A_405] : memref<4096xf32, #tpu.memory_space<vmem>> -> memref<512xf32, #tpu.memory_space<vmem>>
        %parallel_loop3A_407 = tpu.vector_load_idx %parallel_loop3A_406[%parallel_loop3A_350] : memref<512xf32, #tpu.memory_space<vmem>>[vector<16xi32>], vector<16xf32>,
        %parallel_loop3A_408 = arith.constant 16 : i32
        %parallel_loop3A_409 = arith.muli %parallel_loop3A_94, %parallel_loop3A_408 : i32
        %parallel_loop3A_410 = arith.constant 30 : i32
        %parallel_loop3A_411 = arith.index_cast %parallel_loop3A_410 : i32 to index
        %parallel_loop3A_412 = arith.index_cast %parallel_loop3A_409 : i32 to index
        %parallel_loop3A_413 = tpu.vector_load %arg8[%parallel_loop3A_411, %parallel_loop3A_412] {strides = array<i32>} : memref<64x512xf32, #tpu.memory_space<vmem>>, vector<16xf32>,
        tpu.vector_store %arg8[%parallel_loop3A_411, %parallel_loop3A_412], %parallel_loop3A_407 {strides = array<i32>} : memref<64x512xf32, #tpu.memory_space<vmem>>, vector<16xf32>,
        %parallel_loop3A_414 = arith.constant 3584 : i32
        %parallel_loop3A_415 = tpu.memref_slice %arg5[%parallel_loop3A_414] : memref<4096xf32, #tpu.memory_space<vmem>> -> memref<512xf32, #tpu.memory_space<vmem>>
        %parallel_loop3A_416 = tpu.vector_load_idx %parallel_loop3A_415[%parallel_loop3A_350] : memref<512xf32, #tpu.memory_space<vmem>>[vector<16xi32>], vector<16xf32>,
        %parallel_loop3A_417 = arith.constant 16 : i32
        %parallel_loop3A_418 = arith.muli %parallel_loop3A_94, %parallel_loop3A_417 : i32
        %parallel_loop3A_419 = arith.constant 31 : i32
        %parallel_loop3A_420 = arith.index_cast %parallel_loop3A_419 : i32 to index
        %parallel_loop3A_421 = arith.index_cast %parallel_loop3A_418 : i32 to index
        %parallel_loop3A_422 = tpu.vector_load %arg8[%parallel_loop3A_420, %parallel_loop3A_421] {strides = array<i32>} : memref<64x512xf32, #tpu.memory_space<vmem>>, vector<16xf32>,
        tpu.vector_store %arg8[%parallel_loop3A_420, %parallel_loop3A_421], %parallel_loop3A_416 {strides = array<i32>} : memref<64x512xf32, #tpu.memory_space<vmem>>, vector<16xf32>,
        %parallel_loop3A_423 = arith.constant 16 : i32
        %parallel_loop3A_424 = arith.muli %parallel_loop3A_94, %parallel_loop3A_423 : i32
        %parallel_loop3A_425 = arith.constant 4 : i32
        %parallel_loop3A_426 = arith.index_cast %parallel_loop3A_425 : i32 to index
        %parallel_loop3A_427 = arith.index_cast %parallel_loop3A_424 : i32 to index
        %parallel_loop3A_428 = tpu.vector_load %arg6[%parallel_loop3A_426, %parallel_loop3A_427] {strides = array<i32>} : memref<8x512xi32, #tpu.memory_space<vmem>>, vector<16xi32>,
        %parallel_loop3A_429 = arith.constant 16 : i32
        %parallel_loop3A_430 = vector.broadcast %parallel_loop3A_429 : i32 to vector<16xi32>
        %parallel_loop3A_431 = arith.muli %parallel_loop3A_428, %parallel_loop3A_430 : vector<16xi32>
        %parallel_loop3A_432 = arith.addi %parallel_loop3A_431, %iota3A : vector<16xi32>
        %parallel_loop3A_433 = arith.constant 0 : i32
        %parallel_loop3A_434 = tpu.memref_slice %arg5[%parallel_loop3A_433] : memref<4096xf32, #tpu.memory_space<vmem>> -> memref<512xf32, #tpu.memory_space<vmem>>
        %parallel_loop3A_435 = tpu.vector_load_idx %parallel_loop3A_434[%parallel_loop3A_432] : memref<512xf32, #tpu.memory_space<vmem>>[vector<16xi32>], vector<16xf32>,
        %parallel_loop3A_436 = arith.constant 16 : i32
        %parallel_loop3A_437 = arith.muli %parallel_loop3A_94, %parallel_loop3A_436 : i32
        %parallel_loop3A_438 = arith.constant 32 : i32
        %parallel_loop3A_439 = arith.index_cast %parallel_loop3A_438 : i32 to index
        %parallel_loop3A_440 = arith.index_cast %parallel_loop3A_437 : i32 to index
        %parallel_loop3A_441 = tpu.vector_load %arg8[%parallel_loop3A_439, %parallel_loop3A_440] {strides = array<i32>} : memref<64x512xf32, #tpu.memory_space<vmem>>, vector<16xf32>,
        tpu.vector_store %arg8[%parallel_loop3A_439, %parallel_loop3A_440], %parallel_loop3A_435 {strides = array<i32>} : memref<64x512xf32, #tpu.memory_space<vmem>>, vector<16xf32>,
        %parallel_loop3A_442 = arith.constant 512 : i32
        %parallel_loop3A_443 = tpu.memref_slice %arg5[%parallel_loop3A_442] : memref<4096xf32, #tpu.memory_space<vmem>> -> memref<512xf32, #tpu.memory_space<vmem>>
        %parallel_loop3A_444 = tpu.vector_load_idx %parallel_loop3A_443[%parallel_loop3A_432] : memref<512xf32, #tpu.memory_space<vmem>>[vector<16xi32>], vector<16xf32>,
        %parallel_loop3A_445 = arith.constant 16 : i32
        %parallel_loop3A_446 = arith.muli %parallel_loop3A_94, %parallel_loop3A_445 : i32
        %parallel_loop3A_447 = arith.constant 33 : i32
        %parallel_loop3A_448 = arith.index_cast %parallel_loop3A_447 : i32 to index
        %parallel_loop3A_449 = arith.index_cast %parallel_loop3A_446 : i32 to index
        %parallel_loop3A_450 = tpu.vector_load %arg8[%parallel_loop3A_448, %parallel_loop3A_449] {strides = array<i32>} : memref<64x512xf32, #tpu.memory_space<vmem>>, vector<16xf32>,
        tpu.vector_store %arg8[%parallel_loop3A_448, %parallel_loop3A_449], %parallel_loop3A_444 {strides = array<i32>} : memref<64x512xf32, #tpu.memory_space<vmem>>, vector<16xf32>,
        %parallel_loop3A_451 = arith.constant 1024 : i32
        %parallel_loop3A_452 = tpu.memref_slice %arg5[%parallel_loop3A_451] : memref<4096xf32, #tpu.memory_space<vmem>> -> memref<512xf32, #tpu.memory_space<vmem>>
        %parallel_loop3A_453 = tpu.vector_load_idx %parallel_loop3A_452[%parallel_loop3A_432] : memref<512xf32, #tpu.memory_space<vmem>>[vector<16xi32>], vector<16xf32>,
        %parallel_loop3A_454 = arith.constant 16 : i32
        %parallel_loop3A_455 = arith.muli %parallel_loop3A_94, %parallel_loop3A_454 : i32
        %parallel_loop3A_456 = arith.constant 34 : i32
        %parallel_loop3A_457 = arith.index_cast %parallel_loop3A_456 : i32 to index
        %parallel_loop3A_458 = arith.index_cast %parallel_loop3A_455 : i32 to index
        %parallel_loop3A_459 = tpu.vector_load %arg8[%parallel_loop3A_457, %parallel_loop3A_458] {strides = array<i32>} : memref<64x512xf32, #tpu.memory_space<vmem>>, vector<16xf32>,
        tpu.vector_store %arg8[%parallel_loop3A_457, %parallel_loop3A_458], %parallel_loop3A_453 {strides = array<i32>} : memref<64x512xf32, #tpu.memory_space<vmem>>, vector<16xf32>,
        %parallel_loop3A_460 = arith.constant 1536 : i32
        %parallel_loop3A_461 = tpu.memref_slice %arg5[%parallel_loop3A_460] : memref<4096xf32, #tpu.memory_space<vmem>> -> memref<512xf32, #tpu.memory_space<vmem>>
        %parallel_loop3A_462 = tpu.vector_load_idx %parallel_loop3A_461[%parallel_loop3A_432] : memref<512xf32, #tpu.memory_space<vmem>>[vector<16xi32>], vector<16xf32>,
        %parallel_loop3A_463 = arith.constant 16 : i32
        %parallel_loop3A_464 = arith.muli %parallel_loop3A_94, %parallel_loop3A_463 : i32
        %parallel_loop3A_465 = arith.constant 35 : i32
        %parallel_loop3A_466 = arith.index_cast %parallel_loop3A_465 : i32 to index
        %parallel_loop3A_467 = arith.index_cast %parallel_loop3A_464 : i32 to index
        %parallel_loop3A_468 = tpu.vector_load %arg8[%parallel_loop3A_466, %parallel_loop3A_467] {strides = array<i32>} : memref<64x512xf32, #tpu.memory_space<vmem>>, vector<16xf32>,
        tpu.vector_store %arg8[%parallel_loop3A_466, %parallel_loop3A_467], %parallel_loop3A_462 {strides = array<i32>} : memref<64x512xf32, #tpu.memory_space<vmem>>, vector<16xf32>,
        %parallel_loop3A_469 = arith.constant 2048 : i32
        %parallel_loop3A_470 = tpu.memref_slice %arg5[%parallel_loop3A_469] : memref<4096xf32, #tpu.memory_space<vmem>> -> memref<512xf32, #tpu.memory_space<vmem>>
        %parallel_loop3A_471 = tpu.vector_load_idx %parallel_loop3A_470[%parallel_loop3A_432] : memref<512xf32, #tpu.memory_space<vmem>>[vector<16xi32>], vector<16xf32>,
        %parallel_loop3A_472 = arith.constant 16 : i32
        %parallel_loop3A_473 = arith.muli %parallel_loop3A_94, %parallel_loop3A_472 : i32
        %parallel_loop3A_474 = arith.constant 36 : i32
        %parallel_loop3A_475 = arith.index_cast %parallel_loop3A_474 : i32 to index
        %parallel_loop3A_476 = arith.index_cast %parallel_loop3A_473 : i32 to index
        %parallel_loop3A_477 = tpu.vector_load %arg8[%parallel_loop3A_475, %parallel_loop3A_476] {strides = array<i32>} : memref<64x512xf32, #tpu.memory_space<vmem>>, vector<16xf32>,
        tpu.vector_store %arg8[%parallel_loop3A_475, %parallel_loop3A_476], %parallel_loop3A_471 {strides = array<i32>} : memref<64x512xf32, #tpu.memory_space<vmem>>, vector<16xf32>,
        %parallel_loop3A_478 = arith.constant 2560 : i32
        %parallel_loop3A_479 = tpu.memref_slice %arg5[%parallel_loop3A_478] : memref<4096xf32, #tpu.memory_space<vmem>> -> memref<512xf32, #tpu.memory_space<vmem>>
        %parallel_loop3A_480 = tpu.vector_load_idx %parallel_loop3A_479[%parallel_loop3A_432] : memref<512xf32, #tpu.memory_space<vmem>>[vector<16xi32>], vector<16xf32>,
        %parallel_loop3A_481 = arith.constant 16 : i32
        %parallel_loop3A_482 = arith.muli %parallel_loop3A_94, %parallel_loop3A_481 : i32
        %parallel_loop3A_483 = arith.constant 37 : i32
        %parallel_loop3A_484 = arith.index_cast %parallel_loop3A_483 : i32 to index
        %parallel_loop3A_485 = arith.index_cast %parallel_loop3A_482 : i32 to index
        %parallel_loop3A_486 = tpu.vector_load %arg8[%parallel_loop3A_484, %parallel_loop3A_485] {strides = array<i32>} : memref<64x512xf32, #tpu.memory_space<vmem>>, vector<16xf32>,
        tpu.vector_store %arg8[%parallel_loop3A_484, %parallel_loop3A_485], %parallel_loop3A_480 {strides = array<i32>} : memref<64x512xf32, #tpu.memory_space<vmem>>, vector<16xf32>,
        %parallel_loop3A_487 = arith.constant 3072 : i32
        %parallel_loop3A_488 = tpu.memref_slice %arg5[%parallel_loop3A_487] : memref<4096xf32, #tpu.memory_space<vmem>> -> memref<512xf32, #tpu.memory_space<vmem>>
        %parallel_loop3A_489 = tpu.vector_load_idx %parallel_loop3A_488[%parallel_loop3A_432] : memref<512xf32, #tpu.memory_space<vmem>>[vector<16xi32>], vector<16xf32>,
        %parallel_loop3A_490 = arith.constant 16 : i32
        %parallel_loop3A_491 = arith.muli %parallel_loop3A_94, %parallel_loop3A_490 : i32
        %parallel_loop3A_492 = arith.constant 38 : i32
        %parallel_loop3A_493 = arith.index_cast %parallel_loop3A_492 : i32 to index
        %parallel_loop3A_494 = arith.index_cast %parallel_loop3A_491 : i32 to index
        %parallel_loop3A_495 = tpu.vector_load %arg8[%parallel_loop3A_493, %parallel_loop3A_494] {strides = array<i32>} : memref<64x512xf32, #tpu.memory_space<vmem>>, vector<16xf32>,
        tpu.vector_store %arg8[%parallel_loop3A_493, %parallel_loop3A_494], %parallel_loop3A_489 {strides = array<i32>} : memref<64x512xf32, #tpu.memory_space<vmem>>, vector<16xf32>,
        %parallel_loop3A_496 = arith.constant 3584 : i32
        %parallel_loop3A_497 = tpu.memref_slice %arg5[%parallel_loop3A_496] : memref<4096xf32, #tpu.memory_space<vmem>> -> memref<512xf32, #tpu.memory_space<vmem>>
        %parallel_loop3A_498 = tpu.vector_load_idx %parallel_loop3A_497[%parallel_loop3A_432] : memref<512xf32, #tpu.memory_space<vmem>>[vector<16xi32>], vector<16xf32>,
        %parallel_loop3A_499 = arith.constant 16 : i32
        %parallel_loop3A_500 = arith.muli %parallel_loop3A_94, %parallel_loop3A_499 : i32
        %parallel_loop3A_501 = arith.constant 39 : i32
        %parallel_loop3A_502 = arith.index_cast %parallel_loop3A_501 : i32 to index
        %parallel_loop3A_503 = arith.index_cast %parallel_loop3A_500 : i32 to index
        %parallel_loop3A_504 = tpu.vector_load %arg8[%parallel_loop3A_502, %parallel_loop3A_503] {strides = array<i32>} : memref<64x512xf32, #tpu.memory_space<vmem>>, vector<16xf32>,
        tpu.vector_store %arg8[%parallel_loop3A_502, %parallel_loop3A_503], %parallel_loop3A_498 {strides = array<i32>} : memref<64x512xf32, #tpu.memory_space<vmem>>, vector<16xf32>,
        %parallel_loop3A_505 = arith.constant 16 : i32
        %parallel_loop3A_506 = arith.muli %parallel_loop3A_94, %parallel_loop3A_505 : i32
        %parallel_loop3A_507 = arith.constant 5 : i32
        %parallel_loop3A_508 = arith.index_cast %parallel_loop3A_507 : i32 to index
        %parallel_loop3A_509 = arith.index_cast %parallel_loop3A_506 : i32 to index
        %parallel_loop3A_510 = tpu.vector_load %arg6[%parallel_loop3A_508, %parallel_loop3A_509] {strides = array<i32>} : memref<8x512xi32, #tpu.memory_space<vmem>>, vector<16xi32>,
        %parallel_loop3A_511 = arith.constant 16 : i32
        %parallel_loop3A_512 = vector.broadcast %parallel_loop3A_511 : i32 to vector<16xi32>
        %parallel_loop3A_513 = arith.muli %parallel_loop3A_510, %parallel_loop3A_512 : vector<16xi32>
        %parallel_loop3A_514 = arith.addi %parallel_loop3A_513, %iota3A : vector<16xi32>
        %parallel_loop3A_515 = arith.constant 0 : i32
        %parallel_loop3A_516 = tpu.memref_slice %arg5[%parallel_loop3A_515] : memref<4096xf32, #tpu.memory_space<vmem>> -> memref<512xf32, #tpu.memory_space<vmem>>
        %parallel_loop3A_517 = tpu.vector_load_idx %parallel_loop3A_516[%parallel_loop3A_514] : memref<512xf32, #tpu.memory_space<vmem>>[vector<16xi32>], vector<16xf32>,
        %parallel_loop3A_518 = arith.constant 16 : i32
        %parallel_loop3A_519 = arith.muli %parallel_loop3A_94, %parallel_loop3A_518 : i32
        %parallel_loop3A_520 = arith.constant 40 : i32
        %parallel_loop3A_521 = arith.index_cast %parallel_loop3A_520 : i32 to index
        %parallel_loop3A_522 = arith.index_cast %parallel_loop3A_519 : i32 to index
        %parallel_loop3A_523 = tpu.vector_load %arg8[%parallel_loop3A_521, %parallel_loop3A_522] {strides = array<i32>} : memref<64x512xf32, #tpu.memory_space<vmem>>, vector<16xf32>,
        tpu.vector_store %arg8[%parallel_loop3A_521, %parallel_loop3A_522], %parallel_loop3A_517 {strides = array<i32>} : memref<64x512xf32, #tpu.memory_space<vmem>>, vector<16xf32>,
        %parallel_loop3A_524 = arith.constant 512 : i32
        %parallel_loop3A_525 = tpu.memref_slice %arg5[%parallel_loop3A_524] : memref<4096xf32, #tpu.memory_space<vmem>> -> memref<512xf32, #tpu.memory_space<vmem>>
        %parallel_loop3A_526 = tpu.vector_load_idx %parallel_loop3A_525[%parallel_loop3A_514] : memref<512xf32, #tpu.memory_space<vmem>>[vector<16xi32>], vector<16xf32>,
        %parallel_loop3A_527 = arith.constant 16 : i32
        %parallel_loop3A_528 = arith.muli %parallel_loop3A_94, %parallel_loop3A_527 : i32
        %parallel_loop3A_529 = arith.constant 41 : i32
        %parallel_loop3A_530 = arith.index_cast %parallel_loop3A_529 : i32 to index
        %parallel_loop3A_531 = arith.index_cast %parallel_loop3A_528 : i32 to index
        %parallel_loop3A_532 = tpu.vector_load %arg8[%parallel_loop3A_530, %parallel_loop3A_531] {strides = array<i32>} : memref<64x512xf32, #tpu.memory_space<vmem>>, vector<16xf32>,
        tpu.vector_store %arg8[%parallel_loop3A_530, %parallel_loop3A_531], %parallel_loop3A_526 {strides = array<i32>} : memref<64x512xf32, #tpu.memory_space<vmem>>, vector<16xf32>,
        %parallel_loop3A_533 = arith.constant 1024 : i32
        %parallel_loop3A_534 = tpu.memref_slice %arg5[%parallel_loop3A_533] : memref<4096xf32, #tpu.memory_space<vmem>> -> memref<512xf32, #tpu.memory_space<vmem>>
        %parallel_loop3A_535 = tpu.vector_load_idx %parallel_loop3A_534[%parallel_loop3A_514] : memref<512xf32, #tpu.memory_space<vmem>>[vector<16xi32>], vector<16xf32>,
        %parallel_loop3A_536 = arith.constant 16 : i32
        %parallel_loop3A_537 = arith.muli %parallel_loop3A_94, %parallel_loop3A_536 : i32
        %parallel_loop3A_538 = arith.constant 42 : i32
        %parallel_loop3A_539 = arith.index_cast %parallel_loop3A_538 : i32 to index
        %parallel_loop3A_540 = arith.index_cast %parallel_loop3A_537 : i32 to index
        %parallel_loop3A_541 = tpu.vector_load %arg8[%parallel_loop3A_539, %parallel_loop3A_540] {strides = array<i32>} : memref<64x512xf32, #tpu.memory_space<vmem>>, vector<16xf32>,
        tpu.vector_store %arg8[%parallel_loop3A_539, %parallel_loop3A_540], %parallel_loop3A_535 {strides = array<i32>} : memref<64x512xf32, #tpu.memory_space<vmem>>, vector<16xf32>,
        %parallel_loop3A_542 = arith.constant 1536 : i32
        %parallel_loop3A_543 = tpu.memref_slice %arg5[%parallel_loop3A_542] : memref<4096xf32, #tpu.memory_space<vmem>> -> memref<512xf32, #tpu.memory_space<vmem>>
        %parallel_loop3A_544 = tpu.vector_load_idx %parallel_loop3A_543[%parallel_loop3A_514] : memref<512xf32, #tpu.memory_space<vmem>>[vector<16xi32>], vector<16xf32>,
        %parallel_loop3A_545 = arith.constant 16 : i32
        %parallel_loop3A_546 = arith.muli %parallel_loop3A_94, %parallel_loop3A_545 : i32
        %parallel_loop3A_547 = arith.constant 43 : i32
        %parallel_loop3A_548 = arith.index_cast %parallel_loop3A_547 : i32 to index
        %parallel_loop3A_549 = arith.index_cast %parallel_loop3A_546 : i32 to index
        %parallel_loop3A_550 = tpu.vector_load %arg8[%parallel_loop3A_548, %parallel_loop3A_549] {strides = array<i32>} : memref<64x512xf32, #tpu.memory_space<vmem>>, vector<16xf32>,
        tpu.vector_store %arg8[%parallel_loop3A_548, %parallel_loop3A_549], %parallel_loop3A_544 {strides = array<i32>} : memref<64x512xf32, #tpu.memory_space<vmem>>, vector<16xf32>,
        %parallel_loop3A_551 = arith.constant 2048 : i32
        %parallel_loop3A_552 = tpu.memref_slice %arg5[%parallel_loop3A_551] : memref<4096xf32, #tpu.memory_space<vmem>> -> memref<512xf32, #tpu.memory_space<vmem>>
        %parallel_loop3A_553 = tpu.vector_load_idx %parallel_loop3A_552[%parallel_loop3A_514] : memref<512xf32, #tpu.memory_space<vmem>>[vector<16xi32>], vector<16xf32>,
        %parallel_loop3A_554 = arith.constant 16 : i32
        %parallel_loop3A_555 = arith.muli %parallel_loop3A_94, %parallel_loop3A_554 : i32
        %parallel_loop3A_556 = arith.constant 44 : i32
        %parallel_loop3A_557 = arith.index_cast %parallel_loop3A_556 : i32 to index
        %parallel_loop3A_558 = arith.index_cast %parallel_loop3A_555 : i32 to index
        %parallel_loop3A_559 = tpu.vector_load %arg8[%parallel_loop3A_557, %parallel_loop3A_558] {strides = array<i32>} : memref<64x512xf32, #tpu.memory_space<vmem>>, vector<16xf32>,
        tpu.vector_store %arg8[%parallel_loop3A_557, %parallel_loop3A_558], %parallel_loop3A_553 {strides = array<i32>} : memref<64x512xf32, #tpu.memory_space<vmem>>, vector<16xf32>,
        %parallel_loop3A_560 = arith.constant 2560 : i32
        %parallel_loop3A_561 = tpu.memref_slice %arg5[%parallel_loop3A_560] : memref<4096xf32, #tpu.memory_space<vmem>> -> memref<512xf32, #tpu.memory_space<vmem>>
        %parallel_loop3A_562 = tpu.vector_load_idx %parallel_loop3A_561[%parallel_loop3A_514] : memref<512xf32, #tpu.memory_space<vmem>>[vector<16xi32>], vector<16xf32>,
        %parallel_loop3A_563 = arith.constant 16 : i32
        %parallel_loop3A_564 = arith.muli %parallel_loop3A_94, %parallel_loop3A_563 : i32
        %parallel_loop3A_565 = arith.constant 45 : i32
        %parallel_loop3A_566 = arith.index_cast %parallel_loop3A_565 : i32 to index
        %parallel_loop3A_567 = arith.index_cast %parallel_loop3A_564 : i32 to index
        %parallel_loop3A_568 = tpu.vector_load %arg8[%parallel_loop3A_566, %parallel_loop3A_567] {strides = array<i32>} : memref<64x512xf32, #tpu.memory_space<vmem>>, vector<16xf32>,
        tpu.vector_store %arg8[%parallel_loop3A_566, %parallel_loop3A_567], %parallel_loop3A_562 {strides = array<i32>} : memref<64x512xf32, #tpu.memory_space<vmem>>, vector<16xf32>,
        %parallel_loop3A_569 = arith.constant 3072 : i32
        %parallel_loop3A_570 = tpu.memref_slice %arg5[%parallel_loop3A_569] : memref<4096xf32, #tpu.memory_space<vmem>> -> memref<512xf32, #tpu.memory_space<vmem>>
        %parallel_loop3A_571 = tpu.vector_load_idx %parallel_loop3A_570[%parallel_loop3A_514] : memref<512xf32, #tpu.memory_space<vmem>>[vector<16xi32>], vector<16xf32>,
        %parallel_loop3A_572 = arith.constant 16 : i32
        %parallel_loop3A_573 = arith.muli %parallel_loop3A_94, %parallel_loop3A_572 : i32
        %parallel_loop3A_574 = arith.constant 46 : i32
        %parallel_loop3A_575 = arith.index_cast %parallel_loop3A_574 : i32 to index
        %parallel_loop3A_576 = arith.index_cast %parallel_loop3A_573 : i32 to index
        %parallel_loop3A_577 = tpu.vector_load %arg8[%parallel_loop3A_575, %parallel_loop3A_576] {strides = array<i32>} : memref<64x512xf32, #tpu.memory_space<vmem>>, vector<16xf32>,
        tpu.vector_store %arg8[%parallel_loop3A_575, %parallel_loop3A_576], %parallel_loop3A_571 {strides = array<i32>} : memref<64x512xf32, #tpu.memory_space<vmem>>, vector<16xf32>,
        %parallel_loop3A_578 = arith.constant 3584 : i32
        %parallel_loop3A_579 = tpu.memref_slice %arg5[%parallel_loop3A_578] : memref<4096xf32, #tpu.memory_space<vmem>> -> memref<512xf32, #tpu.memory_space<vmem>>
        %parallel_loop3A_580 = tpu.vector_load_idx %parallel_loop3A_579[%parallel_loop3A_514] : memref<512xf32, #tpu.memory_space<vmem>>[vector<16xi32>], vector<16xf32>,
        %parallel_loop3A_581 = arith.constant 16 : i32
        %parallel_loop3A_582 = arith.muli %parallel_loop3A_94, %parallel_loop3A_581 : i32
        %parallel_loop3A_583 = arith.constant 47 : i32
        %parallel_loop3A_584 = arith.index_cast %parallel_loop3A_583 : i32 to index
        %parallel_loop3A_585 = arith.index_cast %parallel_loop3A_582 : i32 to index
        %parallel_loop3A_586 = tpu.vector_load %arg8[%parallel_loop3A_584, %parallel_loop3A_585] {strides = array<i32>} : memref<64x512xf32, #tpu.memory_space<vmem>>, vector<16xf32>,
        tpu.vector_store %arg8[%parallel_loop3A_584, %parallel_loop3A_585], %parallel_loop3A_580 {strides = array<i32>} : memref<64x512xf32, #tpu.memory_space<vmem>>, vector<16xf32>,
        %parallel_loop3A_587 = arith.constant 16 : i32
        %parallel_loop3A_588 = arith.muli %parallel_loop3A_94, %parallel_loop3A_587 : i32
        %parallel_loop3A_589 = arith.constant 6 : i32
        %parallel_loop3A_590 = arith.index_cast %parallel_loop3A_589 : i32 to index
        %parallel_loop3A_591 = arith.index_cast %parallel_loop3A_588 : i32 to index
        %parallel_loop3A_592 = tpu.vector_load %arg6[%parallel_loop3A_590, %parallel_loop3A_591] {strides = array<i32>} : memref<8x512xi32, #tpu.memory_space<vmem>>, vector<16xi32>,
        %parallel_loop3A_593 = arith.constant 16 : i32
        %parallel_loop3A_594 = vector.broadcast %parallel_loop3A_593 : i32 to vector<16xi32>
        %parallel_loop3A_595 = arith.muli %parallel_loop3A_592, %parallel_loop3A_594 : vector<16xi32>
        %parallel_loop3A_596 = arith.addi %parallel_loop3A_595, %iota3A : vector<16xi32>
        %parallel_loop3A_597 = arith.constant 0 : i32
        %parallel_loop3A_598 = tpu.memref_slice %arg5[%parallel_loop3A_597] : memref<4096xf32, #tpu.memory_space<vmem>> -> memref<512xf32, #tpu.memory_space<vmem>>
        %parallel_loop3A_599 = tpu.vector_load_idx %parallel_loop3A_598[%parallel_loop3A_596] : memref<512xf32, #tpu.memory_space<vmem>>[vector<16xi32>], vector<16xf32>,
        %parallel_loop3A_600 = arith.constant 16 : i32
        %parallel_loop3A_601 = arith.muli %parallel_loop3A_94, %parallel_loop3A_600 : i32
        %parallel_loop3A_602 = arith.constant 48 : i32
        %parallel_loop3A_603 = arith.index_cast %parallel_loop3A_602 : i32 to index
        %parallel_loop3A_604 = arith.index_cast %parallel_loop3A_601 : i32 to index
        %parallel_loop3A_605 = tpu.vector_load %arg8[%parallel_loop3A_603, %parallel_loop3A_604] {strides = array<i32>} : memref<64x512xf32, #tpu.memory_space<vmem>>, vector<16xf32>,
        tpu.vector_store %arg8[%parallel_loop3A_603, %parallel_loop3A_604], %parallel_loop3A_599 {strides = array<i32>} : memref<64x512xf32, #tpu.memory_space<vmem>>, vector<16xf32>,
        %parallel_loop3A_606 = arith.constant 512 : i32
        %parallel_loop3A_607 = tpu.memref_slice %arg5[%parallel_loop3A_606] : memref<4096xf32, #tpu.memory_space<vmem>> -> memref<512xf32, #tpu.memory_space<vmem>>
        %parallel_loop3A_608 = tpu.vector_load_idx %parallel_loop3A_607[%parallel_loop3A_596] : memref<512xf32, #tpu.memory_space<vmem>>[vector<16xi32>], vector<16xf32>,
        %parallel_loop3A_609 = arith.constant 16 : i32
        %parallel_loop3A_610 = arith.muli %parallel_loop3A_94, %parallel_loop3A_609 : i32
        %parallel_loop3A_611 = arith.constant 49 : i32
        %parallel_loop3A_612 = arith.index_cast %parallel_loop3A_611 : i32 to index
        %parallel_loop3A_613 = arith.index_cast %parallel_loop3A_610 : i32 to index
        %parallel_loop3A_614 = tpu.vector_load %arg8[%parallel_loop3A_612, %parallel_loop3A_613] {strides = array<i32>} : memref<64x512xf32, #tpu.memory_space<vmem>>, vector<16xf32>,
        tpu.vector_store %arg8[%parallel_loop3A_612, %parallel_loop3A_613], %parallel_loop3A_608 {strides = array<i32>} : memref<64x512xf32, #tpu.memory_space<vmem>>, vector<16xf32>,
        %parallel_loop3A_615 = arith.constant 1024 : i32
        %parallel_loop3A_616 = tpu.memref_slice %arg5[%parallel_loop3A_615] : memref<4096xf32, #tpu.memory_space<vmem>> -> memref<512xf32, #tpu.memory_space<vmem>>
        %parallel_loop3A_617 = tpu.vector_load_idx %parallel_loop3A_616[%parallel_loop3A_596] : memref<512xf32, #tpu.memory_space<vmem>>[vector<16xi32>], vector<16xf32>,
        %parallel_loop3A_618 = arith.constant 16 : i32
        %parallel_loop3A_619 = arith.muli %parallel_loop3A_94, %parallel_loop3A_618 : i32
        %parallel_loop3A_620 = arith.constant 50 : i32
        %parallel_loop3A_621 = arith.index_cast %parallel_loop3A_620 : i32 to index
        %parallel_loop3A_622 = arith.index_cast %parallel_loop3A_619 : i32 to index
        %parallel_loop3A_623 = tpu.vector_load %arg8[%parallel_loop3A_621, %parallel_loop3A_622] {strides = array<i32>} : memref<64x512xf32, #tpu.memory_space<vmem>>, vector<16xf32>,
        tpu.vector_store %arg8[%parallel_loop3A_621, %parallel_loop3A_622], %parallel_loop3A_617 {strides = array<i32>} : memref<64x512xf32, #tpu.memory_space<vmem>>, vector<16xf32>,
        %parallel_loop3A_624 = arith.constant 1536 : i32
        %parallel_loop3A_625 = tpu.memref_slice %arg5[%parallel_loop3A_624] : memref<4096xf32, #tpu.memory_space<vmem>> -> memref<512xf32, #tpu.memory_space<vmem>>
        %parallel_loop3A_626 = tpu.vector_load_idx %parallel_loop3A_625[%parallel_loop3A_596] : memref<512xf32, #tpu.memory_space<vmem>>[vector<16xi32>], vector<16xf32>,
        %parallel_loop3A_627 = arith.constant 16 : i32
        %parallel_loop3A_628 = arith.muli %parallel_loop3A_94, %parallel_loop3A_627 : i32
        %parallel_loop3A_629 = arith.constant 51 : i32
        %parallel_loop3A_630 = arith.index_cast %parallel_loop3A_629 : i32 to index
        %parallel_loop3A_631 = arith.index_cast %parallel_loop3A_628 : i32 to index
        %parallel_loop3A_632 = tpu.vector_load %arg8[%parallel_loop3A_630, %parallel_loop3A_631] {strides = array<i32>} : memref<64x512xf32, #tpu.memory_space<vmem>>, vector<16xf32>,
        tpu.vector_store %arg8[%parallel_loop3A_630, %parallel_loop3A_631], %parallel_loop3A_626 {strides = array<i32>} : memref<64x512xf32, #tpu.memory_space<vmem>>, vector<16xf32>,
        %parallel_loop3A_633 = arith.constant 2048 : i32
        %parallel_loop3A_634 = tpu.memref_slice %arg5[%parallel_loop3A_633] : memref<4096xf32, #tpu.memory_space<vmem>> -> memref<512xf32, #tpu.memory_space<vmem>>
        %parallel_loop3A_635 = tpu.vector_load_idx %parallel_loop3A_634[%parallel_loop3A_596] : memref<512xf32, #tpu.memory_space<vmem>>[vector<16xi32>], vector<16xf32>,
        %parallel_loop3A_636 = arith.constant 16 : i32
        %parallel_loop3A_637 = arith.muli %parallel_loop3A_94, %parallel_loop3A_636 : i32
        %parallel_loop3A_638 = arith.constant 52 : i32
        %parallel_loop3A_639 = arith.index_cast %parallel_loop3A_638 : i32 to index
        %parallel_loop3A_640 = arith.index_cast %parallel_loop3A_637 : i32 to index
        %parallel_loop3A_641 = tpu.vector_load %arg8[%parallel_loop3A_639, %parallel_loop3A_640] {strides = array<i32>} : memref<64x512xf32, #tpu.memory_space<vmem>>, vector<16xf32>,
        tpu.vector_store %arg8[%parallel_loop3A_639, %parallel_loop3A_640], %parallel_loop3A_635 {strides = array<i32>} : memref<64x512xf32, #tpu.memory_space<vmem>>, vector<16xf32>,
        %parallel_loop3A_642 = arith.constant 2560 : i32
        %parallel_loop3A_643 = tpu.memref_slice %arg5[%parallel_loop3A_642] : memref<4096xf32, #tpu.memory_space<vmem>> -> memref<512xf32, #tpu.memory_space<vmem>>
        %parallel_loop3A_644 = tpu.vector_load_idx %parallel_loop3A_643[%parallel_loop3A_596] : memref<512xf32, #tpu.memory_space<vmem>>[vector<16xi32>], vector<16xf32>,
        %parallel_loop3A_645 = arith.constant 16 : i32
        %parallel_loop3A_646 = arith.muli %parallel_loop3A_94, %parallel_loop3A_645 : i32
        %parallel_loop3A_647 = arith.constant 53 : i32
        %parallel_loop3A_648 = arith.index_cast %parallel_loop3A_647 : i32 to index
        %parallel_loop3A_649 = arith.index_cast %parallel_loop3A_646 : i32 to index
        %parallel_loop3A_650 = tpu.vector_load %arg8[%parallel_loop3A_648, %parallel_loop3A_649] {strides = array<i32>} : memref<64x512xf32, #tpu.memory_space<vmem>>, vector<16xf32>,
        tpu.vector_store %arg8[%parallel_loop3A_648, %parallel_loop3A_649], %parallel_loop3A_644 {strides = array<i32>} : memref<64x512xf32, #tpu.memory_space<vmem>>, vector<16xf32>,
        %parallel_loop3A_651 = arith.constant 3072 : i32
        %parallel_loop3A_652 = tpu.memref_slice %arg5[%parallel_loop3A_651] : memref<4096xf32, #tpu.memory_space<vmem>> -> memref<512xf32, #tpu.memory_space<vmem>>
        %parallel_loop3A_653 = tpu.vector_load_idx %parallel_loop3A_652[%parallel_loop3A_596] : memref<512xf32, #tpu.memory_space<vmem>>[vector<16xi32>], vector<16xf32>,
        %parallel_loop3A_654 = arith.constant 16 : i32
        %parallel_loop3A_655 = arith.muli %parallel_loop3A_94, %parallel_loop3A_654 : i32
        %parallel_loop3A_656 = arith.constant 54 : i32
        %parallel_loop3A_657 = arith.index_cast %parallel_loop3A_656 : i32 to index
        %parallel_loop3A_658 = arith.index_cast %parallel_loop3A_655 : i32 to index
        %parallel_loop3A_659 = tpu.vector_load %arg8[%parallel_loop3A_657, %parallel_loop3A_658] {strides = array<i32>} : memref<64x512xf32, #tpu.memory_space<vmem>>, vector<16xf32>,
        tpu.vector_store %arg8[%parallel_loop3A_657, %parallel_loop3A_658], %parallel_loop3A_653 {strides = array<i32>} : memref<64x512xf32, #tpu.memory_space<vmem>>, vector<16xf32>,
        %parallel_loop3A_660 = arith.constant 3584 : i32
        %parallel_loop3A_661 = tpu.memref_slice %arg5[%parallel_loop3A_660] : memref<4096xf32, #tpu.memory_space<vmem>> -> memref<512xf32, #tpu.memory_space<vmem>>
        %parallel_loop3A_662 = tpu.vector_load_idx %parallel_loop3A_661[%parallel_loop3A_596] : memref<512xf32, #tpu.memory_space<vmem>>[vector<16xi32>], vector<16xf32>,
        %parallel_loop3A_663 = arith.constant 16 : i32
        %parallel_loop3A_664 = arith.muli %parallel_loop3A_94, %parallel_loop3A_663 : i32
        %parallel_loop3A_665 = arith.constant 55 : i32
        %parallel_loop3A_666 = arith.index_cast %parallel_loop3A_665 : i32 to index
        %parallel_loop3A_667 = arith.index_cast %parallel_loop3A_664 : i32 to index
        %parallel_loop3A_668 = tpu.vector_load %arg8[%parallel_loop3A_666, %parallel_loop3A_667] {strides = array<i32>} : memref<64x512xf32, #tpu.memory_space<vmem>>, vector<16xf32>,
        tpu.vector_store %arg8[%parallel_loop3A_666, %parallel_loop3A_667], %parallel_loop3A_662 {strides = array<i32>} : memref<64x512xf32, #tpu.memory_space<vmem>>, vector<16xf32>,
        %parallel_loop3A_669 = arith.constant 16 : i32
        %parallel_loop3A_670 = arith.muli %parallel_loop3A_94, %parallel_loop3A_669 : i32
        %parallel_loop3A_671 = arith.constant 7 : i32
        %parallel_loop3A_672 = arith.index_cast %parallel_loop3A_671 : i32 to index
        %parallel_loop3A_673 = arith.index_cast %parallel_loop3A_670 : i32 to index
        %parallel_loop3A_674 = tpu.vector_load %arg6[%parallel_loop3A_672, %parallel_loop3A_673] {strides = array<i32>} : memref<8x512xi32, #tpu.memory_space<vmem>>, vector<16xi32>,
        %parallel_loop3A_675 = arith.constant 16 : i32
        %parallel_loop3A_676 = vector.broadcast %parallel_loop3A_675 : i32 to vector<16xi32>
        %parallel_loop3A_677 = arith.muli %parallel_loop3A_674, %parallel_loop3A_676 : vector<16xi32>
        %parallel_loop3A_678 = arith.addi %parallel_loop3A_677, %iota3A : vector<16xi32>
        %parallel_loop3A_679 = arith.constant 0 : i32
        %parallel_loop3A_680 = tpu.memref_slice %arg5[%parallel_loop3A_679] : memref<4096xf32, #tpu.memory_space<vmem>> -> memref<512xf32, #tpu.memory_space<vmem>>
        %parallel_loop3A_681 = tpu.vector_load_idx %parallel_loop3A_680[%parallel_loop3A_678] : memref<512xf32, #tpu.memory_space<vmem>>[vector<16xi32>], vector<16xf32>,
        %parallel_loop3A_682 = arith.constant 16 : i32
        %parallel_loop3A_683 = arith.muli %parallel_loop3A_94, %parallel_loop3A_682 : i32
        %parallel_loop3A_684 = arith.constant 56 : i32
        %parallel_loop3A_685 = arith.index_cast %parallel_loop3A_684 : i32 to index
        %parallel_loop3A_686 = arith.index_cast %parallel_loop3A_683 : i32 to index
        %parallel_loop3A_687 = tpu.vector_load %arg8[%parallel_loop3A_685, %parallel_loop3A_686] {strides = array<i32>} : memref<64x512xf32, #tpu.memory_space<vmem>>, vector<16xf32>,
        tpu.vector_store %arg8[%parallel_loop3A_685, %parallel_loop3A_686], %parallel_loop3A_681 {strides = array<i32>} : memref<64x512xf32, #tpu.memory_space<vmem>>, vector<16xf32>,
        %parallel_loop3A_688 = arith.constant 512 : i32
        %parallel_loop3A_689 = tpu.memref_slice %arg5[%parallel_loop3A_688] : memref<4096xf32, #tpu.memory_space<vmem>> -> memref<512xf32, #tpu.memory_space<vmem>>
        %parallel_loop3A_690 = tpu.vector_load_idx %parallel_loop3A_689[%parallel_loop3A_678] : memref<512xf32, #tpu.memory_space<vmem>>[vector<16xi32>], vector<16xf32>,
        %parallel_loop3A_691 = arith.constant 16 : i32
        %parallel_loop3A_692 = arith.muli %parallel_loop3A_94, %parallel_loop3A_691 : i32
        %parallel_loop3A_693 = arith.constant 57 : i32
        %parallel_loop3A_694 = arith.index_cast %parallel_loop3A_693 : i32 to index
        %parallel_loop3A_695 = arith.index_cast %parallel_loop3A_692 : i32 to index
        %parallel_loop3A_696 = tpu.vector_load %arg8[%parallel_loop3A_694, %parallel_loop3A_695] {strides = array<i32>} : memref<64x512xf32, #tpu.memory_space<vmem>>, vector<16xf32>,
        tpu.vector_store %arg8[%parallel_loop3A_694, %parallel_loop3A_695], %parallel_loop3A_690 {strides = array<i32>} : memref<64x512xf32, #tpu.memory_space<vmem>>, vector<16xf32>,
        %parallel_loop3A_697 = arith.constant 1024 : i32
        %parallel_loop3A_698 = tpu.memref_slice %arg5[%parallel_loop3A_697] : memref<4096xf32, #tpu.memory_space<vmem>> -> memref<512xf32, #tpu.memory_space<vmem>>
        %parallel_loop3A_699 = tpu.vector_load_idx %parallel_loop3A_698[%parallel_loop3A_678] : memref<512xf32, #tpu.memory_space<vmem>>[vector<16xi32>], vector<16xf32>,
        %parallel_loop3A_700 = arith.constant 16 : i32
        %parallel_loop3A_701 = arith.muli %parallel_loop3A_94, %parallel_loop3A_700 : i32
        %parallel_loop3A_702 = arith.constant 58 : i32
        %parallel_loop3A_703 = arith.index_cast %parallel_loop3A_702 : i32 to index
        %parallel_loop3A_704 = arith.index_cast %parallel_loop3A_701 : i32 to index
        %parallel_loop3A_705 = tpu.vector_load %arg8[%parallel_loop3A_703, %parallel_loop3A_704] {strides = array<i32>} : memref<64x512xf32, #tpu.memory_space<vmem>>, vector<16xf32>,
        tpu.vector_store %arg8[%parallel_loop3A_703, %parallel_loop3A_704], %parallel_loop3A_699 {strides = array<i32>} : memref<64x512xf32, #tpu.memory_space<vmem>>, vector<16xf32>,
        %parallel_loop3A_706 = arith.constant 1536 : i32
        %parallel_loop3A_707 = tpu.memref_slice %arg5[%parallel_loop3A_706] : memref<4096xf32, #tpu.memory_space<vmem>> -> memref<512xf32, #tpu.memory_space<vmem>>
        %parallel_loop3A_708 = tpu.vector_load_idx %parallel_loop3A_707[%parallel_loop3A_678] : memref<512xf32, #tpu.memory_space<vmem>>[vector<16xi32>], vector<16xf32>,
        %parallel_loop3A_709 = arith.constant 16 : i32
        %parallel_loop3A_710 = arith.muli %parallel_loop3A_94, %parallel_loop3A_709 : i32
        %parallel_loop3A_711 = arith.constant 59 : i32
        %parallel_loop3A_712 = arith.index_cast %parallel_loop3A_711 : i32 to index
        %parallel_loop3A_713 = arith.index_cast %parallel_loop3A_710 : i32 to index
        %parallel_loop3A_714 = tpu.vector_load %arg8[%parallel_loop3A_712, %parallel_loop3A_713] {strides = array<i32>} : memref<64x512xf32, #tpu.memory_space<vmem>>, vector<16xf32>,
        tpu.vector_store %arg8[%parallel_loop3A_712, %parallel_loop3A_713], %parallel_loop3A_708 {strides = array<i32>} : memref<64x512xf32, #tpu.memory_space<vmem>>, vector<16xf32>,
        %parallel_loop3A_715 = arith.constant 2048 : i32
        %parallel_loop3A_716 = tpu.memref_slice %arg5[%parallel_loop3A_715] : memref<4096xf32, #tpu.memory_space<vmem>> -> memref<512xf32, #tpu.memory_space<vmem>>
        %parallel_loop3A_717 = tpu.vector_load_idx %parallel_loop3A_716[%parallel_loop3A_678] : memref<512xf32, #tpu.memory_space<vmem>>[vector<16xi32>], vector<16xf32>,
        %parallel_loop3A_718 = arith.constant 16 : i32
        %parallel_loop3A_719 = arith.muli %parallel_loop3A_94, %parallel_loop3A_718 : i32
        %parallel_loop3A_720 = arith.constant 60 : i32
        %parallel_loop3A_721 = arith.index_cast %parallel_loop3A_720 : i32 to index
        %parallel_loop3A_722 = arith.index_cast %parallel_loop3A_719 : i32 to index
        %parallel_loop3A_723 = tpu.vector_load %arg8[%parallel_loop3A_721, %parallel_loop3A_722] {strides = array<i32>} : memref<64x512xf32, #tpu.memory_space<vmem>>, vector<16xf32>,
        tpu.vector_store %arg8[%parallel_loop3A_721, %parallel_loop3A_722], %parallel_loop3A_717 {strides = array<i32>} : memref<64x512xf32, #tpu.memory_space<vmem>>, vector<16xf32>,
        %parallel_loop3A_724 = arith.constant 2560 : i32
        %parallel_loop3A_725 = tpu.memref_slice %arg5[%parallel_loop3A_724] : memref<4096xf32, #tpu.memory_space<vmem>> -> memref<512xf32, #tpu.memory_space<vmem>>
        %parallel_loop3A_726 = tpu.vector_load_idx %parallel_loop3A_725[%parallel_loop3A_678] : memref<512xf32, #tpu.memory_space<vmem>>[vector<16xi32>], vector<16xf32>,
        %parallel_loop3A_727 = arith.constant 16 : i32
        %parallel_loop3A_728 = arith.muli %parallel_loop3A_94, %parallel_loop3A_727 : i32
        %parallel_loop3A_729 = arith.constant 61 : i32
        %parallel_loop3A_730 = arith.index_cast %parallel_loop3A_729 : i32 to index
        %parallel_loop3A_731 = arith.index_cast %parallel_loop3A_728 : i32 to index
        %parallel_loop3A_732 = tpu.vector_load %arg8[%parallel_loop3A_730, %parallel_loop3A_731] {strides = array<i32>} : memref<64x512xf32, #tpu.memory_space<vmem>>, vector<16xf32>,
        tpu.vector_store %arg8[%parallel_loop3A_730, %parallel_loop3A_731], %parallel_loop3A_726 {strides = array<i32>} : memref<64x512xf32, #tpu.memory_space<vmem>>, vector<16xf32>,
        %parallel_loop3A_733 = arith.constant 3072 : i32
        %parallel_loop3A_734 = tpu.memref_slice %arg5[%parallel_loop3A_733] : memref<4096xf32, #tpu.memory_space<vmem>> -> memref<512xf32, #tpu.memory_space<vmem>>
        %parallel_loop3A_735 = tpu.vector_load_idx %parallel_loop3A_734[%parallel_loop3A_678] : memref<512xf32, #tpu.memory_space<vmem>>[vector<16xi32>], vector<16xf32>,
        %parallel_loop3A_736 = arith.constant 16 : i32
        %parallel_loop3A_737 = arith.muli %parallel_loop3A_94, %parallel_loop3A_736 : i32
        %parallel_loop3A_738 = arith.constant 62 : i32
        %parallel_loop3A_739 = arith.index_cast %parallel_loop3A_738 : i32 to index
        %parallel_loop3A_740 = arith.index_cast %parallel_loop3A_737 : i32 to index
        %parallel_loop3A_741 = tpu.vector_load %arg8[%parallel_loop3A_739, %parallel_loop3A_740] {strides = array<i32>} : memref<64x512xf32, #tpu.memory_space<vmem>>, vector<16xf32>,
        tpu.vector_store %arg8[%parallel_loop3A_739, %parallel_loop3A_740], %parallel_loop3A_735 {strides = array<i32>} : memref<64x512xf32, #tpu.memory_space<vmem>>, vector<16xf32>,
        %parallel_loop3A_742 = arith.constant 3584 : i32
        %parallel_loop3A_743 = tpu.memref_slice %arg5[%parallel_loop3A_742] : memref<4096xf32, #tpu.memory_space<vmem>> -> memref<512xf32, #tpu.memory_space<vmem>>
        %parallel_loop3A_744 = tpu.vector_load_idx %parallel_loop3A_743[%parallel_loop3A_678] : memref<512xf32, #tpu.memory_space<vmem>>[vector<16xi32>], vector<16xf32>,
        %parallel_loop3A_745 = arith.constant 16 : i32
        %parallel_loop3A_746 = arith.muli %parallel_loop3A_94, %parallel_loop3A_745 : i32
        %parallel_loop3A_747 = arith.constant 63 : i32
        %parallel_loop3A_748 = arith.index_cast %parallel_loop3A_747 : i32 to index
        %parallel_loop3A_749 = arith.index_cast %parallel_loop3A_746 : i32 to index
        %parallel_loop3A_750 = tpu.vector_load %arg8[%parallel_loop3A_748, %parallel_loop3A_749] {strides = array<i32>} : memref<64x512xf32, #tpu.memory_space<vmem>>, vector<16xf32>,
        tpu.vector_store %arg8[%parallel_loop3A_748, %parallel_loop3A_749], %parallel_loop3A_744 {strides = array<i32>} : memref<64x512xf32, #tpu.memory_space<vmem>>, vector<16xf32>,
      } {sc.loop_unroll_factor = 8 : i64, sc.parallel_access}
      %mul3A_90 = arith.constant 64 : i32
      %mul3A_91 = arith.muli %add3A_67, %mul3A_90 : i32
      %dma_start3A_92 = tpu.memref_slice %arg4[%mul3A_91, %mul3A_2] : memref<1600x16384xf32, #tpu.memory_space<hbm>> -> memref<64x512xf32, #tpu.memory_space<hbm>>
      %dma_start3A_93 = tpu.memref_slice %arg4[%mul3A_91, %mul3A_2] : memref<1600x16384xf32, #tpu.memory_space<hbm>> -> memref<64x512xf32, #tpu.memory_space<hbm>>
      tpu.enqueue_dma source(%arg8 : memref<64x512xf32, #tpu.memory_space<vmem>>) target(%dma_start3A_93 : memref<64x512xf32, #tpu.memory_space<hbm>>) target_semaphore(%arg12 : memref<!tpu.dma_semaphore, #tpu.memory_space<semaphore_mem>>)
    }
    %scan3A_25 = arith.constant 12 : i32
    %dma_wait3A_26 = arith.constant 0 : i32
    %dma_wait3A_27 = arith.constant 0 : i32
    %dma_wait3A_28 = tpu.memref_slice %arg4[%dma_wait3A_26, %dma_wait3A_27] : memref<1600x16384xf32, #tpu.memory_space<hbm>> -> memref<64x512xf32, #tpu.memory_space<hbm>>
    %dma_wait3A_29 = arith.constant 0 : i32
    %dma_wait3A_30 = arith.constant 0 : i32
    %dma_wait3A_31 = tpu.memref_slice %arg4[%dma_wait3A_29, %dma_wait3A_30] : memref<1600x16384xf32, #tpu.memory_space<hbm>> -> memref<64x512xf32, #tpu.memory_space<hbm>>
    tpu.wait_dma2 semaphore(%arg12 : memref<!tpu.dma_semaphore, #tpu.memory_space<semaphore_mem>>) src(%arg8 : memref<64x512xf32, #tpu.memory_space<vmem>>) dst(%dma_wait3A_31 : memref<64x512xf32, #tpu.memory_space<hbm>>)
    %dma_wait3A_32 = arith.constant 0 : i32
    %dma_wait3A_33 = arith.constant 0 : i32
    %dma_wait3A_34 = tpu.memref_slice %arg4[%dma_wait3A_32, %dma_wait3A_33] : memref<1600x16384xf32, #tpu.memory_space<hbm>> -> memref<64x512xf32, #tpu.memory_space<hbm>>
    %dma_wait3A_35 = arith.constant 0 : i32
    %dma_wait3A_36 = arith.constant 0 : i32
    %dma_wait3A_37 = tpu.memref_slice %arg4[%dma_wait3A_35, %dma_wait3A_36] : memref<1600x16384xf32, #tpu.memory_space<hbm>> -> memref<64x512xf32, #tpu.memory_space<hbm>>
    tpu.wait_dma2 semaphore(%arg13 : memref<!tpu.dma_semaphore, #tpu.memory_space<semaphore_mem>>) src(%arg9 : memref<64x512xf32, #tpu.memory_space<vmem>>) dst(%dma_wait3A_37 : memref<64x512xf32, #tpu.memory_space<hbm>>)
    return
  }
}

</mosaic_0001>

<sc_bundles>
// kernel: kernel.3.cloned.1.call-start
scs
__scs_entry_jumppad:
0x0: {  	(pc) =	sbr.rel $0x88, $3  }
0x1: {  	(tag) =	ssettag $0x0;
	lr =	simm.s32 $0x1  }
0x2: {  	[smem:$0x3F9F] =	sst lr;
	_ =	strace $0xD0000000  }
0x3: {  	_ = 	snop  }
0x4: {  	_ = 	snop  }
0x5: {  	_ = 	snop  }
0x6: {  	_ = 	snop  }
0x7: {  	_ = 	snop  }
__scs_overlays_trampoline_lowered:
0x8: {  	[smem:$0x3FAE] =	sst s0  }
0x9: {  	[smem:$0x3FAF] =	sst s1  }
0xa: {  	[smem:$0x3FB0] =	sst s2  }
0xb: {  	[smem:$0x3FB1] =	sst s3  }
0xc: {  	[smem:$0x3FB2] =	sst s4  }
0xd: {  	[smem:$0x3FB3] =	sst s5  }
0xe: {  	[smem:$0x3FB4] =	sst s6  }
0xf: {  	[smem:$0x3FB5] =	sst s7  }
0x10: {  	[smem:$0x3FB6] =	sst s8  }
0x11: {  	[smem:$0x3FB7] =	sst s9;
	s0 =	simm.s32 @!p0 $0x0  }
0x12: {  	s1 =	sld [smem:$0x3F9D];
	s0 =	simm.s32 @p0 $0x1  }
0x13: {  	[smem:$0x3FB8] =	sst s0;
	s0 =	simm.s32 @!p1 $0x0  }
0x14: {  	s2 =	sld [smem:$0x3F9C];
	s0 =	simm.s32 @p1 $0x1  }
0x15: {  	[smem:$0x3FB9] =	sst s0;
	s0 =	simm.s32 @!p2 $0x0  }
0x16: {  	s3 =	sld [smem:$0x3FDB];
	s0 =	simm.s32 @p2 $0x1  }
0x17: {  	s4 =	simm.s32 $0x1BF5;
	[smem:$0x3FBB] =	sst s0  }
0x18: {  	s0 =	sld [smem:$0x3F9E];
	_ =	swait.ge [sflag:s4], $0x0  }
0x19: {  	s7 =	sld [smem:$0x3F9F]  }
0x1a: {  	s8 =	sadd.s32 $0xFFFFE003, lr  }
0x1b: {  	s9 =	sadd.s32 $0xFFFFFEF7, lr;
	s5 =	simm.s32 $0xFFFFFFFF;
	p2 =	slt.u32 s8, $0xFFFFF086  }
0x1c: {  	p1 =	slt.u32 s9, $0xF7A;
	s5 =	simm.s32 @!p2 $0x0  }
0x1d: {  	s5 =	simm.s32 @p1 $0x1;
	p0 =	seq.s32 s7, s2  }
0x1e: {  	s7 =	smul.u32 @!p0 $0xF7A, s2;
	p2 =	seq.s32 @!p0 s5, $0x0  }
0x1f: {  	s9 =	smul.u32 $0xF7A, s1;
	s8 =	simm.s32 @!p0 $0x1BF5;
	p2 =	por !p2, p0  }
0x20: {  	[sflag:s8] =	ssyncset.s32 @!p0 $0xFFFFF086;
	s6 =	sadd.s32 @!p0 s3, s7;
	s7 =	simm.s32 @!p0 $0x108  }
0x21: {  	s3 =	sadd.s32 s3, s9;
	s6 =	sadd.s32 @!p0 $0x88, s6;
	s7 =	simm.s32 @p2 $0x1082  }
0x22: {  	[simem:s7], [sflag:s8] =	dma.local @!p0 [hbm:s6], $0xF7A  }
0x23: {  	s9 =	sor.u32 $0xD0000000, s2;
	s6 =	simm.s32 $0x108;
	_ =	swait.ge @!p0 [sflag:s8], $0x0  }
0x24: {  	s3 =	sadd.s32 $0x88, s3;
	s6 =	simm.s32 @!p1 $0x1082;
	[sflag:s4] =	ssyncset.s32 $0xFFFFF086  }
0x25: {  	[simem:s6], [sflag:s4] =	dma.local [hbm:s3], $0xF7A  }
0x26: {  	[smem:$0x3F9F] =	sst s1;
	(tag) =	ssettag s2;
	_ =	strace s9  }
0x27: {  	s1 =	sld [smem:$0x3FAF]  }
0x28: {  	s2 =	sld [smem:$0x3FB0]  }
0x29: {  	s4 =	sld [smem:$0x3FB2]  }
0x2a: {  	p0 =	seq.s32 s5, $0x0;
	s5 =	sld [smem:$0x3FB3]  }
0x2b: {  	s6 =	sld [smem:$0x3FB4]  }
0x2c: {  	s7 =	sld [smem:$0x3FB5]  }
0x2d: {  	s3 =	simm.s32 $0x108;
	s8 =	sld [smem:$0x3FB6]  }
0x2e: {  	s3 =	simm.s32 @!p0 $0x1082;
	s9 =	sld [smem:$0x3FB7]  }
0x2f: {  	lr =	sadd.s32 s0, s3;
	s0 =	sld [smem:$0x3FAE]  }
0x30: {  	s3 =	sld [smem:$0x3FB1]  }
0x31: {  	[smem:$0x3FBA] =	sst s10  }
0x32: {  	s10 =	sld [smem:$0x3FB8];
	_ =	sdelay $0x3  }
0x33: {  	p0 =	seq.s32 s10, $0x1;
	s10 =	sld [smem:$0x3FBA];
	_ =	sdelay $0x3  }
0x34: {  	[smem:$0x3FBA] =	sst s10  }
0x35: {  	s10 =	sld [smem:$0x3FB9];
	_ =	sdelay $0x3  }
0x36: {  	p1 =	seq.s32 s10, $0x1;
	s10 =	sld [smem:$0x3FBA];
	_ =	sdelay $0x3  }
0x37: {  	[smem:$0x3FBA] =	sst s10  }
0x38: {  	s10 =	sld [smem:$0x3FBB]  }
0x39: {  	_ = 	snop;
	(pc) =	sbr.ind lr, $3  }
0x3a: {  	_ = 	snop  }
0x3b: {  	_ = 	snop  }
0x3c: {  	p2 =	seq.s32 s10, $0x1;
	s10 =	sld [smem:$0x3FBA]  }
0x3d: {  	_ =	shalt  }
0x3e: {  	_ =	shalt  }
0x3f: {  	_ =	shalt  }
0x40: {  	_ =	shalt  }
0x41: {  	_ =	shalt  }
0x42: {  	_ =	shalt  }
0x43: {  	_ =	shalt  }
0x44: {  	_ =	shalt  }
0x45: {  	_ =	shalt  }
0x46: {  	_ =	shalt  }
0x47: {  	_ =	shalt  }
0x48: {  	_ =	shalt  }
0x49: {  	_ =	shalt  }
0x4a: {  	_ =	shalt  }
0x4b: {  	_ =	shalt  }
0x4c: {  	_ =	shalt  }
0x4d: {  	_ =	shalt  }
0x4e: {  	_ =	shalt  }
0x4f: {  	_ =	shalt  }
0x50: {  	_ =	shalt  }
0x51: {  	_ =	shalt  }
0x52: {  	_ =	shalt  }
0x53: {  	_ =	shalt  }
0x54: {  	_ =	shalt  }
0x55: {  	_ =	shalt  }
0x56: {  	_ =	shalt  }
0x57: {  	_ =	shalt  }
0x58: {  	_ =	shalt  }
0x59: {  	_ =	shalt  }
0x5a: {  	_ =	shalt  }
0x5b: {  	_ =	shalt  }
0x5c: {  	_ =	shalt  }
0x5d: {  	_ =	shalt  }
0x5e: {  	_ =	shalt  }
0x5f: {  	_ =	shalt  }
0x60: {  	_ =	shalt  }
0x61: {  	_ =	shalt  }
0x62: {  	_ =	shalt  }
0x63: {  	_ =	shalt  }
0x64: {  	_ =	shalt  }
0x65: {  	_ =	shalt  }
0x66: {  	_ =	shalt  }
0x67: {  	_ =	shalt  }
0x68: {  	_ =	shalt  }
0x69: {  	_ =	shalt  }
0x6a: {  	_ =	shalt  }
0x6b: {  	_ =	shalt  }
0x6c: {  	_ =	shalt  }
0x6d: {  	_ =	shalt  }
0x6e: {  	_ =	shalt  }
0x6f: {  	_ =	shalt  }
0x70: {  	_ =	shalt  }
0x71: {  	_ =	shalt  }
0x72: {  	_ =	shalt  }
0x73: {  	_ =	shalt  }
0x74: {  	_ =	shalt  }
0x75: {  	_ =	shalt  }
0x76: {  	_ =	shalt  }
0x77: {  	_ =	shalt  }
0x78: {  	_ =	shalt  }
0x79: {  	_ =	shalt  }
0x7a: {  	_ =	shalt  }
0x7b: {  	_ =	shalt  }
0x7c: {  	_ =	shalt  }
0x7d: {  	_ =	shalt  }
0x7e: {  	_ =	shalt  }
0x7f: {  	_ =	shalt  }
0x80: {  	_ =	shalt  }
0x81: {  	_ =	shalt  }
0x82: {  	_ =	shalt  }
0x83: {  	_ =	shalt  }
0x84: {  	_ =	shalt  }
0x85: {  	_ =	shalt  }
0x86: {  	_ =	shalt  }
0x87: {  	_ =	shalt  }
.Lfunc_end0:
.L_simem_size_0:
called_computation_lowered:
.L_overlay_start_0:
0x88: {  	s2 =	sld [smem:$0x3FD9]  }
0x89: {  	s3 =	sld [smem:$0x3FFE];
	_ =	sdelay $0x1  }
0x8a: {  	s1 =	srdreg.scid  }
0x8b: {  	s0 =	sand.u32 $0x1, s1  }
0x8c: {  	s17 =	sshll.u32 s0, $0xA;
	s2 =	sadd.s32 s3, s2  }
0x8d: {  	s2 =	sadd.s32 s2, s17  }
0x8e: {  	[smem:$0x3FC6] =	sst s2  }
0x8f: {  	_ = 	snop  }
0x90: {  	s2 =	sld [smem:$0x3FC9]  }
0x91: {  	s18 =	sld [smem:$0x3FD0];
	(tm) =	ssettm $0x1  }
0x92: {  	s4 =	sld [smem:$0x3FFB];
	_ =	sdelay $0x3  }
0x93: {  	_ =	strace s4  }
0x94: {  	s4 =	sld [smem:$0x3FFC];
	_ =	sdelay $0x3  }
0x95: {  	_ =	strace s4  }
0x96: {  	s4 =	sld [smem:$0x3FFD];
	_ =	sdelay $0x3  }
0x97: {  	_ =	strace s4  }
0x98: {  	_ =	strace $0x8FFFFFFF  }
0x99: {  	s19 =	sld [smem:$0x3FDB];
	_ =	sdelay $0x1  }
0x9a: {  	s5 =	simm.s32 $_scs_section_size  }
0x9b: {  	s6 =	simm.s32 $_size__tile_overlayer_lowered;
	s7 =	simm.s32 $_tile_overlayer_lowered  }
0x9c: {  	s22 =	simm.s32 $0x1BFF;
	s21 =	sshll.u32 s7, $0x1;
	s4 =	sadd.s32 s5, s19  }
0x9d: {  	s8 =	simm.s32 $0x0;
	s20 =	sshll.u32 s6, $0x1;
	s6 =	sadd.s32 s21, s4  }
0x9e: {  	[timem:s8], [sflag:s22] =	dma.local [hbm:s6], s20  }
0x9f: {  	_ =	swait.ge [sflag:s22], s20  }
0xa0: {  	s5 =	ssub.s32 $0x0, s20;
	[sflag:s22] =	ssyncset.done $0x0  }
0xa1: {  	[sflag:s22] =	ssyncadd.s32 s5;
	_ =	sdelay $0x1  }
0xa2: {  	s23 =	simm.s32 $0x1B8B  }
0xa3: {  	_ =	swait.ge [sflag:s23], $0x1  }
0xa4: {  	[sflag:s23] =	ssyncset.done $0x0  }
0xa5: {  	s25 =	simm.s32 $0x1B8E;
	s24 =	sld [smem:$0x3FFE];
	[sflag:s23] =	ssyncadd.s32 $0xFFFFFFFF  }
0xa6: {  	s26 =	simm.s32 $execute0_lowered;
	[smem:$0x3FD2] =	sst s25  }
0xa7: {  	s6 =	sshll.u32 s26, $0x1;
	_ =	strace $0x80000046;
	[dreg:$0x1] =	wrdreg $0xFFFFFFFF  }
0xa8: {  	s28 =	simm.s32 $_size_execute0_lowered;
	s4 =	sadd.s32 s4, s6;
	[dreg:$0x0] =	wrdreg $0x0  }
0xa9: {  	s6 =	sshll.u32 s28, $0x1;
	[dreg:$0x2] =	wrdreg s4  }
0xaa: {  	[dreg:$0x3] =	wrdreg s6  }
0xab: {  	[dreg:$0x4] =	wrdreg $0xC0  }
0xac: {  	_ =	task [dreg:s8], $0x5FFFF  }
0xad: {  	[dreg:$0x1] =	wrdreg $0xFFFFFFFF  }
0xae: {  	[dreg:$0x0] =	wrdreg $0x60  }
0xaf: {  	[dreg:$0x2] =	wrdreg s24  }
0xb0: {  	[dreg:$0x3] =	wrdreg s2  }
0xb1: {  	[dreg:$0x4] =	wrdreg s18  }
0xb2: {  	[dreg:$0x5] =	wrdreg $0x9  }
0xb3: {  	_ =	task.clear_ibuf [dreg:s8], $0x6FFFF;
	_ =	strace $0x90000046  }
0xb4: {  	s29 =	simm.s32 $0x9;
	_ =	strace $0x80000048  }
0xb5: {  	_ =	swait.ge [sflag:s29], $0x1  }
0xb6: {  	[sflag:s29] =	ssyncadd.s32 $0xFFFFFFFF  }
0xb7: {  	_ =	strace $0x90000048  }
0xb8: {  	_ =	sfence  }
0xb9: {  	s30 =	sld [smem:$0x0];
	_ =	sdelay $0x2  }
0xba: {  	s31 =	sshll.u32 s1, $0xD;
	s1 =	sshrl.u32 s1, $0x2  }
0xbb: {  	s3 =	sand.u32 $0x4000, s31;
	s1 =	sadd.s32 s1, s30  }
0xbc: {  	s0 =	sor.u32 s3, s0;
	s1 =	sshll.u32 s1, $0x11  }
0xbd: {  	s0 =	sor.u32 s1, s0  }
0xbe: {  	s0 =	sadd.s32 $0x8F2B, s0  }
0xbf: {  	[sflag:s0] =	ssyncadd.remote.s32 $0x1  }
0xc0: {  	_ =	sfence.sel $0xFFFF  }
0xc1: {  	[dreg:$0x0] =	wrdreg $0xFFFFFFFF;
	(pc) =	sbr.abs _section_cstart, $3  }
0xc2: {  	[dreg:$0x1] =	wrdreg $0xFFFFFFFF  }
0xc3: {  	_ =	task.clear_ibuf [dreg:s8], $0x2FFFF;
	_ =	strace $0x9FFFFFFF  }
0xc4: {  	(tm) =	ssettm $0x7FFFFFFF  }
0xc5: {  	_ =	shalt  }
tec
execute0_lowered:
.L_overlay_start_1:
0x0: {  	(tag) =	ssettag $0x1  }
0x1: {  	s0 =	rddreg [dreg:$0x0]  }
0x2: {  	s2 =	rddreg [dreg:$0x1]  }
0x3: {  	s3 =	rddreg [dreg:$0x2]  }
0x4: {  	s1 =	srdreg.scid;
	s5 =	stileid.u32;
	s4 =	simm.s32 $0x0  }
0x5: {  	s13 =	simm.s32 $0x5;
	s14 =	simm.s32 $0x1000;
	s15 =	simm.s32 $0x1  }
0x6: {  	s17 =	simm.s32 $0x200;
	s18 =	simm.s32 $0x400;
	s19 =	simm.s32 $0x600  }
0x7: {  	s20 =	simm.s32 $0x800;
	s21 =	simm.s32 $0xA00;
	s22 =	simm.s32 $0xC00  }
0x8: {  	s23 =	simm.s32 $0xE00;
	s24 =	simm.s32 $0x20000;
	s28 =	simm.s32 $0xB000  }
0x9: {  	s29 =	simm.s32 $0x3;
	s30 =	simm.s32 $0x4;
	s31 =	simm.s32 $0x0  }
0xa: {  	s1 =	sand.u32 $0x1, s1;
	s5 =	sshll.u32 s5, $0xD;
	[smem:$0x7FF] =	sst s4  }
0xb: {  	s0 =	sadd.s32 $0x400, s0;
	s11 =	sadd.s32 $0x20000, s3;
	s6 =	sshll.u32 s1, $0xC  }
0xc: {  	_ =	strace $0x80000047;
	s1 =	ssub.s32 $0x2, s1;
	s5 =	sor.u32 s6, s5  }
0xd: {  	[dreg:$0x4] =	wrdreg s0;
	s25 =	sshrl.u32 s1, $0x1;
	s6 =	sshrl.u32 s5, $0x3  }
0xe: {  	s0 =	ssub.s32 s1, s25;
	s10 =	sor.u32 $0x60000, s5;
	s7 =	sadd.s32 s2, s6  }
0xf: {  	s25 =	simm.s32 $0x3000;
	s9 =	sadd.s32 s3, s6;
	s26 =	sadd.s32 $0x4000, s7  }
0x10: {  	v0 =	vlaneseq.u32;
	s12 =	smax.u32 s0, $0x1;
	[dreg:$0x5] =	wrdreg s26;
	s26 =	simm.s32 $0x2  }
.LBB2_1:
0x11: {  	s0 =	rddreg [dreg:$0x4]  }
0x12: {  	[tilespmem:s4], [sflag:$0x5] =	stream.linear.gather [hbm4b:s0+s4], $0x1000, $0x38;
	[tilespmem:$0x13000] =	vst v63  }
0x13: {  	_ =	swait.ge [sflag:s13], $0x1000  }
0x14: {  	[sflag:s13] =	ssyncset.done $0x0  }
0x15: {  	[sflag:s13] =	ssyncadd.s32 $0xFFFFF000  }
0x16: {  	[tilespmem:s14], [sflag:$0x1] =	stream.linear.gather [hbm4b:s7+s4], $0x1000, $0x38;
	[tilespmem:$0x13000] =	vst v63  }
0x17: {  	_ =	swait.ge [sflag:s15], $0x1000  }
0x18: {  	s1 =	simm.s32 $0x2000;
	[sflag:s15] =	ssyncset.done $0x0  }
0x19: {  	s0 =	simm.s32 $0x0;
	s16 =	rddreg [dreg:$0x5];
	[sflag:s15] =	ssyncadd.s32 $0xFFFFF000  }
0x1a: {  	[tilespmem:s1], [sflag:$0x2] =	stream.linear.gather [hbm4b:s16+s4], $0x1000, $0x38;
	[tilespmem:$0x13000] =	vst v63  }
.LBB2_2:
0x1b: {  	s1 =	sshll.u32 s0, $0x7  }
0x1c: {  	v1 =	vld [tilespmem:s1+$0x1000];
	_ =	sdelay $0x4  }
0x1d: {  	v1 =	vshll.u32 v1, $0x4  }
0x1e: {  	v1 =	vor.u32 v0, v1;
	_ =	sdelay $0x4  }
0x1f: {  	v2 =	vld.idx.msk [tilespmem:v1+s4+$0x0], $0xffff;
	_ =	sdelay $0x4  }
0x20: {  	[tilespmem:s1+$0x3000] =	vst v2  }
0x21: {  	v2 =	vld.idx.msk [tilespmem:v1+s17+$0x0], $0xffff;
	_ =	sdelay $0x4  }
0x22: {  	[tilespmem:s1+$0x3080] =	vst v2  }
0x23: {  	v2 =	vld.idx.msk [tilespmem:v1+s18+$0x0], $0xffff;
	_ =	sdelay $0x4  }
0x24: {  	[tilespmem:s1+$0x3100] =	vst v2  }
0x25: {  	v2 =	vld.idx.msk [tilespmem:v1+s19+$0x0], $0xffff;
	_ =	sdelay $0x4  }
0x26: {  	[tilespmem:s1+$0x3180] =	vst v2  }
0x27: {  	v2 =	vld.idx.msk [tilespmem:v1+s20+$0x0], $0xffff;
	_ =	sdelay $0x4  }
0x28: {  	[tilespmem:s1+$0x3200] =	vst v2  }
0x29: {  	v2 =	vld.idx.msk [tilespmem:v1+s21+$0x0], $0xffff;
	_ =	sdelay $0x4  }
0x2a: {  	[tilespmem:s1+$0x3280] =	vst v2  }
0x2b: {  	v2 =	vld.idx.msk [tilespmem:v1+s22+$0x0], $0xffff  }
0x2c: {  	v3 =	vld [tilespmem:s1+$0x1080];
	_ =	sdelay $0x3  }
0x2d: {  	[tilespmem:s1+$0x3300] =	vst v2  }
0x2e: {  	v2 =	vshll.u32 v3, $0x4;
	v1 =	vld.idx.msk [tilespmem:v1+s23+$0x0], $0xffff  }
0x2f: {  	v2 =	vor.u32 v0, v2;
	_ =	sdelay $0x3  }
0x30: {  	[tilespmem:s1+$0x3380] =	vst v1  }
0x31: {  	v1 =	vld.idx.msk [tilespmem:v2+s4+$0x0], $0xffff;
	_ =	sdelay $0x4  }
0x32: {  	[tilespmem:s1+$0x4000] =	vst v1  }
0x33: {  	v1 =	vld.idx.msk [tilespmem:v2+s17+$0x0], $0xffff;
	_ =	sdelay $0x4  }
0x34: {  	[tilespmem:s1+$0x4080] =	vst v1  }
0x35: {  	v1 =	vld.idx.msk [tilespmem:v2+s18+$0x0], $0xffff;
	_ =	sdelay $0x4  }
0x36: {  	[tilespmem:s1+$0x4100] =	vst v1  }
0x37: {  	v1 =	vld.idx.msk [tilespmem:v2+s19+$0x0], $0xffff;
	_ =	sdelay $0x4  }
0x38: {  	[tilespmem:s1+$0x4180] =	vst v1  }
0x39: {  	v1 =	vld.idx.msk [tilespmem:v2+s20+$0x0], $0xffff;
	_ =	sdelay $0x4  }
0x3a: {  	[tilespmem:s1+$0x4200] =	vst v1  }
0x3b: {  	v1 =	vld.idx.msk [tilespmem:v2+s21+$0x0], $0xffff;
	_ =	sdelay $0x4  }
0x3c: {  	[tilespmem:s1+$0x4280] =	vst v1  }
0x3d: {  	v1 =	vld.idx.msk [tilespmem:v2+s22+$0x0], $0xffff  }
0x3e: {  	v3 =	vld [tilespmem:s1+$0x1100];
	_ =	sdelay $0x3  }
0x3f: {  	[tilespmem:s1+$0x4300] =	vst v1  }
0x40: {  	v1 =	vld.idx.msk [tilespmem:v2+s23+$0x0], $0xffff;
	v2 =	vshll.u32 v3, $0x4  }
0x41: {  	v2 =	vor.u32 v0, v2;
	_ =	sdelay $0x3  }
0x42: {  	[tilespmem:s1+$0x4380] =	vst v1  }
0x43: {  	v1 =	vld.idx.msk [tilespmem:v2+s4+$0x0], $0xffff;
	_ =	sdelay $0x4  }
0x44: {  	[tilespmem:s1+$0x5000] =	vst v1  }
0x45: {  	v1 =	vld.idx.msk [tilespmem:v2+s17+$0x0], $0xffff;
	_ =	sdelay $0x4  }
0x46: {  	[tilespmem:s1+$0x5080] =	vst v1  }
0x47: {  	v1 =	vld.idx.msk [tilespmem:v2+s18+$0x0], $0xffff;
	_ =	sdelay $0x4  }
0x48: {  	[tilespmem:s1+$0x5100] =	vst v1  }
0x49: {  	v1 =	vld.idx.msk [tilespmem:v2+s19+$0x0], $0xffff;
	_ =	sdelay $0x4  }
0x4a: {  	[tilespmem:s1+$0x5180] =	vst v1  }
0x4b: {  	v1 =	vld.idx.msk [tilespmem:v2+s20+$0x0], $0xffff;
	_ =	sdelay $0x4  }
0x4c: {  	[tilespmem:s1+$0x5200] =	vst v1  }
0x4d: {  	v1 =	vld.idx.msk [tilespmem:v2+s21+$0x0], $0xffff;
	_ =	sdelay $0x4  }
0x4e: {  	[tilespmem:s1+$0x5280] =	vst v1  }
0x4f: {  	v1 =	vld.idx.msk [tilespmem:v2+s22+$0x0], $0xffff  }
0x50: {  	v3 =	vld [tilespmem:s1+$0x1180];
	_ =	sdelay $0x3  }
0x51: {  	[tilespmem:s1+$0x5300] =	vst v1  }
0x52: {  	v1 =	vld.idx.msk [tilespmem:v2+s23+$0x0], $0xffff;
	v2 =	vshll.u32 v3, $0x4  }
0x53: {  	v2 =	vor.u32 v0, v2;
	_ =	sdelay $0x3  }
0x54: {  	[tilespmem:s1+$0x5380] =	vst v1  }
0x55: {  	v1 =	vld.idx.msk [tilespmem:v2+s4+$0x0], $0xffff;
	_ =	sdelay $0x4  }
0x56: {  	[tilespmem:s1+$0x6000] =	vst v1  }
0x57: {  	v1 =	vld.idx.msk [tilespmem:v2+s17+$0x0], $0xffff;
	_ =	sdelay $0x4  }
0x58: {  	[tilespmem:s1+$0x6080] =	vst v1  }
0x59: {  	v1 =	vld.idx.msk [tilespmem:v2+s18+$0x0], $0xffff;
	_ =	sdelay $0x4  }
0x5a: {  	[tilespmem:s1+$0x6100] =	vst v1  }
0x5b: {  	v1 =	vld.idx.msk [tilespmem:v2+s19+$0x0], $0xffff;
	_ =	sdelay $0x4  }
0x5c: {  	[tilespmem:s1+$0x6180] =	vst v1  }
0x5d: {  	v1 =	vld.idx.msk [tilespmem:v2+s20+$0x0], $0xffff;
	_ =	sdelay $0x4  }
0x5e: {  	[tilespmem:s1+$0x6200] =	vst v1  }
0x5f: {  	v1 =	vld.idx.msk [tilespmem:v2+s21+$0x0], $0xffff;
	_ =	sdelay $0x4  }
0x60: {  	[tilespmem:s1+$0x6280] =	vst v1  }
0x61: {  	v1 =	vld.idx.msk [tilespmem:v2+s22+$0x0], $0xffff  }
0x62: {  	v3 =	vld [tilespmem:s1+$0x1200];
	_ =	sdelay $0x3  }
0x63: {  	[tilespmem:s1+$0x6300] =	vst v1  }
0x64: {  	v1 =	vld.idx.msk [tilespmem:v2+s23+$0x0], $0xffff;
	v2 =	vshll.u32 v3, $0x4  }
0x65: {  	v2 =	vor.u32 v0, v2;
	_ =	sdelay $0x3  }
0x66: {  	[tilespmem:s1+$0x6380] =	vst v1  }
0x67: {  	v1 =	vld.idx.msk [tilespmem:v2+s4+$0x0], $0xffff;
	_ =	sdelay $0x4  }
0x68: {  	[tilespmem:s1+$0x7000] =	vst v1  }
0x69: {  	v1 =	vld.idx.msk [tilespmem:v2+s17+$0x0], $0xffff;
	_ =	sdelay $0x4  }
0x6a: {  	[tilespmem:s1+$0x7080] =	vst v1  }
0x6b: {  	v1 =	vld.idx.msk [tilespmem:v2+s18+$0x0], $0xffff;
	_ =	sdelay $0x4  }
0x6c: {  	[tilespmem:s1+$0x7100] =	vst v1  }
0x6d: {  	v1 =	vld.idx.msk [tilespmem:v2+s19+$0x0], $0xffff;
	_ =	sdelay $0x4  }
0x6e: {  	[tilespmem:s1+$0x7180] =	vst v1  }
0x6f: {  	v1 =	vld.idx.msk [tilespmem:v2+s20+$0x0], $0xffff;
	_ =	sdelay $0x4  }
0x70: {  	[tilespmem:s1+$0x7200] =	vst v1  }
0x71: {  	v1 =	vld.idx.msk [tilespmem:v2+s21+$0x0], $0xffff;
	_ =	sdelay $0x4  }
0x72: {  	[tilespmem:s1+$0x7280] =	vst v1  }
0x73: {  	v1 =	vld.idx.msk [tilespmem:v2+s22+$0x0], $0xffff  }
0x74: {  	v3 =	vld [tilespmem:s1+$0x1280];
	_ =	sdelay $0x3  }
0x75: {  	[tilespmem:s1+$0x7300] =	vst v1  }
0x76: {  	v1 =	vshll.u32 v3, $0x4;
	v2 =	vld.idx.msk [tilespmem:v2+s23+$0x0], $0xffff  }
0x77: {  	v1 =	vor.u32 v0, v1;
	_ =	sdelay $0x3  }
0x78: {  	[tilespmem:s1+$0x7380] =	vst v2  }
0x79: {  	v2 =	vld.idx.msk [tilespmem:v1+s4+$0x0], $0xffff;
	_ =	sdelay $0x4  }
0x7a: {  	[tilespmem:s1+$0x8000] =	vst v2  }
0x7b: {  	v2 =	vld.idx.msk [tilespmem:v1+s17+$0x0], $0xffff  }
0x7c: {  	v3 =	vld [tilespmem:s1+$0x1010];
	_ =	sdelay $0x4  }
0x7d: {  	v3 =	vshll.u32 v3, $0x4  }
0x7e: {  	v3 =	vor.u32 v0, v3  }
0x7f: {  	v4 =	vld [tilespmem:s1+$0x1020];
	_ =	sdelay $0x2  }
0x80: {  	v5 =	vld [tilespmem:s1+$0x1030]  }
0x81: {  	v6 =	vld.idx.msk [tilespmem:v3+s4+$0x0], $0xffff  }
0x82: {  	v4 =	vshll.u32 v4, $0x4  }
0x83: {  	v4 =	vor.u32 v0, v4;
	_ =	sdelay $0x1  }
0x84: {  	v5 =	vshll.u32 v5, $0x4  }
0x85: {  	v5 =	vor.u32 v0, v5;
	[tilespmem:s1+$0x3010] =	vst v6  }
0x86: {  	v6 =	vld.idx.msk [tilespmem:v3+s17+$0x0], $0xffff  }
0x87: {  	v7 =	vld.idx.msk [tilespmem:v4+s4+$0x0], $0xffff;
	_ =	sdelay $0x2  }
0x88: {  	v8 =	vld.idx.msk [tilespmem:v5+s4+$0x0], $0xffff  }
0x89: {  	[tilespmem:s1+$0x3090] =	vst v6  }
0x8a: {  	[tilespmem:s1+$0x3020] =	vst v7;
	v6 =	vld.idx.msk [tilespmem:v3+s18+$0x0], $0xffff  }
0x8b: {  	v7 =	vld.idx.msk [tilespmem:v4+s17+$0x0], $0xffff;
	_ =	sdelay $0x1  }
0x8c: {  	[tilespmem:s1+$0x3030] =	vst v8  }
0x8d: {  	v8 =	vld.idx.msk [tilespmem:v5+s17+$0x0], $0xffff  }
0x8e: {  	[tilespmem:s1+$0x3110] =	vst v6  }
0x8f: {  	[tilespmem:s1+$0x30A0] =	vst v7;
	v6 =	vld.idx.msk [tilespmem:v3+s19+$0x0], $0xffff  }
0x90: {  	v7 =	vld.idx.msk [tilespmem:v4+s18+$0x0], $0xffff;
	_ =	sdelay $0x1  }
0x91: {  	[tilespmem:s1+$0x30B0] =	vst v8  }
0x92: {  	v8 =	vld.idx.msk [tilespmem:v5+s18+$0x0], $0xffff  }
0x93: {  	[tilespmem:s1+$0x3190] =	vst v6  }
0x94: {  	[tilespmem:s1+$0x3120] =	vst v7;
	v6 =	vld.idx.msk [tilespmem:v3+s20+$0x0], $0xffff  }
0x95: {  	v7 =	vld.idx.msk [tilespmem:v4+s19+$0x0], $0xffff;
	_ =	sdelay $0x1  }
0x96: {  	[tilespmem:s1+$0x3130] =	vst v8  }
0x97: {  	v8 =	vld.idx.msk [tilespmem:v5+s19+$0x0], $0xffff  }
0x98: {  	[tilespmem:s1+$0x3210] =	vst v6  }
0x99: {  	[tilespmem:s1+$0x31A0] =	vst v7;
	v6 =	vld.idx.msk [tilespmem:v3+s21+$0x0], $0xffff  }
0x9a: {  	v7 =	vld.idx.msk [tilespmem:v4+s20+$0x0], $0xffff;
	_ =	sdelay $0x1  }
0x9b: {  	[tilespmem:s1+$0x31B0] =	vst v8  }
0x9c: {  	v8 =	vld.idx.msk [tilespmem:v5+s20+$0x0], $0xffff  }
0x9d: {  	v9 =	vld [tilespmem:s1+$0x1090];
	[tilespmem:s1+$0x3290] =	vst v6  }
0x9e: {  	[tilespmem:s1+$0x3220] =	vst v7;
	v6 =	vld.idx.msk [tilespmem:v3+s22+$0x0], $0xffff  }
0x9f: {  	v7 =	vld.idx.msk [tilespmem:v4+s21+$0x0], $0xffff;
	_ =	sdelay $0x1  }
0xa0: {  	[tilespmem:s1+$0x3230] =	vst v8  }
0xa1: {  	v8 =	vld.idx.msk [tilespmem:v5+s21+$0x0], $0xffff  }
0xa2: {  	[tilespmem:s1+$0x3310] =	vst v6  }
0xa3: {  	v49 =	vshll.u32 v9, $0x4;
	[tilespmem:s1+$0x32A0] =	vst v7;
	v3 =	vld.idx.msk [tilespmem:v3+s23+$0x0], $0xffff  }
0xa4: {  	v7 =	vld.idx.msk [tilespmem:v4+s22+$0x0], $0xffff;
	v6 =	vor.u32 v0, v49  }
0xa5: {  	v50 =	vld [tilespmem:s1+$0x10A0]  }
0xa6: {  	[tilespmem:s1+$0x32B0] =	vst v8  }
0xa7: {  	v8 =	vld.idx.msk [tilespmem:v5+s22+$0x0], $0xffff  }
0xa8: {  	[tilespmem:s1+$0x3390] =	vst v3;
	v3 =	vld [tilespmem:s1+$0x10B0]  }
0xa9: {  	[tilespmem:s1+$0x3320] =	vst v7;
	v10 =	vld.idx.msk [tilespmem:v6+s4+$0x0], $0xffff  }
0xaa: {  	v51 =	vshll.u32 v50, $0x4;
	v4 =	vld.idx.msk [tilespmem:v4+s23+$0x0], $0xffff  }
0xab: {  	v7 =	vor.u32 v0, v51  }
0xac: {  	[tilespmem:s1+$0x3330] =	vst v8  }
0xad: {  	v5 =	vld.idx.msk [tilespmem:v5+s23+$0x0], $0xffff;
	v3 =	vshll.u32 v3, $0x4  }
0xae: {  	[tilespmem:s1+$0x4010] =	vst v10;
	v3 =	vor.u32 v0, v3  }
0xaf: {  	[tilespmem:s1+$0x33A0] =	vst v4;
	v52 =	vld.idx.msk [tilespmem:v6+s17+$0x0], $0xffff  }
0xb0: {  	v4 =	vld.idx.msk [tilespmem:v7+s4+$0x0], $0xffff;
	_ =	sdelay $0x1  }
0xb1: {  	[tilespmem:s1+$0x33B0] =	vst v5  }
0xb2: {  	v5 =	vld.idx.msk [tilespmem:v3+s4+$0x0], $0xffff  }
0xb3: {  	[tilespmem:s1+$0x4090] =	vst v52  }
0xb4: {  	[tilespmem:s1+$0x4020] =	vst v4;
	v8 =	vld.idx.msk [tilespmem:v6+s18+$0x0], $0xffff  }
0xb5: {  	v4 =	vld.idx.msk [tilespmem:v7+s17+$0x0], $0xffff;
	_ =	sdelay $0x1  }
0xb6: {  	[tilespmem:s1+$0x4030] =	vst v5  }
0xb7: {  	v5 =	vld.idx.msk [tilespmem:v3+s17+$0x0], $0xffff  }
0xb8: {  	[tilespmem:s1+$0x4110] =	vst v8  }
0xb9: {  	[tilespmem:s1+$0x40A0] =	vst v4;
	v8 =	vld.idx.msk [tilespmem:v6+s19+$0x0], $0xffff  }
0xba: {  	v4 =	vld.idx.msk [tilespmem:v7+s18+$0x0], $0xffff;
	_ =	sdelay $0x1  }
0xbb: {  	[tilespmem:s1+$0x40B0] =	vst v5  }
0xbc: {  	v5 =	vld.idx.msk [tilespmem:v3+s18+$0x0], $0xffff  }
0xbd: {  	[tilespmem:s1+$0x4190] =	vst v8  }
0xbe: {  	[tilespmem:s1+$0x4120] =	vst v4;
	v8 =	vld.idx.msk [tilespmem:v6+s20+$0x0], $0xffff  }
0xbf: {  	v4 =	vld.idx.msk [tilespmem:v7+s19+$0x0], $0xffff;
	_ =	sdelay $0x1  }
0xc0: {  	[tilespmem:s1+$0x4130] =	vst v5  }
0xc1: {  	v5 =	vld.idx.msk [tilespmem:v3+s19+$0x0], $0xffff  }
0xc2: {  	[tilespmem:s1+$0x4210] =	vst v8  }
0xc3: {  	[tilespmem:s1+$0x41A0] =	vst v4;
	v8 =	vld.idx.msk [tilespmem:v6+s21+$0x0], $0xffff  }
0xc4: {  	v4 =	vld.idx.msk [tilespmem:v7+s20+$0x0], $0xffff;
	_ =	sdelay $0x1  }
0xc5: {  	[tilespmem:s1+$0x41B0] =	vst v5  }
0xc6: {  	v5 =	vld.idx.msk [tilespmem:v3+s20+$0x0], $0xffff  }
0xc7: {  	v53 =	vld [tilespmem:s1+$0x1110];
	[tilespmem:s1+$0x4290] =	vst v8  }
0xc8: {  	[tilespmem:s1+$0x4220] =	vst v4;
	v8 =	vld.idx.msk [tilespmem:v6+s22+$0x0], $0xffff  }
0xc9: {  	v4 =	vld.idx.msk [tilespmem:v7+s21+$0x0], $0xffff;
	_ =	sdelay $0x1  }
0xca: {  	[tilespmem:s1+$0x4230] =	vst v5  }
0xcb: {  	v5 =	vld.idx.msk [tilespmem:v3+s21+$0x0], $0xffff  }
0xcc: {  	[tilespmem:s1+$0x4310] =	vst v8  }
0xcd: {  	v54 =	vshll.u32 v53, $0x4;
	[tilespmem:s1+$0x42A0] =	vst v4;
	v6 =	vld.idx.msk [tilespmem:v6+s23+$0x0], $0xffff  }
0xce: {  	v4 =	vld.idx.msk [tilespmem:v7+s22+$0x0], $0xffff;
	v8 =	vor.u32 v0, v54  }
0xcf: {  	v55 =	vld [tilespmem:s1+$0x1120]  }
0xd0: {  	[tilespmem:s1+$0x42B0] =	vst v5  }
0xd1: {  	v5 =	vld.idx.msk [tilespmem:v3+s22+$0x0], $0xffff  }
0xd2: {  	v56 =	vld [tilespmem:s1+$0x1130];
	[tilespmem:s1+$0x4390] =	vst v6  }
0xd3: {  	[tilespmem:s1+$0x4320] =	vst v4;
	v10 =	vld.idx.msk [tilespmem:v8+s4+$0x0], $0xffff  }
0xd4: {  	v57 =	vshll.u32 v55, $0x4;
	v4 =	vld.idx.msk [tilespmem:v7+s23+$0x0], $0xffff  }
0xd5: {  	v7 =	vor.u32 v0, v57  }
0xd6: {  	[tilespmem:s1+$0x4330] =	vst v5  }
0xd7: {  	v58 =	vshll.u32 v56, $0x4;
	v3 =	vld.idx.msk [tilespmem:v3+s23+$0x0], $0xffff  }
0xd8: {  	v5 =	vor.u32 v0, v58;
	[tilespmem:s1+$0x5010] =	vst v10  }
0xd9: {  	[tilespmem:s1+$0x43A0] =	vst v4;
	v59 =	vld.idx.msk [tilespmem:v8+s17+$0x0], $0xffff  }
0xda: {  	v4 =	vld.idx.msk [tilespmem:v7+s4+$0x0], $0xffff;
	_ =	sdelay $0x1  }
0xdb: {  	[tilespmem:s1+$0x43B0] =	vst v3  }
0xdc: {  	v3 =	vld.idx.msk [tilespmem:v5+s4+$0x0], $0xffff  }
0xdd: {  	[tilespmem:s1+$0x5090] =	vst v59  }
0xde: {  	[tilespmem:s1+$0x5020] =	vst v4;
	v6 =	vld.idx.msk [tilespmem:v8+s18+$0x0], $0xffff  }
0xdf: {  	v4 =	vld.idx.msk [tilespmem:v7+s17+$0x0], $0xffff;
	_ =	sdelay $0x1  }
0xe0: {  	[tilespmem:s1+$0x5030] =	vst v3  }
0xe1: {  	v3 =	vld.idx.msk [tilespmem:v5+s17+$0x0], $0xffff  }
0xe2: {  	[tilespmem:s1+$0x5110] =	vst v6  }
0xe3: {  	[tilespmem:s1+$0x50A0] =	vst v4;
	v6 =	vld.idx.msk [tilespmem:v8+s19+$0x0], $0xffff  }
0xe4: {  	v4 =	vld.idx.msk [tilespmem:v7+s18+$0x0], $0xffff;
	_ =	sdelay $0x1  }
0xe5: {  	[tilespmem:s1+$0x50B0] =	vst v3  }
0xe6: {  	v3 =	vld.idx.msk [tilespmem:v5+s18+$0x0], $0xffff  }
0xe7: {  	[tilespmem:s1+$0x5190] =	vst v6  }
0xe8: {  	[tilespmem:s1+$0x5120] =	vst v4;
	v6 =	vld.idx.msk [tilespmem:v8+s20+$0x0], $0xffff  }
0xe9: {  	v4 =	vld.idx.msk [tilespmem:v7+s19+$0x0], $0xffff;
	_ =	sdelay $0x1  }
0xea: {  	[tilespmem:s1+$0x5130] =	vst v3  }
0xeb: {  	v3 =	vld.idx.msk [tilespmem:v5+s19+$0x0], $0xffff  }
0xec: {  	[tilespmem:s1+$0x5210] =	vst v6  }
0xed: {  	[tilespmem:s1+$0x51A0] =	vst v4;
	v6 =	vld.idx.msk [tilespmem:v8+s21+$0x0], $0xffff  }
0xee: {  	v4 =	vld.idx.msk [tilespmem:v7+s20+$0x0], $0xffff;
	_ =	sdelay $0x1  }
0xef: {  	[tilespmem:s1+$0x51B0] =	vst v3  }
0xf0: {  	v3 =	vld.idx.msk [tilespmem:v5+s20+$0x0], $0xffff  }
0xf1: {  	v60 =	vld [tilespmem:s1+$0x1190];
	[tilespmem:s1+$0x5290] =	vst v6  }
0xf2: {  	[tilespmem:s1+$0x5220] =	vst v4;
	v6 =	vld.idx.msk [tilespmem:v8+s22+$0x0], $0xffff  }
0xf3: {  	v4 =	vld.idx.msk [tilespmem:v7+s21+$0x0], $0xffff;
	_ =	sdelay $0x1  }
0xf4: {  	[tilespmem:s1+$0x5230] =	vst v3  }
0xf5: {  	v3 =	vld.idx.msk [tilespmem:v5+s21+$0x0], $0xffff  }
0xf6: {  	[tilespmem:s1+$0x5310] =	vst v6  }
0xf7: {  	v61 =	vshll.u32 v60, $0x4;
	[tilespmem:s1+$0x52A0] =	vst v4;
	v6 =	vld.idx.msk [tilespmem:v8+s23+$0x0], $0xffff  }
0xf8: {  	v4 =	vld.idx.msk [tilespmem:v7+s22+$0x0], $0xffff;
	v8 =	vor.u32 v0, v61  }
0xf9: {  	v62 =	vld [tilespmem:s1+$0x11A0]  }
0xfa: {  	[tilespmem:s1+$0x52B0] =	vst v3  }
0xfb: {  	v3 =	vld.idx.msk [tilespmem:v5+s22+$0x0], $0xffff  }
0xfc: {  	v63 =	vld [tilespmem:s1+$0x11B0];
	[tilespmem:s1+$0x5390] =	vst v6  }
0xfd: {  	[tilespmem:s1+$0x5320] =	vst v4;
	v10 =	vld.idx.msk [tilespmem:v8+s4+$0x0], $0xffff  }
0xfe: {  	v12 =	vshll.u32 v62, $0x4;
	v4 =	vld.idx.msk [tilespmem:v7+s23+$0x0], $0xffff  }
0xff: {  	v7 =	vor.u32 v0, v12  }
0x100: {  	[tilespmem:s1+$0x5330] =	vst v3  }
0x101: {  	v13 =	vshll.u32 v63, $0x4;
	v3 =	vld.idx.msk [tilespmem:v5+s23+$0x0], $0xffff  }
0x102: {  	v5 =	vor.u32 v0, v13;
	[tilespmem:s1+$0x6010] =	vst v10  }
0x103: {  	[tilespmem:s1+$0x53A0] =	vst v4;
	v14 =	vld.idx.msk [tilespmem:v8+s17+$0x0], $0xffff  }
0x104: {  	v4 =	vld.idx.msk [tilespmem:v7+s4+$0x0], $0xffff;
	_ =	sdelay $0x1  }
0x105: {  	[tilespmem:s1+$0x53B0] =	vst v3  }
0x106: {  	v3 =	vld.idx.msk [tilespmem:v5+s4+$0x0], $0xffff  }
0x107: {  	[tilespmem:s1+$0x6090] =	vst v14  }
0x108: {  	[tilespmem:s1+$0x6020] =	vst v4;
	v6 =	vld.idx.msk [tilespmem:v8+s18+$0x0], $0xffff  }
0x109: {  	v4 =	vld.idx.msk [tilespmem:v7+s17+$0x0], $0xffff;
	_ =	sdelay $0x1  }
0x10a: {  	[tilespmem:s1+$0x6030] =	vst v3  }
0x10b: {  	v3 =	vld.idx.msk [tilespmem:v5+s17+$0x0], $0xffff  }
0x10c: {  	[tilespmem:s1+$0x6110] =	vst v6  }
0x10d: {  	[tilespmem:s1+$0x60A0] =	vst v4;
	v6 =	vld.idx.msk [tilespmem:v8+s19+$0x0], $0xffff  }
0x10e: {  	v4 =	vld.idx.msk [tilespmem:v7+s18+$0x0], $0xffff;
	_ =	sdelay $0x1  }
0x10f: {  	[tilespmem:s1+$0x60B0] =	vst v3  }
0x110: {  	v3 =	vld.idx.msk [tilespmem:v5+s18+$0x0], $0xffff  }
0x111: {  	[tilespmem:s1+$0x6190] =	vst v6  }
0x112: {  	[tilespmem:s1+$0x6120] =	vst v4;
	v6 =	vld.idx.msk [tilespmem:v8+s20+$0x0], $0xffff  }
0x113: {  	v4 =	vld.idx.msk [tilespmem:v7+s19+$0x0], $0xffff;
	_ =	sdelay $0x1  }
0x114: {  	[tilespmem:s1+$0x6130] =	vst v3  }
0x115: {  	v3 =	vld.idx.msk [tilespmem:v5+s19+$0x0], $0xffff  }
0x116: {  	[tilespmem:s1+$0x6210] =	vst v6  }
0x117: {  	[tilespmem:s1+$0x61A0] =	vst v4;
	v6 =	vld.idx.msk [tilespmem:v8+s21+$0x0], $0xffff  }
0x118: {  	v4 =	vld.idx.msk [tilespmem:v7+s20+$0x0], $0xffff;
	_ =	sdelay $0x1  }
0x119: {  	[tilespmem:s1+$0x61B0] =	vst v3  }
0x11a: {  	v3 =	vld.idx.msk [tilespmem:v5+s20+$0x0], $0xffff  }
0x11b: {  	v15 =	vld [tilespmem:s1+$0x1210];
	[tilespmem:s1+$0x6290] =	vst v6  }
0x11c: {  	[tilespmem:s1+$0x6220] =	vst v4;
	v6 =	vld.idx.msk [tilespmem:v8+s22+$0x0], $0xffff  }
0x11d: {  	v4 =	vld.idx.msk [tilespmem:v7+s21+$0x0], $0xffff;
	_ =	sdelay $0x1  }
0x11e: {  	[tilespmem:s1+$0x6230] =	vst v3  }
0x11f: {  	v3 =	vld.idx.msk [tilespmem:v5+s21+$0x0], $0xffff  }
0x120: {  	[tilespmem:s1+$0x6310] =	vst v6  }
0x121: {  	v16 =	vshll.u32 v15, $0x4;
	[tilespmem:s1+$0x62A0] =	vst v4;
	v6 =	vld.idx.msk [tilespmem:v8+s23+$0x0], $0xffff  }
0x122: {  	v4 =	vld.idx.msk [tilespmem:v7+s22+$0x0], $0xffff;
	v8 =	vor.u32 v0, v16  }
0x123: {  	v17 =	vld [tilespmem:s1+$0x1220]  }
0x124: {  	[tilespmem:s1+$0x62B0] =	vst v3  }
0x125: {  	v3 =	vld.idx.msk [tilespmem:v5+s22+$0x0], $0xffff  }
0x126: {  	v18 =	vld [tilespmem:s1+$0x1230];
	[tilespmem:s1+$0x6390] =	vst v6  }
0x127: {  	[tilespmem:s1+$0x6320] =	vst v4;
	v10 =	vld.idx.msk [tilespmem:v8+s4+$0x0], $0xffff  }
0x128: {  	v19 =	vshll.u32 v17, $0x4;
	v4 =	vld.idx.msk [tilespmem:v7+s23+$0x0], $0xffff  }
0x129: {  	v7 =	vor.u32 v0, v19  }
0x12a: {  	[tilespmem:s1+$0x6330] =	vst v3  }
0x12b: {  	v20 =	vshll.u32 v18, $0x4;
	v3 =	vld.idx.msk [tilespmem:v5+s23+$0x0], $0xffff  }
0x12c: {  	v5 =	vor.u32 v0, v20;
	[tilespmem:s1+$0x7010] =	vst v10  }
0x12d: {  	[tilespmem:s1+$0x63A0] =	vst v4;
	v21 =	vld.idx.msk [tilespmem:v8+s17+$0x0], $0xffff  }
0x12e: {  	v4 =	vld.idx.msk [tilespmem:v7+s4+$0x0], $0xffff;
	_ =	sdelay $0x1  }
0x12f: {  	[tilespmem:s1+$0x63B0] =	vst v3  }
0x130: {  	v3 =	vld.idx.msk [tilespmem:v5+s4+$0x0], $0xffff  }
0x131: {  	[tilespmem:s1+$0x7090] =	vst v21  }
0x132: {  	[tilespmem:s1+$0x7020] =	vst v4;
	v6 =	vld.idx.msk [tilespmem:v8+s18+$0x0], $0xffff  }
0x133: {  	v4 =	vld.idx.msk [tilespmem:v7+s17+$0x0], $0xffff;
	_ =	sdelay $0x1  }
0x134: {  	[tilespmem:s1+$0x7030] =	vst v3  }
0x135: {  	v3 =	vld.idx.msk [tilespmem:v5+s17+$0x0], $0xffff  }
0x136: {  	[tilespmem:s1+$0x7110] =	vst v6  }
0x137: {  	[tilespmem:s1+$0x70A0] =	vst v4;
	v6 =	vld.idx.msk [tilespmem:v8+s19+$0x0], $0xffff  }
0x138: {  	v4 =	vld.idx.msk [tilespmem:v7+s18+$0x0], $0xffff;
	_ =	sdelay $0x1  }
0x139: {  	[tilespmem:s1+$0x70B0] =	vst v3  }
0x13a: {  	v3 =	vld.idx.msk [tilespmem:v5+s18+$0x0], $0xffff  }
0x13b: {  	[tilespmem:s1+$0x7190] =	vst v6  }
0x13c: {  	[tilespmem:s1+$0x7120] =	vst v4;
	v6 =	vld.idx.msk [tilespmem:v8+s20+$0x0], $0xffff  }
0x13d: {  	v4 =	vld.idx.msk [tilespmem:v7+s19+$0x0], $0xffff;
	_ =	sdelay $0x1  }
0x13e: {  	[tilespmem:s1+$0x7130] =	vst v3  }
0x13f: {  	v3 =	vld.idx.msk [tilespmem:v5+s19+$0x0], $0xffff  }
0x140: {  	[tilespmem:s1+$0x7210] =	vst v6  }
0x141: {  	[tilespmem:s1+$0x71A0] =	vst v4;
	v6 =	vld.idx.msk [tilespmem:v8+s21+$0x0], $0xffff  }
0x142: {  	v4 =	vld.idx.msk [tilespmem:v7+s20+$0x0], $0xffff;
	_ =	sdelay $0x1  }
0x143: {  	[tilespmem:s1+$0x71B0] =	vst v3  }
0x144: {  	v3 =	vld.idx.msk [tilespmem:v5+s20+$0x0], $0xffff  }
0x145: {  	[tilespmem:s1+$0x7290] =	vst v6  }
0x146: {  	[tilespmem:s1+$0x7220] =	vst v4;
	v6 =	vld.idx.msk [tilespmem:v8+s22+$0x0], $0xffff  }
0x147: {  	v4 =	vld.idx.msk [tilespmem:v7+s21+$0x0], $0xffff;
	_ =	sdelay $0x1  }
0x148: {  	[tilespmem:s1+$0x7230] =	vst v3  }
0x149: {  	[tilespmem:s1+$0x8080] =	vst v2;
	v3 =	vld.idx.msk [tilespmem:v5+s21+$0x0], $0xffff  }
0x14a: {  	v22 =	vld [tilespmem:s1+$0x1290];
	[tilespmem:s1+$0x7310] =	vst v6  }
0x14b: {  	[tilespmem:s1+$0x72A0] =	vst v4;
	v2 =	vld.idx.msk [tilespmem:v8+s23+$0x0], $0xffff  }
0x14c: {  	v4 =	vld.idx.msk [tilespmem:v7+s22+$0x0], $0xffff  }
0x14d: {  	v25 =	vld [tilespmem:s1+$0x12A0]  }
0x14e: {  	[tilespmem:s1+$0x72B0] =	vst v3  }
0x14f: {  	v3 =	vld.idx.msk [tilespmem:v5+s22+$0x0], $0xffff  }
0x150: {  	[tilespmem:s1+$0x7390] =	vst v2;
	v2 =	vld [tilespmem:s1+$0x12B0]  }
0x151: {  	v23 =	vshll.u32 v22, $0x4;
	[tilespmem:s1+$0x7320] =	vst v4  }
0x152: {  	v26 =	vshll.u32 v25, $0x4;
	v6 =	vor.u32 v0, v23;
	v4 =	vld.idx.msk [tilespmem:v7+s23+$0x0], $0xffff  }
0x153: {  	v24 =	vld.idx.msk [tilespmem:v1+s18+$0x0], $0xffff;
	v7 =	vor.u32 v0, v26  }
0x154: {  	[tilespmem:s1+$0x7330] =	vst v3  }
0x155: {  	v3 =	vld.idx.msk [tilespmem:v5+s23+$0x0], $0xffff;
	v2 =	vshll.u32 v2, $0x4  }
0x156: {  	v2 =	vor.u32 v0, v2  }
0x157: {  	[tilespmem:s1+$0x73A0] =	vst v4;
	v10 =	vld.idx.msk [tilespmem:v6+s4+$0x0], $0xffff  }
0x158: {  	[tilespmem:s1+$0x8100] =	vst v24;
	v4 =	vld.idx.msk [tilespmem:v7+s4+$0x0], $0xffff  }
0x159: {  	v27 =	vld.idx.msk [tilespmem:v1+s19+$0x0], $0xffff  }
0x15a: {  	[tilespmem:s1+$0x73B0] =	vst v3  }
0x15b: {  	v3 =	vld.idx.msk [tilespmem:v2+s4+$0x0], $0xffff  }
0x15c: {  	[tilespmem:s1+$0x8010] =	vst v10  }
0x15d: {  	[tilespmem:s1+$0x8020] =	vst v4;
	v28 =	vld.idx.msk [tilespmem:v6+s17+$0x0], $0xffff  }
0x15e: {  	[tilespmem:s1+$0x8180] =	vst v27;
	v4 =	vld.idx.msk [tilespmem:v7+s17+$0x0], $0xffff  }
0x15f: {  	v5 =	vld.idx.msk [tilespmem:v1+s20+$0x0], $0xffff  }
0x160: {  	[tilespmem:s1+$0x8030] =	vst v3  }
0x161: {  	v3 =	vld.idx.msk [tilespmem:v2+s17+$0x0], $0xffff  }
0x162: {  	v29 =	vld [tilespmem:s1+$0x1040];
	[tilespmem:s1+$0x8090] =	vst v28  }
0x163: {  	[tilespmem:s1+$0x80A0] =	vst v4;
	v8 =	vld.idx.msk [tilespmem:v6+s18+$0x0], $0xffff  }
0x164: {  	[tilespmem:s1+$0x8200] =	vst v5;
	v30 =	vld.idx.msk [tilespmem:v7+s18+$0x0], $0xffff  }
0x165: {  	v5 =	vld.idx.msk [tilespmem:v1+s21+$0x0], $0xffff  }
0x166: {  	[tilespmem:s1+$0x80B0] =	vst v3  }
0x167: {  	v3 =	vld.idx.msk [tilespmem:v2+s18+$0x0], $0xffff  }
0x168: {  	v4 =	vshll.u32 v29, $0x4;
	[tilespmem:s1+$0x8110] =	vst v8  }
0x169: {  	v4 =	vor.u32 v0, v4;
	[tilespmem:s1+$0x8120] =	vst v30;
	v8 =	vld.idx.msk [tilespmem:v6+s19+$0x0], $0xffff  }
0x16a: {  	[tilespmem:s1+$0x8280] =	vst v5;
	v9 =	vld.idx.msk [tilespmem:v7+s19+$0x0], $0xffff  }
0x16b: {  	v5 =	vld.idx.msk [tilespmem:v1+s22+$0x0], $0xffff  }
0x16c: {  	[tilespmem:s1+$0x8130] =	vst v3  }
0x16d: {  	v3 =	vld.idx.msk [tilespmem:v2+s19+$0x0], $0xffff  }
0x16e: {  	v32 =	vld.idx.msk [tilespmem:v4+s4+$0x0], $0xffff;
	[tilespmem:s1+$0x8190] =	vst v8  }
0x16f: {  	[tilespmem:s1+$0x81A0] =	vst v9;
	v8 =	vld.idx.msk [tilespmem:v6+s20+$0x0], $0xffff  }
0x170: {  	[tilespmem:s1+$0x8300] =	vst v5;
	v33 =	vld.idx.msk [tilespmem:v7+s20+$0x0], $0xffff  }
0x171: {  	v1 =	vld.idx.msk [tilespmem:v1+s23+$0x0], $0xffff  }
0x172: {  	[tilespmem:s1+$0x81B0] =	vst v3  }
0x173: {  	[tilespmem:s1+$0x3040] =	vst v32;
	v35 =	vld.idx.msk [tilespmem:v2+s20+$0x0], $0xffff  }
0x174: {  	[tilespmem:s1+$0x8210] =	vst v8;
	v8 =	vld.idx.msk [tilespmem:v4+s17+$0x0], $0xffff  }
0x175: {  	[tilespmem:s1+$0x8220] =	vst v33;
	v11 =	vld.idx.msk [tilespmem:v6+s21+$0x0], $0xffff  }
0x176: {  	[tilespmem:s1+$0x8380] =	vst v1;
	v1 =	vld.idx.msk [tilespmem:v7+s21+$0x0], $0xffff  }
0x177: {  	v31 =	vld [tilespmem:s1+$0x1300]  }
0x178: {  	v39 =	vld [tilespmem:s1+$0x1320];
	[tilespmem:s1+$0x8230] =	vst v35  }
0x179: {  	[tilespmem:s1+$0x30C0] =	vst v8;
	v9 =	vld.idx.msk [tilespmem:v2+s21+$0x0], $0xffff  }
0x17a: {  	[tilespmem:s1+$0x8290] =	vst v11;
	v8 =	vld.idx.msk [tilespmem:v4+s18+$0x0], $0xffff  }
0x17b: {  	[tilespmem:s1+$0x82A0] =	vst v1;
	v36 =	vld.idx.msk [tilespmem:v6+s22+$0x0], $0xffff  }
0x17c: {  	v1 =	vld.idx.msk [tilespmem:v7+s22+$0x0], $0xffff  }
0x17d: {  	v38 =	vld [tilespmem:s1+$0x1310]  }
0x17e: {  	v12 =	vld [tilespmem:s1+$0x1330];
	[tilespmem:s1+$0x82B0] =	vst v9  }
0x17f: {  	[tilespmem:s1+$0x3140] =	vst v8;
	v9 =	vld.idx.msk [tilespmem:v2+s22+$0x0], $0xffff  }
0x180: {  	[tilespmem:s1+$0x8310] =	vst v36;
	v41 =	vld.idx.msk [tilespmem:v4+s19+$0x0], $0xffff  }
0x181: {  	v34 =	vshll.u32 v31, $0x4;
	[tilespmem:s1+$0x8320] =	vst v1;
	v6 =	vld.idx.msk [tilespmem:v6+s23+$0x0], $0xffff  }
0x182: {  	v42 =	vshll.u32 v39, $0x4;
	v3 =	vor.u32 v0, v34;
	v1 =	vld.idx.msk [tilespmem:v7+s23+$0x0], $0xffff  }
0x183: {  	v5 =	vor.u32 v0, v42;
	v11 =	vshll.u32 v38, $0x4  }
0x184: {  	v40 =	vor.u32 v0, v11;
	[tilespmem:s1+$0x8330] =	vst v9  }
0x185: {  	v44 =	vshll.u32 v12, $0x4;
	[tilespmem:s1+$0x31C0] =	vst v41;
	v2 =	vld.idx.msk [tilespmem:v2+s23+$0x0], $0xffff  }
0x186: {  	[tilespmem:s1+$0x8390] =	vst v6;
	v6 =	vor.u32 v0, v44;
	v46 =	vld.idx.msk [tilespmem:v4+s20+$0x0], $0xffff  }
0x187: {  	v37 =	vld.idx.msk [tilespmem:v3+s4+$0x0], $0xffff;
	[tilespmem:s1+$0x83A0] =	vst v1  }
0x188: {  	v1 =	vld.idx.msk [tilespmem:v5+s4+$0x0], $0xffff  }
0x189: {  	v45 =	vld.idx.msk [tilespmem:v40+s4+$0x0], $0xffff  }
0x18a: {  	[tilespmem:s1+$0x83B0] =	vst v2  }
0x18b: {  	[tilespmem:s1+$0x3240] =	vst v46;
	v2 =	vld.idx.msk [tilespmem:v6+s4+$0x0], $0xffff  }
0x18c: {  	[tilespmem:s1+$0x9000] =	vst v37;
	v10 =	vld.idx.msk [tilespmem:v4+s21+$0x0], $0xffff  }
0x18d: {  	v43 =	vld.idx.msk [tilespmem:v3+s17+$0x0], $0xffff;
	[tilespmem:s1+$0x9020] =	vst v1  }
0x18e: {  	[tilespmem:s1+$0x9010] =	vst v45;
	v1 =	vld.idx.msk [tilespmem:v5+s17+$0x0], $0xffff  }
0x18f: {  	v9 =	vld.idx.msk [tilespmem:v40+s17+$0x0], $0xffff  }
0x190: {  	[tilespmem:s1+$0x9030] =	vst v2  }
0x191: {  	[tilespmem:s1+$0x32C0] =	vst v10;
	v2 =	vld.idx.msk [tilespmem:v6+s17+$0x0], $0xffff  }
0x192: {  	[tilespmem:s1+$0x9080] =	vst v43;
	v10 =	vld.idx.msk [tilespmem:v4+s22+$0x0], $0xffff  }
0x193: {  	[tilespmem:s1+$0x90A0] =	vst v1;
	v1 =	vld [tilespmem:s1+$0x10C0]  }
0x194: {  	v7 =	vld.idx.msk [tilespmem:v3+s18+$0x0], $0xffff;
	[tilespmem:s1+$0x9090] =	vst v9  }
0x195: {  	v9 =	vld.idx.msk [tilespmem:v40+s18+$0x0], $0xffff  }
0x196: {  	v47 =	vld.idx.msk [tilespmem:v5+s18+$0x0], $0xffff;
	[tilespmem:s1+$0x90B0] =	vst v2  }
0x197: {  	[tilespmem:s1+$0x3340] =	vst v10;
	v2 =	vld.idx.msk [tilespmem:v6+s18+$0x0], $0xffff  }
0x198: {  	v1 =	vshll.u32 v1, $0x4;
	v4 =	vld.idx.msk [tilespmem:v4+s23+$0x0], $0xffff  }
0x199: {  	v49 =	vld [tilespmem:s1+$0x1380];
	[tilespmem:s1+$0x9100] =	vst v7;
	v1 =	vor.u32 v0, v1  }
0x19a: {  	v7 =	vld.idx.msk [tilespmem:v3+s19+$0x0], $0xffff;
	[tilespmem:s1+$0x9110] =	vst v9  }
0x19b: {  	[tilespmem:s1+$0x9120] =	vst v47;
	v9 =	vld.idx.msk [tilespmem:v40+s19+$0x0], $0xffff  }
0x19c: {  	v48 =	vld.idx.msk [tilespmem:v5+s19+$0x0], $0xffff;
	[tilespmem:s1+$0x9130] =	vst v2  }
0x19d: {  	[tilespmem:s1+$0x33C0] =	vst v4;
	v2 =	vld.idx.msk [tilespmem:v6+s19+$0x0], $0xffff  }
0x19e: {  	v4 =	vld.idx.msk [tilespmem:v1+s4+$0x0], $0xffff  }
0x19f: {  	v13 =	vld [tilespmem:s1+$0x13A0];
	[tilespmem:s1+$0x9180] =	vst v7  }
0x1a0: {  	v7 =	vld.idx.msk [tilespmem:v3+s20+$0x0], $0xffff;
	[tilespmem:s1+$0x9190] =	vst v9  }
0x1a1: {  	[tilespmem:s1+$0x91A0] =	vst v48;
	v9 =	vld.idx.msk [tilespmem:v40+s20+$0x0], $0xffff  }
0x1a2: {  	v10 =	vld.idx.msk [tilespmem:v5+s20+$0x0], $0xffff;
	[tilespmem:s1+$0x91B0] =	vst v2  }
0x1a3: {  	[tilespmem:s1+$0x4040] =	vst v4;
	v2 =	vld.idx.msk [tilespmem:v6+s20+$0x0], $0xffff  }
0x1a4: {  	v4 =	vld.idx.msk [tilespmem:v1+s17+$0x0], $0xffff  }
0x1a5: {  	v50 =	vld [tilespmem:s1+$0x1390];
	[tilespmem:s1+$0x9200] =	vst v7  }
0x1a6: {  	v7 =	vld.idx.msk [tilespmem:v3+s21+$0x0], $0xffff;
	[tilespmem:s1+$0x9210] =	vst v9  }
0x1a7: {  	[tilespmem:s1+$0x9220] =	vst v10;
	v9 =	vld.idx.msk [tilespmem:v40+s21+$0x0], $0xffff  }
0x1a8: {  	v10 =	vld.idx.msk [tilespmem:v5+s21+$0x0], $0xffff;
	[tilespmem:s1+$0x9230] =	vst v2  }
0x1a9: {  	[tilespmem:s1+$0x40C0] =	vst v4;
	v2 =	vld.idx.msk [tilespmem:v6+s21+$0x0], $0xffff  }
0x1aa: {  	v4 =	vld.idx.msk [tilespmem:v1+s18+$0x0], $0xffff  }
0x1ab: {  	v14 =	vld [tilespmem:s1+$0x13B0];
	[tilespmem:s1+$0x9280] =	vst v7  }
0x1ac: {  	v7 =	vld.idx.msk [tilespmem:v3+s22+$0x0], $0xffff;
	[tilespmem:s1+$0x9290] =	vst v9  }
0x1ad: {  	[tilespmem:s1+$0x92A0] =	vst v10;
	v9 =	vld.idx.msk [tilespmem:v40+s22+$0x0], $0xffff  }
0x1ae: {  	v10 =	vld.idx.msk [tilespmem:v5+s22+$0x0], $0xffff;
	[tilespmem:s1+$0x92B0] =	vst v2  }
0x1af: {  	[tilespmem:s1+$0x4140] =	vst v4;
	v2 =	vld.idx.msk [tilespmem:v6+s22+$0x0], $0xffff  }
0x1b0: {  	v4 =	vld.idx.msk [tilespmem:v1+s19+$0x0], $0xffff  }
0x1b1: {  	[tilespmem:s1+$0x9300] =	vst v7  }
0x1b2: {  	v51 =	vshll.u32 v49, $0x4;
	v3 =	vld.idx.msk [tilespmem:v3+s23+$0x0], $0xffff;
	[tilespmem:s1+$0x9310] =	vst v9  }
0x1b3: {  	v52 =	vshll.u32 v50, $0x4;
	v7 =	vor.u32 v0, v51;
	[tilespmem:s1+$0x9320] =	vst v10;
	v8 =	vld.idx.msk [tilespmem:v40+s23+$0x0], $0xffff  }
0x1b4: {  	v53 =	vshll.u32 v13, $0x4;
	v9 =	vor.u32 v0, v52;
	v5 =	vld.idx.msk [tilespmem:v5+s23+$0x0], $0xffff;
	[tilespmem:s1+$0x9330] =	vst v2  }
0x1b5: {  	v54 =	vshll.u32 v14, $0x4;
	[tilespmem:s1+$0x41C0] =	vst v4;
	v2 =	vor.u32 v0, v53;
	v6 =	vld.idx.msk [tilespmem:v6+s23+$0x0], $0xffff  }
0x1b6: {  	v55 =	vor.u32 v0, v54;
	v56 =	vld.idx.msk [tilespmem:v1+s20+$0x0], $0xffff  }
0x1b7: {  	[tilespmem:s1+$0x9380] =	vst v3  }
0x1b8: {  	v3 =	vld.idx.msk [tilespmem:v7+s4+$0x0], $0xffff;
	[tilespmem:s1+$0x9390] =	vst v8  }
0x1b9: {  	[tilespmem:s1+$0x93A0] =	vst v5;
	v8 =	vld.idx.msk [tilespmem:v9+s4+$0x0], $0xffff  }
0x1ba: {  	v5 =	vld.idx.msk [tilespmem:v2+s4+$0x0], $0xffff;
	[tilespmem:s1+$0x93B0] =	vst v6  }
0x1bb: {  	[tilespmem:s1+$0x4240] =	vst v56;
	v6 =	vld.idx.msk [tilespmem:v55+s4+$0x0], $0xffff  }
0x1bc: {  	v10 =	vld.idx.msk [tilespmem:v1+s21+$0x0], $0xffff  }
0x1bd: {  	[tilespmem:s1+$0xA000] =	vst v3  }
0x1be: {  	v3 =	vld.idx.msk [tilespmem:v7+s17+$0x0], $0xffff;
	[tilespmem:s1+$0xA010] =	vst v8  }
0x1bf: {  	v8 =	vld.idx.msk [tilespmem:v9+s17+$0x0], $0xffff;
	[tilespmem:s1+$0xA020] =	vst v5  }
0x1c0: {  	v5 =	vld.idx.msk [tilespmem:v2+s17+$0x0], $0xffff;
	[tilespmem:s1+$0xA030] =	vst v6  }
0x1c1: {  	[tilespmem:s1+$0x42C0] =	vst v10;
	v6 =	vld.idx.msk [tilespmem:v55+s17+$0x0], $0xffff  }
0x1c2: {  	v10 =	vld.idx.msk [tilespmem:v1+s22+$0x0], $0xffff  }
0x1c3: {  	[tilespmem:s1+$0xA080] =	vst v3;
	v3 =	vld [tilespmem:s1+$0x1140]  }
0x1c4: {  	v57 =	vld.idx.msk [tilespmem:v7+s18+$0x0], $0xffff;
	[tilespmem:s1+$0xA090] =	vst v8  }
0x1c5: {  	v8 =	vld.idx.msk [tilespmem:v9+s18+$0x0], $0xffff;
	[tilespmem:s1+$0xA0A0] =	vst v5  }
0x1c6: {  	v5 =	vld.idx.msk [tilespmem:v2+s18+$0x0], $0xffff;
	[tilespmem:s1+$0xA0B0] =	vst v6  }
0x1c7: {  	[tilespmem:s1+$0x4340] =	vst v10;
	v6 =	vld.idx.msk [tilespmem:v55+s18+$0x0], $0xffff  }
0x1c8: {  	v10 =	vld.idx.msk [tilespmem:v1+s23+$0x0], $0xffff;
	v1 =	vshll.u32 v3, $0x4  }
0x1c9: {  	[tilespmem:s1+$0xA100] =	vst v57;
	v1 =	vor.u32 v0, v1  }
0x1ca: {  	v3 =	vld.idx.msk [tilespmem:v7+s19+$0x0], $0xffff;
	[tilespmem:s1+$0xA110] =	vst v8  }
0x1cb: {  	v8 =	vld.idx.msk [tilespmem:v9+s19+$0x0], $0xffff;
	[tilespmem:s1+$0xA120] =	vst v5  }
0x1cc: {  	v5 =	vld.idx.msk [tilespmem:v2+s19+$0x0], $0xffff;
	[tilespmem:s1+$0xA130] =	vst v6  }
0x1cd: {  	[tilespmem:s1+$0x43C0] =	vst v10;
	v6 =	vld.idx.msk [tilespmem:v55+s19+$0x0], $0xffff  }
0x1ce: {  	v10 =	vld.idx.msk [tilespmem:v1+s4+$0x0], $0xffff  }
0x1cf: {  	[tilespmem:s1+$0xA180] =	vst v3  }
0x1d0: {  	v3 =	vld.idx.msk [tilespmem:v7+s20+$0x0], $0xffff;
	[tilespmem:s1+$0xA190] =	vst v8  }
0x1d1: {  	v8 =	vld.idx.msk [tilespmem:v9+s20+$0x0], $0xffff;
	[tilespmem:s1+$0xA1A0] =	vst v5  }
0x1d2: {  	v5 =	vld.idx.msk [tilespmem:v2+s20+$0x0], $0xffff;
	[tilespmem:s1+$0xA1B0] =	vst v6  }
0x1d3: {  	[tilespmem:s1+$0x5040] =	vst v10;
	v6 =	vld.idx.msk [tilespmem:v55+s20+$0x0], $0xffff  }
0x1d4: {  	v10 =	vld.idx.msk [tilespmem:v1+s17+$0x0], $0xffff  }
0x1d5: {  	[tilespmem:s1+$0xA200] =	vst v3  }
0x1d6: {  	v3 =	vld.idx.msk [tilespmem:v7+s21+$0x0], $0xffff;
	[tilespmem:s1+$0xA210] =	vst v8  }
0x1d7: {  	v8 =	vld.idx.msk [tilespmem:v9+s21+$0x0], $0xffff;
	[tilespmem:s1+$0xA220] =	vst v5  }
0x1d8: {  	v5 =	vld.idx.msk [tilespmem:v2+s21+$0x0], $0xffff;
	[tilespmem:s1+$0xA230] =	vst v6  }
0x1d9: {  	[tilespmem:s1+$0x50C0] =	vst v10;
	v6 =	vld.idx.msk [tilespmem:v55+s21+$0x0], $0xffff  }
0x1da: {  	v10 =	vld.idx.msk [tilespmem:v1+s18+$0x0], $0xffff  }
0x1db: {  	[tilespmem:s1+$0xA280] =	vst v3  }
0x1dc: {  	v3 =	vld.idx.msk [tilespmem:v7+s22+$0x0], $0xffff;
	[tilespmem:s1+$0xA290] =	vst v8  }
0x1dd: {  	v8 =	vld.idx.msk [tilespmem:v9+s22+$0x0], $0xffff;
	[tilespmem:s1+$0xA2A0] =	vst v5  }
0x1de: {  	v5 =	vld.idx.msk [tilespmem:v2+s22+$0x0], $0xffff;
	[tilespmem:s1+$0xA2B0] =	vst v6  }
0x1df: {  	[tilespmem:s1+$0x5140] =	vst v10;
	v6 =	vld.idx.msk [tilespmem:v55+s22+$0x0], $0xffff  }
0x1e0: {  	v10 =	vld.idx.msk [tilespmem:v1+s19+$0x0], $0xffff  }
0x1e1: {  	[tilespmem:s1+$0xA300] =	vst v3  }
0x1e2: {  	v3 =	vld.idx.msk [tilespmem:v7+s23+$0x0], $0xffff;
	[tilespmem:s1+$0xA310] =	vst v8  }
0x1e3: {  	v58 =	vld.idx.msk [tilespmem:v9+s23+$0x0], $0xffff;
	[tilespmem:s1+$0xA320] =	vst v5  }
0x1e4: {  	v2 =	vld.idx.msk [tilespmem:v2+s23+$0x0], $0xffff;
	[tilespmem:s1+$0xA330] =	vst v6  }
0x1e5: {  	[tilespmem:s1+$0x51C0] =	vst v10;
	v4 =	vld.idx.msk [tilespmem:v55+s23+$0x0], $0xffff  }
0x1e6: {  	v59 =	vld.idx.msk [tilespmem:v1+s20+$0x0], $0xffff  }
0x1e7: {  	[tilespmem:s1+$0xA380] =	vst v3  }
0x1e8: {  	[tilespmem:s1+$0xA390] =	vst v58  }
0x1e9: {  	[tilespmem:s1+$0xA3A0] =	vst v2  }
0x1ea: {  	[tilespmem:s1+$0xA3B0] =	vst v4  }
0x1eb: {  	[tilespmem:s1+$0x5240] =	vst v59  }
0x1ec: {  	v2 =	vld [tilespmem:s1+$0x1050];
	_ =	sdelay $0x2  }
0x1ed: {  	v3 =	vld [tilespmem:s1+$0x1060]  }
0x1ee: {  	v60 =	vld [tilespmem:s1+$0x1070]  }
0x1ef: {  	v2 =	vshll.u32 v2, $0x4  }
0x1f0: {  	v2 =	vor.u32 v0, v2;
	_ =	sdelay $0x1  }
0x1f1: {  	v3 =	vshll.u32 v3, $0x4  }
0x1f2: {  	v4 =	vshll.u32 v60, $0x4;
	v3 =	vor.u32 v0, v3  }
0x1f3: {  	v4 =	vor.u32 v0, v4  }
0x1f4: {  	v5 =	vld.idx.msk [tilespmem:v2+s4+$0x0], $0xffff;
	_ =	sdelay $0x2  }
0x1f5: {  	v61 =	vld.idx.msk [tilespmem:v3+s4+$0x0], $0xffff  }
0x1f6: {  	v62 =	vld.idx.msk [tilespmem:v4+s4+$0x0], $0xffff  }
0x1f7: {  	[tilespmem:s1+$0x3050] =	vst v5  }
0x1f8: {  	v5 =	vld.idx.msk [tilespmem:v2+s17+$0x0], $0xffff;
	_ =	sdelay $0x1  }
0x1f9: {  	[tilespmem:s1+$0x3060] =	vst v61  }
0x1fa: {  	[tilespmem:s1+$0x3070] =	vst v62;
	v6 =	vld.idx.msk [tilespmem:v3+s17+$0x0], $0xffff  }
0x1fb: {  	v7 =	vld.idx.msk [tilespmem:v4+s17+$0x0], $0xffff  }
0x1fc: {  	[tilespmem:s1+$0x30D0] =	vst v5  }
0x1fd: {  	v5 =	vld.idx.msk [tilespmem:v2+s18+$0x0], $0xffff;
	_ =	sdelay $0x1  }
0x1fe: {  	[tilespmem:s1+$0x30E0] =	vst v6  }
0x1ff: {  	[tilespmem:s1+$0x30F0] =	vst v7;
	v6 =	vld.idx.msk [tilespmem:v3+s18+$0x0], $0xffff  }
0x200: {  	v7 =	vld.idx.msk [tilespmem:v4+s18+$0x0], $0xffff  }
0x201: {  	[tilespmem:s1+$0x3150] =	vst v5  }
0x202: {  	v5 =	vld.idx.msk [tilespmem:v2+s19+$0x0], $0xffff;
	_ =	sdelay $0x1  }
0x203: {  	[tilespmem:s1+$0x3160] =	vst v6  }
0x204: {  	[tilespmem:s1+$0x3170] =	vst v7;
	v6 =	vld.idx.msk [tilespmem:v3+s19+$0x0], $0xffff  }
0x205: {  	v7 =	vld.idx.msk [tilespmem:v4+s19+$0x0], $0xffff  }
0x206: {  	[tilespmem:s1+$0x31D0] =	vst v5  }
0x207: {  	v5 =	vld.idx.msk [tilespmem:v2+s20+$0x0], $0xffff;
	_ =	sdelay $0x1  }
0x208: {  	[tilespmem:s1+$0x31E0] =	vst v6  }
0x209: {  	[tilespmem:s1+$0x31F0] =	vst v7;
	v6 =	vld.idx.msk [tilespmem:v3+s20+$0x0], $0xffff  }
0x20a: {  	v7 =	vld.idx.msk [tilespmem:v4+s20+$0x0], $0xffff  }
0x20b: {  	[tilespmem:s1+$0x3250] =	vst v5  }
0x20c: {  	v5 =	vld.idx.msk [tilespmem:v2+s21+$0x0], $0xffff;
	_ =	sdelay $0x1  }
0x20d: {  	[tilespmem:s1+$0x3260] =	vst v6  }
0x20e: {  	[tilespmem:s1+$0x3270] =	vst v7;
	v6 =	vld.idx.msk [tilespmem:v3+s21+$0x0], $0xffff  }
0x20f: {  	v7 =	vld.idx.msk [tilespmem:v4+s21+$0x0], $0xffff  }
0x210: {  	[tilespmem:s1+$0x32D0] =	vst v5  }
0x211: {  	v5 =	vld.idx.msk [tilespmem:v2+s22+$0x0], $0xffff  }
0x212: {  	v63 =	vld [tilespmem:s1+$0x10D0]  }
0x213: {  	v12 =	vld [tilespmem:s1+$0x10E0];
	[tilespmem:s1+$0x32E0] =	vst v6  }
0x214: {  	[tilespmem:s1+$0x32F0] =	vst v7;
	v6 =	vld.idx.msk [tilespmem:v3+s22+$0x0], $0xffff  }
0x215: {  	v7 =	vld.idx.msk [tilespmem:v4+s22+$0x0], $0xffff  }
0x216: {  	v13 =	vld [tilespmem:s1+$0x10F0];
	[tilespmem:s1+$0x3350] =	vst v5  }
0x217: {  	v2 =	vld.idx.msk [tilespmem:v2+s23+$0x0], $0xffff;
	_ =	sdelay $0x1  }
0x218: {  	v8 =	vshll.u32 v63, $0x4;
	[tilespmem:s1+$0x3360] =	vst v6  }
0x219: {  	v14 =	vshll.u32 v12, $0x4;
	v8 =	vor.u32 v0, v8;
	[tilespmem:s1+$0x3370] =	vst v7;
	v3 =	vld.idx.msk [tilespmem:v3+s23+$0x0], $0xffff  }
0x21a: {  	v6 =	vor.u32 v0, v14;
	v5 =	vshll.u32 v13, $0x4;
	v4 =	vld.idx.msk [tilespmem:v4+s23+$0x0], $0xffff  }
0x21b: {  	[tilespmem:s1+$0x33D0] =	vst v2;
	v2 =	vor.u32 v0, v5;
	_ =	sdelay $0x2  }
0x21c: {  	[tilespmem:s1+$0x33E0] =	vst v3;
	v15 =	vld.idx.msk [tilespmem:v8+s4+$0x0], $0xffff  }
0x21d: {  	[tilespmem:s1+$0x33F0] =	vst v4;
	v3 =	vld.idx.msk [tilespmem:v6+s4+$0x0], $0xffff  }
0x21e: {  	v4 =	vld.idx.msk [tilespmem:v2+s4+$0x0], $0xffff;
	_ =	sdelay $0x2  }
0x21f: {  	[tilespmem:s1+$0x4050] =	vst v15  }
0x220: {  	[tilespmem:s1+$0x4060] =	vst v3;
	v5 =	vld.idx.msk [tilespmem:v8+s17+$0x0], $0xffff  }
0x221: {  	v3 =	vld.idx.msk [tilespmem:v6+s17+$0x0], $0xffff;
	[tilespmem:s1+$0x4070] =	vst v4  }
0x222: {  	v4 =	vld.idx.msk [tilespmem:v2+s17+$0x0], $0xffff;
	_ =	sdelay $0x2  }
0x223: {  	[tilespmem:s1+$0x40D0] =	vst v5  }
0x224: {  	[tilespmem:s1+$0x40E0] =	vst v3;
	v5 =	vld.idx.msk [tilespmem:v8+s18+$0x0], $0xffff  }
0x225: {  	v3 =	vld.idx.msk [tilespmem:v6+s18+$0x0], $0xffff;
	[tilespmem:s1+$0x40F0] =	vst v4  }
0x226: {  	v4 =	vld.idx.msk [tilespmem:v2+s18+$0x0], $0xffff;
	_ =	sdelay $0x2  }
0x227: {  	[tilespmem:s1+$0x4150] =	vst v5  }
0x228: {  	[tilespmem:s1+$0x4160] =	vst v3;
	v5 =	vld.idx.msk [tilespmem:v8+s19+$0x0], $0xffff  }
0x229: {  	v3 =	vld.idx.msk [tilespmem:v6+s19+$0x0], $0xffff;
	[tilespmem:s1+$0x4170] =	vst v4  }
0x22a: {  	v4 =	vld.idx.msk [tilespmem:v2+s19+$0x0], $0xffff;
	_ =	sdelay $0x2  }
0x22b: {  	[tilespmem:s1+$0x41D0] =	vst v5  }
0x22c: {  	[tilespmem:s1+$0x41E0] =	vst v3;
	v5 =	vld.idx.msk [tilespmem:v8+s20+$0x0], $0xffff  }
0x22d: {  	v3 =	vld.idx.msk [tilespmem:v6+s20+$0x0], $0xffff;
	[tilespmem:s1+$0x41F0] =	vst v4  }
0x22e: {  	v4 =	vld.idx.msk [tilespmem:v2+s20+$0x0], $0xffff;
	_ =	sdelay $0x2  }
0x22f: {  	[tilespmem:s1+$0x4250] =	vst v5  }
0x230: {  	[tilespmem:s1+$0x4260] =	vst v3;
	v5 =	vld.idx.msk [tilespmem:v8+s21+$0x0], $0xffff  }
0x231: {  	v3 =	vld.idx.msk [tilespmem:v6+s21+$0x0], $0xffff;
	[tilespmem:s1+$0x4270] =	vst v4  }
0x232: {  	v4 =	vld.idx.msk [tilespmem:v2+s21+$0x0], $0xffff;
	_ =	sdelay $0x1  }
0x233: {  	v16 =	vld [tilespmem:s1+$0x1150]  }
0x234: {  	v17 =	vld [tilespmem:s1+$0x1160];
	[tilespmem:s1+$0x42D0] =	vst v5  }
0x235: {  	[tilespmem:s1+$0x42E0] =	vst v3;
	v5 =	vld.idx.msk [tilespmem:v8+s22+$0x0], $0xffff  }
0x236: {  	v3 =	vld.idx.msk [tilespmem:v6+s22+$0x0], $0xffff;
	[tilespmem:s1+$0x42F0] =	vst v4  }
0x237: {  	v4 =	vld.idx.msk [tilespmem:v2+s22+$0x0], $0xffff  }
0x238: {  	v18 =	vld [tilespmem:s1+$0x1170];
	_ =	sdelay $0x1  }
0x239: {  	[tilespmem:s1+$0x4350] =	vst v5  }
0x23a: {  	v7 =	vshll.u32 v16, $0x4;
	[tilespmem:s1+$0x4360] =	vst v3;
	v8 =	vld.idx.msk [tilespmem:v8+s23+$0x0], $0xffff  }
0x23b: {  	v19 =	vshll.u32 v17, $0x4;
	v7 =	vor.u32 v0, v7;
	v3 =	vld.idx.msk [tilespmem:v6+s23+$0x0], $0xffff;
	[tilespmem:s1+$0x4370] =	vst v4  }
0x23c: {  	v20 =	vshll.u32 v18, $0x4;
	v6 =	vor.u32 v0, v19;
	v2 =	vld.idx.msk [tilespmem:v2+s23+$0x0], $0xffff  }
0x23d: {  	v4 =	vor.u32 v0, v20;
	_ =	sdelay $0x1  }
0x23e: {  	[tilespmem:s1+$0x43D0] =	vst v8  }
0x23f: {  	[tilespmem:s1+$0x43E0] =	vst v3;
	v21 =	vld.idx.msk [tilespmem:v7+s4+$0x0], $0xffff  }
0x240: {  	v3 =	vld.idx.msk [tilespmem:v6+s4+$0x0], $0xffff;
	[tilespmem:s1+$0x43F0] =	vst v2  }
0x241: {  	v2 =	vld.idx.msk [tilespmem:v4+s4+$0x0], $0xffff  }
0x242: {  	v22 =	vld.idx.msk [tilespmem:v1+s21+$0x0], $0xffff;
	_ =	sdelay $0x1  }
0x243: {  	[tilespmem:s1+$0x5050] =	vst v21  }
0x244: {  	[tilespmem:s1+$0x5060] =	vst v3;
	v5 =	vld.idx.msk [tilespmem:v7+s17+$0x0], $0xffff  }
0x245: {  	v3 =	vld.idx.msk [tilespmem:v6+s17+$0x0], $0xffff;
	[tilespmem:s1+$0x5070] =	vst v2  }
0x246: {  	[tilespmem:s1+$0x52C0] =	vst v22;
	v2 =	vld.idx.msk [tilespmem:v4+s17+$0x0], $0xffff  }
0x247: {  	v8 =	vld.idx.msk [tilespmem:v1+s22+$0x0], $0xffff;
	_ =	sdelay $0x1  }
0x248: {  	v23 =	vld [tilespmem:s1+$0x11C0];
	[tilespmem:s1+$0x50D0] =	vst v5  }
0x249: {  	[tilespmem:s1+$0x50E0] =	vst v3;
	v5 =	vld.idx.msk [tilespmem:v7+s18+$0x0], $0xffff  }
0x24a: {  	v3 =	vld.idx.msk [tilespmem:v6+s18+$0x0], $0xffff;
	[tilespmem:s1+$0x50F0] =	vst v2  }
0x24b: {  	[tilespmem:s1+$0x5340] =	vst v8;
	v2 =	vld.idx.msk [tilespmem:v4+s18+$0x0], $0xffff  }
0x24c: {  	v1 =	vld.idx.msk [tilespmem:v1+s23+$0x0], $0xffff;
	_ =	sdelay $0x1  }
0x24d: {  	v24 =	vshll.u32 v23, $0x4;
	[tilespmem:s1+$0x5150] =	vst v5  }
0x24e: {  	v25 =	vor.u32 v0, v24;
	[tilespmem:s1+$0x5160] =	vst v3;
	v26 =	vld.idx.msk [tilespmem:v7+s19+$0x0], $0xffff  }
0x24f: {  	v3 =	vld.idx.msk [tilespmem:v6+s19+$0x0], $0xffff;
	[tilespmem:s1+$0x5170] =	vst v2  }
0x250: {  	[tilespmem:s1+$0x53C0] =	vst v1;
	v1 =	vld.idx.msk [tilespmem:v4+s19+$0x0], $0xffff;
	_ =	sdelay $0x2  }
0x251: {  	v2 =	vld.idx.msk [tilespmem:v25+s4+$0x0], $0xffff;
	[tilespmem:s1+$0x51D0] =	vst v26  }
0x252: {  	[tilespmem:s1+$0x51E0] =	vst v3;
	v8 =	vld.idx.msk [tilespmem:v7+s20+$0x0], $0xffff  }
0x253: {  	v3 =	vld.idx.msk [tilespmem:v6+s20+$0x0], $0xffff;
	[tilespmem:s1+$0x51F0] =	vst v1  }
0x254: {  	v1 =	vld.idx.msk [tilespmem:v4+s20+$0x0], $0xffff;
	_ =	sdelay $0x1  }
0x255: {  	[tilespmem:s1+$0x6040] =	vst v2  }
0x256: {  	v2 =	vld.idx.msk [tilespmem:v25+s17+$0x0], $0xffff;
	[tilespmem:s1+$0x5250] =	vst v8  }
0x257: {  	[tilespmem:s1+$0x5260] =	vst v3;
	v8 =	vld.idx.msk [tilespmem:v7+s21+$0x0], $0xffff  }
0x258: {  	v3 =	vld.idx.msk [tilespmem:v6+s21+$0x0], $0xffff;
	[tilespmem:s1+$0x5270] =	vst v1  }
0x259: {  	v1 =	vld.idx.msk [tilespmem:v4+s21+$0x0], $0xffff  }
0x25a: {  	v27 =	vld [tilespmem:s1+$0x11D0]  }
0x25b: {  	v28 =	vld [tilespmem:s1+$0x11E0];
	[tilespmem:s1+$0x60C0] =	vst v2  }
0x25c: {  	v2 =	vld.idx.msk [tilespmem:v25+s18+$0x0], $0xffff;
	[tilespmem:s1+$0x52D0] =	vst v8  }
0x25d: {  	[tilespmem:s1+$0x52E0] =	vst v3;
	v8 =	vld.idx.msk [tilespmem:v7+s22+$0x0], $0xffff  }
0x25e: {  	v3 =	vld.idx.msk [tilespmem:v6+s22+$0x0], $0xffff;
	[tilespmem:s1+$0x52F0] =	vst v1  }
0x25f: {  	v1 =	vld.idx.msk [tilespmem:v4+s22+$0x0], $0xffff  }
0x260: {  	v29 =	vld [tilespmem:s1+$0x11F0]  }
0x261: {  	[tilespmem:s1+$0x6140] =	vst v2  }
0x262: {  	[tilespmem:s1+$0x5350] =	vst v8  }
0x263: {  	v9 =	vshll.u32 v27, $0x4;
	[tilespmem:s1+$0x5360] =	vst v3;
	v7 =	vld.idx.msk [tilespmem:v7+s23+$0x0], $0xffff  }
0x264: {  	v9 =	vor.u32 v0, v9;
	v3 =	vshll.u32 v28, $0x4;
	v2 =	vld.idx.msk [tilespmem:v6+s23+$0x0], $0xffff;
	[tilespmem:s1+$0x5370] =	vst v1  }
0x265: {  	v31 =	vshll.u32 v29, $0x4;
	v3 =	vor.u32 v0, v3;
	v1 =	vld.idx.msk [tilespmem:v4+s23+$0x0], $0xffff  }
0x266: {  	v4 =	vor.u32 v0, v31;
	_ =	sdelay $0x1  }
0x267: {  	[tilespmem:s1+$0x53D0] =	vst v7  }
0x268: {  	[tilespmem:s1+$0x53E0] =	vst v2;
	v7 =	vld.idx.msk [tilespmem:v9+s4+$0x0], $0xffff  }
0x269: {  	v2 =	vld.idx.msk [tilespmem:v3+s4+$0x0], $0xffff;
	[tilespmem:s1+$0x53F0] =	vst v1  }
0x26a: {  	v1 =	vld.idx.msk [tilespmem:v4+s4+$0x0], $0xffff;
	_ =	sdelay $0x2  }
0x26b: {  	[tilespmem:s1+$0x6050] =	vst v7  }
0x26c: {  	[tilespmem:s1+$0x6060] =	vst v2;
	v7 =	vld.idx.msk [tilespmem:v9+s17+$0x0], $0xffff  }
0x26d: {  	v2 =	vld.idx.msk [tilespmem:v3+s17+$0x0], $0xffff;
	[tilespmem:s1+$0x6070] =	vst v1  }
0x26e: {  	v1 =	vld.idx.msk [tilespmem:v4+s17+$0x0], $0xffff;
	_ =	sdelay $0x2  }
0x26f: {  	[tilespmem:s1+$0x60D0] =	vst v7  }
0x270: {  	[tilespmem:s1+$0x60E0] =	vst v2;
	v7 =	vld.idx.msk [tilespmem:v9+s18+$0x0], $0xffff  }
0x271: {  	v2 =	vld.idx.msk [tilespmem:v3+s18+$0x0], $0xffff;
	[tilespmem:s1+$0x60F0] =	vst v1  }
0x272: {  	v1 =	vld.idx.msk [tilespmem:v4+s18+$0x0], $0xffff;
	_ =	sdelay $0x2  }
0x273: {  	v30 =	vld.idx.msk [tilespmem:v25+s19+$0x0], $0xffff;
	[tilespmem:s1+$0x6150] =	vst v7  }
0x274: {  	[tilespmem:s1+$0x6160] =	vst v2;
	v7 =	vld.idx.msk [tilespmem:v9+s19+$0x0], $0xffff  }
0x275: {  	v2 =	vld.idx.msk [tilespmem:v3+s19+$0x0], $0xffff;
	[tilespmem:s1+$0x6170] =	vst v1  }
0x276: {  	v1 =	vld.idx.msk [tilespmem:v4+s19+$0x0], $0xffff;
	_ =	sdelay $0x1  }
0x277: {  	[tilespmem:s1+$0x61C0] =	vst v30  }
0x278: {  	v6 =	vld.idx.msk [tilespmem:v25+s20+$0x0], $0xffff;
	[tilespmem:s1+$0x61D0] =	vst v7  }
0x279: {  	[tilespmem:s1+$0x61E0] =	vst v2;
	v7 =	vld.idx.msk [tilespmem:v9+s20+$0x0], $0xffff  }
0x27a: {  	v2 =	vld.idx.msk [tilespmem:v3+s20+$0x0], $0xffff;
	[tilespmem:s1+$0x61F0] =	vst v1  }
0x27b: {  	v1 =	vld.idx.msk [tilespmem:v4+s20+$0x0], $0xffff;
	_ =	sdelay $0x1  }
0x27c: {  	v32 =	vld [tilespmem:s1+$0x1240];
	[tilespmem:s1+$0x6240] =	vst v6  }
0x27d: {  	v6 =	vld.idx.msk [tilespmem:v25+s21+$0x0], $0xffff;
	[tilespmem:s1+$0x6250] =	vst v7  }
0x27e: {  	[tilespmem:s1+$0x6260] =	vst v2;
	v7 =	vld.idx.msk [tilespmem:v9+s21+$0x0], $0xffff  }
0x27f: {  	v2 =	vld.idx.msk [tilespmem:v3+s21+$0x0], $0xffff;
	[tilespmem:s1+$0x6270] =	vst v1  }
0x280: {  	v1 =	vld.idx.msk [tilespmem:v4+s21+$0x0], $0xffff  }
0x281: {  	v34 =	vld [tilespmem:s1+$0x1250]  }
0x282: {  	v35 =	vld [tilespmem:s1+$0x1260];
	[tilespmem:s1+$0x62C0] =	vst v6  }
0x283: {  	v6 =	vld.idx.msk [tilespmem:v25+s22+$0x0], $0xffff;
	[tilespmem:s1+$0x62D0] =	vst v7  }
0x284: {  	[tilespmem:s1+$0x62E0] =	vst v2;
	v7 =	vld.idx.msk [tilespmem:v9+s22+$0x0], $0xffff  }
0x285: {  	v2 =	vld.idx.msk [tilespmem:v3+s22+$0x0], $0xffff;
	[tilespmem:s1+$0x62F0] =	vst v1  }
0x286: {  	v1 =	vld.idx.msk [tilespmem:v4+s22+$0x0], $0xffff  }
0x287: {  	v36 =	vld [tilespmem:s1+$0x1270]  }
0x288: {  	[tilespmem:s1+$0x6340] =	vst v6  }
0x289: {  	v33 =	vshll.u32 v32, $0x4;
	v5 =	vld.idx.msk [tilespmem:v25+s23+$0x0], $0xffff;
	[tilespmem:s1+$0x6350] =	vst v7  }
0x28a: {  	v8 =	vshll.u32 v34, $0x4;
	v6 =	vor.u32 v0, v33;
	[tilespmem:s1+$0x6360] =	vst v2;
	v9 =	vld.idx.msk [tilespmem:v9+s23+$0x0], $0xffff  }
0x28b: {  	v8 =	vor.u32 v0, v8;
	v2 =	vld.idx.msk [tilespmem:v3+s23+$0x0], $0xffff;
	v3 =	vshll.u32 v35, $0x4;
	[tilespmem:s1+$0x6370] =	vst v1  }
0x28c: {  	v37 =	vshll.u32 v36, $0x4;
	v3 =	vor.u32 v0, v3;
	v1 =	vld.idx.msk [tilespmem:v4+s23+$0x0], $0xffff  }
0x28d: {  	v4 =	vor.u32 v0, v37  }
0x28e: {  	[tilespmem:s1+$0x63C0] =	vst v5  }
0x28f: {  	v5 =	vld.idx.msk [tilespmem:v6+s4+$0x0], $0xffff;
	[tilespmem:s1+$0x63D0] =	vst v9  }
0x290: {  	[tilespmem:s1+$0x63E0] =	vst v2;
	v38 =	vld.idx.msk [tilespmem:v8+s4+$0x0], $0xffff  }
0x291: {  	v2 =	vld.idx.msk [tilespmem:v3+s4+$0x0], $0xffff;
	[tilespmem:s1+$0x63F0] =	vst v1  }
0x292: {  	v1 =	vld.idx.msk [tilespmem:v4+s4+$0x0], $0xffff;
	_ =	sdelay $0x1  }
0x293: {  	[tilespmem:s1+$0x7040] =	vst v5  }
0x294: {  	v5 =	vld.idx.msk [tilespmem:v6+s17+$0x0], $0xffff;
	[tilespmem:s1+$0x7050] =	vst v38  }
0x295: {  	[tilespmem:s1+$0x7060] =	vst v2;
	v7 =	vld.idx.msk [tilespmem:v8+s17+$0x0], $0xffff  }
0x296: {  	v2 =	vld.idx.msk [tilespmem:v3+s17+$0x0], $0xffff;
	[tilespmem:s1+$0x7070] =	vst v1  }
0x297: {  	v1 =	vld.idx.msk [tilespmem:v4+s17+$0x0], $0xffff;
	_ =	sdelay $0x1  }
0x298: {  	[tilespmem:s1+$0x70C0] =	vst v5  }
0x299: {  	v5 =	vld.idx.msk [tilespmem:v6+s18+$0x0], $0xffff;
	[tilespmem:s1+$0x70D0] =	vst v7  }
0x29a: {  	[tilespmem:s1+$0x70E0] =	vst v2;
	v7 =	vld.idx.msk [tilespmem:v8+s18+$0x0], $0xffff  }
0x29b: {  	v2 =	vld.idx.msk [tilespmem:v3+s18+$0x0], $0xffff;
	[tilespmem:s1+$0x70F0] =	vst v1  }
0x29c: {  	v1 =	vld.idx.msk [tilespmem:v4+s18+$0x0], $0xffff;
	_ =	sdelay $0x1  }
0x29d: {  	[tilespmem:s1+$0x7140] =	vst v5  }
0x29e: {  	v5 =	vld.idx.msk [tilespmem:v6+s19+$0x0], $0xffff;
	[tilespmem:s1+$0x7150] =	vst v7  }
0x29f: {  	[tilespmem:s1+$0x7160] =	vst v2;
	v7 =	vld.idx.msk [tilespmem:v8+s19+$0x0], $0xffff  }
0x2a0: {  	v2 =	vld.idx.msk [tilespmem:v3+s19+$0x0], $0xffff;
	[tilespmem:s1+$0x7170] =	vst v1  }
0x2a1: {  	v1 =	vld.idx.msk [tilespmem:v4+s19+$0x0], $0xffff;
	_ =	sdelay $0x1  }
0x2a2: {  	[tilespmem:s1+$0x71C0] =	vst v5  }
0x2a3: {  	v5 =	vld.idx.msk [tilespmem:v6+s20+$0x0], $0xffff;
	[tilespmem:s1+$0x71D0] =	vst v7  }
0x2a4: {  	[tilespmem:s1+$0x71E0] =	vst v2;
	v7 =	vld.idx.msk [tilespmem:v8+s20+$0x0], $0xffff  }
0x2a5: {  	v2 =	vld.idx.msk [tilespmem:v3+s20+$0x0], $0xffff;
	[tilespmem:s1+$0x71F0] =	vst v1  }
0x2a6: {  	v1 =	vld.idx.msk [tilespmem:v4+s20+$0x0], $0xffff;
	_ =	sdelay $0x1  }
0x2a7: {  	v39 =	vld [tilespmem:s1+$0x12C0];
	[tilespmem:s1+$0x7240] =	vst v5  }
0x2a8: {  	v5 =	vld.idx.msk [tilespmem:v6+s21+$0x0], $0xffff;
	[tilespmem:s1+$0x7250] =	vst v7  }
0x2a9: {  	[tilespmem:s1+$0x7260] =	vst v2;
	v7 =	vld.idx.msk [tilespmem:v8+s21+$0x0], $0xffff  }
0x2aa: {  	v2 =	vld.idx.msk [tilespmem:v3+s21+$0x0], $0xffff;
	[tilespmem:s1+$0x7270] =	vst v1  }
0x2ab: {  	v1 =	vld.idx.msk [tilespmem:v4+s21+$0x0], $0xffff  }
0x2ac: {  	v41 =	vld [tilespmem:s1+$0x12D0]  }
0x2ad: {  	v42 =	vld [tilespmem:s1+$0x12E0];
	[tilespmem:s1+$0x72C0] =	vst v5  }
0x2ae: {  	v5 =	vld.idx.msk [tilespmem:v6+s22+$0x0], $0xffff;
	[tilespmem:s1+$0x72D0] =	vst v7  }
0x2af: {  	[tilespmem:s1+$0x72E0] =	vst v2;
	v7 =	vld.idx.msk [tilespmem:v8+s22+$0x0], $0xffff  }
0x2b0: {  	v2 =	vld.idx.msk [tilespmem:v3+s22+$0x0], $0xffff;
	[tilespmem:s1+$0x72F0] =	vst v1  }
0x2b1: {  	v1 =	vld.idx.msk [tilespmem:v4+s22+$0x0], $0xffff  }
0x2b2: {  	v43 =	vld [tilespmem:s1+$0x12F0]  }
0x2b3: {  	[tilespmem:s1+$0x7340] =	vst v5  }
0x2b4: {  	v40 =	vshll.u32 v39, $0x4;
	v5 =	vld.idx.msk [tilespmem:v6+s23+$0x0], $0xffff;
	[tilespmem:s1+$0x7350] =	vst v7  }
0x2b5: {  	v9 =	vshll.u32 v41, $0x4;
	v6 =	vor.u32 v0, v40;
	[tilespmem:s1+$0x7360] =	vst v2;
	v8 =	vld.idx.msk [tilespmem:v8+s23+$0x0], $0xffff  }
0x2b6: {  	v9 =	vor.u32 v0, v9;
	v2 =	vld.idx.msk [tilespmem:v3+s23+$0x0], $0xffff;
	v3 =	vshll.u32 v42, $0x4;
	[tilespmem:s1+$0x7370] =	vst v1  }
0x2b7: {  	v44 =	vshll.u32 v43, $0x4;
	v3 =	vor.u32 v0, v3;
	v1 =	vld.idx.msk [tilespmem:v4+s23+$0x0], $0xffff  }
0x2b8: {  	v4 =	vor.u32 v0, v44  }
0x2b9: {  	[tilespmem:s1+$0x73C0] =	vst v5  }
0x2ba: {  	v5 =	vld.idx.msk [tilespmem:v6+s4+$0x0], $0xffff;
	[tilespmem:s1+$0x73D0] =	vst v8  }
0x2bb: {  	[tilespmem:s1+$0x73E0] =	vst v2;
	v45 =	vld.idx.msk [tilespmem:v9+s4+$0x0], $0xffff  }
0x2bc: {  	v2 =	vld.idx.msk [tilespmem:v3+s4+$0x0], $0xffff;
	[tilespmem:s1+$0x73F0] =	vst v1  }
0x2bd: {  	v1 =	vld.idx.msk [tilespmem:v4+s4+$0x0], $0xffff;
	_ =	sdelay $0x1  }
0x2be: {  	[tilespmem:s1+$0x8040] =	vst v5  }
0x2bf: {  	v5 =	vld.idx.msk [tilespmem:v6+s17+$0x0], $0xffff;
	[tilespmem:s1+$0x8050] =	vst v45  }
0x2c0: {  	[tilespmem:s1+$0x8060] =	vst v2;
	v7 =	vld.idx.msk [tilespmem:v9+s17+$0x0], $0xffff  }
0x2c1: {  	v2 =	vld.idx.msk [tilespmem:v3+s17+$0x0], $0xffff;
	[tilespmem:s1+$0x8070] =	vst v1  }
0x2c2: {  	v1 =	vld.idx.msk [tilespmem:v4+s17+$0x0], $0xffff;
	_ =	sdelay $0x1  }
0x2c3: {  	[tilespmem:s1+$0x80C0] =	vst v5  }
0x2c4: {  	v5 =	vld.idx.msk [tilespmem:v6+s18+$0x0], $0xffff;
	[tilespmem:s1+$0x80D0] =	vst v7  }
0x2c5: {  	[tilespmem:s1+$0x80E0] =	vst v2;
	v7 =	vld.idx.msk [tilespmem:v9+s18+$0x0], $0xffff  }
0x2c6: {  	v2 =	vld.idx.msk [tilespmem:v3+s18+$0x0], $0xffff;
	[tilespmem:s1+$0x80F0] =	vst v1  }
0x2c7: {  	v1 =	vld.idx.msk [tilespmem:v4+s18+$0x0], $0xffff;
	_ =	sdelay $0x1  }
0x2c8: {  	[tilespmem:s1+$0x8140] =	vst v5  }
0x2c9: {  	v5 =	vld.idx.msk [tilespmem:v6+s19+$0x0], $0xffff;
	[tilespmem:s1+$0x8150] =	vst v7  }
0x2ca: {  	[tilespmem:s1+$0x8160] =	vst v2;
	v7 =	vld.idx.msk [tilespmem:v9+s19+$0x0], $0xffff  }
0x2cb: {  	v2 =	vld.idx.msk [tilespmem:v3+s19+$0x0], $0xffff;
	[tilespmem:s1+$0x8170] =	vst v1  }
0x2cc: {  	v1 =	vld.idx.msk [tilespmem:v4+s19+$0x0], $0xffff;
	_ =	sdelay $0x1  }
0x2cd: {  	[tilespmem:s1+$0x81C0] =	vst v5  }
0x2ce: {  	v5 =	vld.idx.msk [tilespmem:v6+s20+$0x0], $0xffff;
	[tilespmem:s1+$0x81D0] =	vst v7  }
0x2cf: {  	[tilespmem:s1+$0x81E0] =	vst v2;
	v7 =	vld.idx.msk [tilespmem:v9+s20+$0x0], $0xffff  }
0x2d0: {  	v2 =	vld.idx.msk [tilespmem:v3+s20+$0x0], $0xffff;
	[tilespmem:s1+$0x81F0] =	vst v1  }
0x2d1: {  	v1 =	vld.idx.msk [tilespmem:v4+s20+$0x0], $0xffff;
	_ =	sdelay $0x1  }
0x2d2: {  	v46 =	vld [tilespmem:s1+$0x1340];
	[tilespmem:s1+$0x8240] =	vst v5  }
0x2d3: {  	v5 =	vld.idx.msk [tilespmem:v6+s21+$0x0], $0xffff;
	[tilespmem:s1+$0x8250] =	vst v7  }
0x2d4: {  	[tilespmem:s1+$0x8260] =	vst v2;
	v7 =	vld.idx.msk [tilespmem:v9+s21+$0x0], $0xffff  }
0x2d5: {  	v2 =	vld.idx.msk [tilespmem:v3+s21+$0x0], $0xffff;
	[tilespmem:s1+$0x8270] =	vst v1  }
0x2d6: {  	v1 =	vld.idx.msk [tilespmem:v4+s21+$0x0], $0xffff  }
0x2d7: {  	v48 =	vld [tilespmem:s1+$0x1350]  }
0x2d8: {  	v49 =	vld [tilespmem:s1+$0x1360];
	[tilespmem:s1+$0x82C0] =	vst v5  }
0x2d9: {  	v5 =	vld.idx.msk [tilespmem:v6+s22+$0x0], $0xffff;
	[tilespmem:s1+$0x82D0] =	vst v7  }
0x2da: {  	[tilespmem:s1+$0x82E0] =	vst v2;
	v47 =	vld.idx.msk [tilespmem:v9+s22+$0x0], $0xffff  }
0x2db: {  	v2 =	vld.idx.msk [tilespmem:v3+s22+$0x0], $0xffff;
	[tilespmem:s1+$0x82F0] =	vst v1  }
0x2dc: {  	v50 =	vld.idx.msk [tilespmem:v4+s22+$0x0], $0xffff  }
0x2dd: {  	v51 =	vld [tilespmem:s1+$0x1370]  }
0x2de: {  	[tilespmem:s1+$0x8340] =	vst v5  }
0x2df: {  	v8 =	vshll.u32 v46, $0x4;
	v5 =	vld.idx.msk [tilespmem:v6+s23+$0x0], $0xffff;
	[tilespmem:s1+$0x8350] =	vst v47  }
0x2e0: {  	v7 =	vshll.u32 v48, $0x4;
	v1 =	vor.u32 v0, v8;
	[tilespmem:s1+$0x8360] =	vst v2;
	v9 =	vld.idx.msk [tilespmem:v9+s23+$0x0], $0xffff  }
0x2e1: {  	v7 =	vor.u32 v0, v7;
	v2 =	vld.idx.msk [tilespmem:v3+s23+$0x0], $0xffff;
	v3 =	vshll.u32 v49, $0x4;
	[tilespmem:s1+$0x8370] =	vst v50  }
0x2e2: {  	v6 =	vshll.u32 v51, $0x4;
	v3 =	vor.u32 v0, v3;
	v4 =	vld.idx.msk [tilespmem:v4+s23+$0x0], $0xffff  }
0x2e3: {  	v6 =	vor.u32 v0, v6  }
0x2e4: {  	[tilespmem:s1+$0x83C0] =	vst v5  }
0x2e5: {  	v5 =	vld.idx.msk [tilespmem:v1+s4+$0x0], $0xffff;
	[tilespmem:s1+$0x83D0] =	vst v9  }
0x2e6: {  	[tilespmem:s1+$0x83E0] =	vst v2;
	v52 =	vld.idx.msk [tilespmem:v7+s4+$0x0], $0xffff  }
0x2e7: {  	v2 =	vld.idx.msk [tilespmem:v3+s4+$0x0], $0xffff;
	[tilespmem:s1+$0x83F0] =	vst v4  }
0x2e8: {  	v4 =	vld.idx.msk [tilespmem:v6+s4+$0x0], $0xffff;
	_ =	sdelay $0x1  }
0x2e9: {  	[tilespmem:s1+$0x9040] =	vst v5  }
0x2ea: {  	v5 =	vld.idx.msk [tilespmem:v1+s17+$0x0], $0xffff;
	[tilespmem:s1+$0x9050] =	vst v52  }
0x2eb: {  	[tilespmem:s1+$0x9060] =	vst v2;
	v8 =	vld.idx.msk [tilespmem:v7+s17+$0x0], $0xffff  }
0x2ec: {  	v2 =	vld.idx.msk [tilespmem:v3+s17+$0x0], $0xffff;
	[tilespmem:s1+$0x9070] =	vst v4  }
0x2ed: {  	v4 =	vld.idx.msk [tilespmem:v6+s17+$0x0], $0xffff;
	_ =	sdelay $0x1  }
0x2ee: {  	[tilespmem:s1+$0x90C0] =	vst v5  }
0x2ef: {  	v5 =	vld.idx.msk [tilespmem:v1+s18+$0x0], $0xffff;
	[tilespmem:s1+$0x90D0] =	vst v8  }
0x2f0: {  	[tilespmem:s1+$0x90E0] =	vst v2;
	v8 =	vld.idx.msk [tilespmem:v7+s18+$0x0], $0xffff  }
0x2f1: {  	v2 =	vld.idx.msk [tilespmem:v3+s18+$0x0], $0xffff;
	[tilespmem:s1+$0x90F0] =	vst v4  }
0x2f2: {  	v4 =	vld.idx.msk [tilespmem:v6+s18+$0x0], $0xffff;
	_ =	sdelay $0x1  }
0x2f3: {  	[tilespmem:s1+$0x9140] =	vst v5  }
0x2f4: {  	v5 =	vld.idx.msk [tilespmem:v1+s19+$0x0], $0xffff;
	[tilespmem:s1+$0x9150] =	vst v8  }
0x2f5: {  	[tilespmem:s1+$0x9160] =	vst v2;
	v8 =	vld.idx.msk [tilespmem:v7+s19+$0x0], $0xffff  }
0x2f6: {  	v2 =	vld.idx.msk [tilespmem:v3+s19+$0x0], $0xffff;
	[tilespmem:s1+$0x9170] =	vst v4  }
0x2f7: {  	v4 =	vld.idx.msk [tilespmem:v6+s19+$0x0], $0xffff;
	_ =	sdelay $0x1  }
0x2f8: {  	[tilespmem:s1+$0x91C0] =	vst v5  }
0x2f9: {  	v5 =	vld.idx.msk [tilespmem:v1+s20+$0x0], $0xffff;
	[tilespmem:s1+$0x91D0] =	vst v8  }
0x2fa: {  	[tilespmem:s1+$0x91E0] =	vst v2;
	v8 =	vld.idx.msk [tilespmem:v7+s20+$0x0], $0xffff  }
0x2fb: {  	v2 =	vld.idx.msk [tilespmem:v3+s20+$0x0], $0xffff;
	[tilespmem:s1+$0x91F0] =	vst v4  }
0x2fc: {  	v4 =	vld.idx.msk [tilespmem:v6+s20+$0x0], $0xffff;
	_ =	sdelay $0x1  }
0x2fd: {  	v53 =	vld [tilespmem:s1+$0x13C0];
	[tilespmem:s1+$0x9240] =	vst v5  }
0x2fe: {  	v5 =	vld.idx.msk [tilespmem:v1+s21+$0x0], $0xffff;
	[tilespmem:s1+$0x9250] =	vst v8  }
0x2ff: {  	[tilespmem:s1+$0x9260] =	vst v2;
	v8 =	vld.idx.msk [tilespmem:v7+s21+$0x0], $0xffff  }
0x300: {  	v2 =	vld.idx.msk [tilespmem:v3+s21+$0x0], $0xffff;
	[tilespmem:s1+$0x9270] =	vst v4  }
0x301: {  	v4 =	vld.idx.msk [tilespmem:v6+s21+$0x0], $0xffff  }
0x302: {  	v54 =	vld [tilespmem:s1+$0x13D0]  }
0x303: {  	v55 =	vld [tilespmem:s1+$0x13E0];
	[tilespmem:s1+$0x92C0] =	vst v5  }
0x304: {  	v5 =	vld.idx.msk [tilespmem:v1+s22+$0x0], $0xffff;
	[tilespmem:s1+$0x92D0] =	vst v8  }
0x305: {  	[tilespmem:s1+$0x92E0] =	vst v2;
	v8 =	vld.idx.msk [tilespmem:v7+s22+$0x0], $0xffff  }
0x306: {  	v2 =	vld.idx.msk [tilespmem:v3+s22+$0x0], $0xffff;
	[tilespmem:s1+$0x92F0] =	vst v4  }
0x307: {  	v4 =	vld.idx.msk [tilespmem:v6+s22+$0x0], $0xffff  }
0x308: {  	v56 =	vld [tilespmem:s1+$0x13F0]  }
0x309: {  	[tilespmem:s1+$0x9340] =	vst v5  }
0x30a: {  	v57 =	vshll.u32 v53, $0x4;
	v1 =	vld.idx.msk [tilespmem:v1+s23+$0x0], $0xffff;
	[tilespmem:s1+$0x9350] =	vst v8  }
0x30b: {  	v59 =	vshll.u32 v54, $0x4;
	[tilespmem:s1+$0x9360] =	vst v2;
	v2 =	vor.u32 v0, v57;
	v58 =	vld.idx.msk [tilespmem:v7+s23+$0x0], $0xffff  }
0x30c: {  	v61 =	vshll.u32 v55, $0x4;
	v60 =	vor.u32 v0, v59;
	v3 =	vld.idx.msk [tilespmem:v3+s23+$0x0], $0xffff;
	[tilespmem:s1+$0x9370] =	vst v4  }
0x30d: {  	v62 =	vshll.u32 v56, $0x4;
	v7 =	vor.u32 v0, v61;
	v6 =	vld.idx.msk [tilespmem:v6+s23+$0x0], $0xffff  }
0x30e: {  	v8 =	vor.u32 v0, v62  }
0x30f: {  	[tilespmem:s1+$0x93C0] =	vst v1  }
0x310: {  	v1 =	vld.idx.msk [tilespmem:v2+s4+$0x0], $0xffff;
	[tilespmem:s1+$0x93D0] =	vst v58  }
0x311: {  	[tilespmem:s1+$0x93E0] =	vst v3;
	v5 =	vld.idx.msk [tilespmem:v60+s4+$0x0], $0xffff  }
0x312: {  	v3 =	vld.idx.msk [tilespmem:v7+s4+$0x0], $0xffff;
	[tilespmem:s1+$0x93F0] =	vst v6  }
0x313: {  	v6 =	vld.idx.msk [tilespmem:v8+s4+$0x0], $0xffff;
	_ =	sdelay $0x1  }
0x314: {  	[tilespmem:s1+$0xA040] =	vst v1  }
0x315: {  	v1 =	vld.idx.msk [tilespmem:v2+s17+$0x0], $0xffff;
	[tilespmem:s1+$0xA050] =	vst v5  }
0x316: {  	[tilespmem:s1+$0xA060] =	vst v3;
	v5 =	vld.idx.msk [tilespmem:v60+s17+$0x0], $0xffff  }
0x317: {  	v3 =	vld.idx.msk [tilespmem:v7+s17+$0x0], $0xffff;
	[tilespmem:s1+$0xA070] =	vst v6  }
0x318: {  	v6 =	vld.idx.msk [tilespmem:v8+s17+$0x0], $0xffff;
	_ =	sdelay $0x1  }
0x319: {  	[tilespmem:s1+$0xA0C0] =	vst v1  }
0x31a: {  	v1 =	vld.idx.msk [tilespmem:v2+s18+$0x0], $0xffff;
	[tilespmem:s1+$0xA0D0] =	vst v5  }
0x31b: {  	[tilespmem:s1+$0xA0E0] =	vst v3;
	v5 =	vld.idx.msk [tilespmem:v60+s18+$0x0], $0xffff  }
0x31c: {  	v3 =	vld.idx.msk [tilespmem:v7+s18+$0x0], $0xffff;
	[tilespmem:s1+$0xA0F0] =	vst v6  }
0x31d: {  	v6 =	vld.idx.msk [tilespmem:v8+s18+$0x0], $0xffff;
	_ =	sdelay $0x1  }
0x31e: {  	[tilespmem:s1+$0xA140] =	vst v1  }
0x31f: {  	v1 =	vld.idx.msk [tilespmem:v2+s19+$0x0], $0xffff;
	[tilespmem:s1+$0xA150] =	vst v5  }
0x320: {  	[tilespmem:s1+$0xA160] =	vst v3;
	v5 =	vld.idx.msk [tilespmem:v60+s19+$0x0], $0xffff  }
0x321: {  	v3 =	vld.idx.msk [tilespmem:v7+s19+$0x0], $0xffff;
	[tilespmem:s1+$0xA170] =	vst v6  }
0x322: {  	v6 =	vld.idx.msk [tilespmem:v8+s19+$0x0], $0xffff;
	_ =	sdelay $0x1  }
0x323: {  	[tilespmem:s1+$0xA1C0] =	vst v1  }
0x324: {  	v1 =	vld.idx.msk [tilespmem:v2+s20+$0x0], $0xffff;
	[tilespmem:s1+$0xA1D0] =	vst v5  }
0x325: {  	[tilespmem:s1+$0xA1E0] =	vst v3;
	v5 =	vld.idx.msk [tilespmem:v60+s20+$0x0], $0xffff  }
0x326: {  	v3 =	vld.idx.msk [tilespmem:v7+s20+$0x0], $0xffff;
	[tilespmem:s1+$0xA1F0] =	vst v6  }
0x327: {  	v6 =	vld.idx.msk [tilespmem:v8+s20+$0x0], $0xffff;
	_ =	sdelay $0x1  }
0x328: {  	[tilespmem:s1+$0xA240] =	vst v1  }
0x329: {  	v1 =	vld.idx.msk [tilespmem:v2+s21+$0x0], $0xffff;
	[tilespmem:s1+$0xA250] =	vst v5  }
0x32a: {  	[tilespmem:s1+$0xA260] =	vst v3;
	v5 =	vld.idx.msk [tilespmem:v60+s21+$0x0], $0xffff  }
0x32b: {  	v3 =	vld.idx.msk [tilespmem:v7+s21+$0x0], $0xffff;
	[tilespmem:s1+$0xA270] =	vst v6  }
0x32c: {  	v6 =	vld.idx.msk [tilespmem:v8+s21+$0x0], $0xffff;
	_ =	sdelay $0x1  }
0x32d: {  	[tilespmem:s1+$0xA2C0] =	vst v1  }
0x32e: {  	v1 =	vld.idx.msk [tilespmem:v2+s22+$0x0], $0xffff;
	[tilespmem:s1+$0xA2D0] =	vst v5  }
0x32f: {  	[tilespmem:s1+$0xA2E0] =	vst v3;
	v5 =	vld.idx.msk [tilespmem:v60+s22+$0x0], $0xffff  }
0x330: {  	v3 =	vld.idx.msk [tilespmem:v7+s22+$0x0], $0xffff;
	[tilespmem:s1+$0xA2F0] =	vst v6  }
0x331: {  	v6 =	vld.idx.msk [tilespmem:v8+s22+$0x0], $0xffff;
	_ =	sdelay $0x1  }
0x332: {  	[tilespmem:s1+$0xA340] =	vst v1  }
0x333: {  	v1 =	vld.idx.msk [tilespmem:v2+s23+$0x0], $0xffff;
	[tilespmem:s1+$0xA350] =	vst v5  }
0x334: {  	[tilespmem:s1+$0xA360] =	vst v3;
	v2 =	vld.idx.msk [tilespmem:v60+s23+$0x0], $0xffff  }
0x335: {  	v3 =	vld.idx.msk [tilespmem:v7+s23+$0x0], $0xffff;
	[tilespmem:s1+$0xA370] =	vst v6  }
0x336: {  	p0 =	slt.u32 s0, $0x18;
	v63 =	vld.idx.msk [tilespmem:v8+s23+$0x0], $0xffff  }
.Ltmp0:
0x337: {  	_ = 	snop;
	(pc) =	sbr.rel @p0 .LBB2_2-.Ltmp0, $4  }
0x338: {  	[tilespmem:s1+$0xA3C0] =	vst v1  }
0x339: {  	[tilespmem:s1+$0xA3D0] =	vst v2  }
0x33a: {  	[tilespmem:s1+$0xA3E0] =	vst v3  }
0x33b: {  	s0 =	sadd.s32 $0x8, s0;
	[tilespmem:s1+$0xA3F0] =	vst v63  }
0x33c: {  	[hbm4b:s9+s14] =	stream.strided.scatter [tilespmem:s25], [sflag:$0x3], $0x8000, s24, s14, $0x38;
	[tilespmem:$0x13000] =	vst v63  }
0x33d: {  	s0 =	simm.s32 $0x0  }
.LBB2_4:
0x33e: {  	s1 =	sshll.u32 s0, $0x1  }
0x33f: {  	s1 =	sadd.s32 $0x2, s1  }
0x340: {  	s6 =	sshll.u32 s1, $0x11  }
0x341: {  	_ =	swait.ge [sflag:s26], $0x1000;
	s6 =	sor.u32 s5, s6  }
0x342: {  	[sflag:s26] =	ssyncset.done $0x0;
	s6 =	sshrl.u32 s6, $0x3  }
0x343: {  	p0 =	seq.s32 s0, $0x0;
	[sflag:s26] =	ssyncadd.s32 $0xFFFFF000;
	s6 =	sadd.s32 s2, s6  }
0x344: {  	[tilespmem:s14], [sflag:$0x1] =	stream.linear.gather [hbm4b:s6+s4], $0x1000, $0x38;
	[tilespmem:$0x13000] =	vst v63  }
0x345: {  	s6 =	simm.s32 @!p0 $0x4  }
0x346: {  	_ =	swait.ge @!p0 [sflag:s6], $0x8000  }
0x347: {  	[sflag:s6] =	ssyncset.done @!p0 $0x0  }
0x348: {  	s16 =	simm.s32 $0x0;
	[sflag:s6] =	ssyncadd.s32 @!p0 $0xFFFF8000  }
.LBB2_5:
0x349: {  	s6 =	sshll.u32 s16, $0x7  }
0x34a: {  	v1 =	vld [tilespmem:s6+$0x2000];
	_ =	sdelay $0x4  }
0x34b: {  	v1 =	vshll.u32 v1, $0x4  }
0x34c: {  	v1 =	vor.u32 v0, v1;
	_ =	sdelay $0x4  }
0x34d: {  	v2 =	vld.idx.msk [tilespmem:v1+s4+$0x0], $0xffff;
	_ =	sdelay $0x4  }
0x34e: {  	[tilespmem:s6+$0xB000] =	vst v2  }
0x34f: {  	v2 =	vld.idx.msk [tilespmem:v1+s17+$0x0], $0xffff;
	_ =	sdelay $0x4  }
0x350: {  	[tilespmem:s6+$0xB080] =	vst v2  }
0x351: {  	v2 =	vld.idx.msk [tilespmem:v1+s18+$0x0], $0xffff;
	_ =	sdelay $0x4  }
0x352: {  	[tilespmem:s6+$0xB100] =	vst v2  }
0x353: {  	v2 =	vld.idx.msk [tilespmem:v1+s19+$0x0], $0xffff;
	_ =	sdelay $0x4  }
0x354: {  	[tilespmem:s6+$0xB180] =	vst v2  }
0x355: {  	v2 =	vld.idx.msk [tilespmem:v1+s20+$0x0], $0xffff;
	_ =	sdelay $0x4  }
0x356: {  	[tilespmem:s6+$0xB200] =	vst v2  }
0x357: {  	v2 =	vld.idx.msk [tilespmem:v1+s21+$0x0], $0xffff;
	_ =	sdelay $0x4  }
0x358: {  	[tilespmem:s6+$0xB280] =	vst v2  }
0x359: {  	v2 =	vld.idx.msk [tilespmem:v1+s22+$0x0], $0xffff  }
0x35a: {  	v3 =	vld [tilespmem:s6+$0x2080];
	_ =	sdelay $0x3  }
0x35b: {  	[tilespmem:s6+$0xB300] =	vst v2  }
0x35c: {  	v2 =	vshll.u32 v3, $0x4;
	v1 =	vld.idx.msk [tilespmem:v1+s23+$0x0], $0xffff  }
0x35d: {  	v2 =	vor.u32 v0, v2;
	_ =	sdelay $0x3  }
0x35e: {  	[tilespmem:s6+$0xB380] =	vst v1  }
0x35f: {  	v1 =	vld.idx.msk [tilespmem:v2+s4+$0x0], $0xffff;
	_ =	sdelay $0x4  }
0x360: {  	[tilespmem:s6+$0xC000] =	vst v1  }
0x361: {  	v1 =	vld.idx.msk [tilespmem:v2+s17+$0x0], $0xffff;
	_ =	sdelay $0x4  }
0x362: {  	[tilespmem:s6+$0xC080] =	vst v1  }
0x363: {  	v1 =	vld.idx.msk [tilespmem:v2+s18+$0x0], $0xffff;
	_ =	sdelay $0x4  }
0x364: {  	[tilespmem:s6+$0xC100] =	vst v1  }
0x365: {  	v1 =	vld.idx.msk [tilespmem:v2+s19+$0x0], $0xffff;
	_ =	sdelay $0x4  }
0x366: {  	[tilespmem:s6+$0xC180] =	vst v1  }
0x367: {  	v1 =	vld.idx.msk [tilespmem:v2+s20+$0x0], $0xffff;
	_ =	sdelay $0x4  }
0x368: {  	[tilespmem:s6+$0xC200] =	vst v1  }
0x369: {  	v1 =	vld.idx.msk [tilespmem:v2+s21+$0x0], $0xffff;
	_ =	sdelay $0x4  }
0x36a: {  	[tilespmem:s6+$0xC280] =	vst v1  }
0x36b: {  	v1 =	vld.idx.msk [tilespmem:v2+s22+$0x0], $0xffff  }
0x36c: {  	v3 =	vld [tilespmem:s6+$0x2100];
	_ =	sdelay $0x3  }
0x36d: {  	[tilespmem:s6+$0xC300] =	vst v1  }
0x36e: {  	v1 =	vld.idx.msk [tilespmem:v2+s23+$0x0], $0xffff;
	v2 =	vshll.u32 v3, $0x4  }
0x36f: {  	v2 =	vor.u32 v0, v2;
	_ =	sdelay $0x3  }
0x370: {  	[tilespmem:s6+$0xC380] =	vst v1  }
0x371: {  	v1 =	vld.idx.msk [tilespmem:v2+s4+$0x0], $0xffff;
	_ =	sdelay $0x4  }
0x372: {  	[tilespmem:s6+$0xD000] =	vst v1  }
0x373: {  	v1 =	vld.idx.msk [tilespmem:v2+s17+$0x0], $0xffff;
	_ =	sdelay $0x4  }
0x374: {  	[tilespmem:s6+$0xD080] =	vst v1  }
0x375: {  	v1 =	vld.idx.msk [tilespmem:v2+s18+$0x0], $0xffff;
	_ =	sdelay $0x4  }
0x376: {  	[tilespmem:s6+$0xD100] =	vst v1  }
0x377: {  	v1 =	vld.idx.msk [tilespmem:v2+s19+$0x0], $0xffff;
	_ =	sdelay $0x4  }
0x378: {  	[tilespmem:s6+$0xD180] =	vst v1  }
0x379: {  	v1 =	vld.idx.msk [tilespmem:v2+s20+$0x0], $0xffff;
	_ =	sdelay $0x4  }
0x37a: {  	[tilespmem:s6+$0xD200] =	vst v1  }
0x37b: {  	v1 =	vld.idx.msk [tilespmem:v2+s21+$0x0], $0xffff;
	_ =	sdelay $0x4  }
0x37c: {  	[tilespmem:s6+$0xD280] =	vst v1  }
0x37d: {  	v1 =	vld.idx.msk [tilespmem:v2+s22+$0x0], $0xffff  }
0x37e: {  	v3 =	vld [tilespmem:s6+$0x2180];
	_ =	sdelay $0x3  }
0x37f: {  	[tilespmem:s6+$0xD300] =	vst v1  }
0x380: {  	v1 =	vld.idx.msk [tilespmem:v2+s23+$0x0], $0xffff;
	v2 =	vshll.u32 v3, $0x4  }
0x381: {  	v2 =	vor.u32 v0, v2;
	_ =	sdelay $0x3  }
0x382: {  	[tilespmem:s6+$0xD380] =	vst v1  }
0x383: {  	v1 =	vld.idx.msk [tilespmem:v2+s4+$0x0], $0xffff;
	_ =	sdelay $0x4  }
0x384: {  	[tilespmem:s6+$0xE000] =	vst v1  }
0x385: {  	v1 =	vld.idx.msk [tilespmem:v2+s17+$0x0], $0xffff;
	_ =	sdelay $0x4  }
0x386: {  	[tilespmem:s6+$0xE080] =	vst v1  }
0x387: {  	v1 =	vld.idx.msk [tilespmem:v2+s18+$0x0], $0xffff;
	_ =	sdelay $0x4  }
0x388: {  	[tilespmem:s6+$0xE100] =	vst v1  }
0x389: {  	v1 =	vld.idx.msk [tilespmem:v2+s19+$0x0], $0xffff;
	_ =	sdelay $0x4  }
0x38a: {  	[tilespmem:s6+$0xE180] =	vst v1  }
0x38b: {  	v1 =	vld.idx.msk [tilespmem:v2+s20+$0x0], $0xffff;
	_ =	sdelay $0x4  }
0x38c: {  	[tilespmem:s6+$0xE200] =	vst v1  }
0x38d: {  	v1 =	vld.idx.msk [tilespmem:v2+s21+$0x0], $0xffff;
	_ =	sdelay $0x4  }
0x38e: {  	[tilespmem:s6+$0xE280] =	vst v1  }
0x38f: {  	v1 =	vld.idx.msk [tilespmem:v2+s22+$0x0], $0xffff  }
0x390: {  	v3 =	vld [tilespmem:s6+$0x2200];
	_ =	sdelay $0x3  }
0x391: {  	[tilespmem:s6+$0xE300] =	vst v1  }
0x392: {  	v1 =	vld.idx.msk [tilespmem:v2+s23+$0x0], $0xffff;
	v2 =	vshll.u32 v3, $0x4  }
0x393: {  	v2 =	vor.u32 v0, v2;
	_ =	sdelay $0x3  }
0x394: {  	[tilespmem:s6+$0xE380] =	vst v1  }
0x395: {  	v1 =	vld.idx.msk [tilespmem:v2+s4+$0x0], $0xffff;
	_ =	sdelay $0x4  }
0x396: {  	[tilespmem:s6+$0xF000] =	vst v1  }
0x397: {  	v1 =	vld.idx.msk [tilespmem:v2+s17+$0x0], $0xffff;
	_ =	sdelay $0x4  }
0x398: {  	[tilespmem:s6+$0xF080] =	vst v1  }
0x399: {  	v1 =	vld.idx.msk [tilespmem:v2+s18+$0x0], $0xffff;
	_ =	sdelay $0x4  }
0x39a: {  	[tilespmem:s6+$0xF100] =	vst v1  }
0x39b: {  	v1 =	vld.idx.msk [tilespmem:v2+s19+$0x0], $0xffff;
	_ =	sdelay $0x4  }
0x39c: {  	[tilespmem:s6+$0xF180] =	vst v1  }
0x39d: {  	v1 =	vld.idx.msk [tilespmem:v2+s20+$0x0], $0xffff;
	_ =	sdelay $0x4  }
0x39e: {  	[tilespmem:s6+$0xF200] =	vst v1  }
0x39f: {  	v1 =	vld.idx.msk [tilespmem:v2+s21+$0x0], $0xffff;
	_ =	sdelay $0x4  }
0x3a0: {  	[tilespmem:s6+$0xF280] =	vst v1  }
0x3a1: {  	v1 =	vld.idx.msk [tilespmem:v2+s22+$0x0], $0xffff  }
0x3a2: {  	v3 =	vld [tilespmem:s6+$0x2280];
	_ =	sdelay $0x3  }
0x3a3: {  	[tilespmem:s6+$0xF300] =	vst v1  }
0x3a4: {  	v1 =	vshll.u32 v3, $0x4;
	v2 =	vld.idx.msk [tilespmem:v2+s23+$0x0], $0xffff  }
0x3a5: {  	v1 =	vor.u32 v0, v1;
	_ =	sdelay $0x3  }
0x3a6: {  	[tilespmem:s6+$0xF380] =	vst v2  }
0x3a7: {  	v2 =	vld.idx.msk [tilespmem:v1+s4+$0x0], $0xffff;
	_ =	sdelay $0x4  }
0x3a8: {  	[tilespmem:s6+$0x10000] =	vst v2  }
0x3a9: {  	v2 =	vld.idx.msk [tilespmem:v1+s17+$0x0], $0xffff  }
0x3aa: {  	v3 =	vld [tilespmem:s6+$0x2010];
	_ =	sdelay $0x4  }
0x3ab: {  	v3 =	vshll.u32 v3, $0x4  }
0x3ac: {  	v3 =	vor.u32 v0, v3  }
0x3ad: {  	v4 =	vld [tilespmem:s6+$0x2020];
	_ =	sdelay $0x2  }
0x3ae: {  	v5 =	vld [tilespmem:s6+$0x2030]  }
0x3af: {  	v6 =	vld.idx.msk [tilespmem:v3+s4+$0x0], $0xffff  }
0x3b0: {  	v4 =	vshll.u32 v4, $0x4  }
0x3b1: {  	v4 =	vor.u32 v0, v4;
	_ =	sdelay $0x1  }
0x3b2: {  	v5 =	vshll.u32 v5, $0x4  }
0x3b3: {  	v5 =	vor.u32 v0, v5;
	[tilespmem:s6+$0xB010] =	vst v6  }
0x3b4: {  	v6 =	vld.idx.msk [tilespmem:v3+s17+$0x0], $0xffff  }
0x3b5: {  	v7 =	vld.idx.msk [tilespmem:v4+s4+$0x0], $0xffff;
	_ =	sdelay $0x2  }
0x3b6: {  	v8 =	vld.idx.msk [tilespmem:v5+s4+$0x0], $0xffff  }
0x3b7: {  	[tilespmem:s6+$0xB090] =	vst v6  }
0x3b8: {  	[tilespmem:s6+$0xB020] =	vst v7;
	v6 =	vld.idx.msk [tilespmem:v3+s18+$0x0], $0xffff  }
0x3b9: {  	v7 =	vld.idx.msk [tilespmem:v4+s17+$0x0], $0xffff;
	_ =	sdelay $0x1  }
0x3ba: {  	[tilespmem:s6+$0xB030] =	vst v8  }
0x3bb: {  	v8 =	vld.idx.msk [tilespmem:v5+s17+$0x0], $0xffff  }
0x3bc: {  	[tilespmem:s6+$0xB110] =	vst v6  }
0x3bd: {  	[tilespmem:s6+$0xB0A0] =	vst v7;
	v6 =	vld.idx.msk [tilespmem:v3+s19+$0x0], $0xffff  }
0x3be: {  	v7 =	vld.idx.msk [tilespmem:v4+s18+$0x0], $0xffff;
	_ =	sdelay $0x1  }
0x3bf: {  	[tilespmem:s6+$0xB0B0] =	vst v8  }
0x3c0: {  	v8 =	vld.idx.msk [tilespmem:v5+s18+$0x0], $0xffff  }
0x3c1: {  	[tilespmem:s6+$0xB190] =	vst v6  }
0x3c2: {  	[tilespmem:s6+$0xB120] =	vst v7;
	v6 =	vld.idx.msk [tilespmem:v3+s20+$0x0], $0xffff  }
0x3c3: {  	v7 =	vld.idx.msk [tilespmem:v4+s19+$0x0], $0xffff;
	_ =	sdelay $0x1  }
0x3c4: {  	[tilespmem:s6+$0xB130] =	vst v8  }
0x3c5: {  	v8 =	vld.idx.msk [tilespmem:v5+s19+$0x0], $0xffff  }
0x3c6: {  	[tilespmem:s6+$0xB210] =	vst v6  }
0x3c7: {  	[tilespmem:s6+$0xB1A0] =	vst v7;
	v6 =	vld.idx.msk [tilespmem:v3+s21+$0x0], $0xffff  }
0x3c8: {  	v7 =	vld.idx.msk [tilespmem:v4+s20+$0x0], $0xffff;
	_ =	sdelay $0x1  }
0x3c9: {  	[tilespmem:s6+$0xB1B0] =	vst v8  }
0x3ca: {  	v8 =	vld.idx.msk [tilespmem:v5+s20+$0x0], $0xffff  }
0x3cb: {  	v9 =	vld [tilespmem:s6+$0x2090];
	[tilespmem:s6+$0xB290] =	vst v6  }
0x3cc: {  	[tilespmem:s6+$0xB220] =	vst v7;
	v6 =	vld.idx.msk [tilespmem:v3+s22+$0x0], $0xffff  }
0x3cd: {  	v7 =	vld.idx.msk [tilespmem:v4+s21+$0x0], $0xffff;
	_ =	sdelay $0x1  }
0x3ce: {  	[tilespmem:s6+$0xB230] =	vst v8  }
0x3cf: {  	v8 =	vld.idx.msk [tilespmem:v5+s21+$0x0], $0xffff  }
0x3d0: {  	[tilespmem:s6+$0xB310] =	vst v6  }
0x3d1: {  	v49 =	vshll.u32 v9, $0x4;
	[tilespmem:s6+$0xB2A0] =	vst v7;
	v3 =	vld.idx.msk [tilespmem:v3+s23+$0x0], $0xffff  }
0x3d2: {  	v7 =	vld.idx.msk [tilespmem:v4+s22+$0x0], $0xffff;
	v6 =	vor.u32 v0, v49  }
0x3d3: {  	v50 =	vld [tilespmem:s6+$0x20A0]  }
0x3d4: {  	[tilespmem:s6+$0xB2B0] =	vst v8  }
0x3d5: {  	v8 =	vld.idx.msk [tilespmem:v5+s22+$0x0], $0xffff  }
0x3d6: {  	[tilespmem:s6+$0xB390] =	vst v3;
	v3 =	vld [tilespmem:s6+$0x20B0]  }
0x3d7: {  	[tilespmem:s6+$0xB320] =	vst v7;
	v10 =	vld.idx.msk [tilespmem:v6+s4+$0x0], $0xffff  }
0x3d8: {  	v51 =	vshll.u32 v50, $0x4;
	v4 =	vld.idx.msk [tilespmem:v4+s23+$0x0], $0xffff  }
0x3d9: {  	v7 =	vor.u32 v0, v51  }
0x3da: {  	[tilespmem:s6+$0xB330] =	vst v8  }
0x3db: {  	v5 =	vld.idx.msk [tilespmem:v5+s23+$0x0], $0xffff;
	v3 =	vshll.u32 v3, $0x4  }
0x3dc: {  	[tilespmem:s6+$0xC010] =	vst v10;
	v3 =	vor.u32 v0, v3  }
0x3dd: {  	[tilespmem:s6+$0xB3A0] =	vst v4;
	v52 =	vld.idx.msk [tilespmem:v6+s17+$0x0], $0xffff  }
0x3de: {  	v4 =	vld.idx.msk [tilespmem:v7+s4+$0x0], $0xffff;
	_ =	sdelay $0x1  }
0x3df: {  	[tilespmem:s6+$0xB3B0] =	vst v5  }
0x3e0: {  	v5 =	vld.idx.msk [tilespmem:v3+s4+$0x0], $0xffff  }
0x3e1: {  	[tilespmem:s6+$0xC090] =	vst v52  }
0x3e2: {  	[tilespmem:s6+$0xC020] =	vst v4;
	v8 =	vld.idx.msk [tilespmem:v6+s18+$0x0], $0xffff  }
0x3e3: {  	v4 =	vld.idx.msk [tilespmem:v7+s17+$0x0], $0xffff;
	_ =	sdelay $0x1  }
0x3e4: {  	[tilespmem:s6+$0xC030] =	vst v5  }
0x3e5: {  	v5 =	vld.idx.msk [tilespmem:v3+s17+$0x0], $0xffff  }
0x3e6: {  	[tilespmem:s6+$0xC110] =	vst v8  }
0x3e7: {  	[tilespmem:s6+$0xC0A0] =	vst v4;
	v8 =	vld.idx.msk [tilespmem:v6+s19+$0x0], $0xffff  }
0x3e8: {  	v4 =	vld.idx.msk [tilespmem:v7+s18+$0x0], $0xffff;
	_ =	sdelay $0x1  }
0x3e9: {  	[tilespmem:s6+$0xC0B0] =	vst v5  }
0x3ea: {  	v5 =	vld.idx.msk [tilespmem:v3+s18+$0x0], $0xffff  }
0x3eb: {  	[tilespmem:s6+$0xC190] =	vst v8  }
0x3ec: {  	[tilespmem:s6+$0xC120] =	vst v4;
	v8 =	vld.idx.msk [tilespmem:v6+s20+$0x0], $0xffff  }
0x3ed: {  	v4 =	vld.idx.msk [tilespmem:v7+s19+$0x0], $0xffff;
	_ =	sdelay $0x1  }
0x3ee: {  	[tilespmem:s6+$0xC130] =	vst v5  }
0x3ef: {  	v5 =	vld.idx.msk [tilespmem:v3+s19+$0x0], $0xffff  }
0x3f0: {  	[tilespmem:s6+$0xC210] =	vst v8  }
0x3f1: {  	[tilespmem:s6+$0xC1A0] =	vst v4;
	v8 =	vld.idx.msk [tilespmem:v6+s21+$0x0], $0xffff  }
0x3f2: {  	v4 =	vld.idx.msk [tilespmem:v7+s20+$0x0], $0xffff;
	_ =	sdelay $0x1  }
0x3f3: {  	[tilespmem:s6+$0xC1B0] =	vst v5  }
0x3f4: {  	v5 =	vld.idx.msk [tilespmem:v3+s20+$0x0], $0xffff  }
0x3f5: {  	v53 =	vld [tilespmem:s6+$0x2110];
	[tilespmem:s6+$0xC290] =	vst v8  }
0x3f6: {  	[tilespmem:s6+$0xC220] =	vst v4;
	v8 =	vld.idx.msk [tilespmem:v6+s22+$0x0], $0xffff  }
0x3f7: {  	v4 =	vld.idx.msk [tilespmem:v7+s21+$0x0], $0xffff;
	_ =	sdelay $0x1  }
0x3f8: {  	[tilespmem:s6+$0xC230] =	vst v5  }
0x3f9: {  	v5 =	vld.idx.msk [tilespmem:v3+s21+$0x0], $0xffff  }
0x3fa: {  	[tilespmem:s6+$0xC310] =	vst v8  }
0x3fb: {  	v54 =	vshll.u32 v53, $0x4;
	[tilespmem:s6+$0xC2A0] =	vst v4;
	v6 =	vld.idx.msk [tilespmem:v6+s23+$0x0], $0xffff  }
0x3fc: {  	v4 =	vld.idx.msk [tilespmem:v7+s22+$0x0], $0xffff;
	v8 =	vor.u32 v0, v54  }
0x3fd: {  	v55 =	vld [tilespmem:s6+$0x2120]  }
0x3fe: {  	[tilespmem:s6+$0xC2B0] =	vst v5  }
0x3ff: {  	v5 =	vld.idx.msk [tilespmem:v3+s22+$0x0], $0xffff  }
0x400: {  	v56 =	vld [tilespmem:s6+$0x2130];
	[tilespmem:s6+$0xC390] =	vst v6  }
0x401: {  	[tilespmem:s6+$0xC320] =	vst v4;
	v10 =	vld.idx.msk [tilespmem:v8+s4+$0x0], $0xffff  }
0x402: {  	v57 =	vshll.u32 v55, $0x4;
	v4 =	vld.idx.msk [tilespmem:v7+s23+$0x0], $0xffff  }
0x403: {  	v7 =	vor.u32 v0, v57  }
0x404: {  	[tilespmem:s6+$0xC330] =	vst v5  }
0x405: {  	v58 =	vshll.u32 v56, $0x4;
	v3 =	vld.idx.msk [tilespmem:v3+s23+$0x0], $0xffff  }
0x406: {  	v5 =	vor.u32 v0, v58;
	[tilespmem:s6+$0xD010] =	vst v10  }
0x407: {  	[tilespmem:s6+$0xC3A0] =	vst v4;
	v59 =	vld.idx.msk [tilespmem:v8+s17+$0x0], $0xffff  }
0x408: {  	v4 =	vld.idx.msk [tilespmem:v7+s4+$0x0], $0xffff;
	_ =	sdelay $0x1  }
0x409: {  	[tilespmem:s6+$0xC3B0] =	vst v3  }
0x40a: {  	v3 =	vld.idx.msk [tilespmem:v5+s4+$0x0], $0xffff  }
0x40b: {  	[tilespmem:s6+$0xD090] =	vst v59  }
0x40c: {  	[tilespmem:s6+$0xD020] =	vst v4;
	v6 =	vld.idx.msk [tilespmem:v8+s18+$0x0], $0xffff  }
0x40d: {  	v4 =	vld.idx.msk [tilespmem:v7+s17+$0x0], $0xffff;
	_ =	sdelay $0x1  }
0x40e: {  	[tilespmem:s6+$0xD030] =	vst v3  }
0x40f: {  	v3 =	vld.idx.msk [tilespmem:v5+s17+$0x0], $0xffff  }
0x410: {  	[tilespmem:s6+$0xD110] =	vst v6  }
0x411: {  	[tilespmem:s6+$0xD0A0] =	vst v4;
	v6 =	vld.idx.msk [tilespmem:v8+s19+$0x0], $0xffff  }
0x412: {  	v4 =	vld.idx.msk [tilespmem:v7+s18+$0x0], $0xffff;
	_ =	sdelay $0x1  }
0x413: {  	[tilespmem:s6+$0xD0B0] =	vst v3  }
0x414: {  	v3 =	vld.idx.msk [tilespmem:v5+s18+$0x0], $0xffff  }
0x415: {  	[tilespmem:s6+$0xD190] =	vst v6  }
0x416: {  	[tilespmem:s6+$0xD120] =	vst v4;
	v6 =	vld.idx.msk [tilespmem:v8+s20+$0x0], $0xffff  }
0x417: {  	v4 =	vld.idx.msk [tilespmem:v7+s19+$0x0], $0xffff;
	_ =	sdelay $0x1  }
0x418: {  	[tilespmem:s6+$0xD130] =	vst v3  }
0x419: {  	v3 =	vld.idx.msk [tilespmem:v5+s19+$0x0], $0xffff  }
0x41a: {  	[tilespmem:s6+$0xD210] =	vst v6  }
0x41b: {  	[tilespmem:s6+$0xD1A0] =	vst v4;
	v6 =	vld.idx.msk [tilespmem:v8+s21+$0x0], $0xffff  }
0x41c: {  	v4 =	vld.idx.msk [tilespmem:v7+s20+$0x0], $0xffff;
	_ =	sdelay $0x1  }
0x41d: {  	[tilespmem:s6+$0xD1B0] =	vst v3  }
0x41e: {  	v3 =	vld.idx.msk [tilespmem:v5+s20+$0x0], $0xffff  }
0x41f: {  	v60 =	vld [tilespmem:s6+$0x2190];
	[tilespmem:s6+$0xD290] =	vst v6  }
0x420: {  	[tilespmem:s6+$0xD220] =	vst v4;
	v6 =	vld.idx.msk [tilespmem:v8+s22+$0x0], $0xffff  }
0x421: {  	v4 =	vld.idx.msk [tilespmem:v7+s21+$0x0], $0xffff;
	_ =	sdelay $0x1  }
0x422: {  	[tilespmem:s6+$0xD230] =	vst v3  }
0x423: {  	v3 =	vld.idx.msk [tilespmem:v5+s21+$0x0], $0xffff  }
0x424: {  	[tilespmem:s6+$0xD310] =	vst v6  }
0x425: {  	v61 =	vshll.u32 v60, $0x4;
	[tilespmem:s6+$0xD2A0] =	vst v4;
	v6 =	vld.idx.msk [tilespmem:v8+s23+$0x0], $0xffff  }
0x426: {  	v4 =	vld.idx.msk [tilespmem:v7+s22+$0x0], $0xffff;
	v8 =	vor.u32 v0, v61  }
0x427: {  	v62 =	vld [tilespmem:s6+$0x21A0]  }
0x428: {  	[tilespmem:s6+$0xD2B0] =	vst v3  }
0x429: {  	v3 =	vld.idx.msk [tilespmem:v5+s22+$0x0], $0xffff  }
0x42a: {  	v63 =	vld [tilespmem:s6+$0x21B0];
	[tilespmem:s6+$0xD390] =	vst v6  }
0x42b: {  	[tilespmem:s6+$0xD320] =	vst v4;
	v10 =	vld.idx.msk [tilespmem:v8+s4+$0x0], $0xffff  }
0x42c: {  	v12 =	vshll.u32 v62, $0x4;
	v4 =	vld.idx.msk [tilespmem:v7+s23+$0x0], $0xffff  }
0x42d: {  	v7 =	vor.u32 v0, v12  }
0x42e: {  	[tilespmem:s6+$0xD330] =	vst v3  }
0x42f: {  	v13 =	vshll.u32 v63, $0x4;
	v3 =	vld.idx.msk [tilespmem:v5+s23+$0x0], $0xffff  }
0x430: {  	v5 =	vor.u32 v0, v13;
	[tilespmem:s6+$0xE010] =	vst v10  }
0x431: {  	[tilespmem:s6+$0xD3A0] =	vst v4;
	v14 =	vld.idx.msk [tilespmem:v8+s17+$0x0], $0xffff  }
0x432: {  	v4 =	vld.idx.msk [tilespmem:v7+s4+$0x0], $0xffff;
	_ =	sdelay $0x1  }
0x433: {  	[tilespmem:s6+$0xD3B0] =	vst v3  }
0x434: {  	v3 =	vld.idx.msk [tilespmem:v5+s4+$0x0], $0xffff  }
0x435: {  	[tilespmem:s6+$0xE090] =	vst v14  }
0x436: {  	[tilespmem:s6+$0xE020] =	vst v4;
	v6 =	vld.idx.msk [tilespmem:v8+s18+$0x0], $0xffff  }
0x437: {  	v4 =	vld.idx.msk [tilespmem:v7+s17+$0x0], $0xffff;
	_ =	sdelay $0x1  }
0x438: {  	[tilespmem:s6+$0xE030] =	vst v3  }
0x439: {  	v3 =	vld.idx.msk [tilespmem:v5+s17+$0x0], $0xffff  }
0x43a: {  	[tilespmem:s6+$0xE110] =	vst v6  }
0x43b: {  	[tilespmem:s6+$0xE0A0] =	vst v4;
	v6 =	vld.idx.msk [tilespmem:v8+s19+$0x0], $0xffff  }
0x43c: {  	v4 =	vld.idx.msk [tilespmem:v7+s18+$0x0], $0xffff;
	_ =	sdelay $0x1  }
0x43d: {  	[tilespmem:s6+$0xE0B0] =	vst v3  }
0x43e: {  	v3 =	vld.idx.msk [tilespmem:v5+s18+$0x0], $0xffff  }
0x43f: {  	[tilespmem:s6+$0xE190] =	vst v6  }
0x440: {  	[tilespmem:s6+$0xE120] =	vst v4;
	v6 =	vld.idx.msk [tilespmem:v8+s20+$0x0], $0xffff  }
0x441: {  	v4 =	vld.idx.msk [tilespmem:v7+s19+$0x0], $0xffff;
	_ =	sdelay $0x1  }
0x442: {  	[tilespmem:s6+$0xE130] =	vst v3  }
0x443: {  	v3 =	vld.idx.msk [tilespmem:v5+s19+$0x0], $0xffff  }
0x444: {  	[tilespmem:s6+$0xE210] =	vst v6  }
0x445: {  	[tilespmem:s6+$0xE1A0] =	vst v4;
	v6 =	vld.idx.msk [tilespmem:v8+s21+$0x0], $0xffff  }
0x446: {  	v4 =	vld.idx.msk [tilespmem:v7+s20+$0x0], $0xffff;
	_ =	sdelay $0x1  }
0x447: {  	[tilespmem:s6+$0xE1B0] =	vst v3  }
0x448: {  	v3 =	vld.idx.msk [tilespmem:v5+s20+$0x0], $0xffff  }
0x449: {  	v15 =	vld [tilespmem:s6+$0x2210];
	[tilespmem:s6+$0xE290] =	vst v6  }
0x44a: {  	[tilespmem:s6+$0xE220] =	vst v4;
	v6 =	vld.idx.msk [tilespmem:v8+s22+$0x0], $0xffff  }
0x44b: {  	v4 =	vld.idx.msk [tilespmem:v7+s21+$0x0], $0xffff;
	_ =	sdelay $0x1  }
0x44c: {  	[tilespmem:s6+$0xE230] =	vst v3  }
0x44d: {  	v3 =	vld.idx.msk [tilespmem:v5+s21+$0x0], $0xffff  }
0x44e: {  	[tilespmem:s6+$0xE310] =	vst v6  }
0x44f: {  	v16 =	vshll.u32 v15, $0x4;
	[tilespmem:s6+$0xE2A0] =	vst v4;
	v6 =	vld.idx.msk [tilespmem:v8+s23+$0x0], $0xffff  }
0x450: {  	v4 =	vld.idx.msk [tilespmem:v7+s22+$0x0], $0xffff;
	v8 =	vor.u32 v0, v16  }
0x451: {  	v17 =	vld [tilespmem:s6+$0x2220]  }
0x452: {  	[tilespmem:s6+$0xE2B0] =	vst v3  }
0x453: {  	v3 =	vld.idx.msk [tilespmem:v5+s22+$0x0], $0xffff  }
0x454: {  	v18 =	vld [tilespmem:s6+$0x2230];
	[tilespmem:s6+$0xE390] =	vst v6  }
0x455: {  	[tilespmem:s6+$0xE320] =	vst v4;
	v10 =	vld.idx.msk [tilespmem:v8+s4+$0x0], $0xffff  }
0x456: {  	v19 =	vshll.u32 v17, $0x4;
	v4 =	vld.idx.msk [tilespmem:v7+s23+$0x0], $0xffff  }
0x457: {  	v7 =	vor.u32 v0, v19  }
0x458: {  	[tilespmem:s6+$0xE330] =	vst v3  }
0x459: {  	v20 =	vshll.u32 v18, $0x4;
	v3 =	vld.idx.msk [tilespmem:v5+s23+$0x0], $0xffff  }
0x45a: {  	v5 =	vor.u32 v0, v20;
	[tilespmem:s6+$0xF010] =	vst v10  }
0x45b: {  	[tilespmem:s6+$0xE3A0] =	vst v4;
	v21 =	vld.idx.msk [tilespmem:v8+s17+$0x0], $0xffff  }
0x45c: {  	v4 =	vld.idx.msk [tilespmem:v7+s4+$0x0], $0xffff;
	_ =	sdelay $0x1  }
0x45d: {  	[tilespmem:s6+$0xE3B0] =	vst v3  }
0x45e: {  	v3 =	vld.idx.msk [tilespmem:v5+s4+$0x0], $0xffff  }
0x45f: {  	[tilespmem:s6+$0xF090] =	vst v21  }
0x460: {  	[tilespmem:s6+$0xF020] =	vst v4;
	v6 =	vld.idx.msk [tilespmem:v8+s18+$0x0], $0xffff  }
0x461: {  	v4 =	vld.idx.msk [tilespmem:v7+s17+$0x0], $0xffff;
	_ =	sdelay $0x1  }
0x462: {  	[tilespmem:s6+$0xF030] =	vst v3  }
0x463: {  	v3 =	vld.idx.msk [tilespmem:v5+s17+$0x0], $0xffff  }
0x464: {  	[tilespmem:s6+$0xF110] =	vst v6  }
0x465: {  	[tilespmem:s6+$0xF0A0] =	vst v4;
	v6 =	vld.idx.msk [tilespmem:v8+s19+$0x0], $0xffff  }
0x466: {  	v4 =	vld.idx.msk [tilespmem:v7+s18+$0x0], $0xffff;
	_ =	sdelay $0x1  }
0x467: {  	[tilespmem:s6+$0xF0B0] =	vst v3  }
0x468: {  	v3 =	vld.idx.msk [tilespmem:v5+s18+$0x0], $0xffff  }
0x469: {  	[tilespmem:s6+$0xF190] =	vst v6  }
0x46a: {  	[tilespmem:s6+$0xF120] =	vst v4;
	v6 =	vld.idx.msk [tilespmem:v8+s20+$0x0], $0xffff  }
0x46b: {  	v4 =	vld.idx.msk [tilespmem:v7+s19+$0x0], $0xffff;
	_ =	sdelay $0x1  }
0x46c: {  	[tilespmem:s6+$0xF130] =	vst v3  }
0x46d: {  	v3 =	vld.idx.msk [tilespmem:v5+s19+$0x0], $0xffff  }
0x46e: {  	[tilespmem:s6+$0xF210] =	vst v6  }
0x46f: {  	[tilespmem:s6+$0xF1A0] =	vst v4;
	v6 =	vld.idx.msk [tilespmem:v8+s21+$0x0], $0xffff  }
0x470: {  	v4 =	vld.idx.msk [tilespmem:v7+s20+$0x0], $0xffff;
	_ =	sdelay $0x1  }
0x471: {  	[tilespmem:s6+$0xF1B0] =	vst v3  }
0x472: {  	v3 =	vld.idx.msk [tilespmem:v5+s20+$0x0], $0xffff  }
0x473: {  	[tilespmem:s6+$0xF290] =	vst v6  }
0x474: {  	[tilespmem:s6+$0xF220] =	vst v4;
	v6 =	vld.idx.msk [tilespmem:v8+s22+$0x0], $0xffff  }
0x475: {  	v4 =	vld.idx.msk [tilespmem:v7+s21+$0x0], $0xffff;
	_ =	sdelay $0x1  }
0x476: {  	[tilespmem:s6+$0xF230] =	vst v3  }
0x477: {  	[tilespmem:s6+$0x10080] =	vst v2;
	v3 =	vld.idx.msk [tilespmem:v5+s21+$0x0], $0xffff  }
0x478: {  	v22 =	vld [tilespmem:s6+$0x2290];
	[tilespmem:s6+$0xF310] =	vst v6  }
0x479: {  	[tilespmem:s6+$0xF2A0] =	vst v4;
	v2 =	vld.idx.msk [tilespmem:v8+s23+$0x0], $0xffff  }
0x47a: {  	v4 =	vld.idx.msk [tilespmem:v7+s22+$0x0], $0xffff  }
0x47b: {  	v25 =	vld [tilespmem:s6+$0x22A0]  }
0x47c: {  	[tilespmem:s6+$0xF2B0] =	vst v3  }
0x47d: {  	v3 =	vld.idx.msk [tilespmem:v5+s22+$0x0], $0xffff  }
0x47e: {  	[tilespmem:s6+$0xF390] =	vst v2;
	v2 =	vld [tilespmem:s6+$0x22B0]  }
0x47f: {  	v23 =	vshll.u32 v22, $0x4;
	[tilespmem:s6+$0xF320] =	vst v4  }
0x480: {  	v26 =	vshll.u32 v25, $0x4;
	v6 =	vor.u32 v0, v23;
	v4 =	vld.idx.msk [tilespmem:v7+s23+$0x0], $0xffff  }
0x481: {  	v24 =	vld.idx.msk [tilespmem:v1+s18+$0x0], $0xffff;
	v7 =	vor.u32 v0, v26  }
0x482: {  	[tilespmem:s6+$0xF330] =	vst v3  }
0x483: {  	v3 =	vld.idx.msk [tilespmem:v5+s23+$0x0], $0xffff;
	v2 =	vshll.u32 v2, $0x4  }
0x484: {  	v2 =	vor.u32 v0, v2  }
0x485: {  	[tilespmem:s6+$0xF3A0] =	vst v4;
	v10 =	vld.idx.msk [tilespmem:v6+s4+$0x0], $0xffff  }
0x486: {  	[tilespmem:s6+$0x10100] =	vst v24;
	v4 =	vld.idx.msk [tilespmem:v7+s4+$0x0], $0xffff  }
0x487: {  	v27 =	vld.idx.msk [tilespmem:v1+s19+$0x0], $0xffff  }
0x488: {  	[tilespmem:s6+$0xF3B0] =	vst v3  }
0x489: {  	v3 =	vld.idx.msk [tilespmem:v2+s4+$0x0], $0xffff  }
0x48a: {  	[tilespmem:s6+$0x10010] =	vst v10  }
0x48b: {  	[tilespmem:s6+$0x10020] =	vst v4;
	v28 =	vld.idx.msk [tilespmem:v6+s17+$0x0], $0xffff  }
0x48c: {  	[tilespmem:s6+$0x10180] =	vst v27;
	v4 =	vld.idx.msk [tilespmem:v7+s17+$0x0], $0xffff  }
0x48d: {  	v5 =	vld.idx.msk [tilespmem:v1+s20+$0x0], $0xffff  }
0x48e: {  	[tilespmem:s6+$0x10030] =	vst v3  }
0x48f: {  	v3 =	vld.idx.msk [tilespmem:v2+s17+$0x0], $0xffff  }
0x490: {  	v29 =	vld [tilespmem:s6+$0x2040];
	[tilespmem:s6+$0x10090] =	vst v28  }
0x491: {  	[tilespmem:s6+$0x100A0] =	vst v4;
	v8 =	vld.idx.msk [tilespmem:v6+s18+$0x0], $0xffff  }
0x492: {  	[tilespmem:s6+$0x10200] =	vst v5;
	v30 =	vld.idx.msk [tilespmem:v7+s18+$0x0], $0xffff  }
0x493: {  	v5 =	vld.idx.msk [tilespmem:v1+s21+$0x0], $0xffff  }
0x494: {  	[tilespmem:s6+$0x100B0] =	vst v3  }
0x495: {  	v3 =	vld.idx.msk [tilespmem:v2+s18+$0x0], $0xffff  }
0x496: {  	v4 =	vshll.u32 v29, $0x4;
	[tilespmem:s6+$0x10110] =	vst v8  }
0x497: {  	v4 =	vor.u32 v0, v4;
	[tilespmem:s6+$0x10120] =	vst v30;
	v8 =	vld.idx.msk [tilespmem:v6+s19+$0x0], $0xffff  }
0x498: {  	[tilespmem:s6+$0x10280] =	vst v5;
	v9 =	vld.idx.msk [tilespmem:v7+s19+$0x0], $0xffff  }
0x499: {  	v5 =	vld.idx.msk [tilespmem:v1+s22+$0x0], $0xffff  }
0x49a: {  	[tilespmem:s6+$0x10130] =	vst v3  }
0x49b: {  	v3 =	vld.idx.msk [tilespmem:v2+s19+$0x0], $0xffff  }
0x49c: {  	v32 =	vld.idx.msk [tilespmem:v4+s4+$0x0], $0xffff;
	[tilespmem:s6+$0x10190] =	vst v8  }
0x49d: {  	[tilespmem:s6+$0x101A0] =	vst v9;
	v8 =	vld.idx.msk [tilespmem:v6+s20+$0x0], $0xffff  }
0x49e: {  	[tilespmem:s6+$0x10300] =	vst v5;
	v33 =	vld.idx.msk [tilespmem:v7+s20+$0x0], $0xffff  }
0x49f: {  	v1 =	vld.idx.msk [tilespmem:v1+s23+$0x0], $0xffff  }
0x4a0: {  	[tilespmem:s6+$0x101B0] =	vst v3  }
0x4a1: {  	[tilespmem:s6+$0xB040] =	vst v32;
	v35 =	vld.idx.msk [tilespmem:v2+s20+$0x0], $0xffff  }
0x4a2: {  	[tilespmem:s6+$0x10210] =	vst v8;
	v8 =	vld.idx.msk [tilespmem:v4+s17+$0x0], $0xffff  }
0x4a3: {  	[tilespmem:s6+$0x10220] =	vst v33;
	v11 =	vld.idx.msk [tilespmem:v6+s21+$0x0], $0xffff  }
0x4a4: {  	[tilespmem:s6+$0x10380] =	vst v1;
	v1 =	vld.idx.msk [tilespmem:v7+s21+$0x0], $0xffff  }
0x4a5: {  	v31 =	vld [tilespmem:s6+$0x2300]  }
0x4a6: {  	v39 =	vld [tilespmem:s6+$0x2320];
	[tilespmem:s6+$0x10230] =	vst v35  }
0x4a7: {  	[tilespmem:s6+$0xB0C0] =	vst v8;
	v9 =	vld.idx.msk [tilespmem:v2+s21+$0x0], $0xffff  }
0x4a8: {  	[tilespmem:s6+$0x10290] =	vst v11;
	v8 =	vld.idx.msk [tilespmem:v4+s18+$0x0], $0xffff  }
0x4a9: {  	[tilespmem:s6+$0x102A0] =	vst v1;
	v36 =	vld.idx.msk [tilespmem:v6+s22+$0x0], $0xffff  }
0x4aa: {  	v1 =	vld.idx.msk [tilespmem:v7+s22+$0x0], $0xffff  }
0x4ab: {  	v38 =	vld [tilespmem:s6+$0x2310]  }
0x4ac: {  	v12 =	vld [tilespmem:s6+$0x2330];
	[tilespmem:s6+$0x102B0] =	vst v9  }
0x4ad: {  	[tilespmem:s6+$0xB140] =	vst v8;
	v9 =	vld.idx.msk [tilespmem:v2+s22+$0x0], $0xffff  }
0x4ae: {  	[tilespmem:s6+$0x10310] =	vst v36;
	v41 =	vld.idx.msk [tilespmem:v4+s19+$0x0], $0xffff  }
0x4af: {  	v34 =	vshll.u32 v31, $0x4;
	[tilespmem:s6+$0x10320] =	vst v1;
	v6 =	vld.idx.msk [tilespmem:v6+s23+$0x0], $0xffff  }
0x4b0: {  	v42 =	vshll.u32 v39, $0x4;
	v3 =	vor.u32 v0, v34;
	v1 =	vld.idx.msk [tilespmem:v7+s23+$0x0], $0xffff  }
0x4b1: {  	v5 =	vor.u32 v0, v42;
	v11 =	vshll.u32 v38, $0x4  }
0x4b2: {  	v40 =	vor.u32 v0, v11;
	[tilespmem:s6+$0x10330] =	vst v9  }
0x4b3: {  	v44 =	vshll.u32 v12, $0x4;
	[tilespmem:s6+$0xB1C0] =	vst v41;
	v2 =	vld.idx.msk [tilespmem:v2+s23+$0x0], $0xffff  }
0x4b4: {  	[tilespmem:s6+$0x10390] =	vst v6;
	v6 =	vor.u32 v0, v44;
	v46 =	vld.idx.msk [tilespmem:v4+s20+$0x0], $0xffff  }
0x4b5: {  	v37 =	vld.idx.msk [tilespmem:v3+s4+$0x0], $0xffff;
	[tilespmem:s6+$0x103A0] =	vst v1  }
0x4b6: {  	v1 =	vld.idx.msk [tilespmem:v5+s4+$0x0], $0xffff  }
0x4b7: {  	v45 =	vld.idx.msk [tilespmem:v40+s4+$0x0], $0xffff  }
0x4b8: {  	[tilespmem:s6+$0x103B0] =	vst v2  }
0x4b9: {  	[tilespmem:s6+$0xB240] =	vst v46;
	v2 =	vld.idx.msk [tilespmem:v6+s4+$0x0], $0xffff  }
0x4ba: {  	[tilespmem:s6+$0x11000] =	vst v37;
	v10 =	vld.idx.msk [tilespmem:v4+s21+$0x0], $0xffff  }
0x4bb: {  	v43 =	vld.idx.msk [tilespmem:v3+s17+$0x0], $0xffff;
	[tilespmem:s6+$0x11020] =	vst v1  }
0x4bc: {  	[tilespmem:s6+$0x11010] =	vst v45;
	v1 =	vld.idx.msk [tilespmem:v5+s17+$0x0], $0xffff  }
0x4bd: {  	v9 =	vld.idx.msk [tilespmem:v40+s17+$0x0], $0xffff  }
0x4be: {  	[tilespmem:s6+$0x11030] =	vst v2  }
0x4bf: {  	[tilespmem:s6+$0xB2C0] =	vst v10;
	v2 =	vld.idx.msk [tilespmem:v6+s17+$0x0], $0xffff  }
0x4c0: {  	[tilespmem:s6+$0x11080] =	vst v43;
	v10 =	vld.idx.msk [tilespmem:v4+s22+$0x0], $0xffff  }
0x4c1: {  	[tilespmem:s6+$0x110A0] =	vst v1;
	v1 =	vld [tilespmem:s6+$0x20C0]  }
0x4c2: {  	v7 =	vld.idx.msk [tilespmem:v3+s18+$0x0], $0xffff;
	[tilespmem:s6+$0x11090] =	vst v9  }
0x4c3: {  	v9 =	vld.idx.msk [tilespmem:v40+s18+$0x0], $0xffff  }
0x4c4: {  	v47 =	vld.idx.msk [tilespmem:v5+s18+$0x0], $0xffff;
	[tilespmem:s6+$0x110B0] =	vst v2  }
0x4c5: {  	[tilespmem:s6+$0xB340] =	vst v10;
	v2 =	vld.idx.msk [tilespmem:v6+s18+$0x0], $0xffff  }
0x4c6: {  	v1 =	vshll.u32 v1, $0x4;
	v4 =	vld.idx.msk [tilespmem:v4+s23+$0x0], $0xffff  }
0x4c7: {  	v49 =	vld [tilespmem:s6+$0x2380];
	[tilespmem:s6+$0x11100] =	vst v7;
	v1 =	vor.u32 v0, v1  }
0x4c8: {  	v7 =	vld.idx.msk [tilespmem:v3+s19+$0x0], $0xffff;
	[tilespmem:s6+$0x11110] =	vst v9  }
0x4c9: {  	[tilespmem:s6+$0x11120] =	vst v47;
	v9 =	vld.idx.msk [tilespmem:v40+s19+$0x0], $0xffff  }
0x4ca: {  	v48 =	vld.idx.msk [tilespmem:v5+s19+$0x0], $0xffff;
	[tilespmem:s6+$0x11130] =	vst v2  }
0x4cb: {  	[tilespmem:s6+$0xB3C0] =	vst v4;
	v2 =	vld.idx.msk [tilespmem:v6+s19+$0x0], $0xffff  }
0x4cc: {  	v4 =	vld.idx.msk [tilespmem:v1+s4+$0x0], $0xffff  }
0x4cd: {  	v13 =	vld [tilespmem:s6+$0x23A0];
	[tilespmem:s6+$0x11180] =	vst v7  }
0x4ce: {  	v7 =	vld.idx.msk [tilespmem:v3+s20+$0x0], $0xffff;
	[tilespmem:s6+$0x11190] =	vst v9  }
0x4cf: {  	[tilespmem:s6+$0x111A0] =	vst v48;
	v9 =	vld.idx.msk [tilespmem:v40+s20+$0x0], $0xffff  }
0x4d0: {  	v10 =	vld.idx.msk [tilespmem:v5+s20+$0x0], $0xffff;
	[tilespmem:s6+$0x111B0] =	vst v2  }
0x4d1: {  	[tilespmem:s6+$0xC040] =	vst v4;
	v2 =	vld.idx.msk [tilespmem:v6+s20+$0x0], $0xffff  }
0x4d2: {  	v4 =	vld.idx.msk [tilespmem:v1+s17+$0x0], $0xffff  }
0x4d3: {  	v50 =	vld [tilespmem:s6+$0x2390];
	[tilespmem:s6+$0x11200] =	vst v7  }
0x4d4: {  	v7 =	vld.idx.msk [tilespmem:v3+s21+$0x0], $0xffff;
	[tilespmem:s6+$0x11210] =	vst v9  }
0x4d5: {  	[tilespmem:s6+$0x11220] =	vst v10;
	v9 =	vld.idx.msk [tilespmem:v40+s21+$0x0], $0xffff  }
0x4d6: {  	v10 =	vld.idx.msk [tilespmem:v5+s21+$0x0], $0xffff;
	[tilespmem:s6+$0x11230] =	vst v2  }
0x4d7: {  	[tilespmem:s6+$0xC0C0] =	vst v4;
	v2 =	vld.idx.msk [tilespmem:v6+s21+$0x0], $0xffff  }
0x4d8: {  	v4 =	vld.idx.msk [tilespmem:v1+s18+$0x0], $0xffff  }
0x4d9: {  	v14 =	vld [tilespmem:s6+$0x23B0];
	[tilespmem:s6+$0x11280] =	vst v7  }
0x4da: {  	v7 =	vld.idx.msk [tilespmem:v3+s22+$0x0], $0xffff;
	[tilespmem:s6+$0x11290] =	vst v9  }
0x4db: {  	[tilespmem:s6+$0x112A0] =	vst v10;
	v9 =	vld.idx.msk [tilespmem:v40+s22+$0x0], $0xffff  }
0x4dc: {  	v10 =	vld.idx.msk [tilespmem:v5+s22+$0x0], $0xffff;
	[tilespmem:s6+$0x112B0] =	vst v2  }
0x4dd: {  	[tilespmem:s6+$0xC140] =	vst v4;
	v2 =	vld.idx.msk [tilespmem:v6+s22+$0x0], $0xffff  }
0x4de: {  	v4 =	vld.idx.msk [tilespmem:v1+s19+$0x0], $0xffff  }
0x4df: {  	[tilespmem:s6+$0x11300] =	vst v7  }
0x4e0: {  	v51 =	vshll.u32 v49, $0x4;
	v3 =	vld.idx.msk [tilespmem:v3+s23+$0x0], $0xffff;
	[tilespmem:s6+$0x11310] =	vst v9  }
0x4e1: {  	v52 =	vshll.u32 v50, $0x4;
	v7 =	vor.u32 v0, v51;
	[tilespmem:s6+$0x11320] =	vst v10;
	v8 =	vld.idx.msk [tilespmem:v40+s23+$0x0], $0xffff  }
0x4e2: {  	v53 =	vshll.u32 v13, $0x4;
	v9 =	vor.u32 v0, v52;
	v5 =	vld.idx.msk [tilespmem:v5+s23+$0x0], $0xffff;
	[tilespmem:s6+$0x11330] =	vst v2  }
0x4e3: {  	v54 =	vshll.u32 v14, $0x4;
	[tilespmem:s6+$0xC1C0] =	vst v4;
	v2 =	vor.u32 v0, v53;
	v6 =	vld.idx.msk [tilespmem:v6+s23+$0x0], $0xffff  }
0x4e4: {  	v55 =	vor.u32 v0, v54;
	v56 =	vld.idx.msk [tilespmem:v1+s20+$0x0], $0xffff  }
0x4e5: {  	[tilespmem:s6+$0x11380] =	vst v3  }
0x4e6: {  	v3 =	vld.idx.msk [tilespmem:v7+s4+$0x0], $0xffff;
	[tilespmem:s6+$0x11390] =	vst v8  }
0x4e7: {  	[tilespmem:s6+$0x113A0] =	vst v5;
	v8 =	vld.idx.msk [tilespmem:v9+s4+$0x0], $0xffff  }
0x4e8: {  	v5 =	vld.idx.msk [tilespmem:v2+s4+$0x0], $0xffff;
	[tilespmem:s6+$0x113B0] =	vst v6  }
0x4e9: {  	[tilespmem:s6+$0xC240] =	vst v56;
	v6 =	vld.idx.msk [tilespmem:v55+s4+$0x0], $0xffff  }
0x4ea: {  	v10 =	vld.idx.msk [tilespmem:v1+s21+$0x0], $0xffff  }
0x4eb: {  	[tilespmem:s6+$0x12000] =	vst v3  }
0x4ec: {  	v3 =	vld.idx.msk [tilespmem:v7+s17+$0x0], $0xffff;
	[tilespmem:s6+$0x12010] =	vst v8  }
0x4ed: {  	v8 =	vld.idx.msk [tilespmem:v9+s17+$0x0], $0xffff;
	[tilespmem:s6+$0x12020] =	vst v5  }
0x4ee: {  	v5 =	vld.idx.msk [tilespmem:v2+s17+$0x0], $0xffff;
	[tilespmem:s6+$0x12030] =	vst v6  }
0x4ef: {  	[tilespmem:s6+$0xC2C0] =	vst v10;
	v6 =	vld.idx.msk [tilespmem:v55+s17+$0x0], $0xffff  }
0x4f0: {  	v10 =	vld.idx.msk [tilespmem:v1+s22+$0x0], $0xffff  }
0x4f1: {  	[tilespmem:s6+$0x12080] =	vst v3;
	v3 =	vld [tilespmem:s6+$0x2140]  }
0x4f2: {  	v57 =	vld.idx.msk [tilespmem:v7+s18+$0x0], $0xffff;
	[tilespmem:s6+$0x12090] =	vst v8  }
0x4f3: {  	v8 =	vld.idx.msk [tilespmem:v9+s18+$0x0], $0xffff;
	[tilespmem:s6+$0x120A0] =	vst v5  }
0x4f4: {  	v5 =	vld.idx.msk [tilespmem:v2+s18+$0x0], $0xffff;
	[tilespmem:s6+$0x120B0] =	vst v6  }
0x4f5: {  	[tilespmem:s6+$0xC340] =	vst v10;
	v6 =	vld.idx.msk [tilespmem:v55+s18+$0x0], $0xffff  }
0x4f6: {  	v10 =	vld.idx.msk [tilespmem:v1+s23+$0x0], $0xffff;
	v1 =	vshll.u32 v3, $0x4  }
0x4f7: {  	[tilespmem:s6+$0x12100] =	vst v57;
	v1 =	vor.u32 v0, v1  }
0x4f8: {  	v3 =	vld.idx.msk [tilespmem:v7+s19+$0x0], $0xffff;
	[tilespmem:s6+$0x12110] =	vst v8  }
0x4f9: {  	v8 =	vld.idx.msk [tilespmem:v9+s19+$0x0], $0xffff;
	[tilespmem:s6+$0x12120] =	vst v5  }
0x4fa: {  	v5 =	vld.idx.msk [tilespmem:v2+s19+$0x0], $0xffff;
	[tilespmem:s6+$0x12130] =	vst v6  }
0x4fb: {  	[tilespmem:s6+$0xC3C0] =	vst v10;
	v6 =	vld.idx.msk [tilespmem:v55+s19+$0x0], $0xffff  }
0x4fc: {  	v10 =	vld.idx.msk [tilespmem:v1+s4+$0x0], $0xffff  }
0x4fd: {  	[tilespmem:s6+$0x12180] =	vst v3  }
0x4fe: {  	v3 =	vld.idx.msk [tilespmem:v7+s20+$0x0], $0xffff;
	[tilespmem:s6+$0x12190] =	vst v8  }
0x4ff: {  	v8 =	vld.idx.msk [tilespmem:v9+s20+$0x0], $0xffff;
	[tilespmem:s6+$0x121A0] =	vst v5  }
0x500: {  	v5 =	vld.idx.msk [tilespmem:v2+s20+$0x0], $0xffff;
	[tilespmem:s6+$0x121B0] =	vst v6  }
0x501: {  	[tilespmem:s6+$0xD040] =	vst v10;
	v6 =	vld.idx.msk [tilespmem:v55+s20+$0x0], $0xffff  }
0x502: {  	v10 =	vld.idx.msk [tilespmem:v1+s17+$0x0], $0xffff  }
0x503: {  	[tilespmem:s6+$0x12200] =	vst v3  }
0x504: {  	v3 =	vld.idx.msk [tilespmem:v7+s21+$0x0], $0xffff;
	[tilespmem:s6+$0x12210] =	vst v8  }
0x505: {  	v8 =	vld.idx.msk [tilespmem:v9+s21+$0x0], $0xffff;
	[tilespmem:s6+$0x12220] =	vst v5  }
0x506: {  	v5 =	vld.idx.msk [tilespmem:v2+s21+$0x0], $0xffff;
	[tilespmem:s6+$0x12230] =	vst v6  }
0x507: {  	[tilespmem:s6+$0xD0C0] =	vst v10;
	v6 =	vld.idx.msk [tilespmem:v55+s21+$0x0], $0xffff  }
0x508: {  	v10 =	vld.idx.msk [tilespmem:v1+s18+$0x0], $0xffff  }
0x509: {  	[tilespmem:s6+$0x12280] =	vst v3  }
0x50a: {  	v3 =	vld.idx.msk [tilespmem:v7+s22+$0x0], $0xffff;
	[tilespmem:s6+$0x12290] =	vst v8  }
0x50b: {  	v8 =	vld.idx.msk [tilespmem:v9+s22+$0x0], $0xffff;
	[tilespmem:s6+$0x122A0] =	vst v5  }
0x50c: {  	v5 =	vld.idx.msk [tilespmem:v2+s22+$0x0], $0xffff;
	[tilespmem:s6+$0x122B0] =	vst v6  }
0x50d: {  	[tilespmem:s6+$0xD140] =	vst v10;
	v6 =	vld.idx.msk [tilespmem:v55+s22+$0x0], $0xffff  }
0x50e: {  	v10 =	vld.idx.msk [tilespmem:v1+s19+$0x0], $0xffff  }
0x50f: {  	[tilespmem:s6+$0x12300] =	vst v3  }
0x510: {  	v3 =	vld.idx.msk [tilespmem:v7+s23+$0x0], $0xffff;
	[tilespmem:s6+$0x12310] =	vst v8  }
0x511: {  	v58 =	vld.idx.msk [tilespmem:v9+s23+$0x0], $0xffff;
	[tilespmem:s6+$0x12320] =	vst v5  }
0x512: {  	v2 =	vld.idx.msk [tilespmem:v2+s23+$0x0], $0xffff;
	[tilespmem:s6+$0x12330] =	vst v6  }
0x513: {  	[tilespmem:s6+$0xD1C0] =	vst v10;
	v4 =	vld.idx.msk [tilespmem:v55+s23+$0x0], $0xffff  }
0x514: {  	v59 =	vld.idx.msk [tilespmem:v1+s20+$0x0], $0xffff  }
0x515: {  	[tilespmem:s6+$0x12380] =	vst v3  }
0x516: {  	[tilespmem:s6+$0x12390] =	vst v58  }
0x517: {  	[tilespmem:s6+$0x123A0] =	vst v2  }
0x518: {  	[tilespmem:s6+$0x123B0] =	vst v4  }
0x519: {  	[tilespmem:s6+$0xD240] =	vst v59  }
0x51a: {  	v2 =	vld [tilespmem:s6+$0x2050];
	_ =	sdelay $0x2  }
0x51b: {  	v3 =	vld [tilespmem:s6+$0x2060]  }
0x51c: {  	v60 =	vld [tilespmem:s6+$0x2070]  }
0x51d: {  	v2 =	vshll.u32 v2, $0x4  }
0x51e: {  	v2 =	vor.u32 v0, v2;
	_ =	sdelay $0x1  }
0x51f: {  	v3 =	vshll.u32 v3, $0x4  }
0x520: {  	v4 =	vshll.u32 v60, $0x4;
	v3 =	vor.u32 v0, v3  }
0x521: {  	v4 =	vor.u32 v0, v4  }
0x522: {  	v5 =	vld.idx.msk [tilespmem:v2+s4+$0x0], $0xffff;
	_ =	sdelay $0x2  }
0x523: {  	v61 =	vld.idx.msk [tilespmem:v3+s4+$0x0], $0xffff  }
0x524: {  	v62 =	vld.idx.msk [tilespmem:v4+s4+$0x0], $0xffff  }
0x525: {  	[tilespmem:s6+$0xB050] =	vst v5  }
0x526: {  	v5 =	vld.idx.msk [tilespmem:v2+s17+$0x0], $0xffff;
	_ =	sdelay $0x1  }
0x527: {  	[tilespmem:s6+$0xB060] =	vst v61  }
0x528: {  	[tilespmem:s6+$0xB070] =	vst v62;
	v6 =	vld.idx.msk [tilespmem:v3+s17+$0x0], $0xffff  }
0x529: {  	v7 =	vld.idx.msk [tilespmem:v4+s17+$0x0], $0xffff  }
0x52a: {  	[tilespmem:s6+$0xB0D0] =	vst v5  }
0x52b: {  	v5 =	vld.idx.msk [tilespmem:v2+s18+$0x0], $0xffff;
	_ =	sdelay $0x1  }
0x52c: {  	[tilespmem:s6+$0xB0E0] =	vst v6  }
0x52d: {  	[tilespmem:s6+$0xB0F0] =	vst v7;
	v6 =	vld.idx.msk [tilespmem:v3+s18+$0x0], $0xffff  }
0x52e: {  	v7 =	vld.idx.msk [tilespmem:v4+s18+$0x0], $0xffff  }
0x52f: {  	[tilespmem:s6+$0xB150] =	vst v5  }
0x530: {  	v5 =	vld.idx.msk [tilespmem:v2+s19+$0x0], $0xffff;
	_ =	sdelay $0x1  }
0x531: {  	[tilespmem:s6+$0xB160] =	vst v6  }
0x532: {  	[tilespmem:s6+$0xB170] =	vst v7;
	v6 =	vld.idx.msk [tilespmem:v3+s19+$0x0], $0xffff  }
0x533: {  	v7 =	vld.idx.msk [tilespmem:v4+s19+$0x0], $0xffff  }
0x534: {  	[tilespmem:s6+$0xB1D0] =	vst v5  }
0x535: {  	v5 =	vld.idx.msk [tilespmem:v2+s20+$0x0], $0xffff;
	_ =	sdelay $0x1  }
0x536: {  	[tilespmem:s6+$0xB1E0] =	vst v6  }
0x537: {  	[tilespmem:s6+$0xB1F0] =	vst v7;
	v6 =	vld.idx.msk [tilespmem:v3+s20+$0x0], $0xffff  }
0x538: {  	v7 =	vld.idx.msk [tilespmem:v4+s20+$0x0], $0xffff  }
0x539: {  	[tilespmem:s6+$0xB250] =	vst v5  }
0x53a: {  	v5 =	vld.idx.msk [tilespmem:v2+s21+$0x0], $0xffff;
	_ =	sdelay $0x1  }
0x53b: {  	[tilespmem:s6+$0xB260] =	vst v6  }
0x53c: {  	[tilespmem:s6+$0xB270] =	vst v7;
	v6 =	vld.idx.msk [tilespmem:v3+s21+$0x0], $0xffff  }
0x53d: {  	v7 =	vld.idx.msk [tilespmem:v4+s21+$0x0], $0xffff  }
0x53e: {  	[tilespmem:s6+$0xB2D0] =	vst v5  }
0x53f: {  	v5 =	vld.idx.msk [tilespmem:v2+s22+$0x0], $0xffff  }
0x540: {  	v63 =	vld [tilespmem:s6+$0x20D0]  }
0x541: {  	v12 =	vld [tilespmem:s6+$0x20E0];
	[tilespmem:s6+$0xB2E0] =	vst v6  }
0x542: {  	[tilespmem:s6+$0xB2F0] =	vst v7;
	v6 =	vld.idx.msk [tilespmem:v3+s22+$0x0], $0xffff  }
0x543: {  	v7 =	vld.idx.msk [tilespmem:v4+s22+$0x0], $0xffff  }
0x544: {  	v13 =	vld [tilespmem:s6+$0x20F0];
	[tilespmem:s6+$0xB350] =	vst v5  }
0x545: {  	v2 =	vld.idx.msk [tilespmem:v2+s23+$0x0], $0xffff;
	_ =	sdelay $0x1  }
0x546: {  	v8 =	vshll.u32 v63, $0x4;
	[tilespmem:s6+$0xB360] =	vst v6  }
0x547: {  	v14 =	vshll.u32 v12, $0x4;
	v8 =	vor.u32 v0, v8;
	[tilespmem:s6+$0xB370] =	vst v7;
	v3 =	vld.idx.msk [tilespmem:v3+s23+$0x0], $0xffff  }
0x548: {  	v6 =	vor.u32 v0, v14;
	v5 =	vshll.u32 v13, $0x4;
	v4 =	vld.idx.msk [tilespmem:v4+s23+$0x0], $0xffff  }
0x549: {  	[tilespmem:s6+$0xB3D0] =	vst v2;
	v2 =	vor.u32 v0, v5;
	_ =	sdelay $0x2  }
0x54a: {  	[tilespmem:s6+$0xB3E0] =	vst v3;
	v15 =	vld.idx.msk [tilespmem:v8+s4+$0x0], $0xffff  }
0x54b: {  	[tilespmem:s6+$0xB3F0] =	vst v4;
	v3 =	vld.idx.msk [tilespmem:v6+s4+$0x0], $0xffff  }
0x54c: {  	v4 =	vld.idx.msk [tilespmem:v2+s4+$0x0], $0xffff;
	_ =	sdelay $0x2  }
0x54d: {  	[tilespmem:s6+$0xC050] =	vst v15  }
0x54e: {  	[tilespmem:s6+$0xC060] =	vst v3;
	v5 =	vld.idx.msk [tilespmem:v8+s17+$0x0], $0xffff  }
0x54f: {  	v3 =	vld.idx.msk [tilespmem:v6+s17+$0x0], $0xffff;
	[tilespmem:s6+$0xC070] =	vst v4  }
0x550: {  	v4 =	vld.idx.msk [tilespmem:v2+s17+$0x0], $0xffff;
	_ =	sdelay $0x2  }
0x551: {  	[tilespmem:s6+$0xC0D0] =	vst v5  }
0x552: {  	[tilespmem:s6+$0xC0E0] =	vst v3;
	v5 =	vld.idx.msk [tilespmem:v8+s18+$0x0], $0xffff  }
0x553: {  	v3 =	vld.idx.msk [tilespmem:v6+s18+$0x0], $0xffff;
	[tilespmem:s6+$0xC0F0] =	vst v4  }
0x554: {  	v4 =	vld.idx.msk [tilespmem:v2+s18+$0x0], $0xffff;
	_ =	sdelay $0x2  }
0x555: {  	[tilespmem:s6+$0xC150] =	vst v5  }
0x556: {  	[tilespmem:s6+$0xC160] =	vst v3;
	v5 =	vld.idx.msk [tilespmem:v8+s19+$0x0], $0xffff  }
0x557: {  	v3 =	vld.idx.msk [tilespmem:v6+s19+$0x0], $0xffff;
	[tilespmem:s6+$0xC170] =	vst v4  }
0x558: {  	v4 =	vld.idx.msk [tilespmem:v2+s19+$0x0], $0xffff;
	_ =	sdelay $0x2  }
0x559: {  	[tilespmem:s6+$0xC1D0] =	vst v5  }
0x55a: {  	[tilespmem:s6+$0xC1E0] =	vst v3;
	v5 =	vld.idx.msk [tilespmem:v8+s20+$0x0], $0xffff  }
0x55b: {  	v3 =	vld.idx.msk [tilespmem:v6+s20+$0x0], $0xffff;
	[tilespmem:s6+$0xC1F0] =	vst v4  }
0x55c: {  	v4 =	vld.idx.msk [tilespmem:v2+s20+$0x0], $0xffff;
	_ =	sdelay $0x2  }
0x55d: {  	[tilespmem:s6+$0xC250] =	vst v5  }
0x55e: {  	[tilespmem:s6+$0xC260] =	vst v3;
	v5 =	vld.idx.msk [tilespmem:v8+s21+$0x0], $0xffff  }
0x55f: {  	v3 =	vld.idx.msk [tilespmem:v6+s21+$0x0], $0xffff;
	[tilespmem:s6+$0xC270] =	vst v4  }
0x560: {  	v4 =	vld.idx.msk [tilespmem:v2+s21+$0x0], $0xffff;
	_ =	sdelay $0x1  }
0x561: {  	v16 =	vld [tilespmem:s6+$0x2150]  }
0x562: {  	v17 =	vld [tilespmem:s6+$0x2160];
	[tilespmem:s6+$0xC2D0] =	vst v5  }
0x563: {  	[tilespmem:s6+$0xC2E0] =	vst v3;
	v5 =	vld.idx.msk [tilespmem:v8+s22+$0x0], $0xffff  }
0x564: {  	v3 =	vld.idx.msk [tilespmem:v6+s22+$0x0], $0xffff;
	[tilespmem:s6+$0xC2F0] =	vst v4  }
0x565: {  	v4 =	vld.idx.msk [tilespmem:v2+s22+$0x0], $0xffff  }
0x566: {  	v18 =	vld [tilespmem:s6+$0x2170];
	_ =	sdelay $0x1  }
0x567: {  	[tilespmem:s6+$0xC350] =	vst v5  }
0x568: {  	v7 =	vshll.u32 v16, $0x4;
	[tilespmem:s6+$0xC360] =	vst v3;
	v8 =	vld.idx.msk [tilespmem:v8+s23+$0x0], $0xffff  }
0x569: {  	v19 =	vshll.u32 v17, $0x4;
	v7 =	vor.u32 v0, v7;
	v3 =	vld.idx.msk [tilespmem:v6+s23+$0x0], $0xffff;
	[tilespmem:s6+$0xC370] =	vst v4  }
0x56a: {  	v20 =	vshll.u32 v18, $0x4;
	v6 =	vor.u32 v0, v19;
	v2 =	vld.idx.msk [tilespmem:v2+s23+$0x0], $0xffff  }
0x56b: {  	v4 =	vor.u32 v0, v20;
	_ =	sdelay $0x1  }
0x56c: {  	[tilespmem:s6+$0xC3D0] =	vst v8  }
0x56d: {  	[tilespmem:s6+$0xC3E0] =	vst v3;
	v21 =	vld.idx.msk [tilespmem:v7+s4+$0x0], $0xffff  }
0x56e: {  	v3 =	vld.idx.msk [tilespmem:v6+s4+$0x0], $0xffff;
	[tilespmem:s6+$0xC3F0] =	vst v2  }
0x56f: {  	v2 =	vld.idx.msk [tilespmem:v4+s4+$0x0], $0xffff  }
0x570: {  	v22 =	vld.idx.msk [tilespmem:v1+s21+$0x0], $0xffff;
	_ =	sdelay $0x1  }
0x571: {  	[tilespmem:s6+$0xD050] =	vst v21  }
0x572: {  	[tilespmem:s6+$0xD060] =	vst v3;
	v5 =	vld.idx.msk [tilespmem:v7+s17+$0x0], $0xffff  }
0x573: {  	v3 =	vld.idx.msk [tilespmem:v6+s17+$0x0], $0xffff;
	[tilespmem:s6+$0xD070] =	vst v2  }
0x574: {  	[tilespmem:s6+$0xD2C0] =	vst v22;
	v2 =	vld.idx.msk [tilespmem:v4+s17+$0x0], $0xffff  }
0x575: {  	v8 =	vld.idx.msk [tilespmem:v1+s22+$0x0], $0xffff;
	_ =	sdelay $0x1  }
0x576: {  	v23 =	vld [tilespmem:s6+$0x21C0];
	[tilespmem:s6+$0xD0D0] =	vst v5  }
0x577: {  	[tilespmem:s6+$0xD0E0] =	vst v3;
	v5 =	vld.idx.msk [tilespmem:v7+s18+$0x0], $0xffff  }
0x578: {  	v3 =	vld.idx.msk [tilespmem:v6+s18+$0x0], $0xffff;
	[tilespmem:s6+$0xD0F0] =	vst v2  }
0x579: {  	[tilespmem:s6+$0xD340] =	vst v8;
	v2 =	vld.idx.msk [tilespmem:v4+s18+$0x0], $0xffff  }
0x57a: {  	v1 =	vld.idx.msk [tilespmem:v1+s23+$0x0], $0xffff;
	_ =	sdelay $0x1  }
0x57b: {  	v24 =	vshll.u32 v23, $0x4;
	[tilespmem:s6+$0xD150] =	vst v5  }
0x57c: {  	v25 =	vor.u32 v0, v24;
	[tilespmem:s6+$0xD160] =	vst v3;
	v26 =	vld.idx.msk [tilespmem:v7+s19+$0x0], $0xffff  }
0x57d: {  	v3 =	vld.idx.msk [tilespmem:v6+s19+$0x0], $0xffff;
	[tilespmem:s6+$0xD170] =	vst v2  }
0x57e: {  	[tilespmem:s6+$0xD3C0] =	vst v1;
	v1 =	vld.idx.msk [tilespmem:v4+s19+$0x0], $0xffff;
	_ =	sdelay $0x2  }
0x57f: {  	v2 =	vld.idx.msk [tilespmem:v25+s4+$0x0], $0xffff;
	[tilespmem:s6+$0xD1D0] =	vst v26  }
0x580: {  	[tilespmem:s6+$0xD1E0] =	vst v3;
	v8 =	vld.idx.msk [tilespmem:v7+s20+$0x0], $0xffff  }
0x581: {  	v3 =	vld.idx.msk [tilespmem:v6+s20+$0x0], $0xffff;
	[tilespmem:s6+$0xD1F0] =	vst v1  }
0x582: {  	v1 =	vld.idx.msk [tilespmem:v4+s20+$0x0], $0xffff;
	_ =	sdelay $0x1  }
0x583: {  	[tilespmem:s6+$0xE040] =	vst v2  }
0x584: {  	v2 =	vld.idx.msk [tilespmem:v25+s17+$0x0], $0xffff;
	[tilespmem:s6+$0xD250] =	vst v8  }
0x585: {  	[tilespmem:s6+$0xD260] =	vst v3;
	v8 =	vld.idx.msk [tilespmem:v7+s21+$0x0], $0xffff  }
0x586: {  	v3 =	vld.idx.msk [tilespmem:v6+s21+$0x0], $0xffff;
	[tilespmem:s6+$0xD270] =	vst v1  }
0x587: {  	v1 =	vld.idx.msk [tilespmem:v4+s21+$0x0], $0xffff  }
0x588: {  	v27 =	vld [tilespmem:s6+$0x21D0]  }
0x589: {  	v28 =	vld [tilespmem:s6+$0x21E0];
	[tilespmem:s6+$0xE0C0] =	vst v2  }
0x58a: {  	v2 =	vld.idx.msk [tilespmem:v25+s18+$0x0], $0xffff;
	[tilespmem:s6+$0xD2D0] =	vst v8  }
0x58b: {  	[tilespmem:s6+$0xD2E0] =	vst v3;
	v8 =	vld.idx.msk [tilespmem:v7+s22+$0x0], $0xffff  }
0x58c: {  	v3 =	vld.idx.msk [tilespmem:v6+s22+$0x0], $0xffff;
	[tilespmem:s6+$0xD2F0] =	vst v1  }
0x58d: {  	v1 =	vld.idx.msk [tilespmem:v4+s22+$0x0], $0xffff  }
0x58e: {  	v29 =	vld [tilespmem:s6+$0x21F0]  }
0x58f: {  	[tilespmem:s6+$0xE140] =	vst v2  }
0x590: {  	[tilespmem:s6+$0xD350] =	vst v8  }
0x591: {  	v9 =	vshll.u32 v27, $0x4;
	[tilespmem:s6+$0xD360] =	vst v3;
	v7 =	vld.idx.msk [tilespmem:v7+s23+$0x0], $0xffff  }
0x592: {  	v9 =	vor.u32 v0, v9;
	v3 =	vshll.u32 v28, $0x4;
	v2 =	vld.idx.msk [tilespmem:v6+s23+$0x0], $0xffff;
	[tilespmem:s6+$0xD370] =	vst v1  }
0x593: {  	v31 =	vshll.u32 v29, $0x4;
	v3 =	vor.u32 v0, v3;
	v1 =	vld.idx.msk [tilespmem:v4+s23+$0x0], $0xffff  }
0x594: {  	v4 =	vor.u32 v0, v31;
	_ =	sdelay $0x1  }
0x595: {  	[tilespmem:s6+$0xD3D0] =	vst v7  }
0x596: {  	[tilespmem:s6+$0xD3E0] =	vst v2;
	v7 =	vld.idx.msk [tilespmem:v9+s4+$0x0], $0xffff  }
0x597: {  	v2 =	vld.idx.msk [tilespmem:v3+s4+$0x0], $0xffff;
	[tilespmem:s6+$0xD3F0] =	vst v1  }
0x598: {  	v1 =	vld.idx.msk [tilespmem:v4+s4+$0x0], $0xffff;
	_ =	sdelay $0x2  }
0x599: {  	[tilespmem:s6+$0xE050] =	vst v7  }
0x59a: {  	[tilespmem:s6+$0xE060] =	vst v2;
	v7 =	vld.idx.msk [tilespmem:v9+s17+$0x0], $0xffff  }
0x59b: {  	v2 =	vld.idx.msk [tilespmem:v3+s17+$0x0], $0xffff;
	[tilespmem:s6+$0xE070] =	vst v1  }
0x59c: {  	v1 =	vld.idx.msk [tilespmem:v4+s17+$0x0], $0xffff;
	_ =	sdelay $0x2  }
0x59d: {  	[tilespmem:s6+$0xE0D0] =	vst v7  }
0x59e: {  	[tilespmem:s6+$0xE0E0] =	vst v2;
	v7 =	vld.idx.msk [tilespmem:v9+s18+$0x0], $0xffff  }
0x59f: {  	v2 =	vld.idx.msk [tilespmem:v3+s18+$0x0], $0xffff;
	[tilespmem:s6+$0xE0F0] =	vst v1  }
0x5a0: {  	v1 =	vld.idx.msk [tilespmem:v4+s18+$0x0], $0xffff;
	_ =	sdelay $0x2  }
0x5a1: {  	v30 =	vld.idx.msk [tilespmem:v25+s19+$0x0], $0xffff;
	[tilespmem:s6+$0xE150] =	vst v7  }
0x5a2: {  	[tilespmem:s6+$0xE160] =	vst v2;
	v7 =	vld.idx.msk [tilespmem:v9+s19+$0x0], $0xffff  }
0x5a3: {  	v2 =	vld.idx.msk [tilespmem:v3+s19+$0x0], $0xffff;
	[tilespmem:s6+$0xE170] =	vst v1  }
0x5a4: {  	v1 =	vld.idx.msk [tilespmem:v4+s19+$0x0], $0xffff;
	_ =	sdelay $0x1  }
0x5a5: {  	[tilespmem:s6+$0xE1C0] =	vst v30  }
0x5a6: {  	v6 =	vld.idx.msk [tilespmem:v25+s20+$0x0], $0xffff;
	[tilespmem:s6+$0xE1D0] =	vst v7  }
0x5a7: {  	[tilespmem:s6+$0xE1E0] =	vst v2;
	v7 =	vld.idx.msk [tilespmem:v9+s20+$0x0], $0xffff  }
0x5a8: {  	v2 =	vld.idx.msk [tilespmem:v3+s20+$0x0], $0xffff;
	[tilespmem:s6+$0xE1F0] =	vst v1  }
0x5a9: {  	v1 =	vld.idx.msk [tilespmem:v4+s20+$0x0], $0xffff;
	_ =	sdelay $0x1  }
0x5aa: {  	v32 =	vld [tilespmem:s6+$0x2240];
	[tilespmem:s6+$0xE240] =	vst v6  }
0x5ab: {  	v6 =	vld.idx.msk [tilespmem:v25+s21+$0x0], $0xffff;
	[tilespmem:s6+$0xE250] =	vst v7  }
0x5ac: {  	[tilespmem:s6+$0xE260] =	vst v2;
	v7 =	vld.idx.msk [tilespmem:v9+s21+$0x0], $0xffff  }
0x5ad: {  	v2 =	vld.idx.msk [tilespmem:v3+s21+$0x0], $0xffff;
	[tilespmem:s6+$0xE270] =	vst v1  }
0x5ae: {  	v1 =	vld.idx.msk [tilespmem:v4+s21+$0x0], $0xffff  }
0x5af: {  	v34 =	vld [tilespmem:s6+$0x2250]  }
0x5b0: {  	v35 =	vld [tilespmem:s6+$0x2260];
	[tilespmem:s6+$0xE2C0] =	vst v6  }
0x5b1: {  	v6 =	vld.idx.msk [tilespmem:v25+s22+$0x0], $0xffff;
	[tilespmem:s6+$0xE2D0] =	vst v7  }
0x5b2: {  	[tilespmem:s6+$0xE2E0] =	vst v2;
	v7 =	vld.idx.msk [tilespmem:v9+s22+$0x0], $0xffff  }
0x5b3: {  	v2 =	vld.idx.msk [tilespmem:v3+s22+$0x0], $0xffff;
	[tilespmem:s6+$0xE2F0] =	vst v1  }
0x5b4: {  	v1 =	vld.idx.msk [tilespmem:v4+s22+$0x0], $0xffff  }
0x5b5: {  	v36 =	vld [tilespmem:s6+$0x2270]  }
0x5b6: {  	[tilespmem:s6+$0xE340] =	vst v6  }
0x5b7: {  	v33 =	vshll.u32 v32, $0x4;
	v5 =	vld.idx.msk [tilespmem:v25+s23+$0x0], $0xffff;
	[tilespmem:s6+$0xE350] =	vst v7  }
0x5b8: {  	v8 =	vshll.u32 v34, $0x4;
	v6 =	vor.u32 v0, v33;
	[tilespmem:s6+$0xE360] =	vst v2;
	v9 =	vld.idx.msk [tilespmem:v9+s23+$0x0], $0xffff  }
0x5b9: {  	v8 =	vor.u32 v0, v8;
	v2 =	vld.idx.msk [tilespmem:v3+s23+$0x0], $0xffff;
	v3 =	vshll.u32 v35, $0x4;
	[tilespmem:s6+$0xE370] =	vst v1  }
0x5ba: {  	v37 =	vshll.u32 v36, $0x4;
	v3 =	vor.u32 v0, v3;
	v1 =	vld.idx.msk [tilespmem:v4+s23+$0x0], $0xffff  }
0x5bb: {  	v4 =	vor.u32 v0, v37  }
0x5bc: {  	[tilespmem:s6+$0xE3C0] =	vst v5  }
0x5bd: {  	v5 =	vld.idx.msk [tilespmem:v6+s4+$0x0], $0xffff;
	[tilespmem:s6+$0xE3D0] =	vst v9  }
0x5be: {  	[tilespmem:s6+$0xE3E0] =	vst v2;
	v38 =	vld.idx.msk [tilespmem:v8+s4+$0x0], $0xffff  }
0x5bf: {  	v2 =	vld.idx.msk [tilespmem:v3+s4+$0x0], $0xffff;
	[tilespmem:s6+$0xE3F0] =	vst v1  }
0x5c0: {  	v1 =	vld.idx.msk [tilespmem:v4+s4+$0x0], $0xffff;
	_ =	sdelay $0x1  }
0x5c1: {  	[tilespmem:s6+$0xF040] =	vst v5  }
0x5c2: {  	v5 =	vld.idx.msk [tilespmem:v6+s17+$0x0], $0xffff;
	[tilespmem:s6+$0xF050] =	vst v38  }
0x5c3: {  	[tilespmem:s6+$0xF060] =	vst v2;
	v7 =	vld.idx.msk [tilespmem:v8+s17+$0x0], $0xffff  }
0x5c4: {  	v2 =	vld.idx.msk [tilespmem:v3+s17+$0x0], $0xffff;
	[tilespmem:s6+$0xF070] =	vst v1  }
0x5c5: {  	v1 =	vld.idx.msk [tilespmem:v4+s17+$0x0], $0xffff;
	_ =	sdelay $0x1  }
0x5c6: {  	[tilespmem:s6+$0xF0C0] =	vst v5  }
0x5c7: {  	v5 =	vld.idx.msk [tilespmem:v6+s18+$0x0], $0xffff;
	[tilespmem:s6+$0xF0D0] =	vst v7  }
0x5c8: {  	[tilespmem:s6+$0xF0E0] =	vst v2;
	v7 =	vld.idx.msk [tilespmem:v8+s18+$0x0], $0xffff  }
0x5c9: {  	v2 =	vld.idx.msk [tilespmem:v3+s18+$0x0], $0xffff;
	[tilespmem:s6+$0xF0F0] =	vst v1  }
0x5ca: {  	v1 =	vld.idx.msk [tilespmem:v4+s18+$0x0], $0xffff;
	_ =	sdelay $0x1  }
0x5cb: {  	[tilespmem:s6+$0xF140] =	vst v5  }
0x5cc: {  	v5 =	vld.idx.msk [tilespmem:v6+s19+$0x0], $0xffff;
	[tilespmem:s6+$0xF150] =	vst v7  }
0x5cd: {  	[tilespmem:s6+$0xF160] =	vst v2;
	v7 =	vld.idx.msk [tilespmem:v8+s19+$0x0], $0xffff  }
0x5ce: {  	v2 =	vld.idx.msk [tilespmem:v3+s19+$0x0], $0xffff;
	[tilespmem:s6+$0xF170] =	vst v1  }
0x5cf: {  	v1 =	vld.idx.msk [tilespmem:v4+s19+$0x0], $0xffff;
	_ =	sdelay $0x1  }
0x5d0: {  	[tilespmem:s6+$0xF1C0] =	vst v5  }
0x5d1: {  	v5 =	vld.idx.msk [tilespmem:v6+s20+$0x0], $0xffff;
	[tilespmem:s6+$0xF1D0] =	vst v7  }
0x5d2: {  	[tilespmem:s6+$0xF1E0] =	vst v2;
	v7 =	vld.idx.msk [tilespmem:v8+s20+$0x0], $0xffff  }
0x5d3: {  	v2 =	vld.idx.msk [tilespmem:v3+s20+$0x0], $0xffff;
	[tilespmem:s6+$0xF1F0] =	vst v1  }
0x5d4: {  	v1 =	vld.idx.msk [tilespmem:v4+s20+$0x0], $0xffff;
	_ =	sdelay $0x1  }
0x5d5: {  	v39 =	vld [tilespmem:s6+$0x22C0];
	[tilespmem:s6+$0xF240] =	vst v5  }
0x5d6: {  	v5 =	vld.idx.msk [tilespmem:v6+s21+$0x0], $0xffff;
	[tilespmem:s6+$0xF250] =	vst v7  }
0x5d7: {  	[tilespmem:s6+$0xF260] =	vst v2;
	v7 =	vld.idx.msk [tilespmem:v8+s21+$0x0], $0xffff  }
0x5d8: {  	v2 =	vld.idx.msk [tilespmem:v3+s21+$0x0], $0xffff;
	[tilespmem:s6+$0xF270] =	vst v1  }
0x5d9: {  	v1 =	vld.idx.msk [tilespmem:v4+s21+$0x0], $0xffff  }
0x5da: {  	v41 =	vld [tilespmem:s6+$0x22D0]  }
0x5db: {  	v42 =	vld [tilespmem:s6+$0x22E0];
	[tilespmem:s6+$0xF2C0] =	vst v5  }
0x5dc: {  	v5 =	vld.idx.msk [tilespmem:v6+s22+$0x0], $0xffff;
	[tilespmem:s6+$0xF2D0] =	vst v7  }
0x5dd: {  	[tilespmem:s6+$0xF2E0] =	vst v2;
	v7 =	vld.idx.msk [tilespmem:v8+s22+$0x0], $0xffff  }
0x5de: {  	v2 =	vld.idx.msk [tilespmem:v3+s22+$0x0], $0xffff;
	[tilespmem:s6+$0xF2F0] =	vst v1  }
0x5df: {  	v1 =	vld.idx.msk [tilespmem:v4+s22+$0x0], $0xffff  }
0x5e0: {  	v43 =	vld [tilespmem:s6+$0x22F0]  }
0x5e1: {  	[tilespmem:s6+$0xF340] =	vst v5  }
0x5e2: {  	v40 =	vshll.u32 v39, $0x4;
	v5 =	vld.idx.msk [tilespmem:v6+s23+$0x0], $0xffff;
	[tilespmem:s6+$0xF350] =	vst v7  }
0x5e3: {  	v9 =	vshll.u32 v41, $0x4;
	v6 =	vor.u32 v0, v40;
	[tilespmem:s6+$0xF360] =	vst v2;
	v8 =	vld.idx.msk [tilespmem:v8+s23+$0x0], $0xffff  }
0x5e4: {  	v9 =	vor.u32 v0, v9;
	v2 =	vld.idx.msk [tilespmem:v3+s23+$0x0], $0xffff;
	v3 =	vshll.u32 v42, $0x4;
	[tilespmem:s6+$0xF370] =	vst v1  }
0x5e5: {  	v44 =	vshll.u32 v43, $0x4;
	v3 =	vor.u32 v0, v3;
	v1 =	vld.idx.msk [tilespmem:v4+s23+$0x0], $0xffff  }
0x5e6: {  	v4 =	vor.u32 v0, v44  }
0x5e7: {  	[tilespmem:s6+$0xF3C0] =	vst v5  }
0x5e8: {  	v5 =	vld.idx.msk [tilespmem:v6+s4+$0x0], $0xffff;
	[tilespmem:s6+$0xF3D0] =	vst v8  }
0x5e9: {  	[tilespmem:s6+$0xF3E0] =	vst v2;
	v45 =	vld.idx.msk [tilespmem:v9+s4+$0x0], $0xffff  }
0x5ea: {  	v2 =	vld.idx.msk [tilespmem:v3+s4+$0x0], $0xffff;
	[tilespmem:s6+$0xF3F0] =	vst v1  }
0x5eb: {  	v1 =	vld.idx.msk [tilespmem:v4+s4+$0x0], $0xffff;
	_ =	sdelay $0x1  }
0x5ec: {  	[tilespmem:s6+$0x10040] =	vst v5  }
0x5ed: {  	v5 =	vld.idx.msk [tilespmem:v6+s17+$0x0], $0xffff;
	[tilespmem:s6+$0x10050] =	vst v45  }
0x5ee: {  	[tilespmem:s6+$0x10060] =	vst v2;
	v7 =	vld.idx.msk [tilespmem:v9+s17+$0x0], $0xffff  }
0x5ef: {  	v2 =	vld.idx.msk [tilespmem:v3+s17+$0x0], $0xffff;
	[tilespmem:s6+$0x10070] =	vst v1  }
0x5f0: {  	v1 =	vld.idx.msk [tilespmem:v4+s17+$0x0], $0xffff;
	_ =	sdelay $0x1  }
0x5f1: {  	[tilespmem:s6+$0x100C0] =	vst v5  }
0x5f2: {  	v5 =	vld.idx.msk [tilespmem:v6+s18+$0x0], $0xffff;
	[tilespmem:s6+$0x100D0] =	vst v7  }
0x5f3: {  	[tilespmem:s6+$0x100E0] =	vst v2;
	v7 =	vld.idx.msk [tilespmem:v9+s18+$0x0], $0xffff  }
0x5f4: {  	v2 =	vld.idx.msk [tilespmem:v3+s18+$0x0], $0xffff;
	[tilespmem:s6+$0x100F0] =	vst v1  }
0x5f5: {  	v1 =	vld.idx.msk [tilespmem:v4+s18+$0x0], $0xffff;
	_ =	sdelay $0x1  }
0x5f6: {  	[tilespmem:s6+$0x10140] =	vst v5  }
0x5f7: {  	v5 =	vld.idx.msk [tilespmem:v6+s19+$0x0], $0xffff;
	[tilespmem:s6+$0x10150] =	vst v7  }
0x5f8: {  	[tilespmem:s6+$0x10160] =	vst v2;
	v7 =	vld.idx.msk [tilespmem:v9+s19+$0x0], $0xffff  }
0x5f9: {  	v2 =	vld.idx.msk [tilespmem:v3+s19+$0x0], $0xffff;
	[tilespmem:s6+$0x10170] =	vst v1  }
0x5fa: {  	v1 =	vld.idx.msk [tilespmem:v4+s19+$0x0], $0xffff;
	_ =	sdelay $0x1  }
0x5fb: {  	[tilespmem:s6+$0x101C0] =	vst v5  }
0x5fc: {  	v5 =	vld.idx.msk [tilespmem:v6+s20+$0x0], $0xffff;
	[tilespmem:s6+$0x101D0] =	vst v7  }
0x5fd: {  	[tilespmem:s6+$0x101E0] =	vst v2;
	v7 =	vld.idx.msk [tilespmem:v9+s20+$0x0], $0xffff  }
0x5fe: {  	v2 =	vld.idx.msk [tilespmem:v3+s20+$0x0], $0xffff;
	[tilespmem:s6+$0x101F0] =	vst v1  }
0x5ff: {  	v1 =	vld.idx.msk [tilespmem:v4+s20+$0x0], $0xffff;
	_ =	sdelay $0x1  }
0x600: {  	v46 =	vld [tilespmem:s6+$0x2340];
	[tilespmem:s6+$0x10240] =	vst v5  }
0x601: {  	v5 =	vld.idx.msk [tilespmem:v6+s21+$0x0], $0xffff;
	[tilespmem:s6+$0x10250] =	vst v7  }
0x602: {  	[tilespmem:s6+$0x10260] =	vst v2;
	v7 =	vld.idx.msk [tilespmem:v9+s21+$0x0], $0xffff  }
0x603: {  	v2 =	vld.idx.msk [tilespmem:v3+s21+$0x0], $0xffff;
	[tilespmem:s6+$0x10270] =	vst v1  }
0x604: {  	v1 =	vld.idx.msk [tilespmem:v4+s21+$0x0], $0xffff  }
0x605: {  	v48 =	vld [tilespmem:s6+$0x2350]  }
0x606: {  	v49 =	vld [tilespmem:s6+$0x2360];
	[tilespmem:s6+$0x102C0] =	vst v5  }
0x607: {  	v5 =	vld.idx.msk [tilespmem:v6+s22+$0x0], $0xffff;
	[tilespmem:s6+$0x102D0] =	vst v7  }
0x608: {  	[tilespmem:s6+$0x102E0] =	vst v2;
	v47 =	vld.idx.msk [tilespmem:v9+s22+$0x0], $0xffff  }
0x609: {  	v2 =	vld.idx.msk [tilespmem:v3+s22+$0x0], $0xffff;
	[tilespmem:s6+$0x102F0] =	vst v1  }
0x60a: {  	v50 =	vld.idx.msk [tilespmem:v4+s22+$0x0], $0xffff  }
0x60b: {  	v51 =	vld [tilespmem:s6+$0x2370]  }
0x60c: {  	[tilespmem:s6+$0x10340] =	vst v5  }
0x60d: {  	v8 =	vshll.u32 v46, $0x4;
	v5 =	vld.idx.msk [tilespmem:v6+s23+$0x0], $0xffff;
	[tilespmem:s6+$0x10350] =	vst v47  }
0x60e: {  	v7 =	vshll.u32 v48, $0x4;
	v1 =	vor.u32 v0, v8;
	[tilespmem:s6+$0x10360] =	vst v2;
	v9 =	vld.idx.msk [tilespmem:v9+s23+$0x0], $0xffff  }
0x60f: {  	v7 =	vor.u32 v0, v7;
	v2 =	vld.idx.msk [tilespmem:v3+s23+$0x0], $0xffff;
	v3 =	vshll.u32 v49, $0x4;
	[tilespmem:s6+$0x10370] =	vst v50  }
0x610: {  	v6 =	vshll.u32 v51, $0x4;
	v3 =	vor.u32 v0, v3;
	v4 =	vld.idx.msk [tilespmem:v4+s23+$0x0], $0xffff  }
0x611: {  	v6 =	vor.u32 v0, v6  }
0x612: {  	[tilespmem:s6+$0x103C0] =	vst v5  }
0x613: {  	v5 =	vld.idx.msk [tilespmem:v1+s4+$0x0], $0xffff;
	[tilespmem:s6+$0x103D0] =	vst v9  }
0x614: {  	[tilespmem:s6+$0x103E0] =	vst v2;
	v52 =	vld.idx.msk [tilespmem:v7+s4+$0x0], $0xffff  }
0x615: {  	v2 =	vld.idx.msk [tilespmem:v3+s4+$0x0], $0xffff;
	[tilespmem:s6+$0x103F0] =	vst v4  }
0x616: {  	v4 =	vld.idx.msk [tilespmem:v6+s4+$0x0], $0xffff;
	_ =	sdelay $0x1  }
0x617: {  	[tilespmem:s6+$0x11040] =	vst v5  }
0x618: {  	v5 =	vld.idx.msk [tilespmem:v1+s17+$0x0], $0xffff;
	[tilespmem:s6+$0x11050] =	vst v52  }
0x619: {  	[tilespmem:s6+$0x11060] =	vst v2;
	v8 =	vld.idx.msk [tilespmem:v7+s17+$0x0], $0xffff  }
0x61a: {  	v2 =	vld.idx.msk [tilespmem:v3+s17+$0x0], $0xffff;
	[tilespmem:s6+$0x11070] =	vst v4  }
0x61b: {  	v4 =	vld.idx.msk [tilespmem:v6+s17+$0x0], $0xffff;
	_ =	sdelay $0x1  }
0x61c: {  	[tilespmem:s6+$0x110C0] =	vst v5  }
0x61d: {  	v5 =	vld.idx.msk [tilespmem:v1+s18+$0x0], $0xffff;
	[tilespmem:s6+$0x110D0] =	vst v8  }
0x61e: {  	[tilespmem:s6+$0x110E0] =	vst v2;
	v8 =	vld.idx.msk [tilespmem:v7+s18+$0x0], $0xffff  }
0x61f: {  	v2 =	vld.idx.msk [tilespmem:v3+s18+$0x0], $0xffff;
	[tilespmem:s6+$0x110F0] =	vst v4  }
0x620: {  	v4 =	vld.idx.msk [tilespmem:v6+s18+$0x0], $0xffff;
	_ =	sdelay $0x1  }
0x621: {  	[tilespmem:s6+$0x11140] =	vst v5  }
0x622: {  	v5 =	vld.idx.msk [tilespmem:v1+s19+$0x0], $0xffff;
	[tilespmem:s6+$0x11150] =	vst v8  }
0x623: {  	[tilespmem:s6+$0x11160] =	vst v2;
	v8 =	vld.idx.msk [tilespmem:v7+s19+$0x0], $0xffff  }
0x624: {  	v2 =	vld.idx.msk [tilespmem:v3+s19+$0x0], $0xffff;
	[tilespmem:s6+$0x11170] =	vst v4  }
0x625: {  	v4 =	vld.idx.msk [tilespmem:v6+s19+$0x0], $0xffff;
	_ =	sdelay $0x1  }
0x626: {  	[tilespmem:s6+$0x111C0] =	vst v5  }
0x627: {  	v5 =	vld.idx.msk [tilespmem:v1+s20+$0x0], $0xffff;
	[tilespmem:s6+$0x111D0] =	vst v8  }
0x628: {  	[tilespmem:s6+$0x111E0] =	vst v2;
	v8 =	vld.idx.msk [tilespmem:v7+s20+$0x0], $0xffff  }
0x629: {  	v2 =	vld.idx.msk [tilespmem:v3+s20+$0x0], $0xffff;
	[tilespmem:s6+$0x111F0] =	vst v4  }
0x62a: {  	v4 =	vld.idx.msk [tilespmem:v6+s20+$0x0], $0xffff;
	_ =	sdelay $0x1  }
0x62b: {  	v53 =	vld [tilespmem:s6+$0x23C0];
	[tilespmem:s6+$0x11240] =	vst v5  }
0x62c: {  	v5 =	vld.idx.msk [tilespmem:v1+s21+$0x0], $0xffff;
	[tilespmem:s6+$0x11250] =	vst v8  }
0x62d: {  	[tilespmem:s6+$0x11260] =	vst v2;
	v8 =	vld.idx.msk [tilespmem:v7+s21+$0x0], $0xffff  }
0x62e: {  	v2 =	vld.idx.msk [tilespmem:v3+s21+$0x0], $0xffff;
	[tilespmem:s6+$0x11270] =	vst v4  }
0x62f: {  	v4 =	vld.idx.msk [tilespmem:v6+s21+$0x0], $0xffff  }
0x630: {  	v54 =	vld [tilespmem:s6+$0x23D0]  }
0x631: {  	v55 =	vld [tilespmem:s6+$0x23E0];
	[tilespmem:s6+$0x112C0] =	vst v5  }
0x632: {  	v5 =	vld.idx.msk [tilespmem:v1+s22+$0x0], $0xffff;
	[tilespmem:s6+$0x112D0] =	vst v8  }
0x633: {  	[tilespmem:s6+$0x112E0] =	vst v2;
	v8 =	vld.idx.msk [tilespmem:v7+s22+$0x0], $0xffff  }
0x634: {  	v2 =	vld.idx.msk [tilespmem:v3+s22+$0x0], $0xffff;
	[tilespmem:s6+$0x112F0] =	vst v4  }
0x635: {  	v4 =	vld.idx.msk [tilespmem:v6+s22+$0x0], $0xffff  }
0x636: {  	v56 =	vld [tilespmem:s6+$0x23F0]  }
0x637: {  	[tilespmem:s6+$0x11340] =	vst v5  }
0x638: {  	v57 =	vshll.u32 v53, $0x4;
	v1 =	vld.idx.msk [tilespmem:v1+s23+$0x0], $0xffff;
	[tilespmem:s6+$0x11350] =	vst v8  }
0x639: {  	v59 =	vshll.u32 v54, $0x4;
	[tilespmem:s6+$0x11360] =	vst v2;
	v2 =	vor.u32 v0, v57;
	v58 =	vld.idx.msk [tilespmem:v7+s23+$0x0], $0xffff  }
0x63a: {  	v61 =	vshll.u32 v55, $0x4;
	v60 =	vor.u32 v0, v59;
	v3 =	vld.idx.msk [tilespmem:v3+s23+$0x0], $0xffff;
	[tilespmem:s6+$0x11370] =	vst v4  }
0x63b: {  	v62 =	vshll.u32 v56, $0x4;
	v7 =	vor.u32 v0, v61;
	v6 =	vld.idx.msk [tilespmem:v6+s23+$0x0], $0xffff  }
0x63c: {  	v8 =	vor.u32 v0, v62  }
0x63d: {  	[tilespmem:s6+$0x113C0] =	vst v1  }
0x63e: {  	v1 =	vld.idx.msk [tilespmem:v2+s4+$0x0], $0xffff;
	[tilespmem:s6+$0x113D0] =	vst v58  }
0x63f: {  	[tilespmem:s6+$0x113E0] =	vst v3;
	v5 =	vld.idx.msk [tilespmem:v60+s4+$0x0], $0xffff  }
0x640: {  	v3 =	vld.idx.msk [tilespmem:v7+s4+$0x0], $0xffff;
	[tilespmem:s6+$0x113F0] =	vst v6  }
0x641: {  	v6 =	vld.idx.msk [tilespmem:v8+s4+$0x0], $0xffff;
	_ =	sdelay $0x1  }
0x642: {  	[tilespmem:s6+$0x12040] =	vst v1  }
0x643: {  	v1 =	vld.idx.msk [tilespmem:v2+s17+$0x0], $0xffff;
	[tilespmem:s6+$0x12050] =	vst v5  }
0x644: {  	[tilespmem:s6+$0x12060] =	vst v3;
	v5 =	vld.idx.msk [tilespmem:v60+s17+$0x0], $0xffff  }
0x645: {  	v3 =	vld.idx.msk [tilespmem:v7+s17+$0x0], $0xffff;
	[tilespmem:s6+$0x12070] =	vst v6  }
0x646: {  	v6 =	vld.idx.msk [tilespmem:v8+s17+$0x0], $0xffff;
	_ =	sdelay $0x1  }
0x647: {  	[tilespmem:s6+$0x120C0] =	vst v1  }
0x648: {  	v1 =	vld.idx.msk [tilespmem:v2+s18+$0x0], $0xffff;
	[tilespmem:s6+$0x120D0] =	vst v5  }
0x649: {  	[tilespmem:s6+$0x120E0] =	vst v3;
	v5 =	vld.idx.msk [tilespmem:v60+s18+$0x0], $0xffff  }
0x64a: {  	v3 =	vld.idx.msk [tilespmem:v7+s18+$0x0], $0xffff;
	[tilespmem:s6+$0x120F0] =	vst v6  }
0x64b: {  	v6 =	vld.idx.msk [tilespmem:v8+s18+$0x0], $0xffff;
	_ =	sdelay $0x1  }
0x64c: {  	[tilespmem:s6+$0x12140] =	vst v1  }
0x64d: {  	v1 =	vld.idx.msk [tilespmem:v2+s19+$0x0], $0xffff;
	[tilespmem:s6+$0x12150] =	vst v5  }
0x64e: {  	[tilespmem:s6+$0x12160] =	vst v3;
	v5 =	vld.idx.msk [tilespmem:v60+s19+$0x0], $0xffff  }
0x64f: {  	v3 =	vld.idx.msk [tilespmem:v7+s19+$0x0], $0xffff;
	[tilespmem:s6+$0x12170] =	vst v6  }
0x650: {  	v6 =	vld.idx.msk [tilespmem:v8+s19+$0x0], $0xffff;
	_ =	sdelay $0x1  }
0x651: {  	[tilespmem:s6+$0x121C0] =	vst v1  }
0x652: {  	v1 =	vld.idx.msk [tilespmem:v2+s20+$0x0], $0xffff;
	[tilespmem:s6+$0x121D0] =	vst v5  }
0x653: {  	[tilespmem:s6+$0x121E0] =	vst v3;
	v5 =	vld.idx.msk [tilespmem:v60+s20+$0x0], $0xffff  }
0x654: {  	v3 =	vld.idx.msk [tilespmem:v7+s20+$0x0], $0xffff;
	[tilespmem:s6+$0x121F0] =	vst v6  }
0x655: {  	v6 =	vld.idx.msk [tilespmem:v8+s20+$0x0], $0xffff;
	_ =	sdelay $0x1  }
0x656: {  	[tilespmem:s6+$0x12240] =	vst v1  }
0x657: {  	v1 =	vld.idx.msk [tilespmem:v2+s21+$0x0], $0xffff;
	[tilespmem:s6+$0x12250] =	vst v5  }
0x658: {  	[tilespmem:s6+$0x12260] =	vst v3;
	v5 =	vld.idx.msk [tilespmem:v60+s21+$0x0], $0xffff  }
0x659: {  	v3 =	vld.idx.msk [tilespmem:v7+s21+$0x0], $0xffff;
	[tilespmem:s6+$0x12270] =	vst v6  }
0x65a: {  	v6 =	vld.idx.msk [tilespmem:v8+s21+$0x0], $0xffff;
	_ =	sdelay $0x1  }
0x65b: {  	[tilespmem:s6+$0x122C0] =	vst v1  }
0x65c: {  	v1 =	vld.idx.msk [tilespmem:v2+s22+$0x0], $0xffff;
	[tilespmem:s6+$0x122D0] =	vst v5  }
0x65d: {  	[tilespmem:s6+$0x122E0] =	vst v3;
	v5 =	vld.idx.msk [tilespmem:v60+s22+$0x0], $0xffff  }
0x65e: {  	v3 =	vld.idx.msk [tilespmem:v7+s22+$0x0], $0xffff;
	[tilespmem:s6+$0x122F0] =	vst v6  }
0x65f: {  	v6 =	vld.idx.msk [tilespmem:v8+s22+$0x0], $0xffff;
	_ =	sdelay $0x1  }
0x660: {  	[tilespmem:s6+$0x12340] =	vst v1  }
0x661: {  	v1 =	vld.idx.msk [tilespmem:v2+s23+$0x0], $0xffff;
	[tilespmem:s6+$0x12350] =	vst v5  }
0x662: {  	[tilespmem:s6+$0x12360] =	vst v3;
	v2 =	vld.idx.msk [tilespmem:v60+s23+$0x0], $0xffff  }
0x663: {  	v3 =	vld.idx.msk [tilespmem:v7+s23+$0x0], $0xffff;
	[tilespmem:s6+$0x12370] =	vst v6  }
0x664: {  	p0 =	slt.u32 s16, $0x18;
	v63 =	vld.idx.msk [tilespmem:v8+s23+$0x0], $0xffff  }
.Ltmp1:
0x665: {  	_ = 	snop;
	(pc) =	sbr.rel @p0 .LBB2_5-.Ltmp1, $4  }
0x666: {  	[tilespmem:s6+$0x123C0] =	vst v1  }
0x667: {  	[tilespmem:s6+$0x123D0] =	vst v2  }
0x668: {  	[tilespmem:s6+$0x123E0] =	vst v3  }
0x669: {  	s16 =	sadd.s32 $0x8, s16;
	[tilespmem:s6+$0x123F0] =	vst v63  }
0x66a: {  	s6 =	sshll.u32 s0, $0x15  }
0x66b: {  	s6 =	sor.u32 s5, s6  }
0x66c: {  	s6 =	sshrl.u32 s6, $0x3  }
0x66d: {  	p0 =	seq.s32 s0, $0xB;
	s6 =	sadd.s32 s6, s11  }
0x66e: {  	[hbm4b:s6+s14] =	stream.strided.scatter [tilespmem:s28], [sflag:$0x4], $0x8000, s24, s14, $0x38;
	[tilespmem:$0x13000] =	vst v63  }
0x66f: {  	s6 =	sshll.u32 @!p0 s0, $0x12  }
0x670: {  	_ =	swait.ge [sflag:s15], $0x1000;
	s6 =	sadd.s32 @!p0 s10, s6  }
0x671: {  	s16 =	simm.s32 @!p0 $0x0;
	[sflag:s15] =	ssyncset.done $0x0;
	s6 =	sshrl.u32 @!p0 s6, $0x3  }
0x672: {  	s8 =	simm.s32 @!p0 $0x2000;
	[sflag:s15] =	ssyncadd.s32 $0xFFFFF000;
	s6 =	sadd.s32 @!p0 s2, s6  }
0x673: {  	[tilespmem:s8], [sflag:$0x2] =	stream.linear.gather @!p0 [hbm4b:s6+s16], $0x1000, $0x38;
	[tilespmem:$0x13000] =	vst v63  }
0x674: {  	_ =	swait.ge [sflag:s29], $0x8000  }
0x675: {  	[sflag:s29] =	ssyncset.done $0x0  }
0x676: {  	s16 =	simm.s32 $0x0;
	[sflag:s29] =	ssyncadd.s32 $0xFFFF8000  }
.LBB2_7:
0x677: {  	s6 =	sshll.u32 s16, $0x7  }
0x678: {  	v1 =	vld [tilespmem:s6+$0x1000];
	_ =	sdelay $0x4  }
0x679: {  	v1 =	vshll.u32 v1, $0x4  }
0x67a: {  	v1 =	vor.u32 v0, v1;
	_ =	sdelay $0x4  }
0x67b: {  	v2 =	vld.idx.msk [tilespmem:v1+s4+$0x0], $0xffff;
	_ =	sdelay $0x4  }
0x67c: {  	[tilespmem:s6+$0x3000] =	vst v2  }
0x67d: {  	v2 =	vld.idx.msk [tilespmem:v1+s17+$0x0], $0xffff;
	_ =	sdelay $0x4  }
0x67e: {  	[tilespmem:s6+$0x3080] =	vst v2  }
0x67f: {  	v2 =	vld.idx.msk [tilespmem:v1+s18+$0x0], $0xffff;
	_ =	sdelay $0x4  }
0x680: {  	[tilespmem:s6+$0x3100] =	vst v2  }
0x681: {  	v2 =	vld.idx.msk [tilespmem:v1+s19+$0x0], $0xffff;
	_ =	sdelay $0x4  }
0x682: {  	[tilespmem:s6+$0x3180] =	vst v2  }
0x683: {  	v2 =	vld.idx.msk [tilespmem:v1+s20+$0x0], $0xffff;
	_ =	sdelay $0x4  }
0x684: {  	[tilespmem:s6+$0x3200] =	vst v2  }
0x685: {  	v2 =	vld.idx.msk [tilespmem:v1+s21+$0x0], $0xffff;
	_ =	sdelay $0x4  }
0x686: {  	[tilespmem:s6+$0x3280] =	vst v2  }
0x687: {  	v2 =	vld.idx.msk [tilespmem:v1+s22+$0x0], $0xffff  }
0x688: {  	v3 =	vld [tilespmem:s6+$0x1080];
	_ =	sdelay $0x3  }
0x689: {  	[tilespmem:s6+$0x3300] =	vst v2  }
0x68a: {  	v2 =	vshll.u32 v3, $0x4;
	v1 =	vld.idx.msk [tilespmem:v1+s23+$0x0], $0xffff  }
0x68b: {  	v2 =	vor.u32 v0, v2;
	_ =	sdelay $0x3  }
0x68c: {  	[tilespmem:s6+$0x3380] =	vst v1  }
0x68d: {  	v1 =	vld.idx.msk [tilespmem:v2+s4+$0x0], $0xffff;
	_ =	sdelay $0x4  }
0x68e: {  	[tilespmem:s6+$0x4000] =	vst v1  }
0x68f: {  	v1 =	vld.idx.msk [tilespmem:v2+s17+$0x0], $0xffff;
	_ =	sdelay $0x4  }
0x690: {  	[tilespmem:s6+$0x4080] =	vst v1  }
0x691: {  	v1 =	vld.idx.msk [tilespmem:v2+s18+$0x0], $0xffff;
	_ =	sdelay $0x4  }
0x692: {  	[tilespmem:s6+$0x4100] =	vst v1  }
0x693: {  	v1 =	vld.idx.msk [tilespmem:v2+s19+$0x0], $0xffff;
	_ =	sdelay $0x4  }
0x694: {  	[tilespmem:s6+$0x4180] =	vst v1  }
0x695: {  	v1 =	vld.idx.msk [tilespmem:v2+s20+$0x0], $0xffff;
	_ =	sdelay $0x4  }
0x696: {  	[tilespmem:s6+$0x4200] =	vst v1  }
0x697: {  	v1 =	vld.idx.msk [tilespmem:v2+s21+$0x0], $0xffff;
	_ =	sdelay $0x4  }
0x698: {  	[tilespmem:s6+$0x4280] =	vst v1  }
0x699: {  	v1 =	vld.idx.msk [tilespmem:v2+s22+$0x0], $0xffff  }
0x69a: {  	v3 =	vld [tilespmem:s6+$0x1100];
	_ =	sdelay $0x3  }
0x69b: {  	[tilespmem:s6+$0x4300] =	vst v1  }
0x69c: {  	v1 =	vld.idx.msk [tilespmem:v2+s23+$0x0], $0xffff;
	v2 =	vshll.u32 v3, $0x4  }
0x69d: {  	v2 =	vor.u32 v0, v2;
	_ =	sdelay $0x3  }
0x69e: {  	[tilespmem:s6+$0x4380] =	vst v1  }
0x69f: {  	v1 =	vld.idx.msk [tilespmem:v2+s4+$0x0], $0xffff;
	_ =	sdelay $0x4  }
0x6a0: {  	[tilespmem:s6+$0x5000] =	vst v1  }
0x6a1: {  	v1 =	vld.idx.msk [tilespmem:v2+s17+$0x0], $0xffff;
	_ =	sdelay $0x4  }
0x6a2: {  	[tilespmem:s6+$0x5080] =	vst v1  }
0x6a3: {  	v1 =	vld.idx.msk [tilespmem:v2+s18+$0x0], $0xffff;
	_ =	sdelay $0x4  }
0x6a4: {  	[tilespmem:s6+$0x5100] =	vst v1  }
0x6a5: {  	v1 =	vld.idx.msk [tilespmem:v2+s19+$0x0], $0xffff;
	_ =	sdelay $0x4  }
0x6a6: {  	[tilespmem:s6+$0x5180] =	vst v1  }
0x6a7: {  	v1 =	vld.idx.msk [tilespmem:v2+s20+$0x0], $0xffff;
	_ =	sdelay $0x4  }
0x6a8: {  	[tilespmem:s6+$0x5200] =	vst v1  }
0x6a9: {  	v1 =	vld.idx.msk [tilespmem:v2+s21+$0x0], $0xffff;
	_ =	sdelay $0x4  }
0x6aa: {  	[tilespmem:s6+$0x5280] =	vst v1  }
0x6ab: {  	v1 =	vld.idx.msk [tilespmem:v2+s22+$0x0], $0xffff  }
0x6ac: {  	v3 =	vld [tilespmem:s6+$0x1180];
	_ =	sdelay $0x3  }
0x6ad: {  	[tilespmem:s6+$0x5300] =	vst v1  }
0x6ae: {  	v1 =	vld.idx.msk [tilespmem:v2+s23+$0x0], $0xffff;
	v2 =	vshll.u32 v3, $0x4  }
0x6af: {  	v2 =	vor.u32 v0, v2;
	_ =	sdelay $0x3  }
0x6b0: {  	[tilespmem:s6+$0x5380] =	vst v1  }
0x6b1: {  	v1 =	vld.idx.msk [tilespmem:v2+s4+$0x0], $0xffff;
	_ =	sdelay $0x4  }
0x6b2: {  	[tilespmem:s6+$0x6000] =	vst v1  }
0x6b3: {  	v1 =	vld.idx.msk [tilespmem:v2+s17+$0x0], $0xffff;
	_ =	sdelay $0x4  }
0x6b4: {  	[tilespmem:s6+$0x6080] =	vst v1  }
0x6b5: {  	v1 =	vld.idx.msk [tilespmem:v2+s18+$0x0], $0xffff;
	_ =	sdelay $0x4  }
0x6b6: {  	[tilespmem:s6+$0x6100] =	vst v1  }
0x6b7: {  	v1 =	vld.idx.msk [tilespmem:v2+s19+$0x0], $0xffff;
	_ =	sdelay $0x4  }
0x6b8: {  	[tilespmem:s6+$0x6180] =	vst v1  }
0x6b9: {  	v1 =	vld.idx.msk [tilespmem:v2+s20+$0x0], $0xffff;
	_ =	sdelay $0x4  }
0x6ba: {  	[tilespmem:s6+$0x6200] =	vst v1  }
0x6bb: {  	v1 =	vld.idx.msk [tilespmem:v2+s21+$0x0], $0xffff;
	_ =	sdelay $0x4  }
0x6bc: {  	[tilespmem:s6+$0x6280] =	vst v1  }
0x6bd: {  	v1 =	vld.idx.msk [tilespmem:v2+s22+$0x0], $0xffff  }
0x6be: {  	v3 =	vld [tilespmem:s6+$0x1200];
	_ =	sdelay $0x3  }
0x6bf: {  	[tilespmem:s6+$0x6300] =	vst v1  }
0x6c0: {  	v1 =	vld.idx.msk [tilespmem:v2+s23+$0x0], $0xffff;
	v2 =	vshll.u32 v3, $0x4  }
0x6c1: {  	v2 =	vor.u32 v0, v2;
	_ =	sdelay $0x3  }
0x6c2: {  	[tilespmem:s6+$0x6380] =	vst v1  }
0x6c3: {  	v1 =	vld.idx.msk [tilespmem:v2+s4+$0x0], $0xffff;
	_ =	sdelay $0x4  }
0x6c4: {  	[tilespmem:s6+$0x7000] =	vst v1  }
0x6c5: {  	v1 =	vld.idx.msk [tilespmem:v2+s17+$0x0], $0xffff;
	_ =	sdelay $0x4  }
0x6c6: {  	[tilespmem:s6+$0x7080] =	vst v1  }
0x6c7: {  	v1 =	vld.idx.msk [tilespmem:v2+s18+$0x0], $0xffff;
	_ =	sdelay $0x4  }
0x6c8: {  	[tilespmem:s6+$0x7100] =	vst v1  }
0x6c9: {  	v1 =	vld.idx.msk [tilespmem:v2+s19+$0x0], $0xffff;
	_ =	sdelay $0x4  }
0x6ca: {  	[tilespmem:s6+$0x7180] =	vst v1  }
0x6cb: {  	v1 =	vld.idx.msk [tilespmem:v2+s20+$0x0], $0xffff;
	_ =	sdelay $0x4  }
0x6cc: {  	[tilespmem:s6+$0x7200] =	vst v1  }
0x6cd: {  	v1 =	vld.idx.msk [tilespmem:v2+s21+$0x0], $0xffff;
	_ =	sdelay $0x4  }
0x6ce: {  	[tilespmem:s6+$0x7280] =	vst v1  }
0x6cf: {  	v1 =	vld.idx.msk [tilespmem:v2+s22+$0x0], $0xffff  }
0x6d0: {  	v3 =	vld [tilespmem:s6+$0x1280];
	_ =	sdelay $0x3  }
0x6d1: {  	[tilespmem:s6+$0x7300] =	vst v1  }
0x6d2: {  	v1 =	vshll.u32 v3, $0x4;
	v2 =	vld.idx.msk [tilespmem:v2+s23+$0x0], $0xffff  }
0x6d3: {  	v1 =	vor.u32 v0, v1;
	_ =	sdelay $0x3  }
0x6d4: {  	[tilespmem:s6+$0x7380] =	vst v2  }
0x6d5: {  	v2 =	vld.idx.msk [tilespmem:v1+s4+$0x0], $0xffff;
	_ =	sdelay $0x4  }
0x6d6: {  	[tilespmem:s6+$0x8000] =	vst v2  }
0x6d7: {  	v2 =	vld.idx.msk [tilespmem:v1+s17+$0x0], $0xffff  }
0x6d8: {  	v3 =	vld [tilespmem:s6+$0x1010];
	_ =	sdelay $0x4  }
0x6d9: {  	v3 =	vshll.u32 v3, $0x4  }
0x6da: {  	v3 =	vor.u32 v0, v3  }
0x6db: {  	v4 =	vld [tilespmem:s6+$0x1020];
	_ =	sdelay $0x2  }
0x6dc: {  	v5 =	vld [tilespmem:s6+$0x1030]  }
0x6dd: {  	v6 =	vld.idx.msk [tilespmem:v3+s4+$0x0], $0xffff  }
0x6de: {  	v4 =	vshll.u32 v4, $0x4  }
0x6df: {  	v4 =	vor.u32 v0, v4;
	_ =	sdelay $0x1  }
0x6e0: {  	v5 =	vshll.u32 v5, $0x4  }
0x6e1: {  	v5 =	vor.u32 v0, v5;
	[tilespmem:s6+$0x3010] =	vst v6  }
0x6e2: {  	v6 =	vld.idx.msk [tilespmem:v3+s17+$0x0], $0xffff  }
0x6e3: {  	v7 =	vld.idx.msk [tilespmem:v4+s4+$0x0], $0xffff;
	_ =	sdelay $0x2  }
0x6e4: {  	v8 =	vld.idx.msk [tilespmem:v5+s4+$0x0], $0xffff  }
0x6e5: {  	[tilespmem:s6+$0x3090] =	vst v6  }
0x6e6: {  	[tilespmem:s6+$0x3020] =	vst v7;
	v6 =	vld.idx.msk [tilespmem:v3+s18+$0x0], $0xffff  }
0x6e7: {  	v7 =	vld.idx.msk [tilespmem:v4+s17+$0x0], $0xffff;
	_ =	sdelay $0x1  }
0x6e8: {  	[tilespmem:s6+$0x3030] =	vst v8  }
0x6e9: {  	v8 =	vld.idx.msk [tilespmem:v5+s17+$0x0], $0xffff  }
0x6ea: {  	[tilespmem:s6+$0x3110] =	vst v6  }
0x6eb: {  	[tilespmem:s6+$0x30A0] =	vst v7;
	v6 =	vld.idx.msk [tilespmem:v3+s19+$0x0], $0xffff  }
0x6ec: {  	v7 =	vld.idx.msk [tilespmem:v4+s18+$0x0], $0xffff;
	_ =	sdelay $0x1  }
0x6ed: {  	[tilespmem:s6+$0x30B0] =	vst v8  }
0x6ee: {  	v8 =	vld.idx.msk [tilespmem:v5+s18+$0x0], $0xffff  }
0x6ef: {  	[tilespmem:s6+$0x3190] =	vst v6  }
0x6f0: {  	[tilespmem:s6+$0x3120] =	vst v7;
	v6 =	vld.idx.msk [tilespmem:v3+s20+$0x0], $0xffff  }
0x6f1: {  	v7 =	vld.idx.msk [tilespmem:v4+s19+$0x0], $0xffff;
	_ =	sdelay $0x1  }
0x6f2: {  	[tilespmem:s6+$0x3130] =	vst v8  }
0x6f3: {  	v8 =	vld.idx.msk [tilespmem:v5+s19+$0x0], $0xffff  }
0x6f4: {  	[tilespmem:s6+$0x3210] =	vst v6  }
0x6f5: {  	[tilespmem:s6+$0x31A0] =	vst v7;
	v6 =	vld.idx.msk [tilespmem:v3+s21+$0x0], $0xffff  }
0x6f6: {  	v7 =	vld.idx.msk [tilespmem:v4+s20+$0x0], $0xffff;
	_ =	sdelay $0x1  }
0x6f7: {  	[tilespmem:s6+$0x31B0] =	vst v8  }
0x6f8: {  	v8 =	vld.idx.msk [tilespmem:v5+s20+$0x0], $0xffff  }
0x6f9: {  	v9 =	vld [tilespmem:s6+$0x1090];
	[tilespmem:s6+$0x3290] =	vst v6  }
0x6fa: {  	[tilespmem:s6+$0x3220] =	vst v7;
	v6 =	vld.idx.msk [tilespmem:v3+s22+$0x0], $0xffff  }
0x6fb: {  	v7 =	vld.idx.msk [tilespmem:v4+s21+$0x0], $0xffff;
	_ =	sdelay $0x1  }
0x6fc: {  	[tilespmem:s6+$0x3230] =	vst v8  }
0x6fd: {  	v8 =	vld.idx.msk [tilespmem:v5+s21+$0x0], $0xffff  }
0x6fe: {  	[tilespmem:s6+$0x3310] =	vst v6  }
0x6ff: {  	v49 =	vshll.u32 v9, $0x4;
	[tilespmem:s6+$0x32A0] =	vst v7;
	v3 =	vld.idx.msk [tilespmem:v3+s23+$0x0], $0xffff  }
0x700: {  	v7 =	vld.idx.msk [tilespmem:v4+s22+$0x0], $0xffff;
	v6 =	vor.u32 v0, v49  }
0x701: {  	v50 =	vld [tilespmem:s6+$0x10A0]  }
0x702: {  	[tilespmem:s6+$0x32B0] =	vst v8  }
0x703: {  	v8 =	vld.idx.msk [tilespmem:v5+s22+$0x0], $0xffff  }
0x704: {  	[tilespmem:s6+$0x3390] =	vst v3;
	v3 =	vld [tilespmem:s6+$0x10B0]  }
0x705: {  	[tilespmem:s6+$0x3320] =	vst v7;
	v10 =	vld.idx.msk [tilespmem:v6+s4+$0x0], $0xffff  }
0x706: {  	v51 =	vshll.u32 v50, $0x4;
	v4 =	vld.idx.msk [tilespmem:v4+s23+$0x0], $0xffff  }
0x707: {  	v7 =	vor.u32 v0, v51  }
0x708: {  	[tilespmem:s6+$0x3330] =	vst v8  }
0x709: {  	v5 =	vld.idx.msk [tilespmem:v5+s23+$0x0], $0xffff;
	v3 =	vshll.u32 v3, $0x4  }
0x70a: {  	[tilespmem:s6+$0x4010] =	vst v10;
	v3 =	vor.u32 v0, v3  }
0x70b: {  	[tilespmem:s6+$0x33A0] =	vst v4;
	v52 =	vld.idx.msk [tilespmem:v6+s17+$0x0], $0xffff  }
0x70c: {  	v4 =	vld.idx.msk [tilespmem:v7+s4+$0x0], $0xffff;
	_ =	sdelay $0x1  }
0x70d: {  	[tilespmem:s6+$0x33B0] =	vst v5  }
0x70e: {  	v5 =	vld.idx.msk [tilespmem:v3+s4+$0x0], $0xffff  }
0x70f: {  	[tilespmem:s6+$0x4090] =	vst v52  }
0x710: {  	[tilespmem:s6+$0x4020] =	vst v4;
	v8 =	vld.idx.msk [tilespmem:v6+s18+$0x0], $0xffff  }
0x711: {  	v4 =	vld.idx.msk [tilespmem:v7+s17+$0x0], $0xffff;
	_ =	sdelay $0x1  }
0x712: {  	[tilespmem:s6+$0x4030] =	vst v5  }
0x713: {  	v5 =	vld.idx.msk [tilespmem:v3+s17+$0x0], $0xffff  }
0x714: {  	[tilespmem:s6+$0x4110] =	vst v8  }
0x715: {  	[tilespmem:s6+$0x40A0] =	vst v4;
	v8 =	vld.idx.msk [tilespmem:v6+s19+$0x0], $0xffff  }
0x716: {  	v4 =	vld.idx.msk [tilespmem:v7+s18+$0x0], $0xffff;
	_ =	sdelay $0x1  }
0x717: {  	[tilespmem:s6+$0x40B0] =	vst v5  }
0x718: {  	v5 =	vld.idx.msk [tilespmem:v3+s18+$0x0], $0xffff  }
0x719: {  	[tilespmem:s6+$0x4190] =	vst v8  }
0x71a: {  	[tilespmem:s6+$0x4120] =	vst v4;
	v8 =	vld.idx.msk [tilespmem:v6+s20+$0x0], $0xffff  }
0x71b: {  	v4 =	vld.idx.msk [tilespmem:v7+s19+$0x0], $0xffff;
	_ =	sdelay $0x1  }
0x71c: {  	[tilespmem:s6+$0x4130] =	vst v5  }
0x71d: {  	v5 =	vld.idx.msk [tilespmem:v3+s19+$0x0], $0xffff  }
0x71e: {  	[tilespmem:s6+$0x4210] =	vst v8  }
0x71f: {  	[tilespmem:s6+$0x41A0] =	vst v4;
	v8 =	vld.idx.msk [tilespmem:v6+s21+$0x0], $0xffff  }
0x720: {  	v4 =	vld.idx.msk [tilespmem:v7+s20+$0x0], $0xffff;
	_ =	sdelay $0x1  }
0x721: {  	[tilespmem:s6+$0x41B0] =	vst v5  }
0x722: {  	v5 =	vld.idx.msk [tilespmem:v3+s20+$0x0], $0xffff  }
0x723: {  	v53 =	vld [tilespmem:s6+$0x1110];
	[tilespmem:s6+$0x4290] =	vst v8  }
0x724: {  	[tilespmem:s6+$0x4220] =	vst v4;
	v8 =	vld.idx.msk [tilespmem:v6+s22+$0x0], $0xffff  }
0x725: {  	v4 =	vld.idx.msk [tilespmem:v7+s21+$0x0], $0xffff;
	_ =	sdelay $0x1  }
0x726: {  	[tilespmem:s6+$0x4230] =	vst v5  }
0x727: {  	v5 =	vld.idx.msk [tilespmem:v3+s21+$0x0], $0xffff  }
0x728: {  	[tilespmem:s6+$0x4310] =	vst v8  }
0x729: {  	v54 =	vshll.u32 v53, $0x4;
	[tilespmem:s6+$0x42A0] =	vst v4;
	v6 =	vld.idx.msk [tilespmem:v6+s23+$0x0], $0xffff  }
0x72a: {  	v4 =	vld.idx.msk [tilespmem:v7+s22+$0x0], $0xffff;
	v8 =	vor.u32 v0, v54  }
0x72b: {  	v55 =	vld [tilespmem:s6+$0x1120]  }
0x72c: {  	[tilespmem:s6+$0x42B0] =	vst v5  }
0x72d: {  	v5 =	vld.idx.msk [tilespmem:v3+s22+$0x0], $0xffff  }
0x72e: {  	v56 =	vld [tilespmem:s6+$0x1130];
	[tilespmem:s6+$0x4390] =	vst v6  }
0x72f: {  	[tilespmem:s6+$0x4320] =	vst v4;
	v10 =	vld.idx.msk [tilespmem:v8+s4+$0x0], $0xffff  }
0x730: {  	v57 =	vshll.u32 v55, $0x4;
	v4 =	vld.idx.msk [tilespmem:v7+s23+$0x0], $0xffff  }
0x731: {  	v7 =	vor.u32 v0, v57  }
0x732: {  	[tilespmem:s6+$0x4330] =	vst v5  }
0x733: {  	v58 =	vshll.u32 v56, $0x4;
	v3 =	vld.idx.msk [tilespmem:v3+s23+$0x0], $0xffff  }
0x734: {  	v5 =	vor.u32 v0, v58;
	[tilespmem:s6+$0x5010] =	vst v10  }
0x735: {  	[tilespmem:s6+$0x43A0] =	vst v4;
	v59 =	vld.idx.msk [tilespmem:v8+s17+$0x0], $0xffff  }
0x736: {  	v4 =	vld.idx.msk [tilespmem:v7+s4+$0x0], $0xffff;
	_ =	sdelay $0x1  }
0x737: {  	[tilespmem:s6+$0x43B0] =	vst v3  }
0x738: {  	v3 =	vld.idx.msk [tilespmem:v5+s4+$0x0], $0xffff  }
0x739: {  	[tilespmem:s6+$0x5090] =	vst v59  }
0x73a: {  	[tilespmem:s6+$0x5020] =	vst v4;
	v6 =	vld.idx.msk [tilespmem:v8+s18+$0x0], $0xffff  }
0x73b: {  	v4 =	vld.idx.msk [tilespmem:v7+s17+$0x0], $0xffff;
	_ =	sdelay $0x1  }
0x73c: {  	[tilespmem:s6+$0x5030] =	vst v3  }
0x73d: {  	v3 =	vld.idx.msk [tilespmem:v5+s17+$0x0], $0xffff  }
0x73e: {  	[tilespmem:s6+$0x5110] =	vst v6  }
0x73f: {  	[tilespmem:s6+$0x50A0] =	vst v4;
	v6 =	vld.idx.msk [tilespmem:v8+s19+$0x0], $0xffff  }
0x740: {  	v4 =	vld.idx.msk [tilespmem:v7+s18+$0x0], $0xffff;
	_ =	sdelay $0x1  }
0x741: {  	[tilespmem:s6+$0x50B0] =	vst v3  }
0x742: {  	v3 =	vld.idx.msk [tilespmem:v5+s18+$0x0], $0xffff  }
0x743: {  	[tilespmem:s6+$0x5190] =	vst v6  }
0x744: {  	[tilespmem:s6+$0x5120] =	vst v4;
	v6 =	vld.idx.msk [tilespmem:v8+s20+$0x0], $0xffff  }
0x745: {  	v4 =	vld.idx.msk [tilespmem:v7+s19+$0x0], $0xffff;
	_ =	sdelay $0x1  }
0x746: {  	[tilespmem:s6+$0x5130] =	vst v3  }
0x747: {  	v3 =	vld.idx.msk [tilespmem:v5+s19+$0x0], $0xffff  }
0x748: {  	[tilespmem:s6+$0x5210] =	vst v6  }
0x749: {  	[tilespmem:s6+$0x51A0] =	vst v4;
	v6 =	vld.idx.msk [tilespmem:v8+s21+$0x0], $0xffff  }
0x74a: {  	v4 =	vld.idx.msk [tilespmem:v7+s20+$0x0], $0xffff;
	_ =	sdelay $0x1  }
0x74b: {  	[tilespmem:s6+$0x51B0] =	vst v3  }
0x74c: {  	v3 =	vld.idx.msk [tilespmem:v5+s20+$0x0], $0xffff  }
0x74d: {  	v60 =	vld [tilespmem:s6+$0x1190];
	[tilespmem:s6+$0x5290] =	vst v6  }
0x74e: {  	[tilespmem:s6+$0x5220] =	vst v4;
	v6 =	vld.idx.msk [tilespmem:v8+s22+$0x0], $0xffff  }
0x74f: {  	v4 =	vld.idx.msk [tilespmem:v7+s21+$0x0], $0xffff;
	_ =	sdelay $0x1  }
0x750: {  	[tilespmem:s6+$0x5230] =	vst v3  }
0x751: {  	v3 =	vld.idx.msk [tilespmem:v5+s21+$0x0], $0xffff  }
0x752: {  	[tilespmem:s6+$0x5310] =	vst v6  }
0x753: {  	v61 =	vshll.u32 v60, $0x4;
	[tilespmem:s6+$0x52A0] =	vst v4;
	v6 =	vld.idx.msk [tilespmem:v8+s23+$0x0], $0xffff  }
0x754: {  	v4 =	vld.idx.msk [tilespmem:v7+s22+$0x0], $0xffff;
	v8 =	vor.u32 v0, v61  }
0x755: {  	v62 =	vld [tilespmem:s6+$0x11A0]  }
0x756: {  	[tilespmem:s6+$0x52B0] =	vst v3  }
0x757: {  	v3 =	vld.idx.msk [tilespmem:v5+s22+$0x0], $0xffff  }
0x758: {  	v63 =	vld [tilespmem:s6+$0x11B0];
	[tilespmem:s6+$0x5390] =	vst v6  }
0x759: {  	[tilespmem:s6+$0x5320] =	vst v4;
	v10 =	vld.idx.msk [tilespmem:v8+s4+$0x0], $0xffff  }
0x75a: {  	v12 =	vshll.u32 v62, $0x4;
	v4 =	vld.idx.msk [tilespmem:v7+s23+$0x0], $0xffff  }
0x75b: {  	v7 =	vor.u32 v0, v12  }
0x75c: {  	[tilespmem:s6+$0x5330] =	vst v3  }
0x75d: {  	v13 =	vshll.u32 v63, $0x4;
	v3 =	vld.idx.msk [tilespmem:v5+s23+$0x0], $0xffff  }
0x75e: {  	v5 =	vor.u32 v0, v13;
	[tilespmem:s6+$0x6010] =	vst v10  }
0x75f: {  	[tilespmem:s6+$0x53A0] =	vst v4;
	v14 =	vld.idx.msk [tilespmem:v8+s17+$0x0], $0xffff  }
0x760: {  	v4 =	vld.idx.msk [tilespmem:v7+s4+$0x0], $0xffff;
	_ =	sdelay $0x1  }
0x761: {  	[tilespmem:s6+$0x53B0] =	vst v3  }
0x762: {  	v3 =	vld.idx.msk [tilespmem:v5+s4+$0x0], $0xffff  }
0x763: {  	[tilespmem:s6+$0x6090] =	vst v14  }
0x764: {  	[tilespmem:s6+$0x6020] =	vst v4;
	v6 =	vld.idx.msk [tilespmem:v8+s18+$0x0], $0xffff  }
0x765: {  	v4 =	vld.idx.msk [tilespmem:v7+s17+$0x0], $0xffff;
	_ =	sdelay $0x1  }
0x766: {  	[tilespmem:s6+$0x6030] =	vst v3  }
0x767: {  	v3 =	vld.idx.msk [tilespmem:v5+s17+$0x0], $0xffff  }
0x768: {  	[tilespmem:s6+$0x6110] =	vst v6  }
0x769: {  	[tilespmem:s6+$0x60A0] =	vst v4;
	v6 =	vld.idx.msk [tilespmem:v8+s19+$0x0], $0xffff  }
0x76a: {  	v4 =	vld.idx.msk [tilespmem:v7+s18+$0x0], $0xffff;
	_ =	sdelay $0x1  }
0x76b: {  	[tilespmem:s6+$0x60B0] =	vst v3  }
0x76c: {  	v3 =	vld.idx.msk [tilespmem:v5+s18+$0x0], $0xffff  }
0x76d: {  	[tilespmem:s6+$0x6190] =	vst v6  }
0x76e: {  	[tilespmem:s6+$0x6120] =	vst v4;
	v6 =	vld.idx.msk [tilespmem:v8+s20+$0x0], $0xffff  }
0x76f: {  	v4 =	vld.idx.msk [tilespmem:v7+s19+$0x0], $0xffff;
	_ =	sdelay $0x1  }
0x770: {  	[tilespmem:s6+$0x6130] =	vst v3  }
0x771: {  	v3 =	vld.idx.msk [tilespmem:v5+s19+$0x0], $0xffff  }
0x772: {  	[tilespmem:s6+$0x6210] =	vst v6  }
0x773: {  	[tilespmem:s6+$0x61A0] =	vst v4;
	v6 =	vld.idx.msk [tilespmem:v8+s21+$0x0], $0xffff  }
0x774: {  	v4 =	vld.idx.msk [tilespmem:v7+s20+$0x0], $0xffff;
	_ =	sdelay $0x1  }
0x775: {  	[tilespmem:s6+$0x61B0] =	vst v3  }
0x776: {  	v3 =	vld.idx.msk [tilespmem:v5+s20+$0x0], $0xffff  }
0x777: {  	v15 =	vld [tilespmem:s6+$0x1210];
	[tilespmem:s6+$0x6290] =	vst v6  }
0x778: {  	[tilespmem:s6+$0x6220] =	vst v4;
	v6 =	vld.idx.msk [tilespmem:v8+s22+$0x0], $0xffff  }
0x779: {  	v4 =	vld.idx.msk [tilespmem:v7+s21+$0x0], $0xffff;
	_ =	sdelay $0x1  }
0x77a: {  	[tilespmem:s6+$0x6230] =	vst v3  }
0x77b: {  	v3 =	vld.idx.msk [tilespmem:v5+s21+$0x0], $0xffff  }
0x77c: {  	[tilespmem:s6+$0x6310] =	vst v6  }
0x77d: {  	v16 =	vshll.u32 v15, $0x4;
	[tilespmem:s6+$0x62A0] =	vst v4;
	v6 =	vld.idx.msk [tilespmem:v8+s23+$0x0], $0xffff  }
0x77e: {  	v4 =	vld.idx.msk [tilespmem:v7+s22+$0x0], $0xffff;
	v8 =	vor.u32 v0, v16  }
0x77f: {  	v17 =	vld [tilespmem:s6+$0x1220]  }
0x780: {  	[tilespmem:s6+$0x62B0] =	vst v3  }
0x781: {  	v3 =	vld.idx.msk [tilespmem:v5+s22+$0x0], $0xffff  }
0x782: {  	v18 =	vld [tilespmem:s6+$0x1230];
	[tilespmem:s6+$0x6390] =	vst v6  }
0x783: {  	[tilespmem:s6+$0x6320] =	vst v4;
	v10 =	vld.idx.msk [tilespmem:v8+s4+$0x0], $0xffff  }
0x784: {  	v19 =	vshll.u32 v17, $0x4;
	v4 =	vld.idx.msk [tilespmem:v7+s23+$0x0], $0xffff  }
0x785: {  	v7 =	vor.u32 v0, v19  }
0x786: {  	[tilespmem:s6+$0x6330] =	vst v3  }
0x787: {  	v20 =	vshll.u32 v18, $0x4;
	v3 =	vld.idx.msk [tilespmem:v5+s23+$0x0], $0xffff  }
0x788: {  	v5 =	vor.u32 v0, v20;
	[tilespmem:s6+$0x7010] =	vst v10  }
0x789: {  	[tilespmem:s6+$0x63A0] =	vst v4;
	v21 =	vld.idx.msk [tilespmem:v8+s17+$0x0], $0xffff  }
0x78a: {  	v4 =	vld.idx.msk [tilespmem:v7+s4+$0x0], $0xffff;
	_ =	sdelay $0x1  }
0x78b: {  	[tilespmem:s6+$0x63B0] =	vst v3  }
0x78c: {  	v3 =	vld.idx.msk [tilespmem:v5+s4+$0x0], $0xffff  }
0x78d: {  	[tilespmem:s6+$0x7090] =	vst v21  }
0x78e: {  	[tilespmem:s6+$0x7020] =	vst v4;
	v6 =	vld.idx.msk [tilespmem:v8+s18+$0x0], $0xffff  }
0x78f: {  	v4 =	vld.idx.msk [tilespmem:v7+s17+$0x0], $0xffff;
	_ =	sdelay $0x1  }
0x790: {  	[tilespmem:s6+$0x7030] =	vst v3  }
0x791: {  	v3 =	vld.idx.msk [tilespmem:v5+s17+$0x0], $0xffff  }
0x792: {  	[tilespmem:s6+$0x7110] =	vst v6  }
0x793: {  	[tilespmem:s6+$0x70A0] =	vst v4;
	v6 =	vld.idx.msk [tilespmem:v8+s19+$0x0], $0xffff  }
0x794: {  	v4 =	vld.idx.msk [tilespmem:v7+s18+$0x0], $0xffff;
	_ =	sdelay $0x1  }
0x795: {  	[tilespmem:s6+$0x70B0] =	vst v3  }
0x796: {  	v3 =	vld.idx.msk [tilespmem:v5+s18+$0x0], $0xffff  }
0x797: {  	[tilespmem:s6+$0x7190] =	vst v6  }
0x798: {  	[tilespmem:s6+$0x7120] =	vst v4;
	v6 =	vld.idx.msk [tilespmem:v8+s20+$0x0], $0xffff  }
0x799: {  	v4 =	vld.idx.msk [tilespmem:v7+s19+$0x0], $0xffff;
	_ =	sdelay $0x1  }
0x79a: {  	[tilespmem:s6+$0x7130] =	vst v3  }
0x79b: {  	v3 =	vld.idx.msk [tilespmem:v5+s19+$0x0], $0xffff  }
0x79c: {  	[tilespmem:s6+$0x7210] =	vst v6  }
0x79d: {  	[tilespmem:s6+$0x71A0] =	vst v4;
	v6 =	vld.idx.msk [tilespmem:v8+s21+$0x0], $0xffff  }
0x79e: {  	v4 =	vld.idx.msk [tilespmem:v7+s20+$0x0], $0xffff;
	_ =	sdelay $0x1  }
0x79f: {  	[tilespmem:s6+$0x71B0] =	vst v3  }
0x7a0: {  	v3 =	vld.idx.msk [tilespmem:v5+s20+$0x0], $0xffff  }
0x7a1: {  	[tilespmem:s6+$0x7290] =	vst v6  }
0x7a2: {  	[tilespmem:s6+$0x7220] =	vst v4;
	v6 =	vld.idx.msk [tilespmem:v8+s22+$0x0], $0xffff  }
0x7a3: {  	v4 =	vld.idx.msk [tilespmem:v7+s21+$0x0], $0xffff;
	_ =	sdelay $0x1  }
0x7a4: {  	[tilespmem:s6+$0x7230] =	vst v3  }
0x7a5: {  	[tilespmem:s6+$0x8080] =	vst v2;
	v3 =	vld.idx.msk [tilespmem:v5+s21+$0x0], $0xffff  }
0x7a6: {  	v22 =	vld [tilespmem:s6+$0x1290];
	[tilespmem:s6+$0x7310] =	vst v6  }
0x7a7: {  	[tilespmem:s6+$0x72A0] =	vst v4;
	v2 =	vld.idx.msk [tilespmem:v8+s23+$0x0], $0xffff  }
0x7a8: {  	v4 =	vld.idx.msk [tilespmem:v7+s22+$0x0], $0xffff  }
0x7a9: {  	v25 =	vld [tilespmem:s6+$0x12A0]  }
0x7aa: {  	[tilespmem:s6+$0x72B0] =	vst v3  }
0x7ab: {  	v3 =	vld.idx.msk [tilespmem:v5+s22+$0x0], $0xffff  }
0x7ac: {  	[tilespmem:s6+$0x7390] =	vst v2;
	v2 =	vld [tilespmem:s6+$0x12B0]  }
0x7ad: {  	v23 =	vshll.u32 v22, $0x4;
	[tilespmem:s6+$0x7320] =	vst v4  }
0x7ae: {  	v26 =	vshll.u32 v25, $0x4;
	v6 =	vor.u32 v0, v23;
	v4 =	vld.idx.msk [tilespmem:v7+s23+$0x0], $0xffff  }
0x7af: {  	v24 =	vld.idx.msk [tilespmem:v1+s18+$0x0], $0xffff;
	v7 =	vor.u32 v0, v26  }
0x7b0: {  	[tilespmem:s6+$0x7330] =	vst v3  }
0x7b1: {  	v3 =	vld.idx.msk [tilespmem:v5+s23+$0x0], $0xffff;
	v2 =	vshll.u32 v2, $0x4  }
0x7b2: {  	v2 =	vor.u32 v0, v2  }
0x7b3: {  	[tilespmem:s6+$0x73A0] =	vst v4;
	v10 =	vld.idx.msk [tilespmem:v6+s4+$0x0], $0xffff  }
0x7b4: {  	[tilespmem:s6+$0x8100] =	vst v24;
	v4 =	vld.idx.msk [tilespmem:v7+s4+$0x0], $0xffff  }
0x7b5: {  	v27 =	vld.idx.msk [tilespmem:v1+s19+$0x0], $0xffff  }
0x7b6: {  	[tilespmem:s6+$0x73B0] =	vst v3  }
0x7b7: {  	v3 =	vld.idx.msk [tilespmem:v2+s4+$0x0], $0xffff  }
0x7b8: {  	[tilespmem:s6+$0x8010] =	vst v10  }
0x7b9: {  	[tilespmem:s6+$0x8020] =	vst v4;
	v28 =	vld.idx.msk [tilespmem:v6+s17+$0x0], $0xffff  }
0x7ba: {  	[tilespmem:s6+$0x8180] =	vst v27;
	v4 =	vld.idx.msk [tilespmem:v7+s17+$0x0], $0xffff  }
0x7bb: {  	v5 =	vld.idx.msk [tilespmem:v1+s20+$0x0], $0xffff  }
0x7bc: {  	[tilespmem:s6+$0x8030] =	vst v3  }
0x7bd: {  	v3 =	vld.idx.msk [tilespmem:v2+s17+$0x0], $0xffff  }
0x7be: {  	v29 =	vld [tilespmem:s6+$0x1040];
	[tilespmem:s6+$0x8090] =	vst v28  }
0x7bf: {  	[tilespmem:s6+$0x80A0] =	vst v4;
	v8 =	vld.idx.msk [tilespmem:v6+s18+$0x0], $0xffff  }
0x7c0: {  	[tilespmem:s6+$0x8200] =	vst v5;
	v30 =	vld.idx.msk [tilespmem:v7+s18+$0x0], $0xffff  }
0x7c1: {  	v5 =	vld.idx.msk [tilespmem:v1+s21+$0x0], $0xffff  }
0x7c2: {  	[tilespmem:s6+$0x80B0] =	vst v3  }
0x7c3: {  	v3 =	vld.idx.msk [tilespmem:v2+s18+$0x0], $0xffff  }
0x7c4: {  	v4 =	vshll.u32 v29, $0x4;
	[tilespmem:s6+$0x8110] =	vst v8  }
0x7c5: {  	v4 =	vor.u32 v0, v4;
	[tilespmem:s6+$0x8120] =	vst v30;
	v8 =	vld.idx.msk [tilespmem:v6+s19+$0x0], $0xffff  }
0x7c6: {  	[tilespmem:s6+$0x8280] =	vst v5;
	v9 =	vld.idx.msk [tilespmem:v7+s19+$0x0], $0xffff  }
0x7c7: {  	v5 =	vld.idx.msk [tilespmem:v1+s22+$0x0], $0xffff  }
0x7c8: {  	[tilespmem:s6+$0x8130] =	vst v3  }
0x7c9: {  	v3 =	vld.idx.msk [tilespmem:v2+s19+$0x0], $0xffff  }
0x7ca: {  	v32 =	vld.idx.msk [tilespmem:v4+s4+$0x0], $0xffff;
	[tilespmem:s6+$0x8190] =	vst v8  }
0x7cb: {  	[tilespmem:s6+$0x81A0] =	vst v9;
	v8 =	vld.idx.msk [tilespmem:v6+s20+$0x0], $0xffff  }
0x7cc: {  	[tilespmem:s6+$0x8300] =	vst v5;
	v33 =	vld.idx.msk [tilespmem:v7+s20+$0x0], $0xffff  }
0x7cd: {  	v1 =	vld.idx.msk [tilespmem:v1+s23+$0x0], $0xffff  }
0x7ce: {  	[tilespmem:s6+$0x81B0] =	vst v3  }
0x7cf: {  	[tilespmem:s6+$0x3040] =	vst v32;
	v35 =	vld.idx.msk [tilespmem:v2+s20+$0x0], $0xffff  }
0x7d0: {  	[tilespmem:s6+$0x8210] =	vst v8;
	v8 =	vld.idx.msk [tilespmem:v4+s17+$0x0], $0xffff  }
0x7d1: {  	[tilespmem:s6+$0x8220] =	vst v33;
	v11 =	vld.idx.msk [tilespmem:v6+s21+$0x0], $0xffff  }
0x7d2: {  	[tilespmem:s6+$0x8380] =	vst v1;
	v1 =	vld.idx.msk [tilespmem:v7+s21+$0x0], $0xffff  }
0x7d3: {  	v31 =	vld [tilespmem:s6+$0x1300]  }
0x7d4: {  	v39 =	vld [tilespmem:s6+$0x1320];
	[tilespmem:s6+$0x8230] =	vst v35  }
0x7d5: {  	[tilespmem:s6+$0x30C0] =	vst v8;
	v9 =	vld.idx.msk [tilespmem:v2+s21+$0x0], $0xffff  }
0x7d6: {  	[tilespmem:s6+$0x8290] =	vst v11;
	v8 =	vld.idx.msk [tilespmem:v4+s18+$0x0], $0xffff  }
0x7d7: {  	[tilespmem:s6+$0x82A0] =	vst v1;
	v36 =	vld.idx.msk [tilespmem:v6+s22+$0x0], $0xffff  }
0x7d8: {  	v1 =	vld.idx.msk [tilespmem:v7+s22+$0x0], $0xffff  }
0x7d9: {  	v38 =	vld [tilespmem:s6+$0x1310]  }
0x7da: {  	v12 =	vld [tilespmem:s6+$0x1330];
	[tilespmem:s6+$0x82B0] =	vst v9  }
0x7db: {  	[tilespmem:s6+$0x3140] =	vst v8;
	v9 =	vld.idx.msk [tilespmem:v2+s22+$0x0], $0xffff  }
0x7dc: {  	[tilespmem:s6+$0x8310] =	vst v36;
	v41 =	vld.idx.msk [tilespmem:v4+s19+$0x0], $0xffff  }
0x7dd: {  	v34 =	vshll.u32 v31, $0x4;
	[tilespmem:s6+$0x8320] =	vst v1;
	v6 =	vld.idx.msk [tilespmem:v6+s23+$0x0], $0xffff  }
0x7de: {  	v42 =	vshll.u32 v39, $0x4;
	v3 =	vor.u32 v0, v34;
	v1 =	vld.idx.msk [tilespmem:v7+s23+$0x0], $0xffff  }
0x7df: {  	v5 =	vor.u32 v0, v42;
	v11 =	vshll.u32 v38, $0x4  }
0x7e0: {  	v40 =	vor.u32 v0, v11;
	[tilespmem:s6+$0x8330] =	vst v9  }
0x7e1: {  	v44 =	vshll.u32 v12, $0x4;
	[tilespmem:s6+$0x31C0] =	vst v41;
	v2 =	vld.idx.msk [tilespmem:v2+s23+$0x0], $0xffff  }
0x7e2: {  	[tilespmem:s6+$0x8390] =	vst v6;
	v6 =	vor.u32 v0, v44;
	v46 =	vld.idx.msk [tilespmem:v4+s20+$0x0], $0xffff  }
0x7e3: {  	v37 =	vld.idx.msk [tilespmem:v3+s4+$0x0], $0xffff;
	[tilespmem:s6+$0x83A0] =	vst v1  }
0x7e4: {  	v1 =	vld.idx.msk [tilespmem:v5+s4+$0x0], $0xffff  }
0x7e5: {  	v45 =	vld.idx.msk [tilespmem:v40+s4+$0x0], $0xffff  }
0x7e6: {  	[tilespmem:s6+$0x83B0] =	vst v2  }
0x7e7: {  	[tilespmem:s6+$0x3240] =	vst v46;
	v2 =	vld.idx.msk [tilespmem:v6+s4+$0x0], $0xffff  }
0x7e8: {  	[tilespmem:s6+$0x9000] =	vst v37;
	v10 =	vld.idx.msk [tilespmem:v4+s21+$0x0], $0xffff  }
0x7e9: {  	v43 =	vld.idx.msk [tilespmem:v3+s17+$0x0], $0xffff;
	[tilespmem:s6+$0x9020] =	vst v1  }
0x7ea: {  	[tilespmem:s6+$0x9010] =	vst v45;
	v1 =	vld.idx.msk [tilespmem:v5+s17+$0x0], $0xffff  }
0x7eb: {  	v9 =	vld.idx.msk [tilespmem:v40+s17+$0x0], $0xffff  }
0x7ec: {  	[tilespmem:s6+$0x9030] =	vst v2  }
0x7ed: {  	[tilespmem:s6+$0x32C0] =	vst v10;
	v2 =	vld.idx.msk [tilespmem:v6+s17+$0x0], $0xffff  }
0x7ee: {  	[tilespmem:s6+$0x9080] =	vst v43;
	v10 =	vld.idx.msk [tilespmem:v4+s22+$0x0], $0xffff  }
0x7ef: {  	[tilespmem:s6+$0x90A0] =	vst v1;
	v1 =	vld [tilespmem:s6+$0x10C0]  }
0x7f0: {  	v7 =	vld.idx.msk [tilespmem:v3+s18+$0x0], $0xffff;
	[tilespmem:s6+$0x9090] =	vst v9  }
0x7f1: {  	v9 =	vld.idx.msk [tilespmem:v40+s18+$0x0], $0xffff  }
0x7f2: {  	v47 =	vld.idx.msk [tilespmem:v5+s18+$0x0], $0xffff;
	[tilespmem:s6+$0x90B0] =	vst v2  }
0x7f3: {  	[tilespmem:s6+$0x3340] =	vst v10;
	v2 =	vld.idx.msk [tilespmem:v6+s18+$0x0], $0xffff  }
0x7f4: {  	v1 =	vshll.u32 v1, $0x4;
	v4 =	vld.idx.msk [tilespmem:v4+s23+$0x0], $0xffff  }
0x7f5: {  	v49 =	vld [tilespmem:s6+$0x1380];
	[tilespmem:s6+$0x9100] =	vst v7;
	v1 =	vor.u32 v0, v1  }
0x7f6: {  	v7 =	vld.idx.msk [tilespmem:v3+s19+$0x0], $0xffff;
	[tilespmem:s6+$0x9110] =	vst v9  }
0x7f7: {  	[tilespmem:s6+$0x9120] =	vst v47;
	v9 =	vld.idx.msk [tilespmem:v40+s19+$0x0], $0xffff  }
0x7f8: {  	v48 =	vld.idx.msk [tilespmem:v5+s19+$0x0], $0xffff;
	[tilespmem:s6+$0x9130] =	vst v2  }
0x7f9: {  	[tilespmem:s6+$0x33C0] =	vst v4;
	v2 =	vld.idx.msk [tilespmem:v6+s19+$0x0], $0xffff  }
0x7fa: {  	v4 =	vld.idx.msk [tilespmem:v1+s4+$0x0], $0xffff  }
0x7fb: {  	v13 =	vld [tilespmem:s6+$0x13A0];
	[tilespmem:s6+$0x9180] =	vst v7  }
0x7fc: {  	v7 =	vld.idx.msk [tilespmem:v3+s20+$0x0], $0xffff;
	[tilespmem:s6+$0x9190] =	vst v9  }
0x7fd: {  	[tilespmem:s6+$0x91A0] =	vst v48;
	v9 =	vld.idx.msk [tilespmem:v40+s20+$0x0], $0xffff  }
0x7fe: {  	v10 =	vld.idx.msk [tilespmem:v5+s20+$0x0], $0xffff;
	[tilespmem:s6+$0x91B0] =	vst v2  }
0x7ff: {  	[tilespmem:s6+$0x4040] =	vst v4;
	v2 =	vld.idx.msk [tilespmem:v6+s20+$0x0], $0xffff  }
0x800: {  	v4 =	vld.idx.msk [tilespmem:v1+s17+$0x0], $0xffff  }
0x801: {  	v50 =	vld [tilespmem:s6+$0x1390];
	[tilespmem:s6+$0x9200] =	vst v7  }
0x802: {  	v7 =	vld.idx.msk [tilespmem:v3+s21+$0x0], $0xffff;
	[tilespmem:s6+$0x9210] =	vst v9  }
0x803: {  	[tilespmem:s6+$0x9220] =	vst v10;
	v9 =	vld.idx.msk [tilespmem:v40+s21+$0x0], $0xffff  }
0x804: {  	v10 =	vld.idx.msk [tilespmem:v5+s21+$0x0], $0xffff;
	[tilespmem:s6+$0x9230] =	vst v2  }
0x805: {  	[tilespmem:s6+$0x40C0] =	vst v4;
	v2 =	vld.idx.msk [tilespmem:v6+s21+$0x0], $0xffff  }
0x806: {  	v4 =	vld.idx.msk [tilespmem:v1+s18+$0x0], $0xffff  }
0x807: {  	v14 =	vld [tilespmem:s6+$0x13B0];
	[tilespmem:s6+$0x9280] =	vst v7  }
0x808: {  	v7 =	vld.idx.msk [tilespmem:v3+s22+$0x0], $0xffff;
	[tilespmem:s6+$0x9290] =	vst v9  }
0x809: {  	[tilespmem:s6+$0x92A0] =	vst v10;
	v9 =	vld.idx.msk [tilespmem:v40+s22+$0x0], $0xffff  }
0x80a: {  	v10 =	vld.idx.msk [tilespmem:v5+s22+$0x0], $0xffff;
	[tilespmem:s6+$0x92B0] =	vst v2  }
0x80b: {  	[tilespmem:s6+$0x4140] =	vst v4;
	v2 =	vld.idx.msk [tilespmem:v6+s22+$0x0], $0xffff  }
0x80c: {  	v4 =	vld.idx.msk [tilespmem:v1+s19+$0x0], $0xffff  }
0x80d: {  	[tilespmem:s6+$0x9300] =	vst v7  }
0x80e: {  	v51 =	vshll.u32 v49, $0x4;
	v3 =	vld.idx.msk [tilespmem:v3+s23+$0x0], $0xffff;
	[tilespmem:s6+$0x9310] =	vst v9  }
0x80f: {  	v52 =	vshll.u32 v50, $0x4;
	v7 =	vor.u32 v0, v51;
	[tilespmem:s6+$0x9320] =	vst v10;
	v8 =	vld.idx.msk [tilespmem:v40+s23+$0x0], $0xffff  }
0x810: {  	v53 =	vshll.u32 v13, $0x4;
	v9 =	vor.u32 v0, v52;
	v5 =	vld.idx.msk [tilespmem:v5+s23+$0x0], $0xffff;
	[tilespmem:s6+$0x9330] =	vst v2  }
0x811: {  	v54 =	vshll.u32 v14, $0x4;
	[tilespmem:s6+$0x41C0] =	vst v4;
	v2 =	vor.u32 v0, v53;
	v6 =	vld.idx.msk [tilespmem:v6+s23+$0x0], $0xffff  }
0x812: {  	v55 =	vor.u32 v0, v54;
	v56 =	vld.idx.msk [tilespmem:v1+s20+$0x0], $0xffff  }
0x813: {  	[tilespmem:s6+$0x9380] =	vst v3  }
0x814: {  	v3 =	vld.idx.msk [tilespmem:v7+s4+$0x0], $0xffff;
	[tilespmem:s6+$0x9390] =	vst v8  }
0x815: {  	[tilespmem:s6+$0x93A0] =	vst v5;
	v8 =	vld.idx.msk [tilespmem:v9+s4+$0x0], $0xffff  }
0x816: {  	v5 =	vld.idx.msk [tilespmem:v2+s4+$0x0], $0xffff;
	[tilespmem:s6+$0x93B0] =	vst v6  }
0x817: {  	[tilespmem:s6+$0x4240] =	vst v56;
	v6 =	vld.idx.msk [tilespmem:v55+s4+$0x0], $0xffff  }
0x818: {  	v10 =	vld.idx.msk [tilespmem:v1+s21+$0x0], $0xffff  }
0x819: {  	[tilespmem:s6+$0xA000] =	vst v3  }
0x81a: {  	v3 =	vld.idx.msk [tilespmem:v7+s17+$0x0], $0xffff;
	[tilespmem:s6+$0xA010] =	vst v8  }
0x81b: {  	v8 =	vld.idx.msk [tilespmem:v9+s17+$0x0], $0xffff;
	[tilespmem:s6+$0xA020] =	vst v5  }
0x81c: {  	v5 =	vld.idx.msk [tilespmem:v2+s17+$0x0], $0xffff;
	[tilespmem:s6+$0xA030] =	vst v6  }
0x81d: {  	[tilespmem:s6+$0x42C0] =	vst v10;
	v6 =	vld.idx.msk [tilespmem:v55+s17+$0x0], $0xffff  }
0x81e: {  	v10 =	vld.idx.msk [tilespmem:v1+s22+$0x0], $0xffff  }
0x81f: {  	[tilespmem:s6+$0xA080] =	vst v3;
	v3 =	vld [tilespmem:s6+$0x1140]  }
0x820: {  	v57 =	vld.idx.msk [tilespmem:v7+s18+$0x0], $0xffff;
	[tilespmem:s6+$0xA090] =	vst v8  }
0x821: {  	v8 =	vld.idx.msk [tilespmem:v9+s18+$0x0], $0xffff;
	[tilespmem:s6+$0xA0A0] =	vst v5  }
0x822: {  	v5 =	vld.idx.msk [tilespmem:v2+s18+$0x0], $0xffff;
	[tilespmem:s6+$0xA0B0] =	vst v6  }
0x823: {  	[tilespmem:s6+$0x4340] =	vst v10;
	v6 =	vld.idx.msk [tilespmem:v55+s18+$0x0], $0xffff  }
0x824: {  	v10 =	vld.idx.msk [tilespmem:v1+s23+$0x0], $0xffff;
	v1 =	vshll.u32 v3, $0x4  }
0x825: {  	[tilespmem:s6+$0xA100] =	vst v57;
	v1 =	vor.u32 v0, v1  }
0x826: {  	v3 =	vld.idx.msk [tilespmem:v7+s19+$0x0], $0xffff;
	[tilespmem:s6+$0xA110] =	vst v8  }
0x827: {  	v8 =	vld.idx.msk [tilespmem:v9+s19+$0x0], $0xffff;
	[tilespmem:s6+$0xA120] =	vst v5  }
0x828: {  	v5 =	vld.idx.msk [tilespmem:v2+s19+$0x0], $0xffff;
	[tilespmem:s6+$0xA130] =	vst v6  }
0x829: {  	[tilespmem:s6+$0x43C0] =	vst v10;
	v6 =	vld.idx.msk [tilespmem:v55+s19+$0x0], $0xffff  }
0x82a: {  	v10 =	vld.idx.msk [tilespmem:v1+s4+$0x0], $0xffff  }
0x82b: {  	[tilespmem:s6+$0xA180] =	vst v3  }
0x82c: {  	v3 =	vld.idx.msk [tilespmem:v7+s20+$0x0], $0xffff;
	[tilespmem:s6+$0xA190] =	vst v8  }
0x82d: {  	v8 =	vld.idx.msk [tilespmem:v9+s20+$0x0], $0xffff;
	[tilespmem:s6+$0xA1A0] =	vst v5  }
0x82e: {  	v5 =	vld.idx.msk [tilespmem:v2+s20+$0x0], $0xffff;
	[tilespmem:s6+$0xA1B0] =	vst v6  }
0x82f: {  	[tilespmem:s6+$0x5040] =	vst v10;
	v6 =	vld.idx.msk [tilespmem:v55+s20+$0x0], $0xffff  }
0x830: {  	v10 =	vld.idx.msk [tilespmem:v1+s17+$0x0], $0xffff  }
0x831: {  	[tilespmem:s6+$0xA200] =	vst v3  }
0x832: {  	v3 =	vld.idx.msk [tilespmem:v7+s21+$0x0], $0xffff;
	[tilespmem:s6+$0xA210] =	vst v8  }
0x833: {  	v8 =	vld.idx.msk [tilespmem:v9+s21+$0x0], $0xffff;
	[tilespmem:s6+$0xA220] =	vst v5  }
0x834: {  	v5 =	vld.idx.msk [tilespmem:v2+s21+$0x0], $0xffff;
	[tilespmem:s6+$0xA230] =	vst v6  }
0x835: {  	[tilespmem:s6+$0x50C0] =	vst v10;
	v6 =	vld.idx.msk [tilespmem:v55+s21+$0x0], $0xffff  }
0x836: {  	v10 =	vld.idx.msk [tilespmem:v1+s18+$0x0], $0xffff  }
0x837: {  	[tilespmem:s6+$0xA280] =	vst v3  }
0x838: {  	v3 =	vld.idx.msk [tilespmem:v7+s22+$0x0], $0xffff;
	[tilespmem:s6+$0xA290] =	vst v8  }
0x839: {  	v8 =	vld.idx.msk [tilespmem:v9+s22+$0x0], $0xffff;
	[tilespmem:s6+$0xA2A0] =	vst v5  }
0x83a: {  	v5 =	vld.idx.msk [tilespmem:v2+s22+$0x0], $0xffff;
	[tilespmem:s6+$0xA2B0] =	vst v6  }
0x83b: {  	[tilespmem:s6+$0x5140] =	vst v10;
	v6 =	vld.idx.msk [tilespmem:v55+s22+$0x0], $0xffff  }
0x83c: {  	v10 =	vld.idx.msk [tilespmem:v1+s19+$0x0], $0xffff  }
0x83d: {  	[tilespmem:s6+$0xA300] =	vst v3  }
0x83e: {  	v3 =	vld.idx.msk [tilespmem:v7+s23+$0x0], $0xffff;
	[tilespmem:s6+$0xA310] =	vst v8  }
0x83f: {  	v58 =	vld.idx.msk [tilespmem:v9+s23+$0x0], $0xffff;
	[tilespmem:s6+$0xA320] =	vst v5  }
0x840: {  	v2 =	vld.idx.msk [tilespmem:v2+s23+$0x0], $0xffff;
	[tilespmem:s6+$0xA330] =	vst v6  }
0x841: {  	[tilespmem:s6+$0x51C0] =	vst v10;
	v4 =	vld.idx.msk [tilespmem:v55+s23+$0x0], $0xffff  }
0x842: {  	v59 =	vld.idx.msk [tilespmem:v1+s20+$0x0], $0xffff  }
0x843: {  	[tilespmem:s6+$0xA380] =	vst v3  }
0x844: {  	[tilespmem:s6+$0xA390] =	vst v58  }
0x845: {  	[tilespmem:s6+$0xA3A0] =	vst v2  }
0x846: {  	[tilespmem:s6+$0xA3B0] =	vst v4  }
0x847: {  	[tilespmem:s6+$0x5240] =	vst v59  }
0x848: {  	v2 =	vld [tilespmem:s6+$0x1050];
	_ =	sdelay $0x2  }
0x849: {  	v3 =	vld [tilespmem:s6+$0x1060]  }
0x84a: {  	v60 =	vld [tilespmem:s6+$0x1070]  }
0x84b: {  	v2 =	vshll.u32 v2, $0x4  }
0x84c: {  	v2 =	vor.u32 v0, v2;
	_ =	sdelay $0x1  }
0x84d: {  	v3 =	vshll.u32 v3, $0x4  }
0x84e: {  	v4 =	vshll.u32 v60, $0x4;
	v3 =	vor.u32 v0, v3  }
0x84f: {  	v4 =	vor.u32 v0, v4  }
0x850: {  	v5 =	vld.idx.msk [tilespmem:v2+s4+$0x0], $0xffff;
	_ =	sdelay $0x2  }
0x851: {  	v61 =	vld.idx.msk [tilespmem:v3+s4+$0x0], $0xffff  }
0x852: {  	v62 =	vld.idx.msk [tilespmem:v4+s4+$0x0], $0xffff  }
0x853: {  	[tilespmem:s6+$0x3050] =	vst v5  }
0x854: {  	v5 =	vld.idx.msk [tilespmem:v2+s17+$0x0], $0xffff;
	_ =	sdelay $0x1  }
0x855: {  	[tilespmem:s6+$0x3060] =	vst v61  }
0x856: {  	[tilespmem:s6+$0x3070] =	vst v62;
	v6 =	vld.idx.msk [tilespmem:v3+s17+$0x0], $0xffff  }
0x857: {  	v7 =	vld.idx.msk [tilespmem:v4+s17+$0x0], $0xffff  }
0x858: {  	[tilespmem:s6+$0x30D0] =	vst v5  }
0x859: {  	v5 =	vld.idx.msk [tilespmem:v2+s18+$0x0], $0xffff;
	_ =	sdelay $0x1  }
0x85a: {  	[tilespmem:s6+$0x30E0] =	vst v6  }
0x85b: {  	[tilespmem:s6+$0x30F0] =	vst v7;
	v6 =	vld.idx.msk [tilespmem:v3+s18+$0x0], $0xffff  }
0x85c: {  	v7 =	vld.idx.msk [tilespmem:v4+s18+$0x0], $0xffff  }
0x85d: {  	[tilespmem:s6+$0x3150] =	vst v5  }
0x85e: {  	v5 =	vld.idx.msk [tilespmem:v2+s19+$0x0], $0xffff;
	_ =	sdelay $0x1  }
0x85f: {  	[tilespmem:s6+$0x3160] =	vst v6  }
0x860: {  	[tilespmem:s6+$0x3170] =	vst v7;
	v6 =	vld.idx.msk [tilespmem:v3+s19+$0x0], $0xffff  }
0x861: {  	v7 =	vld.idx.msk [tilespmem:v4+s19+$0x0], $0xffff  }
0x862: {  	[tilespmem:s6+$0x31D0] =	vst v5  }
0x863: {  	v5 =	vld.idx.msk [tilespmem:v2+s20+$0x0], $0xffff;
	_ =	sdelay $0x1  }
0x864: {  	[tilespmem:s6+$0x31E0] =	vst v6  }
0x865: {  	[tilespmem:s6+$0x31F0] =	vst v7;
	v6 =	vld.idx.msk [tilespmem:v3+s20+$0x0], $0xffff  }
0x866: {  	v7 =	vld.idx.msk [tilespmem:v4+s20+$0x0], $0xffff  }
0x867: {  	[tilespmem:s6+$0x3250] =	vst v5  }
0x868: {  	v5 =	vld.idx.msk [tilespmem:v2+s21+$0x0], $0xffff;
	_ =	sdelay $0x1  }
0x869: {  	[tilespmem:s6+$0x3260] =	vst v6  }
0x86a: {  	[tilespmem:s6+$0x3270] =	vst v7;
	v6 =	vld.idx.msk [tilespmem:v3+s21+$0x0], $0xffff  }
0x86b: {  	v7 =	vld.idx.msk [tilespmem:v4+s21+$0x0], $0xffff  }
0x86c: {  	[tilespmem:s6+$0x32D0] =	vst v5  }
0x86d: {  	v5 =	vld.idx.msk [tilespmem:v2+s22+$0x0], $0xffff  }
0x86e: {  	v63 =	vld [tilespmem:s6+$0x10D0]  }
0x86f: {  	v12 =	vld [tilespmem:s6+$0x10E0];
	[tilespmem:s6+$0x32E0] =	vst v6  }
0x870: {  	[tilespmem:s6+$0x32F0] =	vst v7;
	v6 =	vld.idx.msk [tilespmem:v3+s22+$0x0], $0xffff  }
0x871: {  	v7 =	vld.idx.msk [tilespmem:v4+s22+$0x0], $0xffff  }
0x872: {  	v13 =	vld [tilespmem:s6+$0x10F0];
	[tilespmem:s6+$0x3350] =	vst v5  }
0x873: {  	v2 =	vld.idx.msk [tilespmem:v2+s23+$0x0], $0xffff;
	_ =	sdelay $0x1  }
0x874: {  	v8 =	vshll.u32 v63, $0x4;
	[tilespmem:s6+$0x3360] =	vst v6  }
0x875: {  	v14 =	vshll.u32 v12, $0x4;
	v8 =	vor.u32 v0, v8;
	[tilespmem:s6+$0x3370] =	vst v7;
	v3 =	vld.idx.msk [tilespmem:v3+s23+$0x0], $0xffff  }
0x876: {  	v6 =	vor.u32 v0, v14;
	v5 =	vshll.u32 v13, $0x4;
	v4 =	vld.idx.msk [tilespmem:v4+s23+$0x0], $0xffff  }
0x877: {  	[tilespmem:s6+$0x33D0] =	vst v2;
	v2 =	vor.u32 v0, v5;
	_ =	sdelay $0x2  }
0x878: {  	[tilespmem:s6+$0x33E0] =	vst v3;
	v15 =	vld.idx.msk [tilespmem:v8+s4+$0x0], $0xffff  }
0x879: {  	[tilespmem:s6+$0x33F0] =	vst v4;
	v3 =	vld.idx.msk [tilespmem:v6+s4+$0x0], $0xffff  }
0x87a: {  	v4 =	vld.idx.msk [tilespmem:v2+s4+$0x0], $0xffff;
	_ =	sdelay $0x2  }
0x87b: {  	[tilespmem:s6+$0x4050] =	vst v15  }
0x87c: {  	[tilespmem:s6+$0x4060] =	vst v3;
	v5 =	vld.idx.msk [tilespmem:v8+s17+$0x0], $0xffff  }
0x87d: {  	v3 =	vld.idx.msk [tilespmem:v6+s17+$0x0], $0xffff;
	[tilespmem:s6+$0x4070] =	vst v4  }
0x87e: {  	v4 =	vld.idx.msk [tilespmem:v2+s17+$0x0], $0xffff;
	_ =	sdelay $0x2  }
0x87f: {  	[tilespmem:s6+$0x40D0] =	vst v5  }
0x880: {  	[tilespmem:s6+$0x40E0] =	vst v3;
	v5 =	vld.idx.msk [tilespmem:v8+s18+$0x0], $0xffff  }
0x881: {  	v3 =	vld.idx.msk [tilespmem:v6+s18+$0x0], $0xffff;
	[tilespmem:s6+$0x40F0] =	vst v4  }
0x882: {  	v4 =	vld.idx.msk [tilespmem:v2+s18+$0x0], $0xffff;
	_ =	sdelay $0x2  }
0x883: {  	[tilespmem:s6+$0x4150] =	vst v5  }
0x884: {  	[tilespmem:s6+$0x4160] =	vst v3;
	v5 =	vld.idx.msk [tilespmem:v8+s19+$0x0], $0xffff  }
0x885: {  	v3 =	vld.idx.msk [tilespmem:v6+s19+$0x0], $0xffff;
	[tilespmem:s6+$0x4170] =	vst v4  }
0x886: {  	v4 =	vld.idx.msk [tilespmem:v2+s19+$0x0], $0xffff;
	_ =	sdelay $0x2  }
0x887: {  	[tilespmem:s6+$0x41D0] =	vst v5  }
0x888: {  	[tilespmem:s6+$0x41E0] =	vst v3;
	v5 =	vld.idx.msk [tilespmem:v8+s20+$0x0], $0xffff  }
0x889: {  	v3 =	vld.idx.msk [tilespmem:v6+s20+$0x0], $0xffff;
	[tilespmem:s6+$0x41F0] =	vst v4  }
0x88a: {  	v4 =	vld.idx.msk [tilespmem:v2+s20+$0x0], $0xffff;
	_ =	sdelay $0x2  }
0x88b: {  	[tilespmem:s6+$0x4250] =	vst v5  }
0x88c: {  	[tilespmem:s6+$0x4260] =	vst v3;
	v5 =	vld.idx.msk [tilespmem:v8+s21+$0x0], $0xffff  }
0x88d: {  	v3 =	vld.idx.msk [tilespmem:v6+s21+$0x0], $0xffff;
	[tilespmem:s6+$0x4270] =	vst v4  }
0x88e: {  	v4 =	vld.idx.msk [tilespmem:v2+s21+$0x0], $0xffff;
	_ =	sdelay $0x1  }
0x88f: {  	v16 =	vld [tilespmem:s6+$0x1150]  }
0x890: {  	v17 =	vld [tilespmem:s6+$0x1160];
	[tilespmem:s6+$0x42D0] =	vst v5  }
0x891: {  	[tilespmem:s6+$0x42E0] =	vst v3;
	v5 =	vld.idx.msk [tilespmem:v8+s22+$0x0], $0xffff  }
0x892: {  	v3 =	vld.idx.msk [tilespmem:v6+s22+$0x0], $0xffff;
	[tilespmem:s6+$0x42F0] =	vst v4  }
0x893: {  	v4 =	vld.idx.msk [tilespmem:v2+s22+$0x0], $0xffff  }
0x894: {  	v18 =	vld [tilespmem:s6+$0x1170];
	_ =	sdelay $0x1  }
0x895: {  	[tilespmem:s6+$0x4350] =	vst v5  }
0x896: {  	v7 =	vshll.u32 v16, $0x4;
	[tilespmem:s6+$0x4360] =	vst v3;
	v8 =	vld.idx.msk [tilespmem:v8+s23+$0x0], $0xffff  }
0x897: {  	v19 =	vshll.u32 v17, $0x4;
	v7 =	vor.u32 v0, v7;
	v3 =	vld.idx.msk [tilespmem:v6+s23+$0x0], $0xffff;
	[tilespmem:s6+$0x4370] =	vst v4  }
0x898: {  	v20 =	vshll.u32 v18, $0x4;
	v6 =	vor.u32 v0, v19;
	v2 =	vld.idx.msk [tilespmem:v2+s23+$0x0], $0xffff  }
0x899: {  	v4 =	vor.u32 v0, v20;
	_ =	sdelay $0x1  }
0x89a: {  	[tilespmem:s6+$0x43D0] =	vst v8  }
0x89b: {  	[tilespmem:s6+$0x43E0] =	vst v3;
	v21 =	vld.idx.msk [tilespmem:v7+s4+$0x0], $0xffff  }
0x89c: {  	v3 =	vld.idx.msk [tilespmem:v6+s4+$0x0], $0xffff;
	[tilespmem:s6+$0x43F0] =	vst v2  }
0x89d: {  	v2 =	vld.idx.msk [tilespmem:v4+s4+$0x0], $0xffff  }
0x89e: {  	v22 =	vld.idx.msk [tilespmem:v1+s21+$0x0], $0xffff;
	_ =	sdelay $0x1  }
0x89f: {  	[tilespmem:s6+$0x5050] =	vst v21  }
0x8a0: {  	[tilespmem:s6+$0x5060] =	vst v3;
	v5 =	vld.idx.msk [tilespmem:v7+s17+$0x0], $0xffff  }
0x8a1: {  	v3 =	vld.idx.msk [tilespmem:v6+s17+$0x0], $0xffff;
	[tilespmem:s6+$0x5070] =	vst v2  }
0x8a2: {  	[tilespmem:s6+$0x52C0] =	vst v22;
	v2 =	vld.idx.msk [tilespmem:v4+s17+$0x0], $0xffff  }
0x8a3: {  	v8 =	vld.idx.msk [tilespmem:v1+s22+$0x0], $0xffff;
	_ =	sdelay $0x1  }
0x8a4: {  	v23 =	vld [tilespmem:s6+$0x11C0];
	[tilespmem:s6+$0x50D0] =	vst v5  }
0x8a5: {  	[tilespmem:s6+$0x50E0] =	vst v3;
	v5 =	vld.idx.msk [tilespmem:v7+s18+$0x0], $0xffff  }
0x8a6: {  	v3 =	vld.idx.msk [tilespmem:v6+s18+$0x0], $0xffff;
	[tilespmem:s6+$0x50F0] =	vst v2  }
0x8a7: {  	[tilespmem:s6+$0x5340] =	vst v8;
	v2 =	vld.idx.msk [tilespmem:v4+s18+$0x0], $0xffff  }
0x8a8: {  	v1 =	vld.idx.msk [tilespmem:v1+s23+$0x0], $0xffff;
	_ =	sdelay $0x1  }
0x8a9: {  	v24 =	vshll.u32 v23, $0x4;
	[tilespmem:s6+$0x5150] =	vst v5  }
0x8aa: {  	v25 =	vor.u32 v0, v24;
	[tilespmem:s6+$0x5160] =	vst v3;
	v26 =	vld.idx.msk [tilespmem:v7+s19+$0x0], $0xffff  }
0x8ab: {  	v3 =	vld.idx.msk [tilespmem:v6+s19+$0x0], $0xffff;
	[tilespmem:s6+$0x5170] =	vst v2  }
0x8ac: {  	[tilespmem:s6+$0x53C0] =	vst v1;
	v1 =	vld.idx.msk [tilespmem:v4+s19+$0x0], $0xffff;
	_ =	sdelay $0x2  }
0x8ad: {  	v2 =	vld.idx.msk [tilespmem:v25+s4+$0x0], $0xffff;
	[tilespmem:s6+$0x51D0] =	vst v26  }
0x8ae: {  	[tilespmem:s6+$0x51E0] =	vst v3;
	v8 =	vld.idx.msk [tilespmem:v7+s20+$0x0], $0xffff  }
0x8af: {  	v3 =	vld.idx.msk [tilespmem:v6+s20+$0x0], $0xffff;
	[tilespmem:s6+$0x51F0] =	vst v1  }
0x8b0: {  	v1 =	vld.idx.msk [tilespmem:v4+s20+$0x0], $0xffff;
	_ =	sdelay $0x1  }
0x8b1: {  	[tilespmem:s6+$0x6040] =	vst v2  }
0x8b2: {  	v2 =	vld.idx.msk [tilespmem:v25+s17+$0x0], $0xffff;
	[tilespmem:s6+$0x5250] =	vst v8  }
0x8b3: {  	[tilespmem:s6+$0x5260] =	vst v3;
	v8 =	vld.idx.msk [tilespmem:v7+s21+$0x0], $0xffff  }
0x8b4: {  	v3 =	vld.idx.msk [tilespmem:v6+s21+$0x0], $0xffff;
	[tilespmem:s6+$0x5270] =	vst v1  }
0x8b5: {  	v1 =	vld.idx.msk [tilespmem:v4+s21+$0x0], $0xffff  }
0x8b6: {  	v27 =	vld [tilespmem:s6+$0x11D0]  }
0x8b7: {  	v28 =	vld [tilespmem:s6+$0x11E0];
	[tilespmem:s6+$0x60C0] =	vst v2  }
0x8b8: {  	v2 =	vld.idx.msk [tilespmem:v25+s18+$0x0], $0xffff;
	[tilespmem:s6+$0x52D0] =	vst v8  }
0x8b9: {  	[tilespmem:s6+$0x52E0] =	vst v3;
	v8 =	vld.idx.msk [tilespmem:v7+s22+$0x0], $0xffff  }
0x8ba: {  	v3 =	vld.idx.msk [tilespmem:v6+s22+$0x0], $0xffff;
	[tilespmem:s6+$0x52F0] =	vst v1  }
0x8bb: {  	v1 =	vld.idx.msk [tilespmem:v4+s22+$0x0], $0xffff  }
0x8bc: {  	v29 =	vld [tilespmem:s6+$0x11F0]  }
0x8bd: {  	[tilespmem:s6+$0x6140] =	vst v2  }
0x8be: {  	[tilespmem:s6+$0x5350] =	vst v8  }
0x8bf: {  	v9 =	vshll.u32 v27, $0x4;
	[tilespmem:s6+$0x5360] =	vst v3;
	v7 =	vld.idx.msk [tilespmem:v7+s23+$0x0], $0xffff  }
0x8c0: {  	v9 =	vor.u32 v0, v9;
	v3 =	vshll.u32 v28, $0x4;
	v2 =	vld.idx.msk [tilespmem:v6+s23+$0x0], $0xffff;
	[tilespmem:s6+$0x5370] =	vst v1  }
0x8c1: {  	v31 =	vshll.u32 v29, $0x4;
	v3 =	vor.u32 v0, v3;
	v1 =	vld.idx.msk [tilespmem:v4+s23+$0x0], $0xffff  }
0x8c2: {  	v4 =	vor.u32 v0, v31;
	_ =	sdelay $0x1  }
0x8c3: {  	[tilespmem:s6+$0x53D0] =	vst v7  }
0x8c4: {  	[tilespmem:s6+$0x53E0] =	vst v2;
	v7 =	vld.idx.msk [tilespmem:v9+s4+$0x0], $0xffff  }
0x8c5: {  	v2 =	vld.idx.msk [tilespmem:v3+s4+$0x0], $0xffff;
	[tilespmem:s6+$0x53F0] =	vst v1  }
0x8c6: {  	v1 =	vld.idx.msk [tilespmem:v4+s4+$0x0], $0xffff;
	_ =	sdelay $0x2  }
0x8c7: {  	[tilespmem:s6+$0x6050] =	vst v7  }
0x8c8: {  	[tilespmem:s6+$0x6060] =	vst v2;
	v7 =	vld.idx.msk [tilespmem:v9+s17+$0x0], $0xffff  }
0x8c9: {  	v2 =	vld.idx.msk [tilespmem:v3+s17+$0x0], $0xffff;
	[tilespmem:s6+$0x6070] =	vst v1  }
0x8ca: {  	v1 =	vld.idx.msk [tilespmem:v4+s17+$0x0], $0xffff;
	_ =	sdelay $0x2  }
0x8cb: {  	[tilespmem:s6+$0x60D0] =	vst v7  }
0x8cc: {  	[tilespmem:s6+$0x60E0] =	vst v2;
	v7 =	vld.idx.msk [tilespmem:v9+s18+$0x0], $0xffff  }
0x8cd: {  	v2 =	vld.idx.msk [tilespmem:v3+s18+$0x0], $0xffff;
	[tilespmem:s6+$0x60F0] =	vst v1  }
0x8ce: {  	v1 =	vld.idx.msk [tilespmem:v4+s18+$0x0], $0xffff;
	_ =	sdelay $0x2  }
0x8cf: {  	v30 =	vld.idx.msk [tilespmem:v25+s19+$0x0], $0xffff;
	[tilespmem:s6+$0x6150] =	vst v7  }
0x8d0: {  	[tilespmem:s6+$0x6160] =	vst v2;
	v7 =	vld.idx.msk [tilespmem:v9+s19+$0x0], $0xffff  }
0x8d1: {  	v2 =	vld.idx.msk [tilespmem:v3+s19+$0x0], $0xffff;
	[tilespmem:s6+$0x6170] =	vst v1  }
0x8d2: {  	v1 =	vld.idx.msk [tilespmem:v4+s19+$0x0], $0xffff;
	_ =	sdelay $0x1  }
0x8d3: {  	[tilespmem:s6+$0x61C0] =	vst v30  }
0x8d4: {  	v6 =	vld.idx.msk [tilespmem:v25+s20+$0x0], $0xffff;
	[tilespmem:s6+$0x61D0] =	vst v7  }
0x8d5: {  	[tilespmem:s6+$0x61E0] =	vst v2;
	v7 =	vld.idx.msk [tilespmem:v9+s20+$0x0], $0xffff  }
0x8d6: {  	v2 =	vld.idx.msk [tilespmem:v3+s20+$0x0], $0xffff;
	[tilespmem:s6+$0x61F0] =	vst v1  }
0x8d7: {  	v1 =	vld.idx.msk [tilespmem:v4+s20+$0x0], $0xffff;
	_ =	sdelay $0x1  }
0x8d8: {  	v32 =	vld [tilespmem:s6+$0x1240];
	[tilespmem:s6+$0x6240] =	vst v6  }
0x8d9: {  	v6 =	vld.idx.msk [tilespmem:v25+s21+$0x0], $0xffff;
	[tilespmem:s6+$0x6250] =	vst v7  }
0x8da: {  	[tilespmem:s6+$0x6260] =	vst v2;
	v7 =	vld.idx.msk [tilespmem:v9+s21+$0x0], $0xffff  }
0x8db: {  	v2 =	vld.idx.msk [tilespmem:v3+s21+$0x0], $0xffff;
	[tilespmem:s6+$0x6270] =	vst v1  }
0x8dc: {  	v1 =	vld.idx.msk [tilespmem:v4+s21+$0x0], $0xffff  }
0x8dd: {  	v34 =	vld [tilespmem:s6+$0x1250]  }
0x8de: {  	v35 =	vld [tilespmem:s6+$0x1260];
	[tilespmem:s6+$0x62C0] =	vst v6  }
0x8df: {  	v6 =	vld.idx.msk [tilespmem:v25+s22+$0x0], $0xffff;
	[tilespmem:s6+$0x62D0] =	vst v7  }
0x8e0: {  	[tilespmem:s6+$0x62E0] =	vst v2;
	v7 =	vld.idx.msk [tilespmem:v9+s22+$0x0], $0xffff  }
0x8e1: {  	v2 =	vld.idx.msk [tilespmem:v3+s22+$0x0], $0xffff;
	[tilespmem:s6+$0x62F0] =	vst v1  }
0x8e2: {  	v1 =	vld.idx.msk [tilespmem:v4+s22+$0x0], $0xffff  }
0x8e3: {  	v36 =	vld [tilespmem:s6+$0x1270]  }
0x8e4: {  	[tilespmem:s6+$0x6340] =	vst v6  }
0x8e5: {  	v33 =	vshll.u32 v32, $0x4;
	v5 =	vld.idx.msk [tilespmem:v25+s23+$0x0], $0xffff;
	[tilespmem:s6+$0x6350] =	vst v7  }
0x8e6: {  	v8 =	vshll.u32 v34, $0x4;
	v6 =	vor.u32 v0, v33;
	[tilespmem:s6+$0x6360] =	vst v2;
	v9 =	vld.idx.msk [tilespmem:v9+s23+$0x0], $0xffff  }
0x8e7: {  	v8 =	vor.u32 v0, v8;
	v2 =	vld.idx.msk [tilespmem:v3+s23+$0x0], $0xffff;
	v3 =	vshll.u32 v35, $0x4;
	[tilespmem:s6+$0x6370] =	vst v1  }
0x8e8: {  	v37 =	vshll.u32 v36, $0x4;
	v3 =	vor.u32 v0, v3;
	v1 =	vld.idx.msk [tilespmem:v4+s23+$0x0], $0xffff  }
0x8e9: {  	v4 =	vor.u32 v0, v37  }
0x8ea: {  	[tilespmem:s6+$0x63C0] =	vst v5  }
0x8eb: {  	v5 =	vld.idx.msk [tilespmem:v6+s4+$0x0], $0xffff;
	[tilespmem:s6+$0x63D0] =	vst v9  }
0x8ec: {  	[tilespmem:s6+$0x63E0] =	vst v2;
	v38 =	vld.idx.msk [tilespmem:v8+s4+$0x0], $0xffff  }
0x8ed: {  	v2 =	vld.idx.msk [tilespmem:v3+s4+$0x0], $0xffff;
	[tilespmem:s6+$0x63F0] =	vst v1  }
0x8ee: {  	v1 =	vld.idx.msk [tilespmem:v4+s4+$0x0], $0xffff;
	_ =	sdelay $0x1  }
0x8ef: {  	[tilespmem:s6+$0x7040] =	vst v5  }
0x8f0: {  	v5 =	vld.idx.msk [tilespmem:v6+s17+$0x0], $0xffff;
	[tilespmem:s6+$0x7050] =	vst v38  }
0x8f1: {  	[tilespmem:s6+$0x7060] =	vst v2;
	v7 =	vld.idx.msk [tilespmem:v8+s17+$0x0], $0xffff  }
0x8f2: {  	v2 =	vld.idx.msk [tilespmem:v3+s17+$0x0], $0xffff;
	[tilespmem:s6+$0x7070] =	vst v1  }
0x8f3: {  	v1 =	vld.idx.msk [tilespmem:v4+s17+$0x0], $0xffff;
	_ =	sdelay $0x1  }
0x8f4: {  	[tilespmem:s6+$0x70C0] =	vst v5  }
0x8f5: {  	v5 =	vld.idx.msk [tilespmem:v6+s18+$0x0], $0xffff;
	[tilespmem:s6+$0x70D0] =	vst v7  }
0x8f6: {  	[tilespmem:s6+$0x70E0] =	vst v2;
	v7 =	vld.idx.msk [tilespmem:v8+s18+$0x0], $0xffff  }
0x8f7: {  	v2 =	vld.idx.msk [tilespmem:v3+s18+$0x0], $0xffff;
	[tilespmem:s6+$0x70F0] =	vst v1  }
0x8f8: {  	v1 =	vld.idx.msk [tilespmem:v4+s18+$0x0], $0xffff;
	_ =	sdelay $0x1  }
0x8f9: {  	[tilespmem:s6+$0x7140] =	vst v5  }
0x8fa: {  	v5 =	vld.idx.msk [tilespmem:v6+s19+$0x0], $0xffff;
	[tilespmem:s6+$0x7150] =	vst v7  }
0x8fb: {  	[tilespmem:s6+$0x7160] =	vst v2;
	v7 =	vld.idx.msk [tilespmem:v8+s19+$0x0], $0xffff  }
0x8fc: {  	v2 =	vld.idx.msk [tilespmem:v3+s19+$0x0], $0xffff;
	[tilespmem:s6+$0x7170] =	vst v1  }
0x8fd: {  	v1 =	vld.idx.msk [tilespmem:v4+s19+$0x0], $0xffff;
	_ =	sdelay $0x1  }
0x8fe: {  	[tilespmem:s6+$0x71C0] =	vst v5  }
0x8ff: {  	v5 =	vld.idx.msk [tilespmem:v6+s20+$0x0], $0xffff;
	[tilespmem:s6+$0x71D0] =	vst v7  }
0x900: {  	[tilespmem:s6+$0x71E0] =	vst v2;
	v7 =	vld.idx.msk [tilespmem:v8+s20+$0x0], $0xffff  }
0x901: {  	v2 =	vld.idx.msk [tilespmem:v3+s20+$0x0], $0xffff;
	[tilespmem:s6+$0x71F0] =	vst v1  }
0x902: {  	v1 =	vld.idx.msk [tilespmem:v4+s20+$0x0], $0xffff;
	_ =	sdelay $0x1  }
0x903: {  	v39 =	vld [tilespmem:s6+$0x12C0];
	[tilespmem:s6+$0x7240] =	vst v5  }
0x904: {  	v5 =	vld.idx.msk [tilespmem:v6+s21+$0x0], $0xffff;
	[tilespmem:s6+$0x7250] =	vst v7  }
0x905: {  	[tilespmem:s6+$0x7260] =	vst v2;
	v7 =	vld.idx.msk [tilespmem:v8+s21+$0x0], $0xffff  }
0x906: {  	v2 =	vld.idx.msk [tilespmem:v3+s21+$0x0], $0xffff;
	[tilespmem:s6+$0x7270] =	vst v1  }
0x907: {  	v1 =	vld.idx.msk [tilespmem:v4+s21+$0x0], $0xffff  }
0x908: {  	v41 =	vld [tilespmem:s6+$0x12D0]  }
0x909: {  	v42 =	vld [tilespmem:s6+$0x12E0];
	[tilespmem:s6+$0x72C0] =	vst v5  }
0x90a: {  	v5 =	vld.idx.msk [tilespmem:v6+s22+$0x0], $0xffff;
	[tilespmem:s6+$0x72D0] =	vst v7  }
0x90b: {  	[tilespmem:s6+$0x72E0] =	vst v2;
	v7 =	vld.idx.msk [tilespmem:v8+s22+$0x0], $0xffff  }
0x90c: {  	v2 =	vld.idx.msk [tilespmem:v3+s22+$0x0], $0xffff;
	[tilespmem:s6+$0x72F0] =	vst v1  }
0x90d: {  	v1 =	vld.idx.msk [tilespmem:v4+s22+$0x0], $0xffff  }
0x90e: {  	v43 =	vld [tilespmem:s6+$0x12F0]  }
0x90f: {  	[tilespmem:s6+$0x7340] =	vst v5  }
0x910: {  	v40 =	vshll.u32 v39, $0x4;
	v5 =	vld.idx.msk [tilespmem:v6+s23+$0x0], $0xffff;
	[tilespmem:s6+$0x7350] =	vst v7  }
0x911: {  	v9 =	vshll.u32 v41, $0x4;
	v6 =	vor.u32 v0, v40;
	[tilespmem:s6+$0x7360] =	vst v2;
	v8 =	vld.idx.msk [tilespmem:v8+s23+$0x0], $0xffff  }
0x912: {  	v9 =	vor.u32 v0, v9;
	v2 =	vld.idx.msk [tilespmem:v3+s23+$0x0], $0xffff;
	v3 =	vshll.u32 v42, $0x4;
	[tilespmem:s6+$0x7370] =	vst v1  }
0x913: {  	v44 =	vshll.u32 v43, $0x4;
	v3 =	vor.u32 v0, v3;
	v1 =	vld.idx.msk [tilespmem:v4+s23+$0x0], $0xffff  }
0x914: {  	v4 =	vor.u32 v0, v44  }
0x915: {  	[tilespmem:s6+$0x73C0] =	vst v5  }
0x916: {  	v5 =	vld.idx.msk [tilespmem:v6+s4+$0x0], $0xffff;
	[tilespmem:s6+$0x73D0] =	vst v8  }
0x917: {  	[tilespmem:s6+$0x73E0] =	vst v2;
	v45 =	vld.idx.msk [tilespmem:v9+s4+$0x0], $0xffff  }
0x918: {  	v2 =	vld.idx.msk [tilespmem:v3+s4+$0x0], $0xffff;
	[tilespmem:s6+$0x73F0] =	vst v1  }
0x919: {  	v1 =	vld.idx.msk [tilespmem:v4+s4+$0x0], $0xffff;
	_ =	sdelay $0x1  }
0x91a: {  	[tilespmem:s6+$0x8040] =	vst v5  }
0x91b: {  	v5 =	vld.idx.msk [tilespmem:v6+s17+$0x0], $0xffff;
	[tilespmem:s6+$0x8050] =	vst v45  }
0x91c: {  	[tilespmem:s6+$0x8060] =	vst v2;
	v7 =	vld.idx.msk [tilespmem:v9+s17+$0x0], $0xffff  }
0x91d: {  	v2 =	vld.idx.msk [tilespmem:v3+s17+$0x0], $0xffff;
	[tilespmem:s6+$0x8070] =	vst v1  }
0x91e: {  	v1 =	vld.idx.msk [tilespmem:v4+s17+$0x0], $0xffff;
	_ =	sdelay $0x1  }
0x91f: {  	[tilespmem:s6+$0x80C0] =	vst v5  }
0x920: {  	v5 =	vld.idx.msk [tilespmem:v6+s18+$0x0], $0xffff;
	[tilespmem:s6+$0x80D0] =	vst v7  }
0x921: {  	[tilespmem:s6+$0x80E0] =	vst v2;
	v7 =	vld.idx.msk [tilespmem:v9+s18+$0x0], $0xffff  }
0x922: {  	v2 =	vld.idx.msk [tilespmem:v3+s18+$0x0], $0xffff;
	[tilespmem:s6+$0x80F0] =	vst v1  }
0x923: {  	v1 =	vld.idx.msk [tilespmem:v4+s18+$0x0], $0xffff;
	_ =	sdelay $0x1  }
0x924: {  	[tilespmem:s6+$0x8140] =	vst v5  }
0x925: {  	v5 =	vld.idx.msk [tilespmem:v6+s19+$0x0], $0xffff;
	[tilespmem:s6+$0x8150] =	vst v7  }
0x926: {  	[tilespmem:s6+$0x8160] =	vst v2;
	v7 =	vld.idx.msk [tilespmem:v9+s19+$0x0], $0xffff  }
0x927: {  	v2 =	vld.idx.msk [tilespmem:v3+s19+$0x0], $0xffff;
	[tilespmem:s6+$0x8170] =	vst v1  }
0x928: {  	v1 =	vld.idx.msk [tilespmem:v4+s19+$0x0], $0xffff;
	_ =	sdelay $0x1  }
0x929: {  	[tilespmem:s6+$0x81C0] =	vst v5  }
0x92a: {  	v5 =	vld.idx.msk [tilespmem:v6+s20+$0x0], $0xffff;
	[tilespmem:s6+$0x81D0] =	vst v7  }
0x92b: {  	[tilespmem:s6+$0x81E0] =	vst v2;
	v7 =	vld.idx.msk [tilespmem:v9+s20+$0x0], $0xffff  }
0x92c: {  	v2 =	vld.idx.msk [tilespmem:v3+s20+$0x0], $0xffff;
	[tilespmem:s6+$0x81F0] =	vst v1  }
0x92d: {  	v1 =	vld.idx.msk [tilespmem:v4+s20+$0x0], $0xffff;
	_ =	sdelay $0x1  }
0x92e: {  	v46 =	vld [tilespmem:s6+$0x1340];
	[tilespmem:s6+$0x8240] =	vst v5  }
0x92f: {  	v5 =	vld.idx.msk [tilespmem:v6+s21+$0x0], $0xffff;
	[tilespmem:s6+$0x8250] =	vst v7  }
0x930: {  	[tilespmem:s6+$0x8260] =	vst v2;
	v7 =	vld.idx.msk [tilespmem:v9+s21+$0x0], $0xffff  }
0x931: {  	v2 =	vld.idx.msk [tilespmem:v3+s21+$0x0], $0xffff;
	[tilespmem:s6+$0x8270] =	vst v1  }
0x932: {  	v1 =	vld.idx.msk [tilespmem:v4+s21+$0x0], $0xffff  }
0x933: {  	v48 =	vld [tilespmem:s6+$0x1350]  }
0x934: {  	v49 =	vld [tilespmem:s6+$0x1360];
	[tilespmem:s6+$0x82C0] =	vst v5  }
0x935: {  	v5 =	vld.idx.msk [tilespmem:v6+s22+$0x0], $0xffff;
	[tilespmem:s6+$0x82D0] =	vst v7  }
0x936: {  	[tilespmem:s6+$0x82E0] =	vst v2;
	v47 =	vld.idx.msk [tilespmem:v9+s22+$0x0], $0xffff  }
0x937: {  	v2 =	vld.idx.msk [tilespmem:v3+s22+$0x0], $0xffff;
	[tilespmem:s6+$0x82F0] =	vst v1  }
0x938: {  	v50 =	vld.idx.msk [tilespmem:v4+s22+$0x0], $0xffff  }
0x939: {  	v51 =	vld [tilespmem:s6+$0x1370]  }
0x93a: {  	[tilespmem:s6+$0x8340] =	vst v5  }
0x93b: {  	v8 =	vshll.u32 v46, $0x4;
	v5 =	vld.idx.msk [tilespmem:v6+s23+$0x0], $0xffff;
	[tilespmem:s6+$0x8350] =	vst v47  }
0x93c: {  	v7 =	vshll.u32 v48, $0x4;
	v1 =	vor.u32 v0, v8;
	[tilespmem:s6+$0x8360] =	vst v2;
	v9 =	vld.idx.msk [tilespmem:v9+s23+$0x0], $0xffff  }
0x93d: {  	v7 =	vor.u32 v0, v7;
	v2 =	vld.idx.msk [tilespmem:v3+s23+$0x0], $0xffff;
	v3 =	vshll.u32 v49, $0x4;
	[tilespmem:s6+$0x8370] =	vst v50  }
0x93e: {  	v6 =	vshll.u32 v51, $0x4;
	v3 =	vor.u32 v0, v3;
	v4 =	vld.idx.msk [tilespmem:v4+s23+$0x0], $0xffff  }
0x93f: {  	v6 =	vor.u32 v0, v6  }
0x940: {  	[tilespmem:s6+$0x83C0] =	vst v5  }
0x941: {  	v5 =	vld.idx.msk [tilespmem:v1+s4+$0x0], $0xffff;
	[tilespmem:s6+$0x83D0] =	vst v9  }
0x942: {  	[tilespmem:s6+$0x83E0] =	vst v2;
	v52 =	vld.idx.msk [tilespmem:v7+s4+$0x0], $0xffff  }
0x943: {  	v2 =	vld.idx.msk [tilespmem:v3+s4+$0x0], $0xffff;
	[tilespmem:s6+$0x83F0] =	vst v4  }
0x944: {  	v4 =	vld.idx.msk [tilespmem:v6+s4+$0x0], $0xffff;
	_ =	sdelay $0x1  }
0x945: {  	[tilespmem:s6+$0x9040] =	vst v5  }
0x946: {  	v5 =	vld.idx.msk [tilespmem:v1+s17+$0x0], $0xffff;
	[tilespmem:s6+$0x9050] =	vst v52  }
0x947: {  	[tilespmem:s6+$0x9060] =	vst v2;
	v8 =	vld.idx.msk [tilespmem:v7+s17+$0x0], $0xffff  }
0x948: {  	v2 =	vld.idx.msk [tilespmem:v3+s17+$0x0], $0xffff;
	[tilespmem:s6+$0x9070] =	vst v4  }
0x949: {  	v4 =	vld.idx.msk [tilespmem:v6+s17+$0x0], $0xffff;
	_ =	sdelay $0x1  }
0x94a: {  	[tilespmem:s6+$0x90C0] =	vst v5  }
0x94b: {  	v5 =	vld.idx.msk [tilespmem:v1+s18+$0x0], $0xffff;
	[tilespmem:s6+$0x90D0] =	vst v8  }
0x94c: {  	[tilespmem:s6+$0x90E0] =	vst v2;
	v8 =	vld.idx.msk [tilespmem:v7+s18+$0x0], $0xffff  }
0x94d: {  	v2 =	vld.idx.msk [tilespmem:v3+s18+$0x0], $0xffff;
	[tilespmem:s6+$0x90F0] =	vst v4  }
0x94e: {  	v4 =	vld.idx.msk [tilespmem:v6+s18+$0x0], $0xffff;
	_ =	sdelay $0x1  }
0x94f: {  	[tilespmem:s6+$0x9140] =	vst v5  }
0x950: {  	v5 =	vld.idx.msk [tilespmem:v1+s19+$0x0], $0xffff;
	[tilespmem:s6+$0x9150] =	vst v8  }
0x951: {  	[tilespmem:s6+$0x9160] =	vst v2;
	v8 =	vld.idx.msk [tilespmem:v7+s19+$0x0], $0xffff  }
0x952: {  	v2 =	vld.idx.msk [tilespmem:v3+s19+$0x0], $0xffff;
	[tilespmem:s6+$0x9170] =	vst v4  }
0x953: {  	v4 =	vld.idx.msk [tilespmem:v6+s19+$0x0], $0xffff;
	_ =	sdelay $0x1  }
0x954: {  	[tilespmem:s6+$0x91C0] =	vst v5  }
0x955: {  	v5 =	vld.idx.msk [tilespmem:v1+s20+$0x0], $0xffff;
	[tilespmem:s6+$0x91D0] =	vst v8  }
0x956: {  	[tilespmem:s6+$0x91E0] =	vst v2;
	v8 =	vld.idx.msk [tilespmem:v7+s20+$0x0], $0xffff  }
0x957: {  	v2 =	vld.idx.msk [tilespmem:v3+s20+$0x0], $0xffff;
	[tilespmem:s6+$0x91F0] =	vst v4  }
0x958: {  	v4 =	vld.idx.msk [tilespmem:v6+s20+$0x0], $0xffff;
	_ =	sdelay $0x1  }
0x959: {  	v53 =	vld [tilespmem:s6+$0x13C0];
	[tilespmem:s6+$0x9240] =	vst v5  }
0x95a: {  	v5 =	vld.idx.msk [tilespmem:v1+s21+$0x0], $0xffff;
	[tilespmem:s6+$0x9250] =	vst v8  }
0x95b: {  	[tilespmem:s6+$0x9260] =	vst v2;
	v8 =	vld.idx.msk [tilespmem:v7+s21+$0x0], $0xffff  }
0x95c: {  	v2 =	vld.idx.msk [tilespmem:v3+s21+$0x0], $0xffff;
	[tilespmem:s6+$0x9270] =	vst v4  }
0x95d: {  	v4 =	vld.idx.msk [tilespmem:v6+s21+$0x0], $0xffff  }
0x95e: {  	v54 =	vld [tilespmem:s6+$0x13D0]  }
0x95f: {  	v55 =	vld [tilespmem:s6+$0x13E0];
	[tilespmem:s6+$0x92C0] =	vst v5  }
0x960: {  	v5 =	vld.idx.msk [tilespmem:v1+s22+$0x0], $0xffff;
	[tilespmem:s6+$0x92D0] =	vst v8  }
0x961: {  	[tilespmem:s6+$0x92E0] =	vst v2;
	v8 =	vld.idx.msk [tilespmem:v7+s22+$0x0], $0xffff  }
0x962: {  	v2 =	vld.idx.msk [tilespmem:v3+s22+$0x0], $0xffff;
	[tilespmem:s6+$0x92F0] =	vst v4  }
0x963: {  	v4 =	vld.idx.msk [tilespmem:v6+s22+$0x0], $0xffff  }
0x964: {  	v56 =	vld [tilespmem:s6+$0x13F0]  }
0x965: {  	[tilespmem:s6+$0x9340] =	vst v5  }
0x966: {  	v57 =	vshll.u32 v53, $0x4;
	v1 =	vld.idx.msk [tilespmem:v1+s23+$0x0], $0xffff;
	[tilespmem:s6+$0x9350] =	vst v8  }
0x967: {  	v59 =	vshll.u32 v54, $0x4;
	[tilespmem:s6+$0x9360] =	vst v2;
	v2 =	vor.u32 v0, v57;
	v58 =	vld.idx.msk [tilespmem:v7+s23+$0x0], $0xffff  }
0x968: {  	v61 =	vshll.u32 v55, $0x4;
	v60 =	vor.u32 v0, v59;
	v3 =	vld.idx.msk [tilespmem:v3+s23+$0x0], $0xffff;
	[tilespmem:s6+$0x9370] =	vst v4  }
0x969: {  	v62 =	vshll.u32 v56, $0x4;
	v7 =	vor.u32 v0, v61;
	v6 =	vld.idx.msk [tilespmem:v6+s23+$0x0], $0xffff  }
0x96a: {  	v8 =	vor.u32 v0, v62  }
0x96b: {  	[tilespmem:s6+$0x93C0] =	vst v1  }
0x96c: {  	v1 =	vld.idx.msk [tilespmem:v2+s4+$0x0], $0xffff;
	[tilespmem:s6+$0x93D0] =	vst v58  }
0x96d: {  	[tilespmem:s6+$0x93E0] =	vst v3;
	v5 =	vld.idx.msk [tilespmem:v60+s4+$0x0], $0xffff  }
0x96e: {  	v3 =	vld.idx.msk [tilespmem:v7+s4+$0x0], $0xffff;
	[tilespmem:s6+$0x93F0] =	vst v6  }
0x96f: {  	v6 =	vld.idx.msk [tilespmem:v8+s4+$0x0], $0xffff;
	_ =	sdelay $0x1  }
0x970: {  	[tilespmem:s6+$0xA040] =	vst v1  }
0x971: {  	v1 =	vld.idx.msk [tilespmem:v2+s17+$0x0], $0xffff;
	[tilespmem:s6+$0xA050] =	vst v5  }
0x972: {  	[tilespmem:s6+$0xA060] =	vst v3;
	v5 =	vld.idx.msk [tilespmem:v60+s17+$0x0], $0xffff  }
0x973: {  	v3 =	vld.idx.msk [tilespmem:v7+s17+$0x0], $0xffff;
	[tilespmem:s6+$0xA070] =	vst v6  }
0x974: {  	v6 =	vld.idx.msk [tilespmem:v8+s17+$0x0], $0xffff;
	_ =	sdelay $0x1  }
0x975: {  	[tilespmem:s6+$0xA0C0] =	vst v1  }
0x976: {  	v1 =	vld.idx.msk [tilespmem:v2+s18+$0x0], $0xffff;
	[tilespmem:s6+$0xA0D0] =	vst v5  }
0x977: {  	[tilespmem:s6+$0xA0E0] =	vst v3;
	v5 =	vld.idx.msk [tilespmem:v60+s18+$0x0], $0xffff  }
0x978: {  	v3 =	vld.idx.msk [tilespmem:v7+s18+$0x0], $0xffff;
	[tilespmem:s6+$0xA0F0] =	vst v6  }
0x979: {  	v6 =	vld.idx.msk [tilespmem:v8+s18+$0x0], $0xffff;
	_ =	sdelay $0x1  }
0x97a: {  	[tilespmem:s6+$0xA140] =	vst v1  }
0x97b: {  	v1 =	vld.idx.msk [tilespmem:v2+s19+$0x0], $0xffff;
	[tilespmem:s6+$0xA150] =	vst v5  }
0x97c: {  	[tilespmem:s6+$0xA160] =	vst v3;
	v5 =	vld.idx.msk [tilespmem:v60+s19+$0x0], $0xffff  }
0x97d: {  	v3 =	vld.idx.msk [tilespmem:v7+s19+$0x0], $0xffff;
	[tilespmem:s6+$0xA170] =	vst v6  }
0x97e: {  	v6 =	vld.idx.msk [tilespmem:v8+s19+$0x0], $0xffff;
	_ =	sdelay $0x1  }
0x97f: {  	[tilespmem:s6+$0xA1C0] =	vst v1  }
0x980: {  	v1 =	vld.idx.msk [tilespmem:v2+s20+$0x0], $0xffff;
	[tilespmem:s6+$0xA1D0] =	vst v5  }
0x981: {  	[tilespmem:s6+$0xA1E0] =	vst v3;
	v5 =	vld.idx.msk [tilespmem:v60+s20+$0x0], $0xffff  }
0x982: {  	v3 =	vld.idx.msk [tilespmem:v7+s20+$0x0], $0xffff;
	[tilespmem:s6+$0xA1F0] =	vst v6  }
0x983: {  	v6 =	vld.idx.msk [tilespmem:v8+s20+$0x0], $0xffff;
	_ =	sdelay $0x1  }
0x984: {  	[tilespmem:s6+$0xA240] =	vst v1  }
0x985: {  	v1 =	vld.idx.msk [tilespmem:v2+s21+$0x0], $0xffff;
	[tilespmem:s6+$0xA250] =	vst v5  }
0x986: {  	[tilespmem:s6+$0xA260] =	vst v3;
	v5 =	vld.idx.msk [tilespmem:v60+s21+$0x0], $0xffff  }
0x987: {  	v3 =	vld.idx.msk [tilespmem:v7+s21+$0x0], $0xffff;
	[tilespmem:s6+$0xA270] =	vst v6  }
0x988: {  	v6 =	vld.idx.msk [tilespmem:v8+s21+$0x0], $0xffff;
	_ =	sdelay $0x1  }
0x989: {  	[tilespmem:s6+$0xA2C0] =	vst v1  }
0x98a: {  	v1 =	vld.idx.msk [tilespmem:v2+s22+$0x0], $0xffff;
	[tilespmem:s6+$0xA2D0] =	vst v5  }
0x98b: {  	[tilespmem:s6+$0xA2E0] =	vst v3;
	v5 =	vld.idx.msk [tilespmem:v60+s22+$0x0], $0xffff  }
0x98c: {  	v3 =	vld.idx.msk [tilespmem:v7+s22+$0x0], $0xffff;
	[tilespmem:s6+$0xA2F0] =	vst v6  }
0x98d: {  	v6 =	vld.idx.msk [tilespmem:v8+s22+$0x0], $0xffff;
	_ =	sdelay $0x1  }
0x98e: {  	[tilespmem:s6+$0xA340] =	vst v1  }
0x98f: {  	v1 =	vld.idx.msk [tilespmem:v2+s23+$0x0], $0xffff;
	[tilespmem:s6+$0xA350] =	vst v5  }
0x990: {  	[tilespmem:s6+$0xA360] =	vst v3;
	v2 =	vld.idx.msk [tilespmem:v60+s23+$0x0], $0xffff  }
0x991: {  	v3 =	vld.idx.msk [tilespmem:v7+s23+$0x0], $0xffff;
	[tilespmem:s6+$0xA370] =	vst v6  }
0x992: {  	p0 =	slt.u32 s16, $0x18;
	v63 =	vld.idx.msk [tilespmem:v8+s23+$0x0], $0xffff  }
.Ltmp2:
0x993: {  	_ = 	snop;
	(pc) =	sbr.rel @p0 .LBB2_7-.Ltmp2, $4  }
0x994: {  	[tilespmem:s6+$0xA3C0] =	vst v1  }
0x995: {  	[tilespmem:s6+$0xA3D0] =	vst v2  }
0x996: {  	[tilespmem:s6+$0xA3E0] =	vst v3  }
0x997: {  	s16 =	sadd.s32 $0x8, s16;
	[tilespmem:s6+$0xA3F0] =	vst v63  }
0x998: {  	s0 =	sadd.s32 $0x1, s0  }
0x999: {  	p0 =	sne.s32 s0, $0xC  }
.Ltmp3:
0x99a: {  	s1 =	sshll.u32 s1, $0x14;
	(pc) =	sbr.rel @p0 .LBB2_4-.Ltmp3, $4  }
0x99b: {  	s1 =	sor.u32 s5, s1  }
0x99c: {  	s1 =	sshrl.u32 s1, $0x3  }
0x99d: {  	s1 =	sadd.s32 s3, s1  }
0x99e: {  	[hbm4b:s1+s14] =	stream.strided.scatter [tilespmem:s25], [sflag:$0x3], $0x8000, s24, s14, $0x38;
	[tilespmem:$0x13000] =	vst v63  }
0x99f: {  	s31 =	sadd.s32 $0x1, s31  }
0x9a0: {  	_ =	swait.ge [sflag:s29], $0x8000;
	p0 =	sne.s32 s31, s12  }
.Ltmp4:
0x9a1: {  	[sflag:s29] =	ssyncset.done $0x0;
	(pc) =	sbr.rel @p0 .LBB2_1-.Ltmp4, $4  }
0x9a2: {  	[sflag:s29] =	ssyncadd.s32 $0xFFFF8000  }
0x9a3: {  	_ =	swait.ge [sflag:s30], $0x8000  }
0x9a4: {  	[sflag:s30] =	ssyncset.done $0x0  }
0x9a5: {  	[sflag:s30] =	ssyncadd.s32 $0xFFFF8000  }
0x9a6: {  	_ =	sfence.sel $0x180000  }
0x9a7: {  	[bflag:$0x0] =	sbarrier.arrive $0xFFFF  }
0x9a8: {  	_ =	strace $0x90000047  }
0x9a9: {  	s0 =	stileid.u32;
	[bflag:$0x2] =	sbarrier.arrive $0xFFFF  }
0x9aa: {  	p0 =	sne.s32 s0, $0x0;
	s0 =	rddreg [dreg:$0x3]  }
0x9ab: {  	s0 =	sadd.s32 @!p0 $0x100000, s0  }
0x9ac: {  	[sflag:s0] =	ssyncadd.tile.s32 @!p0 $0x1;
	_ =	shalt  }
.Lfunc_end2:
_tile_overlayer_lowered:
.L_overlay_start_2:
0x9ad: {  	(tag) =	ssettag $0x2  }
0x9ae: {  	s0 =	rddreg [dreg:$0x0];
	s2 =	stileid.u32  }
0x9af: {  	s1 =	rddreg [dreg:$0x1];
	p0 =	sne.s32 s2, $0x0  }
0x9b0: {  	s3 =	rddreg [dreg:$0x2];
	[bflag:$0x3] =	sbarrier.arrive $0xFFFF;
	s2 =	simm.s32 @!p0 $0x1C05  }
0x9b1: {  	[timem:s3], [sflag:s2] =	dma.local @!p0 [hbm:s0], s1  }
0x9b2: {  	s0 =	simm.s32 @!p0 $0x5  }
0x9b3: {  	_ =	swait.ge @!p0 [sflag:s0], s1  }
0x9b4: {  	s1 =	ssub.s32 @!p0 $0x0, s1;
	[sflag:s0] =	ssyncset.done @!p0 $0x0  }
0x9b5: {  	[sflag:s0] =	ssyncadd.s32 @!p0 s1  }
0x9b6: {  	[bflag:$0x3] =	sbarrier.arrive $0xFFFF  }
0x9b7: {  	_ =	shalt  }

</sc_bundles>
